<compile_context>
chip_gen: v7x
topology: tpu7x:2x2x1
jax: 0.10.2.dev20260603
libtpu: 0.0.44.dev20260713+nightly
codegen_flags: <defaults>
</compile_context>

<pallas_src>
import functools

import jax
import jax.numpy as jnp
from jax import lax
from jax.experimental import pallas as pl
from jax.experimental.pallas import tpu as pltpu
from jax.experimental.pallas import tpu_sc as plsc

SEQ = 50
DIM = 64
NB = 16384
NUM_WORKERS = 32
BBLK = NB // NUM_WORKERS
HALF = 256
N_CHUNKS = SEQ * 2


def _transpose_chunk(rows, tbuf, bvecs):
    for cl in range(2):
        @plsc.parallel_loop(0, 64, unroll=8)
        def _(cr):
            rr = lax.rem(cr, 8) * 128
            rq = lax.div(cr, 8)
            cv = jnp.full((16,), 0, jnp.int32) + cr
            for bl0 in range(8):
                v = plsc.load_gather(rows, [bvecs[cl][bl0], cv])
                tbuf[rq, cl, pl.ds(rr + bl0 * 16, 16)] = v


def _body(table_hbm, idst_hbm, out_hbm,
          idx_all, rows0, rows1, tb0, tb1,
          gsem0, gsem1, osem0, osem1):
    wid = lax.axis_index("s") * 2 + lax.axis_index("c")
    b0 = wid * BBLK
    c0tile = wid * 4

    pltpu.sync_copy(idst_hbm.at[:, pl.ds(b0, BBLK)], idx_all)

    iota = lax.iota(jnp.int32, 16)
    bvecs = [[iota + (cl * 128 + bl0 * 16) for bl0 in range(8)]
             for cl in range(2)]

    rows = (rows0, rows1)
    tbs = (tb0, tb1)
    gsem = (gsem0, gsem1)
    osem = (osem0, osem1)

    def idx_ref(chunk_i):
        s = chunk_i // 2
        h = chunk_i % 2
        return idx_all.at[s, pl.ds(h * HALF, HALF)]

    def start_gather(chunk_i, p):
        pltpu.async_copy(table_hbm.at[idx_ref(chunk_i)], rows[p], gsem[p])

    def wait_gather(chunk_i, p):
        pltpu.make_async_copy(table_hbm.at[idx_ref(chunk_i)], rows[p],
                              gsem[p]).wait()

    def out_ref(chunk_i):
        s = chunk_i // 2
        h = chunk_i % 2
        return out_hbm.at[s, :, pl.ds(c0tile + h * 2, 2)]

    def start_write(chunk_i, p):
        pltpu.async_copy(tbs[p], out_ref(chunk_i), osem[p])

    def wait_write(chunk_i, p):
        pltpu.make_async_copy(tbs[p], out_ref(chunk_i), osem[p]).wait()

    def step(gc, p, first):
        wait_gather(gc, p)
        if not first:
            wait_write(gc - 2, p)
        _transpose_chunk(rows[p], tbs[p], bvecs)
        nxt = jnp.minimum(gc + 2, N_CHUNKS - 1)
        start_gather(nxt, p)
        start_write(gc, p)

    start_gather(0, 0)
    start_gather(1, 1)
    step(0, 0, True)
    step(1, 1, True)

    def pair(k, carry):
        g = 2 + 2 * k
        for b in range(2):
            step(g + b, b, False)
        return carry

    lax.fori_loop(0, (N_CHUNKS - 2) // 2, pair, 0)

    wait_gather(N_CHUNKS - 1, 0)
    wait_gather(N_CHUNKS - 1, 1)
    wait_write(N_CHUNKS - 2, 0)
    wait_write(N_CHUNKS - 1, 1)


def kernel(ids, table):
    ids_t = ids.T
    mesh = plsc.VectorSubcoreMesh(core_axis_name="c", subcore_axis_name="s")
    run = pl.kernel(
        _body,
        out_type=jax.ShapeDtypeStruct((SEQ, 8, 128, 1024), jnp.float32),
        mesh=mesh,
        scratch_types=[
            pltpu.VMEM((SEQ, BBLK), jnp.int32),
            pltpu.VMEM((HALF, DIM), jnp.float32),
            pltpu.VMEM((HALF, DIM), jnp.float32),
            pltpu.VMEM((8, 2, 1024), jnp.float32),
            pltpu.VMEM((8, 2, 1024), jnp.float32),
            pltpu.SemaphoreType.DMA,
            pltpu.SemaphoreType.DMA,
            pltpu.SemaphoreType.DMA,
            pltpu.SemaphoreType.DMA,
        ],
        compiler_params=pltpu.CompilerParams(use_tc_tiling_on_sc=False,
                                             needs_layout_passes=False),
    )
    out5 = run(table, ids_t)
    out_t = (out5.reshape(SEQ, 8, 128, 8, 128)
             .transpose(0, 1, 3, 2, 4)
             .reshape(SEQ, DIM, NB))
    return jnp.transpose(out_t, (2, 0, 1))

# --- scband reference (transcript-rebuilt; emitter-appended) ---
"""Pipeline reference for scband-embedding-35167192220105 (READ-ONLY COPY).

The authoritative reference and input builder live on the scoring server;
editing this copy changes nothing except your own understanding.
"""

import jax, jax.numpy as jnp
import numpy as np

NUM_EMBEDDINGS = 1000000
EMBEDDING_DIM = 64

def setup_inputs(seed: int = 0) -> dict:
    key = jax.random.key(seed)
    k_ids, k_tab = jax.random.split(key)
    ids = jax.random.randint(k_ids, (16384, 50), 0, NUM_EMBEDDINGS, dtype=jnp.int64 if jax.config.read('jax_enable_x64') else jnp.int32)
    table = jax.random.uniform(k_tab, (NUM_EMBEDDINGS, EMBEDDING_DIM), dtype=jnp.float32, minval=-1.0, maxval=1.0)
    return {"ids": ids, "table": table}

def reference(ids, table):
    # Faithful to Embedding.forward: emb = self.tensor[ids]
    emb = jnp.take(table, ids, axis=0)
    return emb

if __name__ == "__main__":
    import jax
    _d = setup_inputs()
    print(jax.jit(kernel)(*tuple(_d.values())))

</pallas_src>

<mosaic_0001>
#map = affine_map<(d0, d1) -> (0, 0)>
#map1 = affine_map<(d0, d1) -> (0, 0, 0, 0)>
module attributes {stable_mosaic.version = 14 : i64} {
  func.func @_body(%arg0: i32, %arg1: i32, %arg2: memref<1000000x64xf32, #tpu.memory_space<hbm>>, %arg3: memref<50x16384xi32, #tpu.memory_space<hbm>>, %arg4: memref<50x8x128x1024xf32, #tpu.memory_space<hbm>>, %arg5: memref<50x512xi32, #tpu.memory_space<vmem>>, %arg6: memref<256x64xf32, #tpu.memory_space<vmem>>, %arg7: memref<256x64xf32, #tpu.memory_space<vmem>>, %arg8: memref<8x2x1024xf32, #tpu.memory_space<vmem>>, %arg9: memref<8x2x1024xf32, #tpu.memory_space<vmem>>, %arg10: memref<!tpu.dma_semaphore, #tpu.memory_space<semaphore_mem>>, %arg11: memref<!tpu.dma_semaphore, #tpu.memory_space<semaphore_mem>>, %arg12: memref<!tpu.dma_semaphore, #tpu.memory_space<semaphore_mem>>, %arg13: memref<!tpu.dma_semaphore, #tpu.memory_space<semaphore_mem>>) attributes {dimension_semantics = [#tpu.dimension_semantics<core_parallel>, #tpu.dimension_semantics<subcore_parallel>], iteration_bounds = array<i64: 2, 16>, scalar_prefetch = 0 : i64, scratch_operands = 9 : i64, tpu.core_type = #tpu.core_type<sc_vector_subcore>, window_params = [{transform_indices = #map}, {transform_indices = #map}, {transform_indices = #map1}]} {
    %mul3A = arith.constant 2 : i32
    %mul3A_0 = arith.muli %arg1, %mul3A : i32
    %add3A = arith.addi %mul3A_0, %arg0 : i32
    %mul3A_1 = arith.constant 512 : i32
    %mul3A_2 = arith.muli %add3A, %mul3A_1 : i32
    %mul3A_3 = arith.constant 4 : i32
    %mul3A_4 = arith.muli %add3A, %mul3A_3 : i32
    "tpu.region"() ({
      %run_scoped3A = tpu.sem_alloc : memref<!tpu.dma_semaphore, #tpu.memory_space<semaphore_mem>>
      %dma_start3A_242 = arith.constant 0 : i32
      %dma_start3A_243 = tpu.memref_slice %arg3[%dma_start3A_242, %mul3A_2] : memref<50x16384xi32, #tpu.memory_space<hbm>> -> memref<50x512xi32, #tpu.memory_space<hbm>>
      %dma_start3A_244 = arith.constant 0 : i32
      %dma_start3A_245 = tpu.memref_slice %arg3[%dma_start3A_244, %mul3A_2] : memref<50x16384xi32, #tpu.memory_space<hbm>> -> memref<50x512xi32, #tpu.memory_space<hbm>>
      tpu.enqueue_dma source(%dma_start3A_245 : memref<50x512xi32, #tpu.memory_space<hbm>>) target(%arg5 : memref<50x512xi32, #tpu.memory_space<vmem>>) target_semaphore(%run_scoped3A : memref<!tpu.dma_semaphore, #tpu.memory_space<semaphore_mem>>)
      %dma_wait3A_246 = arith.constant 0 : i32
      %dma_wait3A_247 = tpu.memref_slice %arg3[%dma_wait3A_246, %mul3A_2] : memref<50x16384xi32, #tpu.memory_space<hbm>> -> memref<50x512xi32, #tpu.memory_space<hbm>>
      %dma_wait3A_248 = arith.constant 0 : i32
      %dma_wait3A_249 = tpu.memref_slice %arg3[%dma_wait3A_248, %mul3A_2] : memref<50x16384xi32, #tpu.memory_space<hbm>> -> memref<50x512xi32, #tpu.memory_space<hbm>>
      tpu.wait_dma2 semaphore(%run_scoped3A : memref<!tpu.dma_semaphore, #tpu.memory_space<semaphore_mem>>) src(%dma_wait3A_249 : memref<50x512xi32, #tpu.memory_space<hbm>>) dst(%arg5 : memref<50x512xi32, #tpu.memory_space<vmem>>)
      tpu.yield
    }) : () -> ()
    %iota3A = tpu.iota {dimensions = array<i32: 0>} : vector<16xi32>
    %add3A_5 = arith.constant 0 : i32
    %add3A_6 = vector.broadcast %add3A_5 : i32 to vector<16xi32>
    %add3A_7 = arith.addi %iota3A, %add3A_6 : vector<16xi32>
    %add3A_8 = arith.constant 16 : i32
    %add3A_9 = vector.broadcast %add3A_8 : i32 to vector<16xi32>
    %add3A_10 = arith.addi %iota3A, %add3A_9 : vector<16xi32>
    %add3A_11 = arith.constant 32 : i32
    %add3A_12 = vector.broadcast %add3A_11 : i32 to vector<16xi32>
    %add3A_13 = arith.addi %iota3A, %add3A_12 : vector<16xi32>
    %add3A_14 = arith.constant 48 : i32
    %add3A_15 = vector.broadcast %add3A_14 : i32 to vector<16xi32>
    %add3A_16 = arith.addi %iota3A, %add3A_15 : vector<16xi32>
    %add3A_17 = arith.constant 64 : i32
    %add3A_18 = vector.broadcast %add3A_17 : i32 to vector<16xi32>
    %add3A_19 = arith.addi %iota3A, %add3A_18 : vector<16xi32>
    %add3A_20 = arith.constant 80 : i32
    %add3A_21 = vector.broadcast %add3A_20 : i32 to vector<16xi32>
    %add3A_22 = arith.addi %iota3A, %add3A_21 : vector<16xi32>
    %add3A_23 = arith.constant 96 : i32
    %add3A_24 = vector.broadcast %add3A_23 : i32 to vector<16xi32>
    %add3A_25 = arith.addi %iota3A, %add3A_24 : vector<16xi32>
    %add3A_26 = arith.constant 112 : i32
    %add3A_27 = vector.broadcast %add3A_26 : i32 to vector<16xi32>
    %add3A_28 = arith.addi %iota3A, %add3A_27 : vector<16xi32>
    %add3A_29 = arith.constant 128 : i32
    %add3A_30 = vector.broadcast %add3A_29 : i32 to vector<16xi32>
    %add3A_31 = arith.addi %iota3A, %add3A_30 : vector<16xi32>
    %add3A_32 = arith.constant 144 : i32
    %add3A_33 = vector.broadcast %add3A_32 : i32 to vector<16xi32>
    %add3A_34 = arith.addi %iota3A, %add3A_33 : vector<16xi32>
    %add3A_35 = arith.constant 160 : i32
    %add3A_36 = vector.broadcast %add3A_35 : i32 to vector<16xi32>
    %add3A_37 = arith.addi %iota3A, %add3A_36 : vector<16xi32>
    %add3A_38 = arith.constant 176 : i32
    %add3A_39 = vector.broadcast %add3A_38 : i32 to vector<16xi32>
    %add3A_40 = arith.addi %iota3A, %add3A_39 : vector<16xi32>
    %add3A_41 = arith.constant 192 : i32
    %add3A_42 = vector.broadcast %add3A_41 : i32 to vector<16xi32>
    %add3A_43 = arith.addi %iota3A, %add3A_42 : vector<16xi32>
    %add3A_44 = arith.constant 208 : i32
    %add3A_45 = vector.broadcast %add3A_44 : i32 to vector<16xi32>
    %add3A_46 = arith.addi %iota3A, %add3A_45 : vector<16xi32>
    %add3A_47 = arith.constant 224 : i32
    %add3A_48 = vector.broadcast %add3A_47 : i32 to vector<16xi32>
    %add3A_49 = arith.addi %iota3A, %add3A_48 : vector<16xi32>
    %add3A_50 = arith.constant 240 : i32
    %add3A_51 = vector.broadcast %add3A_50 : i32 to vector<16xi32>
    %add3A_52 = arith.addi %iota3A, %add3A_51 : vector<16xi32>
    %dma_start3A = arith.constant 0 : i32
    %dma_start3A_53 = arith.constant 0 : i32
    %dma_start3A_54 = tpu.memref_slice %arg5[%dma_start3A, %dma_start3A_53] : memref<50x512xi32, #tpu.memory_space<vmem>> -> memref<1x256xi32, #tpu.memory_space<vmem>>
    %dma_start3A_55 = tpu.memref_squeeze %dma_start3A_54 : memref<1x256xi32, #tpu.memory_space<vmem>> -> memref<256xi32, #tpu.memory_space<vmem>>
    %dma_start3A_56 = arith.constant 0 : i32
    %dma_start3A_57 = arith.constant 0 : i32
    %dma_start3A_58 = tpu.memref_slice %arg2[%dma_start3A_56, %dma_start3A_57] : memref<1000000x64xf32, #tpu.memory_space<hbm>> -> memref<1000000x64xf32, #tpu.memory_space<hbm>>
    tpu.enqueue_indirect_dma source(%dma_start3A_58 : memref<1000000x64xf32, #tpu.memory_space<hbm>>) target(%arg6 : memref<256x64xf32, #tpu.memory_space<vmem>>) offsets(%dma_start3A_55 : memref<256xi32, #tpu.memory_space<vmem>>) semaphore(%arg10 : memref<!tpu.dma_semaphore, #tpu.memory_space<semaphore_mem>>)
    %dma_start3A_59 = arith.constant 0 : i32
    %dma_start3A_60 = arith.constant 256 : i32
    %dma_start3A_61 = tpu.memref_slice %arg5[%dma_start3A_59, %dma_start3A_60] : memref<50x512xi32, #tpu.memory_space<vmem>> -> memref<1x256xi32, #tpu.memory_space<vmem>>
    %dma_start3A_62 = tpu.memref_squeeze %dma_start3A_61 : memref<1x256xi32, #tpu.memory_space<vmem>> -> memref<256xi32, #tpu.memory_space<vmem>>
    %dma_start3A_63 = arith.constant 0 : i32
    %dma_start3A_64 = arith.constant 0 : i32
    %dma_start3A_65 = tpu.memref_slice %arg2[%dma_start3A_63, %dma_start3A_64] : memref<1000000x64xf32, #tpu.memory_space<hbm>> -> memref<1000000x64xf32, #tpu.memory_space<hbm>>
    tpu.enqueue_indirect_dma source(%dma_start3A_65 : memref<1000000x64xf32, #tpu.memory_space<hbm>>) target(%arg7 : memref<256x64xf32, #tpu.memory_space<vmem>>) offsets(%dma_start3A_62 : memref<256xi32, #tpu.memory_space<vmem>>) semaphore(%arg11 : memref<!tpu.dma_semaphore, #tpu.memory_space<semaphore_mem>>)
    %dma_wait3A = arith.constant 0 : i32
    %dma_wait3A_66 = arith.constant 0 : i32
    %dma_wait3A_67 = tpu.memref_slice %arg5[%dma_wait3A, %dma_wait3A_66] : memref<50x512xi32, #tpu.memory_space<vmem>> -> memref<1x256xi32, #tpu.memory_space<vmem>>
    %dma_wait3A_68 = tpu.memref_squeeze %dma_wait3A_67 : memref<1x256xi32, #tpu.memory_space<vmem>> -> memref<256xi32, #tpu.memory_space<vmem>>
    %dma_wait3A_69 = arith.constant 0 : i32
    %dma_wait3A_70 = arith.constant 0 : i32
    %dma_wait3A_71 = tpu.memref_slice %arg2[%dma_wait3A_69, %dma_wait3A_70] : memref<1000000x64xf32, #tpu.memory_space<hbm>> -> memref<1000000x64xf32, #tpu.memory_space<hbm>>
    tpu.wait_indirect_dma semaphore(%arg10 : memref<!tpu.dma_semaphore, #tpu.memory_space<semaphore_mem>>) src(%dma_wait3A_71 : memref<1000000x64xf32, #tpu.memory_space<hbm>>) dst(%arg6 : memref<256x64xf32, #tpu.memory_space<vmem>>)
    %parallel_loop3A = arith.constant 0 : i32
    %parallel_loop3A_72 = arith.constant 64 : i32
    %parallel_loop3A_73 = arith.constant 1 : i32
    scf.for %parallel_loop3A_242 = %parallel_loop3A to %parallel_loop3A_72 step %parallel_loop3A_73  : i32 {
      %parallel_loop3A_243 = arith.constant 8 : i32
      %parallel_loop3A_244 = arith.remsi %parallel_loop3A_242, %parallel_loop3A_243 : i32
      %parallel_loop3A_245 = arith.constant 128 : i32
      %parallel_loop3A_246 = arith.muli %parallel_loop3A_244, %parallel_loop3A_245 : i32
      %parallel_loop3A_247 = arith.constant 8 : i32
      %parallel_loop3A_248 = arith.divsi %parallel_loop3A_242, %parallel_loop3A_247 : i32
      %parallel_loop3A_249 = arith.constant 0 : i32
      %parallel_loop3A_250 = vector.broadcast %parallel_loop3A_249 : i32 to vector<16xi32>
      %parallel_loop3A_251 = vector.broadcast %parallel_loop3A_242 : i32 to vector<16xi32>
      %parallel_loop3A_252 = arith.addi %parallel_loop3A_250, %parallel_loop3A_251 : vector<16xi32>
      %parallel_loop3A_253 = tpu.vector_load_idx %arg6[%add3A_7, %parallel_loop3A_252] : memref<256x64xf32, #tpu.memory_space<vmem>>[vector<16xi32>, vector<16xi32>], vector<16xf32>,
      %parallel_loop3A_254 = arith.constant 0 : i32
      %parallel_loop3A_255 = arith.addi %parallel_loop3A_246, %parallel_loop3A_254 : i32
      %parallel_loop3A_256 = arith.constant 0 : i32
      %parallel_loop3A_257 = arith.index_cast %parallel_loop3A_248 : i32 to index
      %parallel_loop3A_258 = arith.index_cast %parallel_loop3A_256 : i32 to index
      %parallel_loop3A_259 = arith.index_cast %parallel_loop3A_255 : i32 to index
      %parallel_loop3A_260 = tpu.vector_load %arg8[%parallel_loop3A_257, %parallel_loop3A_258, %parallel_loop3A_259] {strides = array<i32>} : memref<8x2x1024xf32, #tpu.memory_space<vmem>>, vector<16xf32>,
      tpu.vector_store %arg8[%parallel_loop3A_257, %parallel_loop3A_258, %parallel_loop3A_259], %parallel_loop3A_253 {strides = array<i32>} : memref<8x2x1024xf32, #tpu.memory_space<vmem>>, vector<16xf32>,
      %parallel_loop3A_261 = tpu.vector_load_idx %arg6[%add3A_10, %parallel_loop3A_252] : memref<256x64xf32, #tpu.memory_space<vmem>>[vector<16xi32>, vector<16xi32>], vector<16xf32>,
      %parallel_loop3A_262 = arith.constant 16 : i32
      %parallel_loop3A_263 = arith.addi %parallel_loop3A_246, %parallel_loop3A_262 : i32
      %parallel_loop3A_264 = arith.constant 0 : i32
      %parallel_loop3A_265 = arith.index_cast %parallel_loop3A_248 : i32 to index
      %parallel_loop3A_266 = arith.index_cast %parallel_loop3A_264 : i32 to index
      %parallel_loop3A_267 = arith.index_cast %parallel_loop3A_263 : i32 to index
      %parallel_loop3A_268 = tpu.vector_load %arg8[%parallel_loop3A_265, %parallel_loop3A_266, %parallel_loop3A_267] {strides = array<i32>} : memref<8x2x1024xf32, #tpu.memory_space<vmem>>, vector<16xf32>,
      tpu.vector_store %arg8[%parallel_loop3A_265, %parallel_loop3A_266, %parallel_loop3A_267], %parallel_loop3A_261 {strides = array<i32>} : memref<8x2x1024xf32, #tpu.memory_space<vmem>>, vector<16xf32>,
      %parallel_loop3A_269 = tpu.vector_load_idx %arg6[%add3A_13, %parallel_loop3A_252] : memref<256x64xf32, #tpu.memory_space<vmem>>[vector<16xi32>, vector<16xi32>], vector<16xf32>,
      %parallel_loop3A_270 = arith.constant 32 : i32
      %parallel_loop3A_271 = arith.addi %parallel_loop3A_246, %parallel_loop3A_270 : i32
      %parallel_loop3A_272 = arith.constant 0 : i32
      %parallel_loop3A_273 = arith.index_cast %parallel_loop3A_248 : i32 to index
      %parallel_loop3A_274 = arith.index_cast %parallel_loop3A_272 : i32 to index
      %parallel_loop3A_275 = arith.index_cast %parallel_loop3A_271 : i32 to index
      %parallel_loop3A_276 = tpu.vector_load %arg8[%parallel_loop3A_273, %parallel_loop3A_274, %parallel_loop3A_275] {strides = array<i32>} : memref<8x2x1024xf32, #tpu.memory_space<vmem>>, vector<16xf32>,
      tpu.vector_store %arg8[%parallel_loop3A_273, %parallel_loop3A_274, %parallel_loop3A_275], %parallel_loop3A_269 {strides = array<i32>} : memref<8x2x1024xf32, #tpu.memory_space<vmem>>, vector<16xf32>,
      %parallel_loop3A_277 = tpu.vector_load_idx %arg6[%add3A_16, %parallel_loop3A_252] : memref<256x64xf32, #tpu.memory_space<vmem>>[vector<16xi32>, vector<16xi32>], vector<16xf32>,
      %parallel_loop3A_278 = arith.constant 48 : i32
      %parallel_loop3A_279 = arith.addi %parallel_loop3A_246, %parallel_loop3A_278 : i32
      %parallel_loop3A_280 = arith.constant 0 : i32
      %parallel_loop3A_281 = arith.index_cast %parallel_loop3A_248 : i32 to index
      %parallel_loop3A_282 = arith.index_cast %parallel_loop3A_280 : i32 to index
      %parallel_loop3A_283 = arith.index_cast %parallel_loop3A_279 : i32 to index
      %parallel_loop3A_284 = tpu.vector_load %arg8[%parallel_loop3A_281, %parallel_loop3A_282, %parallel_loop3A_283] {strides = array<i32>} : memref<8x2x1024xf32, #tpu.memory_space<vmem>>, vector<16xf32>,
      tpu.vector_store %arg8[%parallel_loop3A_281, %parallel_loop3A_282, %parallel_loop3A_283], %parallel_loop3A_277 {strides = array<i32>} : memref<8x2x1024xf32, #tpu.memory_space<vmem>>, vector<16xf32>,
      %parallel_loop3A_285 = tpu.vector_load_idx %arg6[%add3A_19, %parallel_loop3A_252] : memref<256x64xf32, #tpu.memory_space<vmem>>[vector<16xi32>, vector<16xi32>], vector<16xf32>,
      %parallel_loop3A_286 = arith.constant 64 : i32
      %parallel_loop3A_287 = arith.addi %parallel_loop3A_246, %parallel_loop3A_286 : i32
      %parallel_loop3A_288 = arith.constant 0 : i32
      %parallel_loop3A_289 = arith.index_cast %parallel_loop3A_248 : i32 to index
      %parallel_loop3A_290 = arith.index_cast %parallel_loop3A_288 : i32 to index
      %parallel_loop3A_291 = arith.index_cast %parallel_loop3A_287 : i32 to index
      %parallel_loop3A_292 = tpu.vector_load %arg8[%parallel_loop3A_289, %parallel_loop3A_290, %parallel_loop3A_291] {strides = array<i32>} : memref<8x2x1024xf32, #tpu.memory_space<vmem>>, vector<16xf32>,
      tpu.vector_store %arg8[%parallel_loop3A_289, %parallel_loop3A_290, %parallel_loop3A_291], %parallel_loop3A_285 {strides = array<i32>} : memref<8x2x1024xf32, #tpu.memory_space<vmem>>, vector<16xf32>,
      %parallel_loop3A_293 = tpu.vector_load_idx %arg6[%add3A_22, %parallel_loop3A_252] : memref<256x64xf32, #tpu.memory_space<vmem>>[vector<16xi32>, vector<16xi32>], vector<16xf32>,
      %parallel_loop3A_294 = arith.constant 80 : i32
      %parallel_loop3A_295 = arith.addi %parallel_loop3A_246, %parallel_loop3A_294 : i32
      %parallel_loop3A_296 = arith.constant 0 : i32
      %parallel_loop3A_297 = arith.index_cast %parallel_loop3A_248 : i32 to index
      %parallel_loop3A_298 = arith.index_cast %parallel_loop3A_296 : i32 to index
      %parallel_loop3A_299 = arith.index_cast %parallel_loop3A_295 : i32 to index
      %parallel_loop3A_300 = tpu.vector_load %arg8[%parallel_loop3A_297, %parallel_loop3A_298, %parallel_loop3A_299] {strides = array<i32>} : memref<8x2x1024xf32, #tpu.memory_space<vmem>>, vector<16xf32>,
      tpu.vector_store %arg8[%parallel_loop3A_297, %parallel_loop3A_298, %parallel_loop3A_299], %parallel_loop3A_293 {strides = array<i32>} : memref<8x2x1024xf32, #tpu.memory_space<vmem>>, vector<16xf32>,
      %parallel_loop3A_301 = tpu.vector_load_idx %arg6[%add3A_25, %parallel_loop3A_252] : memref<256x64xf32, #tpu.memory_space<vmem>>[vector<16xi32>, vector<16xi32>], vector<16xf32>,
      %parallel_loop3A_302 = arith.constant 96 : i32
      %parallel_loop3A_303 = arith.addi %parallel_loop3A_246, %parallel_loop3A_302 : i32
      %parallel_loop3A_304 = arith.constant 0 : i32
      %parallel_loop3A_305 = arith.index_cast %parallel_loop3A_248 : i32 to index
      %parallel_loop3A_306 = arith.index_cast %parallel_loop3A_304 : i32 to index
      %parallel_loop3A_307 = arith.index_cast %parallel_loop3A_303 : i32 to index
      %parallel_loop3A_308 = tpu.vector_load %arg8[%parallel_loop3A_305, %parallel_loop3A_306, %parallel_loop3A_307] {strides = array<i32>} : memref<8x2x1024xf32, #tpu.memory_space<vmem>>, vector<16xf32>,
      tpu.vector_store %arg8[%parallel_loop3A_305, %parallel_loop3A_306, %parallel_loop3A_307], %parallel_loop3A_301 {strides = array<i32>} : memref<8x2x1024xf32, #tpu.memory_space<vmem>>, vector<16xf32>,
      %parallel_loop3A_309 = tpu.vector_load_idx %arg6[%add3A_28, %parallel_loop3A_252] : memref<256x64xf32, #tpu.memory_space<vmem>>[vector<16xi32>, vector<16xi32>], vector<16xf32>,
      %parallel_loop3A_310 = arith.constant 112 : i32
      %parallel_loop3A_311 = arith.addi %parallel_loop3A_246, %parallel_loop3A_310 : i32
      %parallel_loop3A_312 = arith.constant 0 : i32
      %parallel_loop3A_313 = arith.index_cast %parallel_loop3A_248 : i32 to index
      %parallel_loop3A_314 = arith.index_cast %parallel_loop3A_312 : i32 to index
      %parallel_loop3A_315 = arith.index_cast %parallel_loop3A_311 : i32 to index
      %parallel_loop3A_316 = tpu.vector_load %arg8[%parallel_loop3A_313, %parallel_loop3A_314, %parallel_loop3A_315] {strides = array<i32>} : memref<8x2x1024xf32, #tpu.memory_space<vmem>>, vector<16xf32>,
      tpu.vector_store %arg8[%parallel_loop3A_313, %parallel_loop3A_314, %parallel_loop3A_315], %parallel_loop3A_309 {strides = array<i32>} : memref<8x2x1024xf32, #tpu.memory_space<vmem>>, vector<16xf32>,
    } {sc.loop_unroll_factor = 8 : i64, sc.parallel_access}
    %parallel_loop3A_74 = arith.constant 0 : i32
    %parallel_loop3A_75 = arith.constant 64 : i32
    %parallel_loop3A_76 = arith.constant 1 : i32
    scf.for %parallel_loop3A_242 = %parallel_loop3A_74 to %parallel_loop3A_75 step %parallel_loop3A_76  : i32 {
      %parallel_loop3A_243 = arith.constant 8 : i32
      %parallel_loop3A_244 = arith.remsi %parallel_loop3A_242, %parallel_loop3A_243 : i32
      %parallel_loop3A_245 = arith.constant 128 : i32
      %parallel_loop3A_246 = arith.muli %parallel_loop3A_244, %parallel_loop3A_245 : i32
      %parallel_loop3A_247 = arith.constant 8 : i32
      %parallel_loop3A_248 = arith.divsi %parallel_loop3A_242, %parallel_loop3A_247 : i32
      %parallel_loop3A_249 = arith.constant 0 : i32
      %parallel_loop3A_250 = vector.broadcast %parallel_loop3A_249 : i32 to vector<16xi32>
      %parallel_loop3A_251 = vector.broadcast %parallel_loop3A_242 : i32 to vector<16xi32>
      %parallel_loop3A_252 = arith.addi %parallel_loop3A_250, %parallel_loop3A_251 : vector<16xi32>
      %parallel_loop3A_253 = tpu.vector_load_idx %arg6[%add3A_31, %parallel_loop3A_252] : memref<256x64xf32, #tpu.memory_space<vmem>>[vector<16xi32>, vector<16xi32>], vector<16xf32>,
      %parallel_loop3A_254 = arith.constant 0 : i32
      %parallel_loop3A_255 = arith.addi %parallel_loop3A_246, %parallel_loop3A_254 : i32
      %parallel_loop3A_256 = arith.constant 1 : i32
      %parallel_loop3A_257 = arith.index_cast %parallel_loop3A_248 : i32 to index
      %parallel_loop3A_258 = arith.index_cast %parallel_loop3A_256 : i32 to index
      %parallel_loop3A_259 = arith.index_cast %parallel_loop3A_255 : i32 to index
      %parallel_loop3A_260 = tpu.vector_load %arg8[%parallel_loop3A_257, %parallel_loop3A_258, %parallel_loop3A_259] {strides = array<i32>} : memref<8x2x1024xf32, #tpu.memory_space<vmem>>, vector<16xf32>,
      tpu.vector_store %arg8[%parallel_loop3A_257, %parallel_loop3A_258, %parallel_loop3A_259], %parallel_loop3A_253 {strides = array<i32>} : memref<8x2x1024xf32, #tpu.memory_space<vmem>>, vector<16xf32>,
      %parallel_loop3A_261 = tpu.vector_load_idx %arg6[%add3A_34, %parallel_loop3A_252] : memref<256x64xf32, #tpu.memory_space<vmem>>[vector<16xi32>, vector<16xi32>], vector<16xf32>,
      %parallel_loop3A_262 = arith.constant 16 : i32
      %parallel_loop3A_263 = arith.addi %parallel_loop3A_246, %parallel_loop3A_262 : i32
      %parallel_loop3A_264 = arith.constant 1 : i32
      %parallel_loop3A_265 = arith.index_cast %parallel_loop3A_248 : i32 to index
      %parallel_loop3A_266 = arith.index_cast %parallel_loop3A_264 : i32 to index
      %parallel_loop3A_267 = arith.index_cast %parallel_loop3A_263 : i32 to index
      %parallel_loop3A_268 = tpu.vector_load %arg8[%parallel_loop3A_265, %parallel_loop3A_266, %parallel_loop3A_267] {strides = array<i32>} : memref<8x2x1024xf32, #tpu.memory_space<vmem>>, vector<16xf32>,
      tpu.vector_store %arg8[%parallel_loop3A_265, %parallel_loop3A_266, %parallel_loop3A_267], %parallel_loop3A_261 {strides = array<i32>} : memref<8x2x1024xf32, #tpu.memory_space<vmem>>, vector<16xf32>,
      %parallel_loop3A_269 = tpu.vector_load_idx %arg6[%add3A_37, %parallel_loop3A_252] : memref<256x64xf32, #tpu.memory_space<vmem>>[vector<16xi32>, vector<16xi32>], vector<16xf32>,
      %parallel_loop3A_270 = arith.constant 32 : i32
      %parallel_loop3A_271 = arith.addi %parallel_loop3A_246, %parallel_loop3A_270 : i32
      %parallel_loop3A_272 = arith.constant 1 : i32
      %parallel_loop3A_273 = arith.index_cast %parallel_loop3A_248 : i32 to index
      %parallel_loop3A_274 = arith.index_cast %parallel_loop3A_272 : i32 to index
      %parallel_loop3A_275 = arith.index_cast %parallel_loop3A_271 : i32 to index
      %parallel_loop3A_276 = tpu.vector_load %arg8[%parallel_loop3A_273, %parallel_loop3A_274, %parallel_loop3A_275] {strides = array<i32>} : memref<8x2x1024xf32, #tpu.memory_space<vmem>>, vector<16xf32>,
      tpu.vector_store %arg8[%parallel_loop3A_273, %parallel_loop3A_274, %parallel_loop3A_275], %parallel_loop3A_269 {strides = array<i32>} : memref<8x2x1024xf32, #tpu.memory_space<vmem>>, vector<16xf32>,
      %parallel_loop3A_277 = tpu.vector_load_idx %arg6[%add3A_40, %parallel_loop3A_252] : memref<256x64xf32, #tpu.memory_space<vmem>>[vector<16xi32>, vector<16xi32>], vector<16xf32>,
      %parallel_loop3A_278 = arith.constant 48 : i32
      %parallel_loop3A_279 = arith.addi %parallel_loop3A_246, %parallel_loop3A_278 : i32
      %parallel_loop3A_280 = arith.constant 1 : i32
      %parallel_loop3A_281 = arith.index_cast %parallel_loop3A_248 : i32 to index
      %parallel_loop3A_282 = arith.index_cast %parallel_loop3A_280 : i32 to index
      %parallel_loop3A_283 = arith.index_cast %parallel_loop3A_279 : i32 to index
      %parallel_loop3A_284 = tpu.vector_load %arg8[%parallel_loop3A_281, %parallel_loop3A_282, %parallel_loop3A_283] {strides = array<i32>} : memref<8x2x1024xf32, #tpu.memory_space<vmem>>, vector<16xf32>,
      tpu.vector_store %arg8[%parallel_loop3A_281, %parallel_loop3A_282, %parallel_loop3A_283], %parallel_loop3A_277 {strides = array<i32>} : memref<8x2x1024xf32, #tpu.memory_space<vmem>>, vector<16xf32>,
      %parallel_loop3A_285 = tpu.vector_load_idx %arg6[%add3A_43, %parallel_loop3A_252] : memref<256x64xf32, #tpu.memory_space<vmem>>[vector<16xi32>, vector<16xi32>], vector<16xf32>,
      %parallel_loop3A_286 = arith.constant 64 : i32
      %parallel_loop3A_287 = arith.addi %parallel_loop3A_246, %parallel_loop3A_286 : i32
      %parallel_loop3A_288 = arith.constant 1 : i32
      %parallel_loop3A_289 = arith.index_cast %parallel_loop3A_248 : i32 to index
      %parallel_loop3A_290 = arith.index_cast %parallel_loop3A_288 : i32 to index
      %parallel_loop3A_291 = arith.index_cast %parallel_loop3A_287 : i32 to index
      %parallel_loop3A_292 = tpu.vector_load %arg8[%parallel_loop3A_289, %parallel_loop3A_290, %parallel_loop3A_291] {strides = array<i32>} : memref<8x2x1024xf32, #tpu.memory_space<vmem>>, vector<16xf32>,
      tpu.vector_store %arg8[%parallel_loop3A_289, %parallel_loop3A_290, %parallel_loop3A_291], %parallel_loop3A_285 {strides = array<i32>} : memref<8x2x1024xf32, #tpu.memory_space<vmem>>, vector<16xf32>,
      %parallel_loop3A_293 = tpu.vector_load_idx %arg6[%add3A_46, %parallel_loop3A_252] : memref<256x64xf32, #tpu.memory_space<vmem>>[vector<16xi32>, vector<16xi32>], vector<16xf32>,
      %parallel_loop3A_294 = arith.constant 80 : i32
      %parallel_loop3A_295 = arith.addi %parallel_loop3A_246, %parallel_loop3A_294 : i32
      %parallel_loop3A_296 = arith.constant 1 : i32
      %parallel_loop3A_297 = arith.index_cast %parallel_loop3A_248 : i32 to index
      %parallel_loop3A_298 = arith.index_cast %parallel_loop3A_296 : i32 to index
      %parallel_loop3A_299 = arith.index_cast %parallel_loop3A_295 : i32 to index
      %parallel_loop3A_300 = tpu.vector_load %arg8[%parallel_loop3A_297, %parallel_loop3A_298, %parallel_loop3A_299] {strides = array<i32>} : memref<8x2x1024xf32, #tpu.memory_space<vmem>>, vector<16xf32>,
      tpu.vector_store %arg8[%parallel_loop3A_297, %parallel_loop3A_298, %parallel_loop3A_299], %parallel_loop3A_293 {strides = array<i32>} : memref<8x2x1024xf32, #tpu.memory_space<vmem>>, vector<16xf32>,
      %parallel_loop3A_301 = tpu.vector_load_idx %arg6[%add3A_49, %parallel_loop3A_252] : memref<256x64xf32, #tpu.memory_space<vmem>>[vector<16xi32>, vector<16xi32>], vector<16xf32>,
      %parallel_loop3A_302 = arith.constant 96 : i32
      %parallel_loop3A_303 = arith.addi %parallel_loop3A_246, %parallel_loop3A_302 : i32
      %parallel_loop3A_304 = arith.constant 1 : i32
      %parallel_loop3A_305 = arith.index_cast %parallel_loop3A_248 : i32 to index
      %parallel_loop3A_306 = arith.index_cast %parallel_loop3A_304 : i32 to index
      %parallel_loop3A_307 = arith.index_cast %parallel_loop3A_303 : i32 to index
      %parallel_loop3A_308 = tpu.vector_load %arg8[%parallel_loop3A_305, %parallel_loop3A_306, %parallel_loop3A_307] {strides = array<i32>} : memref<8x2x1024xf32, #tpu.memory_space<vmem>>, vector<16xf32>,
      tpu.vector_store %arg8[%parallel_loop3A_305, %parallel_loop3A_306, %parallel_loop3A_307], %parallel_loop3A_301 {strides = array<i32>} : memref<8x2x1024xf32, #tpu.memory_space<vmem>>, vector<16xf32>,
      %parallel_loop3A_309 = tpu.vector_load_idx %arg6[%add3A_52, %parallel_loop3A_252] : memref<256x64xf32, #tpu.memory_space<vmem>>[vector<16xi32>, vector<16xi32>], vector<16xf32>,
      %parallel_loop3A_310 = arith.constant 112 : i32
      %parallel_loop3A_311 = arith.addi %parallel_loop3A_246, %parallel_loop3A_310 : i32
      %parallel_loop3A_312 = arith.constant 1 : i32
      %parallel_loop3A_313 = arith.index_cast %parallel_loop3A_248 : i32 to index
      %parallel_loop3A_314 = arith.index_cast %parallel_loop3A_312 : i32 to index
      %parallel_loop3A_315 = arith.index_cast %parallel_loop3A_311 : i32 to index
      %parallel_loop3A_316 = tpu.vector_load %arg8[%parallel_loop3A_313, %parallel_loop3A_314, %parallel_loop3A_315] {strides = array<i32>} : memref<8x2x1024xf32, #tpu.memory_space<vmem>>, vector<16xf32>,
      tpu.vector_store %arg8[%parallel_loop3A_313, %parallel_loop3A_314, %parallel_loop3A_315], %parallel_loop3A_309 {strides = array<i32>} : memref<8x2x1024xf32, #tpu.memory_space<vmem>>, vector<16xf32>,
    } {sc.loop_unroll_factor = 8 : i64, sc.parallel_access}
    %min3A = arith.constant 2 : i32
    %min3A_77 = arith.constant 99 : i32
    %min3A_78 = arith.minsi %min3A, %min3A_77 : i32
    %jit3A = arith.constant 2 : i32
    %div3A = arith.divsi %min3A_78, %jit3A : i32
    %sign3A = arith.constant 0 : i32
    %sign3A_79 = arith.cmpi sgt, %min3A_78, %sign3A : i32
    %sign3A_80 = arith.extui %sign3A_79 : i1 to i32
    %sign3A_81 = arith.constant 0 : i32
    %sign3A_82 = arith.cmpi slt, %min3A_78, %sign3A_81 : i32
    %sign3A_83 = arith.extui %sign3A_82 : i1 to i32
    %sign3A_84 = arith.subi %sign3A_80, %sign3A_83 : i32
    %sign3A_85 = arith.constant 0 : i32
    %sign3A_86 = arith.cmpi sgt, %jit3A, %sign3A_85 : i32
    %sign3A_87 = arith.extui %sign3A_86 : i1 to i32
    %sign3A_88 = arith.constant 0 : i32
    %sign3A_89 = arith.cmpi slt, %jit3A, %sign3A_88 : i32
    %sign3A_90 = arith.extui %sign3A_89 : i1 to i32
    %sign3A_91 = arith.subi %sign3A_87, %sign3A_90 : i32
    %ne3A = arith.cmpi ne, %sign3A_84, %sign3A_91 : i32
    %rem3A = arith.remsi %min3A_78, %jit3A : i32
    %ne3A_92 = arith.constant 0 : i32
    %ne3A_93 = arith.cmpi ne, %rem3A, %ne3A_92 : i32
    %and3A = arith.andi %ne3A, %ne3A_93 : i1
    %sub3A = arith.constant 1 : i32
    %sub3A_94 = arith.subi %div3A, %sub3A : i32
    %select_n3A = arith.select %and3A, %sub3A_94, %div3A : i32
    %jit3A_95 = arith.constant 2 : i32
    %eq3A = arith.constant 0 : i32
    %eq3A_96 = arith.cmpi eq, %jit3A_95, %eq3A : i32
    %jit3A_97 = arith.constant 1 : i32
    %select_n3A_98 = arith.select %eq3A_96, %jit3A_97, %jit3A_95 : i32
    %rem3A_99 = arith.remsi %min3A_78, %select_n3A_98 : i32
    %ne3A_100 = arith.constant 0 : i32
    %ne3A_101 = arith.cmpi ne, %rem3A_99, %ne3A_100 : i32
    %lt3A = arith.constant 0 : i32
    %lt3A_102 = arith.cmpi slt, %rem3A_99, %lt3A : i32
    %lt3A_103 = arith.constant 0 : i32
    %lt3A_104 = arith.cmpi slt, %select_n3A_98, %lt3A_103 : i32
    %ne3A_105 = arith.xori %lt3A_102, %lt3A_104 : i1
    %and3A_106 = arith.andi %ne3A_105, %ne3A_101 : i1
    %add3A_107 = arith.addi %rem3A_99, %select_n3A_98 : i32
    %select_n3A_108 = arith.select %and3A_106, %add3A_107, %rem3A_99 : i32
    %mul3A_109 = arith.constant 256 : i32
    %mul3A_110 = arith.muli %select_n3A_108, %mul3A_109 : i32
    %dma_start3A_111 = tpu.memref_slice %arg5[%select_n3A, %mul3A_110] : memref<50x512xi32, #tpu.memory_space<vmem>> -> memref<1x256xi32, #tpu.memory_space<vmem>>
    %dma_start3A_112 = tpu.memref_squeeze %dma_start3A_111 : memref<1x256xi32, #tpu.memory_space<vmem>> -> memref<256xi32, #tpu.memory_space<vmem>>
    %dma_start3A_113 = arith.constant 0 : i32
    %dma_start3A_114 = arith.constant 0 : i32
    %dma_start3A_115 = tpu.memref_slice %arg2[%dma_start3A_113, %dma_start3A_114] : memref<1000000x64xf32, #tpu.memory_space<hbm>> -> memref<1000000x64xf32, #tpu.memory_space<hbm>>
    tpu.enqueue_indirect_dma source(%dma_start3A_115 : memref<1000000x64xf32, #tpu.memory_space<hbm>>) target(%arg6 : memref<256x64xf32, #tpu.memory_space<vmem>>) offsets(%dma_start3A_112 : memref<256xi32, #tpu.memory_space<vmem>>) semaphore(%arg10 : memref<!tpu.dma_semaphore, #tpu.memory_space<semaphore_mem>>)
    %add3A_116 = arith.constant 0 : i32
    %add3A_117 = arith.addi %mul3A_4, %add3A_116 : i32
    %dma_start3A_118 = arith.constant 0 : i32
    %dma_start3A_119 = arith.constant 0 : i32
    %dma_start3A_120 = arith.constant 0 : i32
    %dma_start3A_121 = tpu.memref_slice %arg4[%dma_start3A_118, %dma_start3A_119, %add3A_117, %dma_start3A_120] : memref<50x8x128x1024xf32, #tpu.memory_space<hbm>> -> memref<1x8x2x1024xf32, #tpu.memory_space<hbm>>
    %dma_start3A_122 = tpu.memref_squeeze %dma_start3A_121 : memref<1x8x2x1024xf32, #tpu.memory_space<hbm>> -> memref<8x2x1024xf32, #tpu.memory_space<hbm>>
    %dma_start3A_123 = arith.constant 0 : i32
    %dma_start3A_124 = arith.constant 0 : i32
    %dma_start3A_125 = tpu.memref_slice %arg4[%dma_start3A_118, %dma_start3A_123, %add3A_117, %dma_start3A_124] : memref<50x8x128x1024xf32, #tpu.memory_space<hbm>> -> memref<1x8x2x1024xf32, #tpu.memory_space<hbm>>
    %dma_start3A_126 = tpu.memref_squeeze %dma_start3A_125 : memref<1x8x2x1024xf32, #tpu.memory_space<hbm>> -> memref<8x2x1024xf32, #tpu.memory_space<hbm>>
    tpu.enqueue_dma source(%arg8 : memref<8x2x1024xf32, #tpu.memory_space<vmem>>) target(%dma_start3A_126 : memref<8x2x1024xf32, #tpu.memory_space<hbm>>) target_semaphore(%arg12 : memref<!tpu.dma_semaphore, #tpu.memory_space<semaphore_mem>>)
    %dma_wait3A_127 = arith.constant 0 : i32
    %dma_wait3A_128 = arith.constant 256 : i32
    %dma_wait3A_129 = tpu.memref_slice %arg5[%dma_wait3A_127, %dma_wait3A_128] : memref<50x512xi32, #tpu.memory_space<vmem>> -> memref<1x256xi32, #tpu.memory_space<vmem>>
    %dma_wait3A_130 = tpu.memref_squeeze %dma_wait3A_129 : memref<1x256xi32, #tpu.memory_space<vmem>> -> memref<256xi32, #tpu.memory_space<vmem>>
    %dma_wait3A_131 = arith.constant 0 : i32
    %dma_wait3A_132 = arith.constant 0 : i32
    %dma_wait3A_133 = tpu.memref_slice %arg2[%dma_wait3A_131, %dma_wait3A_132] : memref<1000000x64xf32, #tpu.memory_space<hbm>> -> memref<1000000x64xf32, #tpu.memory_space<hbm>>
    tpu.wait_indirect_dma semaphore(%arg11 : memref<!tpu.dma_semaphore, #tpu.memory_space<semaphore_mem>>) src(%dma_wait3A_133 : memref<1000000x64xf32, #tpu.memory_space<hbm>>) dst(%arg7 : memref<256x64xf32, #tpu.memory_space<vmem>>)
    %parallel_loop3A_134 = arith.constant 0 : i32
    %parallel_loop3A_135 = arith.constant 64 : i32
    %parallel_loop3A_136 = arith.constant 1 : i32
    scf.for %parallel_loop3A_242 = %parallel_loop3A_134 to %parallel_loop3A_135 step %parallel_loop3A_136  : i32 {
      %parallel_loop3A_243 = arith.constant 8 : i32
      %parallel_loop3A_244 = arith.remsi %parallel_loop3A_242, %parallel_loop3A_243 : i32
      %parallel_loop3A_245 = arith.constant 128 : i32
      %parallel_loop3A_246 = arith.muli %parallel_loop3A_244, %parallel_loop3A_245 : i32
      %parallel_loop3A_247 = arith.constant 8 : i32
      %parallel_loop3A_248 = arith.divsi %parallel_loop3A_242, %parallel_loop3A_247 : i32
      %parallel_loop3A_249 = arith.constant 0 : i32
      %parallel_loop3A_250 = vector.broadcast %parallel_loop3A_249 : i32 to vector<16xi32>
      %parallel_loop3A_251 = vector.broadcast %parallel_loop3A_242 : i32 to vector<16xi32>
      %parallel_loop3A_252 = arith.addi %parallel_loop3A_250, %parallel_loop3A_251 : vector<16xi32>
      %parallel_loop3A_253 = tpu.vector_load_idx %arg7[%add3A_7, %parallel_loop3A_252] : memref<256x64xf32, #tpu.memory_space<vmem>>[vector<16xi32>, vector<16xi32>], vector<16xf32>,
      %parallel_loop3A_254 = arith.constant 0 : i32
      %parallel_loop3A_255 = arith.addi %parallel_loop3A_246, %parallel_loop3A_254 : i32
      %parallel_loop3A_256 = arith.constant 0 : i32
      %parallel_loop3A_257 = arith.index_cast %parallel_loop3A_248 : i32 to index
      %parallel_loop3A_258 = arith.index_cast %parallel_loop3A_256 : i32 to index
      %parallel_loop3A_259 = arith.index_cast %parallel_loop3A_255 : i32 to index
      %parallel_loop3A_260 = tpu.vector_load %arg9[%parallel_loop3A_257, %parallel_loop3A_258, %parallel_loop3A_259] {strides = array<i32>} : memref<8x2x1024xf32, #tpu.memory_space<vmem>>, vector<16xf32>,
      tpu.vector_store %arg9[%parallel_loop3A_257, %parallel_loop3A_258, %parallel_loop3A_259], %parallel_loop3A_253 {strides = array<i32>} : memref<8x2x1024xf32, #tpu.memory_space<vmem>>, vector<16xf32>,
      %parallel_loop3A_261 = tpu.vector_load_idx %arg7[%add3A_10, %parallel_loop3A_252] : memref<256x64xf32, #tpu.memory_space<vmem>>[vector<16xi32>, vector<16xi32>], vector<16xf32>,
      %parallel_loop3A_262 = arith.constant 16 : i32
      %parallel_loop3A_263 = arith.addi %parallel_loop3A_246, %parallel_loop3A_262 : i32
      %parallel_loop3A_264 = arith.constant 0 : i32
      %parallel_loop3A_265 = arith.index_cast %parallel_loop3A_248 : i32 to index
      %parallel_loop3A_266 = arith.index_cast %parallel_loop3A_264 : i32 to index
      %parallel_loop3A_267 = arith.index_cast %parallel_loop3A_263 : i32 to index
      %parallel_loop3A_268 = tpu.vector_load %arg9[%parallel_loop3A_265, %parallel_loop3A_266, %parallel_loop3A_267] {strides = array<i32>} : memref<8x2x1024xf32, #tpu.memory_space<vmem>>, vector<16xf32>,
      tpu.vector_store %arg9[%parallel_loop3A_265, %parallel_loop3A_266, %parallel_loop3A_267], %parallel_loop3A_261 {strides = array<i32>} : memref<8x2x1024xf32, #tpu.memory_space<vmem>>, vector<16xf32>,
      %parallel_loop3A_269 = tpu.vector_load_idx %arg7[%add3A_13, %parallel_loop3A_252] : memref<256x64xf32, #tpu.memory_space<vmem>>[vector<16xi32>, vector<16xi32>], vector<16xf32>,
      %parallel_loop3A_270 = arith.constant 32 : i32
      %parallel_loop3A_271 = arith.addi %parallel_loop3A_246, %parallel_loop3A_270 : i32
      %parallel_loop3A_272 = arith.constant 0 : i32
      %parallel_loop3A_273 = arith.index_cast %parallel_loop3A_248 : i32 to index
      %parallel_loop3A_274 = arith.index_cast %parallel_loop3A_272 : i32 to index
      %parallel_loop3A_275 = arith.index_cast %parallel_loop3A_271 : i32 to index
      %parallel_loop3A_276 = tpu.vector_load %arg9[%parallel_loop3A_273, %parallel_loop3A_274, %parallel_loop3A_275] {strides = array<i32>} : memref<8x2x1024xf32, #tpu.memory_space<vmem>>, vector<16xf32>,
      tpu.vector_store %arg9[%parallel_loop3A_273, %parallel_loop3A_274, %parallel_loop3A_275], %parallel_loop3A_269 {strides = array<i32>} : memref<8x2x1024xf32, #tpu.memory_space<vmem>>, vector<16xf32>,
      %parallel_loop3A_277 = tpu.vector_load_idx %arg7[%add3A_16, %parallel_loop3A_252] : memref<256x64xf32, #tpu.memory_space<vmem>>[vector<16xi32>, vector<16xi32>], vector<16xf32>,
      %parallel_loop3A_278 = arith.constant 48 : i32
      %parallel_loop3A_279 = arith.addi %parallel_loop3A_246, %parallel_loop3A_278 : i32
      %parallel_loop3A_280 = arith.constant 0 : i32
      %parallel_loop3A_281 = arith.index_cast %parallel_loop3A_248 : i32 to index
      %parallel_loop3A_282 = arith.index_cast %parallel_loop3A_280 : i32 to index
      %parallel_loop3A_283 = arith.index_cast %parallel_loop3A_279 : i32 to index
      %parallel_loop3A_284 = tpu.vector_load %arg9[%parallel_loop3A_281, %parallel_loop3A_282, %parallel_loop3A_283] {strides = array<i32>} : memref<8x2x1024xf32, #tpu.memory_space<vmem>>, vector<16xf32>,
      tpu.vector_store %arg9[%parallel_loop3A_281, %parallel_loop3A_282, %parallel_loop3A_283], %parallel_loop3A_277 {strides = array<i32>} : memref<8x2x1024xf32, #tpu.memory_space<vmem>>, vector<16xf32>,
      %parallel_loop3A_285 = tpu.vector_load_idx %arg7[%add3A_19, %parallel_loop3A_252] : memref<256x64xf32, #tpu.memory_space<vmem>>[vector<16xi32>, vector<16xi32>], vector<16xf32>,
      %parallel_loop3A_286 = arith.constant 64 : i32
      %parallel_loop3A_287 = arith.addi %parallel_loop3A_246, %parallel_loop3A_286 : i32
      %parallel_loop3A_288 = arith.constant 0 : i32
      %parallel_loop3A_289 = arith.index_cast %parallel_loop3A_248 : i32 to index
      %parallel_loop3A_290 = arith.index_cast %parallel_loop3A_288 : i32 to index
      %parallel_loop3A_291 = arith.index_cast %parallel_loop3A_287 : i32 to index
      %parallel_loop3A_292 = tpu.vector_load %arg9[%parallel_loop3A_289, %parallel_loop3A_290, %parallel_loop3A_291] {strides = array<i32>} : memref<8x2x1024xf32, #tpu.memory_space<vmem>>, vector<16xf32>,
      tpu.vector_store %arg9[%parallel_loop3A_289, %parallel_loop3A_290, %parallel_loop3A_291], %parallel_loop3A_285 {strides = array<i32>} : memref<8x2x1024xf32, #tpu.memory_space<vmem>>, vector<16xf32>,
      %parallel_loop3A_293 = tpu.vector_load_idx %arg7[%add3A_22, %parallel_loop3A_252] : memref<256x64xf32, #tpu.memory_space<vmem>>[vector<16xi32>, vector<16xi32>], vector<16xf32>,
      %parallel_loop3A_294 = arith.constant 80 : i32
      %parallel_loop3A_295 = arith.addi %parallel_loop3A_246, %parallel_loop3A_294 : i32
      %parallel_loop3A_296 = arith.constant 0 : i32
      %parallel_loop3A_297 = arith.index_cast %parallel_loop3A_248 : i32 to index
      %parallel_loop3A_298 = arith.index_cast %parallel_loop3A_296 : i32 to index
      %parallel_loop3A_299 = arith.index_cast %parallel_loop3A_295 : i32 to index
      %parallel_loop3A_300 = tpu.vector_load %arg9[%parallel_loop3A_297, %parallel_loop3A_298, %parallel_loop3A_299] {strides = array<i32>} : memref<8x2x1024xf32, #tpu.memory_space<vmem>>, vector<16xf32>,
      tpu.vector_store %arg9[%parallel_loop3A_297, %parallel_loop3A_298, %parallel_loop3A_299], %parallel_loop3A_293 {strides = array<i32>} : memref<8x2x1024xf32, #tpu.memory_space<vmem>>, vector<16xf32>,
      %parallel_loop3A_301 = tpu.vector_load_idx %arg7[%add3A_25, %parallel_loop3A_252] : memref<256x64xf32, #tpu.memory_space<vmem>>[vector<16xi32>, vector<16xi32>], vector<16xf32>,
      %parallel_loop3A_302 = arith.constant 96 : i32
      %parallel_loop3A_303 = arith.addi %parallel_loop3A_246, %parallel_loop3A_302 : i32
      %parallel_loop3A_304 = arith.constant 0 : i32
      %parallel_loop3A_305 = arith.index_cast %parallel_loop3A_248 : i32 to index
      %parallel_loop3A_306 = arith.index_cast %parallel_loop3A_304 : i32 to index
      %parallel_loop3A_307 = arith.index_cast %parallel_loop3A_303 : i32 to index
      %parallel_loop3A_308 = tpu.vector_load %arg9[%parallel_loop3A_305, %parallel_loop3A_306, %parallel_loop3A_307] {strides = array<i32>} : memref<8x2x1024xf32, #tpu.memory_space<vmem>>, vector<16xf32>,
      tpu.vector_store %arg9[%parallel_loop3A_305, %parallel_loop3A_306, %parallel_loop3A_307], %parallel_loop3A_301 {strides = array<i32>} : memref<8x2x1024xf32, #tpu.memory_space<vmem>>, vector<16xf32>,
      %parallel_loop3A_309 = tpu.vector_load_idx %arg7[%add3A_28, %parallel_loop3A_252] : memref<256x64xf32, #tpu.memory_space<vmem>>[vector<16xi32>, vector<16xi32>], vector<16xf32>,
      %parallel_loop3A_310 = arith.constant 112 : i32
      %parallel_loop3A_311 = arith.addi %parallel_loop3A_246, %parallel_loop3A_310 : i32
      %parallel_loop3A_312 = arith.constant 0 : i32
      %parallel_loop3A_313 = arith.index_cast %parallel_loop3A_248 : i32 to index
      %parallel_loop3A_314 = arith.index_cast %parallel_loop3A_312 : i32 to index
      %parallel_loop3A_315 = arith.index_cast %parallel_loop3A_311 : i32 to index
      %parallel_loop3A_316 = tpu.vector_load %arg9[%parallel_loop3A_313, %parallel_loop3A_314, %parallel_loop3A_315] {strides = array<i32>} : memref<8x2x1024xf32, #tpu.memory_space<vmem>>, vector<16xf32>,
      tpu.vector_store %arg9[%parallel_loop3A_313, %parallel_loop3A_314, %parallel_loop3A_315], %parallel_loop3A_309 {strides = array<i32>} : memref<8x2x1024xf32, #tpu.memory_space<vmem>>, vector<16xf32>,
    } {sc.loop_unroll_factor = 8 : i64, sc.parallel_access}
    %parallel_loop3A_137 = arith.constant 0 : i32
    %parallel_loop3A_138 = arith.constant 64 : i32
    %parallel_loop3A_139 = arith.constant 1 : i32
    scf.for %parallel_loop3A_242 = %parallel_loop3A_137 to %parallel_loop3A_138 step %parallel_loop3A_139  : i32 {
      %parallel_loop3A_243 = arith.constant 8 : i32
      %parallel_loop3A_244 = arith.remsi %parallel_loop3A_242, %parallel_loop3A_243 : i32
      %parallel_loop3A_245 = arith.constant 128 : i32
      %parallel_loop3A_246 = arith.muli %parallel_loop3A_244, %parallel_loop3A_245 : i32
      %parallel_loop3A_247 = arith.constant 8 : i32
      %parallel_loop3A_248 = arith.divsi %parallel_loop3A_242, %parallel_loop3A_247 : i32
      %parallel_loop3A_249 = arith.constant 0 : i32
      %parallel_loop3A_250 = vector.broadcast %parallel_loop3A_249 : i32 to vector<16xi32>
      %parallel_loop3A_251 = vector.broadcast %parallel_loop3A_242 : i32 to vector<16xi32>
      %parallel_loop3A_252 = arith.addi %parallel_loop3A_250, %parallel_loop3A_251 : vector<16xi32>
      %parallel_loop3A_253 = tpu.vector_load_idx %arg7[%add3A_31, %parallel_loop3A_252] : memref<256x64xf32, #tpu.memory_space<vmem>>[vector<16xi32>, vector<16xi32>], vector<16xf32>,
      %parallel_loop3A_254 = arith.constant 0 : i32
      %parallel_loop3A_255 = arith.addi %parallel_loop3A_246, %parallel_loop3A_254 : i32
      %parallel_loop3A_256 = arith.constant 1 : i32
      %parallel_loop3A_257 = arith.index_cast %parallel_loop3A_248 : i32 to index
      %parallel_loop3A_258 = arith.index_cast %parallel_loop3A_256 : i32 to index
      %parallel_loop3A_259 = arith.index_cast %parallel_loop3A_255 : i32 to index
      %parallel_loop3A_260 = tpu.vector_load %arg9[%parallel_loop3A_257, %parallel_loop3A_258, %parallel_loop3A_259] {strides = array<i32>} : memref<8x2x1024xf32, #tpu.memory_space<vmem>>, vector<16xf32>,
      tpu.vector_store %arg9[%parallel_loop3A_257, %parallel_loop3A_258, %parallel_loop3A_259], %parallel_loop3A_253 {strides = array<i32>} : memref<8x2x1024xf32, #tpu.memory_space<vmem>>, vector<16xf32>,
      %parallel_loop3A_261 = tpu.vector_load_idx %arg7[%add3A_34, %parallel_loop3A_252] : memref<256x64xf32, #tpu.memory_space<vmem>>[vector<16xi32>, vector<16xi32>], vector<16xf32>,
      %parallel_loop3A_262 = arith.constant 16 : i32
      %parallel_loop3A_263 = arith.addi %parallel_loop3A_246, %parallel_loop3A_262 : i32
      %parallel_loop3A_264 = arith.constant 1 : i32
      %parallel_loop3A_265 = arith.index_cast %parallel_loop3A_248 : i32 to index
      %parallel_loop3A_266 = arith.index_cast %parallel_loop3A_264 : i32 to index
      %parallel_loop3A_267 = arith.index_cast %parallel_loop3A_263 : i32 to index
      %parallel_loop3A_268 = tpu.vector_load %arg9[%parallel_loop3A_265, %parallel_loop3A_266, %parallel_loop3A_267] {strides = array<i32>} : memref<8x2x1024xf32, #tpu.memory_space<vmem>>, vector<16xf32>,
      tpu.vector_store %arg9[%parallel_loop3A_265, %parallel_loop3A_266, %parallel_loop3A_267], %parallel_loop3A_261 {strides = array<i32>} : memref<8x2x1024xf32, #tpu.memory_space<vmem>>, vector<16xf32>,
      %parallel_loop3A_269 = tpu.vector_load_idx %arg7[%add3A_37, %parallel_loop3A_252] : memref<256x64xf32, #tpu.memory_space<vmem>>[vector<16xi32>, vector<16xi32>], vector<16xf32>,
      %parallel_loop3A_270 = arith.constant 32 : i32
      %parallel_loop3A_271 = arith.addi %parallel_loop3A_246, %parallel_loop3A_270 : i32
      %parallel_loop3A_272 = arith.constant 1 : i32
      %parallel_loop3A_273 = arith.index_cast %parallel_loop3A_248 : i32 to index
      %parallel_loop3A_274 = arith.index_cast %parallel_loop3A_272 : i32 to index
      %parallel_loop3A_275 = arith.index_cast %parallel_loop3A_271 : i32 to index
      %parallel_loop3A_276 = tpu.vector_load %arg9[%parallel_loop3A_273, %parallel_loop3A_274, %parallel_loop3A_275] {strides = array<i32>} : memref<8x2x1024xf32, #tpu.memory_space<vmem>>, vector<16xf32>,
      tpu.vector_store %arg9[%parallel_loop3A_273, %parallel_loop3A_274, %parallel_loop3A_275], %parallel_loop3A_269 {strides = array<i32>} : memref<8x2x1024xf32, #tpu.memory_space<vmem>>, vector<16xf32>,
      %parallel_loop3A_277 = tpu.vector_load_idx %arg7[%add3A_40, %parallel_loop3A_252] : memref<256x64xf32, #tpu.memory_space<vmem>>[vector<16xi32>, vector<16xi32>], vector<16xf32>,
      %parallel_loop3A_278 = arith.constant 48 : i32
      %parallel_loop3A_279 = arith.addi %parallel_loop3A_246, %parallel_loop3A_278 : i32
      %parallel_loop3A_280 = arith.constant 1 : i32
      %parallel_loop3A_281 = arith.index_cast %parallel_loop3A_248 : i32 to index
      %parallel_loop3A_282 = arith.index_cast %parallel_loop3A_280 : i32 to index
      %parallel_loop3A_283 = arith.index_cast %parallel_loop3A_279 : i32 to index
      %parallel_loop3A_284 = tpu.vector_load %arg9[%parallel_loop3A_281, %parallel_loop3A_282, %parallel_loop3A_283] {strides = array<i32>} : memref<8x2x1024xf32, #tpu.memory_space<vmem>>, vector<16xf32>,
      tpu.vector_store %arg9[%parallel_loop3A_281, %parallel_loop3A_282, %parallel_loop3A_283], %parallel_loop3A_277 {strides = array<i32>} : memref<8x2x1024xf32, #tpu.memory_space<vmem>>, vector<16xf32>,
      %parallel_loop3A_285 = tpu.vector_load_idx %arg7[%add3A_43, %parallel_loop3A_252] : memref<256x64xf32, #tpu.memory_space<vmem>>[vector<16xi32>, vector<16xi32>], vector<16xf32>,
      %parallel_loop3A_286 = arith.constant 64 : i32
      %parallel_loop3A_287 = arith.addi %parallel_loop3A_246, %parallel_loop3A_286 : i32
      %parallel_loop3A_288 = arith.constant 1 : i32
      %parallel_loop3A_289 = arith.index_cast %parallel_loop3A_248 : i32 to index
      %parallel_loop3A_290 = arith.index_cast %parallel_loop3A_288 : i32 to index
      %parallel_loop3A_291 = arith.index_cast %parallel_loop3A_287 : i32 to index
      %parallel_loop3A_292 = tpu.vector_load %arg9[%parallel_loop3A_289, %parallel_loop3A_290, %parallel_loop3A_291] {strides = array<i32>} : memref<8x2x1024xf32, #tpu.memory_space<vmem>>, vector<16xf32>,
      tpu.vector_store %arg9[%parallel_loop3A_289, %parallel_loop3A_290, %parallel_loop3A_291], %parallel_loop3A_285 {strides = array<i32>} : memref<8x2x1024xf32, #tpu.memory_space<vmem>>, vector<16xf32>,
      %parallel_loop3A_293 = tpu.vector_load_idx %arg7[%add3A_46, %parallel_loop3A_252] : memref<256x64xf32, #tpu.memory_space<vmem>>[vector<16xi32>, vector<16xi32>], vector<16xf32>,
      %parallel_loop3A_294 = arith.constant 80 : i32
      %parallel_loop3A_295 = arith.addi %parallel_loop3A_246, %parallel_loop3A_294 : i32
      %parallel_loop3A_296 = arith.constant 1 : i32
      %parallel_loop3A_297 = arith.index_cast %parallel_loop3A_248 : i32 to index
      %parallel_loop3A_298 = arith.index_cast %parallel_loop3A_296 : i32 to index
      %parallel_loop3A_299 = arith.index_cast %parallel_loop3A_295 : i32 to index
      %parallel_loop3A_300 = tpu.vector_load %arg9[%parallel_loop3A_297, %parallel_loop3A_298, %parallel_loop3A_299] {strides = array<i32>} : memref<8x2x1024xf32, #tpu.memory_space<vmem>>, vector<16xf32>,
      tpu.vector_store %arg9[%parallel_loop3A_297, %parallel_loop3A_298, %parallel_loop3A_299], %parallel_loop3A_293 {strides = array<i32>} : memref<8x2x1024xf32, #tpu.memory_space<vmem>>, vector<16xf32>,
      %parallel_loop3A_301 = tpu.vector_load_idx %arg7[%add3A_49, %parallel_loop3A_252] : memref<256x64xf32, #tpu.memory_space<vmem>>[vector<16xi32>, vector<16xi32>], vector<16xf32>,
      %parallel_loop3A_302 = arith.constant 96 : i32
      %parallel_loop3A_303 = arith.addi %parallel_loop3A_246, %parallel_loop3A_302 : i32
      %parallel_loop3A_304 = arith.constant 1 : i32
      %parallel_loop3A_305 = arith.index_cast %parallel_loop3A_248 : i32 to index
      %parallel_loop3A_306 = arith.index_cast %parallel_loop3A_304 : i32 to index
      %parallel_loop3A_307 = arith.index_cast %parallel_loop3A_303 : i32 to index
      %parallel_loop3A_308 = tpu.vector_load %arg9[%parallel_loop3A_305, %parallel_loop3A_306, %parallel_loop3A_307] {strides = array<i32>} : memref<8x2x1024xf32, #tpu.memory_space<vmem>>, vector<16xf32>,
      tpu.vector_store %arg9[%parallel_loop3A_305, %parallel_loop3A_306, %parallel_loop3A_307], %parallel_loop3A_301 {strides = array<i32>} : memref<8x2x1024xf32, #tpu.memory_space<vmem>>, vector<16xf32>,
      %parallel_loop3A_309 = tpu.vector_load_idx %arg7[%add3A_52, %parallel_loop3A_252] : memref<256x64xf32, #tpu.memory_space<vmem>>[vector<16xi32>, vector<16xi32>], vector<16xf32>,
      %parallel_loop3A_310 = arith.constant 112 : i32
      %parallel_loop3A_311 = arith.addi %parallel_loop3A_246, %parallel_loop3A_310 : i32
      %parallel_loop3A_312 = arith.constant 1 : i32
      %parallel_loop3A_313 = arith.index_cast %parallel_loop3A_248 : i32 to index
      %parallel_loop3A_314 = arith.index_cast %parallel_loop3A_312 : i32 to index
      %parallel_loop3A_315 = arith.index_cast %parallel_loop3A_311 : i32 to index
      %parallel_loop3A_316 = tpu.vector_load %arg9[%parallel_loop3A_313, %parallel_loop3A_314, %parallel_loop3A_315] {strides = array<i32>} : memref<8x2x1024xf32, #tpu.memory_space<vmem>>, vector<16xf32>,
      tpu.vector_store %arg9[%parallel_loop3A_313, %parallel_loop3A_314, %parallel_loop3A_315], %parallel_loop3A_309 {strides = array<i32>} : memref<8x2x1024xf32, #tpu.memory_space<vmem>>, vector<16xf32>,
    } {sc.loop_unroll_factor = 8 : i64, sc.parallel_access}
    %min3A_140 = arith.constant 3 : i32
    %min3A_141 = arith.constant 99 : i32
    %min3A_142 = arith.minsi %min3A_140, %min3A_141 : i32
    %jit3A_143 = arith.constant 2 : i32
    %div3A_144 = arith.divsi %min3A_142, %jit3A_143 : i32
    %sign3A_145 = arith.constant 0 : i32
    %sign3A_146 = arith.cmpi sgt, %min3A_142, %sign3A_145 : i32
    %sign3A_147 = arith.extui %sign3A_146 : i1 to i32
    %sign3A_148 = arith.constant 0 : i32
    %sign3A_149 = arith.cmpi slt, %min3A_142, %sign3A_148 : i32
    %sign3A_150 = arith.extui %sign3A_149 : i1 to i32
    %sign3A_151 = arith.subi %sign3A_147, %sign3A_150 : i32
    %sign3A_152 = arith.constant 0 : i32
    %sign3A_153 = arith.cmpi sgt, %jit3A_143, %sign3A_152 : i32
    %sign3A_154 = arith.extui %sign3A_153 : i1 to i32
    %sign3A_155 = arith.constant 0 : i32
    %sign3A_156 = arith.cmpi slt, %jit3A_143, %sign3A_155 : i32
    %sign3A_157 = arith.extui %sign3A_156 : i1 to i32
    %sign3A_158 = arith.subi %sign3A_154, %sign3A_157 : i32
    %ne3A_159 = arith.cmpi ne, %sign3A_151, %sign3A_158 : i32
    %rem3A_160 = arith.remsi %min3A_142, %jit3A_143 : i32
    %ne3A_161 = arith.constant 0 : i32
    %ne3A_162 = arith.cmpi ne, %rem3A_160, %ne3A_161 : i32
    %and3A_163 = arith.andi %ne3A_159, %ne3A_162 : i1
    %sub3A_164 = arith.constant 1 : i32
    %sub3A_165 = arith.subi %div3A_144, %sub3A_164 : i32
    %select_n3A_166 = arith.select %and3A_163, %sub3A_165, %div3A_144 : i32
    %jit3A_167 = arith.constant 2 : i32
    %eq3A_168 = arith.constant 0 : i32
    %eq3A_169 = arith.cmpi eq, %jit3A_167, %eq3A_168 : i32
    %jit3A_170 = arith.constant 1 : i32
    %select_n3A_171 = arith.select %eq3A_169, %jit3A_170, %jit3A_167 : i32
    %rem3A_172 = arith.remsi %min3A_142, %select_n3A_171 : i32
    %ne3A_173 = arith.constant 0 : i32
    %ne3A_174 = arith.cmpi ne, %rem3A_172, %ne3A_173 : i32
    %lt3A_175 = arith.constant 0 : i32
    %lt3A_176 = arith.cmpi slt, %rem3A_172, %lt3A_175 : i32
    %lt3A_177 = arith.constant 0 : i32
    %lt3A_178 = arith.cmpi slt, %select_n3A_171, %lt3A_177 : i32
    %ne3A_179 = arith.xori %lt3A_176, %lt3A_178 : i1
    %and3A_180 = arith.andi %ne3A_179, %ne3A_174 : i1
    %add3A_181 = arith.addi %rem3A_172, %select_n3A_171 : i32
    %select_n3A_182 = arith.select %and3A_180, %add3A_181, %rem3A_172 : i32
    %mul3A_183 = arith.constant 256 : i32
    %mul3A_184 = arith.muli %select_n3A_182, %mul3A_183 : i32
    %dma_start3A_185 = tpu.memref_slice %arg5[%select_n3A_166, %mul3A_184] : memref<50x512xi32, #tpu.memory_space<vmem>> -> memref<1x256xi32, #tpu.memory_space<vmem>>
    %dma_start3A_186 = tpu.memref_squeeze %dma_start3A_185 : memref<1x256xi32, #tpu.memory_space<vmem>> -> memref<256xi32, #tpu.memory_space<vmem>>
    %dma_start3A_187 = arith.constant 0 : i32
    %dma_start3A_188 = arith.constant 0 : i32
    %dma_start3A_189 = tpu.memref_slice %arg2[%dma_start3A_187, %dma_start3A_188] : memref<1000000x64xf32, #tpu.memory_space<hbm>> -> memref<1000000x64xf32, #tpu.memory_space<hbm>>
    tpu.enqueue_indirect_dma source(%dma_start3A_189 : memref<1000000x64xf32, #tpu.memory_space<hbm>>) target(%arg7 : memref<256x64xf32, #tpu.memory_space<vmem>>) offsets(%dma_start3A_186 : memref<256xi32, #tpu.memory_space<vmem>>) semaphore(%arg11 : memref<!tpu.dma_semaphore, #tpu.memory_space<semaphore_mem>>)
    %add3A_190 = arith.constant 2 : i32
    %add3A_191 = arith.addi %mul3A_4, %add3A_190 : i32
    %dma_start3A_192 = arith.constant 0 : i32
    %dma_start3A_193 = arith.constant 0 : i32
    %dma_start3A_194 = arith.constant 0 : i32
    %dma_start3A_195 = tpu.memref_slice %arg4[%dma_start3A_192, %dma_start3A_193, %add3A_191, %dma_start3A_194] : memref<50x8x128x1024xf32, #tpu.memory_space<hbm>> -> memref<1x8x2x1024xf32, #tpu.memory_space<hbm>>
    %dma_start3A_196 = tpu.memref_squeeze %dma_start3A_195 : memref<1x8x2x1024xf32, #tpu.memory_space<hbm>> -> memref<8x2x1024xf32, #tpu.memory_space<hbm>>
    %dma_start3A_197 = arith.constant 0 : i32
    %dma_start3A_198 = arith.constant 0 : i32
    %dma_start3A_199 = tpu.memref_slice %arg4[%dma_start3A_192, %dma_start3A_197, %add3A_191, %dma_start3A_198] : memref<50x8x128x1024xf32, #tpu.memory_space<hbm>> -> memref<1x8x2x1024xf32, #tpu.memory_space<hbm>>
    %dma_start3A_200 = tpu.memref_squeeze %dma_start3A_199 : memref<1x8x2x1024xf32, #tpu.memory_space<hbm>> -> memref<8x2x1024xf32, #tpu.memory_space<hbm>>
    tpu.enqueue_dma source(%arg9 : memref<8x2x1024xf32, #tpu.memory_space<vmem>>) target(%dma_start3A_200 : memref<8x2x1024xf32, #tpu.memory_space<hbm>>) target_semaphore(%arg13 : memref<!tpu.dma_semaphore, #tpu.memory_space<semaphore_mem>>)
    %scan3A = arith.constant 0 : i32
    %scan3A_201 = arith.constant 0 : i32
    %scan3A_202 = arith.constant 49 : i32
    %scan3A_203 = arith.addi %scan3A_201, %scan3A_202 : i32
    %scan3A_204 = arith.constant 1 : i32
    scf.for %scan3A_242 = %scan3A_201 to %scan3A_203 step %scan3A_204  : i32 {
      %mul3A_243 = arith.constant 2 : i32
      %mul3A_244 = arith.muli %mul3A_243, %scan3A_242 : i32
      %add3A_245 = arith.constant 2 : i32
      %add3A_246 = arith.addi %add3A_245, %mul3A_244 : i32
      %add3A_247 = arith.constant 0 : i32
      %add3A_248 = arith.addi %add3A_246, %add3A_247 : i32
      %jit3A_249 = arith.constant 2 : i32
      %div3A_250 = arith.divsi %add3A_248, %jit3A_249 : i32
      %sign3A_251 = arith.constant 0 : i32
      %sign3A_252 = arith.cmpi sgt, %add3A_248, %sign3A_251 : i32
      %sign3A_253 = arith.extui %sign3A_252 : i1 to i32
      %sign3A_254 = arith.constant 0 : i32
      %sign3A_255 = arith.cmpi slt, %add3A_248, %sign3A_254 : i32
      %sign3A_256 = arith.extui %sign3A_255 : i1 to i32
      %sign3A_257 = arith.subi %sign3A_253, %sign3A_256 : i32
      %sign3A_258 = arith.constant 0 : i32
      %sign3A_259 = arith.cmpi sgt, %jit3A_249, %sign3A_258 : i32
      %sign3A_260 = arith.extui %sign3A_259 : i1 to i32
      %sign3A_261 = arith.constant 0 : i32
      %sign3A_262 = arith.cmpi slt, %jit3A_249, %sign3A_261 : i32
      %sign3A_263 = arith.extui %sign3A_262 : i1 to i32
      %sign3A_264 = arith.subi %sign3A_260, %sign3A_263 : i32
      %ne3A_265 = arith.cmpi ne, %sign3A_257, %sign3A_264 : i32
      %rem3A_266 = arith.remsi %add3A_248, %jit3A_249 : i32
      %ne3A_267 = arith.constant 0 : i32
      %ne3A_268 = arith.cmpi ne, %rem3A_266, %ne3A_267 : i32
      %and3A_269 = arith.andi %ne3A_265, %ne3A_268 : i1
      %sub3A_270 = arith.constant 1 : i32
      %sub3A_271 = arith.subi %div3A_250, %sub3A_270 : i32
      %select_n3A_272 = arith.select %and3A_269, %sub3A_271, %div3A_250 : i32
      %jit3A_273 = arith.constant 2 : i32
      %eq3A_274 = arith.constant 0 : i32
      %eq3A_275 = arith.cmpi eq, %jit3A_273, %eq3A_274 : i32
      %jit3A_276 = arith.constant 1 : i32
      %select_n3A_277 = arith.select %eq3A_275, %jit3A_276, %jit3A_273 : i32
      %rem3A_278 = arith.remsi %add3A_248, %select_n3A_277 : i32
      %ne3A_279 = arith.constant 0 : i32
      %ne3A_280 = arith.cmpi ne, %rem3A_278, %ne3A_279 : i32
      %lt3A_281 = arith.constant 0 : i32
      %lt3A_282 = arith.cmpi slt, %rem3A_278, %lt3A_281 : i32
      %lt3A_283 = arith.constant 0 : i32
      %lt3A_284 = arith.cmpi slt, %select_n3A_277, %lt3A_283 : i32
      %ne3A_285 = arith.xori %lt3A_282, %lt3A_284 : i1
      %and3A_286 = arith.andi %ne3A_285, %ne3A_280 : i1
      %add3A_287 = arith.addi %rem3A_278, %select_n3A_277 : i32
      %select_n3A_288 = arith.select %and3A_286, %add3A_287, %rem3A_278 : i32
      %mul3A_289 = arith.constant 256 : i32
      %mul3A_290 = arith.muli %select_n3A_288, %mul3A_289 : i32
      %dma_wait3A_291 = tpu.memref_slice %arg5[%select_n3A_272, %mul3A_290] : memref<50x512xi32, #tpu.memory_space<vmem>> -> memref<1x256xi32, #tpu.memory_space<vmem>>
      %dma_wait3A_292 = tpu.memref_squeeze %dma_wait3A_291 : memref<1x256xi32, #tpu.memory_space<vmem>> -> memref<256xi32, #tpu.memory_space<vmem>>
      %dma_wait3A_293 = arith.constant 0 : i32
      %dma_wait3A_294 = arith.constant 0 : i32
      %dma_wait3A_295 = tpu.memref_slice %arg2[%dma_wait3A_293, %dma_wait3A_294] : memref<1000000x64xf32, #tpu.memory_space<hbm>> -> memref<1000000x64xf32, #tpu.memory_space<hbm>>
      tpu.wait_indirect_dma semaphore(%arg10 : memref<!tpu.dma_semaphore, #tpu.memory_space<semaphore_mem>>) src(%dma_wait3A_295 : memref<1000000x64xf32, #tpu.memory_space<hbm>>) dst(%arg6 : memref<256x64xf32, #tpu.memory_space<vmem>>)
      %sub3A_296 = arith.constant 2 : i32
      %sub3A_297 = arith.subi %add3A_248, %sub3A_296 : i32
      %jit3A_298 = arith.constant 2 : i32
      %div3A_299 = arith.divsi %sub3A_297, %jit3A_298 : i32
      %sign3A_300 = arith.constant 0 : i32
      %sign3A_301 = arith.cmpi sgt, %sub3A_297, %sign3A_300 : i32
      %sign3A_302 = arith.extui %sign3A_301 : i1 to i32
      %sign3A_303 = arith.constant 0 : i32
      %sign3A_304 = arith.cmpi slt, %sub3A_297, %sign3A_303 : i32
      %sign3A_305 = arith.extui %sign3A_304 : i1 to i32
      %sign3A_306 = arith.subi %sign3A_302, %sign3A_305 : i32
      %sign3A_307 = arith.constant 0 : i32
      %sign3A_308 = arith.cmpi sgt, %jit3A_298, %sign3A_307 : i32
      %sign3A_309 = arith.extui %sign3A_308 : i1 to i32
      %sign3A_310 = arith.constant 0 : i32
      %sign3A_311 = arith.cmpi slt, %jit3A_298, %sign3A_310 : i32
      %sign3A_312 = arith.extui %sign3A_311 : i1 to i32
      %sign3A_313 = arith.subi %sign3A_309, %sign3A_312 : i32
      %ne3A_314 = arith.cmpi ne, %sign3A_306, %sign3A_313 : i32
      %rem3A_315 = arith.remsi %sub3A_297, %jit3A_298 : i32
      %ne3A_316 = arith.constant 0 : i32
      %ne3A_317 = arith.cmpi ne, %rem3A_315, %ne3A_316 : i32
      %and3A_318 = arith.andi %ne3A_314, %ne3A_317 : i1
      %sub3A_319 = arith.constant 1 : i32
      %sub3A_320 = arith.subi %div3A_299, %sub3A_319 : i32
      %select_n3A_321 = arith.select %and3A_318, %sub3A_320, %div3A_299 : i32
      %jit3A_322 = arith.constant 2 : i32
      %eq3A_323 = arith.constant 0 : i32
      %eq3A_324 = arith.cmpi eq, %jit3A_322, %eq3A_323 : i32
      %jit3A_325 = arith.constant 1 : i32
      %select_n3A_326 = arith.select %eq3A_324, %jit3A_325, %jit3A_322 : i32
      %rem3A_327 = arith.remsi %sub3A_297, %select_n3A_326 : i32
      %ne3A_328 = arith.constant 0 : i32
      %ne3A_329 = arith.cmpi ne, %rem3A_327, %ne3A_328 : i32
      %lt3A_330 = arith.constant 0 : i32
      %lt3A_331 = arith.cmpi slt, %rem3A_327, %lt3A_330 : i32
      %lt3A_332 = arith.constant 0 : i32
      %lt3A_333 = arith.cmpi slt, %select_n3A_326, %lt3A_332 : i32
      %ne3A_334 = arith.xori %lt3A_331, %lt3A_333 : i1
      %and3A_335 = arith.andi %ne3A_334, %ne3A_329 : i1
      %add3A_336 = arith.addi %rem3A_327, %select_n3A_326 : i32
      %select_n3A_337 = arith.select %and3A_335, %add3A_336, %rem3A_327 : i32
      %mul3A_338 = arith.constant 2 : i32
      %mul3A_339 = arith.muli %select_n3A_337, %mul3A_338 : i32
      %add3A_340 = arith.addi %mul3A_4, %mul3A_339 : i32
      %dma_wait3A_341 = arith.constant 0 : i32
      %dma_wait3A_342 = arith.constant 0 : i32
      %dma_wait3A_343 = tpu.memref_slice %arg4[%select_n3A_321, %dma_wait3A_341, %add3A_340, %dma_wait3A_342] : memref<50x8x128x1024xf32, #tpu.memory_space<hbm>> -> memref<1x8x2x1024xf32, #tpu.memory_space<hbm>>
      %dma_wait3A_344 = tpu.memref_squeeze %dma_wait3A_343 : memref<1x8x2x1024xf32, #tpu.memory_space<hbm>> -> memref<8x2x1024xf32, #tpu.memory_space<hbm>>
      %dma_wait3A_345 = arith.constant 0 : i32
      %dma_wait3A_346 = arith.constant 0 : i32
      %dma_wait3A_347 = tpu.memref_slice %arg4[%select_n3A_321, %dma_wait3A_345, %add3A_340, %dma_wait3A_346] : memref<50x8x128x1024xf32, #tpu.memory_space<hbm>> -> memref<1x8x2x1024xf32, #tpu.memory_space<hbm>>
      %dma_wait3A_348 = tpu.memref_squeeze %dma_wait3A_347 : memref<1x8x2x1024xf32, #tpu.memory_space<hbm>> -> memref<8x2x1024xf32, #tpu.memory_space<hbm>>
      tpu.wait_dma2 semaphore(%arg12 : memref<!tpu.dma_semaphore, #tpu.memory_space<semaphore_mem>>) src(%arg8 : memref<8x2x1024xf32, #tpu.memory_space<vmem>>) dst(%dma_wait3A_348 : memref<8x2x1024xf32, #tpu.memory_space<hbm>>)
      %parallel_loop3A_349 = arith.constant 0 : i32
      %parallel_loop3A_350 = arith.constant 64 : i32
      %parallel_loop3A_351 = arith.constant 1 : i32
      scf.for %parallel_loop3A_667 = %parallel_loop3A_349 to %parallel_loop3A_350 step %parallel_loop3A_351  : i32 {
        %parallel_loop3A_668 = arith.constant 8 : i32
        %parallel_loop3A_669 = arith.remsi %parallel_loop3A_667, %parallel_loop3A_668 : i32
        %parallel_loop3A_670 = arith.constant 128 : i32
        %parallel_loop3A_671 = arith.muli %parallel_loop3A_669, %parallel_loop3A_670 : i32
        %parallel_loop3A_672 = arith.constant 8 : i32
        %parallel_loop3A_673 = arith.divsi %parallel_loop3A_667, %parallel_loop3A_672 : i32
        %parallel_loop3A_674 = arith.constant 0 : i32
        %parallel_loop3A_675 = vector.broadcast %parallel_loop3A_674 : i32 to vector<16xi32>
        %parallel_loop3A_676 = vector.broadcast %parallel_loop3A_667 : i32 to vector<16xi32>
        %parallel_loop3A_677 = arith.addi %parallel_loop3A_675, %parallel_loop3A_676 : vector<16xi32>
        %parallel_loop3A_678 = tpu.vector_load_idx %arg6[%add3A_7, %parallel_loop3A_677] : memref<256x64xf32, #tpu.memory_space<vmem>>[vector<16xi32>, vector<16xi32>], vector<16xf32>,
        %parallel_loop3A_679 = arith.constant 0 : i32
        %parallel_loop3A_680 = arith.addi %parallel_loop3A_671, %parallel_loop3A_679 : i32
        %parallel_loop3A_681 = arith.constant 0 : i32
        %parallel_loop3A_682 = arith.index_cast %parallel_loop3A_673 : i32 to index
        %parallel_loop3A_683 = arith.index_cast %parallel_loop3A_681 : i32 to index
        %parallel_loop3A_684 = arith.index_cast %parallel_loop3A_680 : i32 to index
        %parallel_loop3A_685 = tpu.vector_load %arg8[%parallel_loop3A_682, %parallel_loop3A_683, %parallel_loop3A_684] {strides = array<i32>} : memref<8x2x1024xf32, #tpu.memory_space<vmem>>, vector<16xf32>,
        tpu.vector_store %arg8[%parallel_loop3A_682, %parallel_loop3A_683, %parallel_loop3A_684], %parallel_loop3A_678 {strides = array<i32>} : memref<8x2x1024xf32, #tpu.memory_space<vmem>>, vector<16xf32>,
        %parallel_loop3A_686 = tpu.vector_load_idx %arg6[%add3A_10, %parallel_loop3A_677] : memref<256x64xf32, #tpu.memory_space<vmem>>[vector<16xi32>, vector<16xi32>], vector<16xf32>,
        %parallel_loop3A_687 = arith.constant 16 : i32
        %parallel_loop3A_688 = arith.addi %parallel_loop3A_671, %parallel_loop3A_687 : i32
        %parallel_loop3A_689 = arith.constant 0 : i32
        %parallel_loop3A_690 = arith.index_cast %parallel_loop3A_673 : i32 to index
        %parallel_loop3A_691 = arith.index_cast %parallel_loop3A_689 : i32 to index
        %parallel_loop3A_692 = arith.index_cast %parallel_loop3A_688 : i32 to index
        %parallel_loop3A_693 = tpu.vector_load %arg8[%parallel_loop3A_690, %parallel_loop3A_691, %parallel_loop3A_692] {strides = array<i32>} : memref<8x2x1024xf32, #tpu.memory_space<vmem>>, vector<16xf32>,
        tpu.vector_store %arg8[%parallel_loop3A_690, %parallel_loop3A_691, %parallel_loop3A_692], %parallel_loop3A_686 {strides = array<i32>} : memref<8x2x1024xf32, #tpu.memory_space<vmem>>, vector<16xf32>,
        %parallel_loop3A_694 = tpu.vector_load_idx %arg6[%add3A_13, %parallel_loop3A_677] : memref<256x64xf32, #tpu.memory_space<vmem>>[vector<16xi32>, vector<16xi32>], vector<16xf32>,
        %parallel_loop3A_695 = arith.constant 32 : i32
        %parallel_loop3A_696 = arith.addi %parallel_loop3A_671, %parallel_loop3A_695 : i32
        %parallel_loop3A_697 = arith.constant 0 : i32
        %parallel_loop3A_698 = arith.index_cast %parallel_loop3A_673 : i32 to index
        %parallel_loop3A_699 = arith.index_cast %parallel_loop3A_697 : i32 to index
        %parallel_loop3A_700 = arith.index_cast %parallel_loop3A_696 : i32 to index
        %parallel_loop3A_701 = tpu.vector_load %arg8[%parallel_loop3A_698, %parallel_loop3A_699, %parallel_loop3A_700] {strides = array<i32>} : memref<8x2x1024xf32, #tpu.memory_space<vmem>>, vector<16xf32>,
        tpu.vector_store %arg8[%parallel_loop3A_698, %parallel_loop3A_699, %parallel_loop3A_700], %parallel_loop3A_694 {strides = array<i32>} : memref<8x2x1024xf32, #tpu.memory_space<vmem>>, vector<16xf32>,
        %parallel_loop3A_702 = tpu.vector_load_idx %arg6[%add3A_16, %parallel_loop3A_677] : memref<256x64xf32, #tpu.memory_space<vmem>>[vector<16xi32>, vector<16xi32>], vector<16xf32>,
        %parallel_loop3A_703 = arith.constant 48 : i32
        %parallel_loop3A_704 = arith.addi %parallel_loop3A_671, %parallel_loop3A_703 : i32
        %parallel_loop3A_705 = arith.constant 0 : i32
        %parallel_loop3A_706 = arith.index_cast %parallel_loop3A_673 : i32 to index
        %parallel_loop3A_707 = arith.index_cast %parallel_loop3A_705 : i32 to index
        %parallel_loop3A_708 = arith.index_cast %parallel_loop3A_704 : i32 to index
        %parallel_loop3A_709 = tpu.vector_load %arg8[%parallel_loop3A_706, %parallel_loop3A_707, %parallel_loop3A_708] {strides = array<i32>} : memref<8x2x1024xf32, #tpu.memory_space<vmem>>, vector<16xf32>,
        tpu.vector_store %arg8[%parallel_loop3A_706, %parallel_loop3A_707, %parallel_loop3A_708], %parallel_loop3A_702 {strides = array<i32>} : memref<8x2x1024xf32, #tpu.memory_space<vmem>>, vector<16xf32>,
        %parallel_loop3A_710 = tpu.vector_load_idx %arg6[%add3A_19, %parallel_loop3A_677] : memref<256x64xf32, #tpu.memory_space<vmem>>[vector<16xi32>, vector<16xi32>], vector<16xf32>,
        %parallel_loop3A_711 = arith.constant 64 : i32
        %parallel_loop3A_712 = arith.addi %parallel_loop3A_671, %parallel_loop3A_711 : i32
        %parallel_loop3A_713 = arith.constant 0 : i32
        %parallel_loop3A_714 = arith.index_cast %parallel_loop3A_673 : i32 to index
        %parallel_loop3A_715 = arith.index_cast %parallel_loop3A_713 : i32 to index
        %parallel_loop3A_716 = arith.index_cast %parallel_loop3A_712 : i32 to index
        %parallel_loop3A_717 = tpu.vector_load %arg8[%parallel_loop3A_714, %parallel_loop3A_715, %parallel_loop3A_716] {strides = array<i32>} : memref<8x2x1024xf32, #tpu.memory_space<vmem>>, vector<16xf32>,
        tpu.vector_store %arg8[%parallel_loop3A_714, %parallel_loop3A_715, %parallel_loop3A_716], %parallel_loop3A_710 {strides = array<i32>} : memref<8x2x1024xf32, #tpu.memory_space<vmem>>, vector<16xf32>,
        %parallel_loop3A_718 = tpu.vector_load_idx %arg6[%add3A_22, %parallel_loop3A_677] : memref<256x64xf32, #tpu.memory_space<vmem>>[vector<16xi32>, vector<16xi32>], vector<16xf32>,
        %parallel_loop3A_719 = arith.constant 80 : i32
        %parallel_loop3A_720 = arith.addi %parallel_loop3A_671, %parallel_loop3A_719 : i32
        %parallel_loop3A_721 = arith.constant 0 : i32
        %parallel_loop3A_722 = arith.index_cast %parallel_loop3A_673 : i32 to index
        %parallel_loop3A_723 = arith.index_cast %parallel_loop3A_721 : i32 to index
        %parallel_loop3A_724 = arith.index_cast %parallel_loop3A_720 : i32 to index
        %parallel_loop3A_725 = tpu.vector_load %arg8[%parallel_loop3A_722, %parallel_loop3A_723, %parallel_loop3A_724] {strides = array<i32>} : memref<8x2x1024xf32, #tpu.memory_space<vmem>>, vector<16xf32>,
        tpu.vector_store %arg8[%parallel_loop3A_722, %parallel_loop3A_723, %parallel_loop3A_724], %parallel_loop3A_718 {strides = array<i32>} : memref<8x2x1024xf32, #tpu.memory_space<vmem>>, vector<16xf32>,
        %parallel_loop3A_726 = tpu.vector_load_idx %arg6[%add3A_25, %parallel_loop3A_677] : memref<256x64xf32, #tpu.memory_space<vmem>>[vector<16xi32>, vector<16xi32>], vector<16xf32>,
        %parallel_loop3A_727 = arith.constant 96 : i32
        %parallel_loop3A_728 = arith.addi %parallel_loop3A_671, %parallel_loop3A_727 : i32
        %parallel_loop3A_729 = arith.constant 0 : i32
        %parallel_loop3A_730 = arith.index_cast %parallel_loop3A_673 : i32 to index
        %parallel_loop3A_731 = arith.index_cast %parallel_loop3A_729 : i32 to index
        %parallel_loop3A_732 = arith.index_cast %parallel_loop3A_728 : i32 to index
        %parallel_loop3A_733 = tpu.vector_load %arg8[%parallel_loop3A_730, %parallel_loop3A_731, %parallel_loop3A_732] {strides = array<i32>} : memref<8x2x1024xf32, #tpu.memory_space<vmem>>, vector<16xf32>,
        tpu.vector_store %arg8[%parallel_loop3A_730, %parallel_loop3A_731, %parallel_loop3A_732], %parallel_loop3A_726 {strides = array<i32>} : memref<8x2x1024xf32, #tpu.memory_space<vmem>>, vector<16xf32>,
        %parallel_loop3A_734 = tpu.vector_load_idx %arg6[%add3A_28, %parallel_loop3A_677] : memref<256x64xf32, #tpu.memory_space<vmem>>[vector<16xi32>, vector<16xi32>], vector<16xf32>,
        %parallel_loop3A_735 = arith.constant 112 : i32
        %parallel_loop3A_736 = arith.addi %parallel_loop3A_671, %parallel_loop3A_735 : i32
        %parallel_loop3A_737 = arith.constant 0 : i32
        %parallel_loop3A_738 = arith.index_cast %parallel_loop3A_673 : i32 to index
        %parallel_loop3A_739 = arith.index_cast %parallel_loop3A_737 : i32 to index
        %parallel_loop3A_740 = arith.index_cast %parallel_loop3A_736 : i32 to index
        %parallel_loop3A_741 = tpu.vector_load %arg8[%parallel_loop3A_738, %parallel_loop3A_739, %parallel_loop3A_740] {strides = array<i32>} : memref<8x2x1024xf32, #tpu.memory_space<vmem>>, vector<16xf32>,
        tpu.vector_store %arg8[%parallel_loop3A_738, %parallel_loop3A_739, %parallel_loop3A_740], %parallel_loop3A_734 {strides = array<i32>} : memref<8x2x1024xf32, #tpu.memory_space<vmem>>, vector<16xf32>,
      } {sc.loop_unroll_factor = 8 : i64, sc.parallel_access}
      %parallel_loop3A_352 = arith.constant 0 : i32
      %parallel_loop3A_353 = arith.constant 64 : i32
      %parallel_loop3A_354 = arith.constant 1 : i32
      scf.for %parallel_loop3A_667 = %parallel_loop3A_352 to %parallel_loop3A_353 step %parallel_loop3A_354  : i32 {
        %parallel_loop3A_668 = arith.constant 8 : i32
        %parallel_loop3A_669 = arith.remsi %parallel_loop3A_667, %parallel_loop3A_668 : i32
        %parallel_loop3A_670 = arith.constant 128 : i32
        %parallel_loop3A_671 = arith.muli %parallel_loop3A_669, %parallel_loop3A_670 : i32
        %parallel_loop3A_672 = arith.constant 8 : i32
        %parallel_loop3A_673 = arith.divsi %parallel_loop3A_667, %parallel_loop3A_672 : i32
        %parallel_loop3A_674 = arith.constant 0 : i32
        %parallel_loop3A_675 = vector.broadcast %parallel_loop3A_674 : i32 to vector<16xi32>
        %parallel_loop3A_676 = vector.broadcast %parallel_loop3A_667 : i32 to vector<16xi32>
        %parallel_loop3A_677 = arith.addi %parallel_loop3A_675, %parallel_loop3A_676 : vector<16xi32>
        %parallel_loop3A_678 = tpu.vector_load_idx %arg6[%add3A_31, %parallel_loop3A_677] : memref<256x64xf32, #tpu.memory_space<vmem>>[vector<16xi32>, vector<16xi32>], vector<16xf32>,
        %parallel_loop3A_679 = arith.constant 0 : i32
        %parallel_loop3A_680 = arith.addi %parallel_loop3A_671, %parallel_loop3A_679 : i32
        %parallel_loop3A_681 = arith.constant 1 : i32
        %parallel_loop3A_682 = arith.index_cast %parallel_loop3A_673 : i32 to index
        %parallel_loop3A_683 = arith.index_cast %parallel_loop3A_681 : i32 to index
        %parallel_loop3A_684 = arith.index_cast %parallel_loop3A_680 : i32 to index
        %parallel_loop3A_685 = tpu.vector_load %arg8[%parallel_loop3A_682, %parallel_loop3A_683, %parallel_loop3A_684] {strides = array<i32>} : memref<8x2x1024xf32, #tpu.memory_space<vmem>>, vector<16xf32>,
        tpu.vector_store %arg8[%parallel_loop3A_682, %parallel_loop3A_683, %parallel_loop3A_684], %parallel_loop3A_678 {strides = array<i32>} : memref<8x2x1024xf32, #tpu.memory_space<vmem>>, vector<16xf32>,
        %parallel_loop3A_686 = tpu.vector_load_idx %arg6[%add3A_34, %parallel_loop3A_677] : memref<256x64xf32, #tpu.memory_space<vmem>>[vector<16xi32>, vector<16xi32>], vector<16xf32>,
        %parallel_loop3A_687 = arith.constant 16 : i32
        %parallel_loop3A_688 = arith.addi %parallel_loop3A_671, %parallel_loop3A_687 : i32
        %parallel_loop3A_689 = arith.constant 1 : i32
        %parallel_loop3A_690 = arith.index_cast %parallel_loop3A_673 : i32 to index
        %parallel_loop3A_691 = arith.index_cast %parallel_loop3A_689 : i32 to index
        %parallel_loop3A_692 = arith.index_cast %parallel_loop3A_688 : i32 to index
        %parallel_loop3A_693 = tpu.vector_load %arg8[%parallel_loop3A_690, %parallel_loop3A_691, %parallel_loop3A_692] {strides = array<i32>} : memref<8x2x1024xf32, #tpu.memory_space<vmem>>, vector<16xf32>,
        tpu.vector_store %arg8[%parallel_loop3A_690, %parallel_loop3A_691, %parallel_loop3A_692], %parallel_loop3A_686 {strides = array<i32>} : memref<8x2x1024xf32, #tpu.memory_space<vmem>>, vector<16xf32>,
        %parallel_loop3A_694 = tpu.vector_load_idx %arg6[%add3A_37, %parallel_loop3A_677] : memref<256x64xf32, #tpu.memory_space<vmem>>[vector<16xi32>, vector<16xi32>], vector<16xf32>,
        %parallel_loop3A_695 = arith.constant 32 : i32
        %parallel_loop3A_696 = arith.addi %parallel_loop3A_671, %parallel_loop3A_695 : i32
        %parallel_loop3A_697 = arith.constant 1 : i32
        %parallel_loop3A_698 = arith.index_cast %parallel_loop3A_673 : i32 to index
        %parallel_loop3A_699 = arith.index_cast %parallel_loop3A_697 : i32 to index
        %parallel_loop3A_700 = arith.index_cast %parallel_loop3A_696 : i32 to index
        %parallel_loop3A_701 = tpu.vector_load %arg8[%parallel_loop3A_698, %parallel_loop3A_699, %parallel_loop3A_700] {strides = array<i32>} : memref<8x2x1024xf32, #tpu.memory_space<vmem>>, vector<16xf32>,
        tpu.vector_store %arg8[%parallel_loop3A_698, %parallel_loop3A_699, %parallel_loop3A_700], %parallel_loop3A_694 {strides = array<i32>} : memref<8x2x1024xf32, #tpu.memory_space<vmem>>, vector<16xf32>,
        %parallel_loop3A_702 = tpu.vector_load_idx %arg6[%add3A_40, %parallel_loop3A_677] : memref<256x64xf32, #tpu.memory_space<vmem>>[vector<16xi32>, vector<16xi32>], vector<16xf32>,
        %parallel_loop3A_703 = arith.constant 48 : i32
        %parallel_loop3A_704 = arith.addi %parallel_loop3A_671, %parallel_loop3A_703 : i32
        %parallel_loop3A_705 = arith.constant 1 : i32
        %parallel_loop3A_706 = arith.index_cast %parallel_loop3A_673 : i32 to index
        %parallel_loop3A_707 = arith.index_cast %parallel_loop3A_705 : i32 to index
        %parallel_loop3A_708 = arith.index_cast %parallel_loop3A_704 : i32 to index
        %parallel_loop3A_709 = tpu.vector_load %arg8[%parallel_loop3A_706, %parallel_loop3A_707, %parallel_loop3A_708] {strides = array<i32>} : memref<8x2x1024xf32, #tpu.memory_space<vmem>>, vector<16xf32>,
        tpu.vector_store %arg8[%parallel_loop3A_706, %parallel_loop3A_707, %parallel_loop3A_708], %parallel_loop3A_702 {strides = array<i32>} : memref<8x2x1024xf32, #tpu.memory_space<vmem>>, vector<16xf32>,
        %parallel_loop3A_710 = tpu.vector_load_idx %arg6[%add3A_43, %parallel_loop3A_677] : memref<256x64xf32, #tpu.memory_space<vmem>>[vector<16xi32>, vector<16xi32>], vector<16xf32>,
        %parallel_loop3A_711 = arith.constant 64 : i32
        %parallel_loop3A_712 = arith.addi %parallel_loop3A_671, %parallel_loop3A_711 : i32
        %parallel_loop3A_713 = arith.constant 1 : i32
        %parallel_loop3A_714 = arith.index_cast %parallel_loop3A_673 : i32 to index
        %parallel_loop3A_715 = arith.index_cast %parallel_loop3A_713 : i32 to index
        %parallel_loop3A_716 = arith.index_cast %parallel_loop3A_712 : i32 to index
        %parallel_loop3A_717 = tpu.vector_load %arg8[%parallel_loop3A_714, %parallel_loop3A_715, %parallel_loop3A_716] {strides = array<i32>} : memref<8x2x1024xf32, #tpu.memory_space<vmem>>, vector<16xf32>,
        tpu.vector_store %arg8[%parallel_loop3A_714, %parallel_loop3A_715, %parallel_loop3A_716], %parallel_loop3A_710 {strides = array<i32>} : memref<8x2x1024xf32, #tpu.memory_space<vmem>>, vector<16xf32>,
        %parallel_loop3A_718 = tpu.vector_load_idx %arg6[%add3A_46, %parallel_loop3A_677] : memref<256x64xf32, #tpu.memory_space<vmem>>[vector<16xi32>, vector<16xi32>], vector<16xf32>,
        %parallel_loop3A_719 = arith.constant 80 : i32
        %parallel_loop3A_720 = arith.addi %parallel_loop3A_671, %parallel_loop3A_719 : i32
        %parallel_loop3A_721 = arith.constant 1 : i32
        %parallel_loop3A_722 = arith.index_cast %parallel_loop3A_673 : i32 to index
        %parallel_loop3A_723 = arith.index_cast %parallel_loop3A_721 : i32 to index
        %parallel_loop3A_724 = arith.index_cast %parallel_loop3A_720 : i32 to index
        %parallel_loop3A_725 = tpu.vector_load %arg8[%parallel_loop3A_722, %parallel_loop3A_723, %parallel_loop3A_724] {strides = array<i32>} : memref<8x2x1024xf32, #tpu.memory_space<vmem>>, vector<16xf32>,
        tpu.vector_store %arg8[%parallel_loop3A_722, %parallel_loop3A_723, %parallel_loop3A_724], %parallel_loop3A_718 {strides = array<i32>} : memref<8x2x1024xf32, #tpu.memory_space<vmem>>, vector<16xf32>,
        %parallel_loop3A_726 = tpu.vector_load_idx %arg6[%add3A_49, %parallel_loop3A_677] : memref<256x64xf32, #tpu.memory_space<vmem>>[vector<16xi32>, vector<16xi32>], vector<16xf32>,
        %parallel_loop3A_727 = arith.constant 96 : i32
        %parallel_loop3A_728 = arith.addi %parallel_loop3A_671, %parallel_loop3A_727 : i32
        %parallel_loop3A_729 = arith.constant 1 : i32
        %parallel_loop3A_730 = arith.index_cast %parallel_loop3A_673 : i32 to index
        %parallel_loop3A_731 = arith.index_cast %parallel_loop3A_729 : i32 to index
        %parallel_loop3A_732 = arith.index_cast %parallel_loop3A_728 : i32 to index
        %parallel_loop3A_733 = tpu.vector_load %arg8[%parallel_loop3A_730, %parallel_loop3A_731, %parallel_loop3A_732] {strides = array<i32>} : memref<8x2x1024xf32, #tpu.memory_space<vmem>>, vector<16xf32>,
        tpu.vector_store %arg8[%parallel_loop3A_730, %parallel_loop3A_731, %parallel_loop3A_732], %parallel_loop3A_726 {strides = array<i32>} : memref<8x2x1024xf32, #tpu.memory_space<vmem>>, vector<16xf32>,
        %parallel_loop3A_734 = tpu.vector_load_idx %arg6[%add3A_52, %parallel_loop3A_677] : memref<256x64xf32, #tpu.memory_space<vmem>>[vector<16xi32>, vector<16xi32>], vector<16xf32>,
        %parallel_loop3A_735 = arith.constant 112 : i32
        %parallel_loop3A_736 = arith.addi %parallel_loop3A_671, %parallel_loop3A_735 : i32
        %parallel_loop3A_737 = arith.constant 1 : i32
        %parallel_loop3A_738 = arith.index_cast %parallel_loop3A_673 : i32 to index
        %parallel_loop3A_739 = arith.index_cast %parallel_loop3A_737 : i32 to index
        %parallel_loop3A_740 = arith.index_cast %parallel_loop3A_736 : i32 to index
        %parallel_loop3A_741 = tpu.vector_load %arg8[%parallel_loop3A_738, %parallel_loop3A_739, %parallel_loop3A_740] {strides = array<i32>} : memref<8x2x1024xf32, #tpu.memory_space<vmem>>, vector<16xf32>,
        tpu.vector_store %arg8[%parallel_loop3A_738, %parallel_loop3A_739, %parallel_loop3A_740], %parallel_loop3A_734 {strides = array<i32>} : memref<8x2x1024xf32, #tpu.memory_space<vmem>>, vector<16xf32>,
      } {sc.loop_unroll_factor = 8 : i64, sc.parallel_access}
      %add3A_355 = arith.constant 2 : i32
      %add3A_356 = arith.addi %add3A_248, %add3A_355 : i32
      %min3A_357 = arith.constant 99 : i32
      %min3A_358 = arith.minsi %add3A_356, %min3A_357 : i32
      %jit3A_359 = arith.constant 2 : i32
      %div3A_360 = arith.divsi %min3A_358, %jit3A_359 : i32
      %sign3A_361 = arith.constant 0 : i32
      %sign3A_362 = arith.cmpi sgt, %min3A_358, %sign3A_361 : i32
      %sign3A_363 = arith.extui %sign3A_362 : i1 to i32
      %sign3A_364 = arith.constant 0 : i32
      %sign3A_365 = arith.cmpi slt, %min3A_358, %sign3A_364 : i32
      %sign3A_366 = arith.extui %sign3A_365 : i1 to i32
      %sign3A_367 = arith.subi %sign3A_363, %sign3A_366 : i32
      %sign3A_368 = arith.constant 0 : i32
      %sign3A_369 = arith.cmpi sgt, %jit3A_359, %sign3A_368 : i32
      %sign3A_370 = arith.extui %sign3A_369 : i1 to i32
      %sign3A_371 = arith.constant 0 : i32
      %sign3A_372 = arith.cmpi slt, %jit3A_359, %sign3A_371 : i32
      %sign3A_373 = arith.extui %sign3A_372 : i1 to i32
      %sign3A_374 = arith.subi %sign3A_370, %sign3A_373 : i32
      %ne3A_375 = arith.cmpi ne, %sign3A_367, %sign3A_374 : i32
      %rem3A_376 = arith.remsi %min3A_358, %jit3A_359 : i32
      %ne3A_377 = arith.constant 0 : i32
      %ne3A_378 = arith.cmpi ne, %rem3A_376, %ne3A_377 : i32
      %and3A_379 = arith.andi %ne3A_375, %ne3A_378 : i1
      %sub3A_380 = arith.constant 1 : i32
      %sub3A_381 = arith.subi %div3A_360, %sub3A_380 : i32
      %select_n3A_382 = arith.select %and3A_379, %sub3A_381, %div3A_360 : i32
      %jit3A_383 = arith.constant 2 : i32
      %eq3A_384 = arith.constant 0 : i32
      %eq3A_385 = arith.cmpi eq, %jit3A_383, %eq3A_384 : i32
      %jit3A_386 = arith.constant 1 : i32
      %select_n3A_387 = arith.select %eq3A_385, %jit3A_386, %jit3A_383 : i32
      %rem3A_388 = arith.remsi %min3A_358, %select_n3A_387 : i32
      %ne3A_389 = arith.constant 0 : i32
      %ne3A_390 = arith.cmpi ne, %rem3A_388, %ne3A_389 : i32
      %lt3A_391 = arith.constant 0 : i32
      %lt3A_392 = arith.cmpi slt, %rem3A_388, %lt3A_391 : i32
      %lt3A_393 = arith.constant 0 : i32
      %lt3A_394 = arith.cmpi slt, %select_n3A_387, %lt3A_393 : i32
      %ne3A_395 = arith.xori %lt3A_392, %lt3A_394 : i1
      %and3A_396 = arith.andi %ne3A_395, %ne3A_390 : i1
      %add3A_397 = arith.addi %rem3A_388, %select_n3A_387 : i32
      %select_n3A_398 = arith.select %and3A_396, %add3A_397, %rem3A_388 : i32
      %mul3A_399 = arith.constant 256 : i32
      %mul3A_400 = arith.muli %select_n3A_398, %mul3A_399 : i32
      %dma_start3A_401 = tpu.memref_slice %arg5[%select_n3A_382, %mul3A_400] : memref<50x512xi32, #tpu.memory_space<vmem>> -> memref<1x256xi32, #tpu.memory_space<vmem>>
      %dma_start3A_402 = tpu.memref_squeeze %dma_start3A_401 : memref<1x256xi32, #tpu.memory_space<vmem>> -> memref<256xi32, #tpu.memory_space<vmem>>
      %dma_start3A_403 = arith.constant 0 : i32
      %dma_start3A_404 = arith.constant 0 : i32
      %dma_start3A_405 = tpu.memref_slice %arg2[%dma_start3A_403, %dma_start3A_404] : memref<1000000x64xf32, #tpu.memory_space<hbm>> -> memref<1000000x64xf32, #tpu.memory_space<hbm>>
      tpu.enqueue_indirect_dma source(%dma_start3A_405 : memref<1000000x64xf32, #tpu.memory_space<hbm>>) target(%arg6 : memref<256x64xf32, #tpu.memory_space<vmem>>) offsets(%dma_start3A_402 : memref<256xi32, #tpu.memory_space<vmem>>) semaphore(%arg10 : memref<!tpu.dma_semaphore, #tpu.memory_space<semaphore_mem>>)
      %jit3A_406 = arith.constant 2 : i32
      %div3A_407 = arith.divsi %add3A_248, %jit3A_406 : i32
      %sign3A_408 = arith.constant 0 : i32
      %sign3A_409 = arith.cmpi sgt, %add3A_248, %sign3A_408 : i32
      %sign3A_410 = arith.extui %sign3A_409 : i1 to i32
      %sign3A_411 = arith.constant 0 : i32
      %sign3A_412 = arith.cmpi slt, %add3A_248, %sign3A_411 : i32
      %sign3A_413 = arith.extui %sign3A_412 : i1 to i32
      %sign3A_414 = arith.subi %sign3A_410, %sign3A_413 : i32
      %sign3A_415 = arith.constant 0 : i32
      %sign3A_416 = arith.cmpi sgt, %jit3A_406, %sign3A_415 : i32
      %sign3A_417 = arith.extui %sign3A_416 : i1 to i32
      %sign3A_418 = arith.constant 0 : i32
      %sign3A_419 = arith.cmpi slt, %jit3A_406, %sign3A_418 : i32
      %sign3A_420 = arith.extui %sign3A_419 : i1 to i32
      %sign3A_421 = arith.subi %sign3A_417, %sign3A_420 : i32
      %ne3A_422 = arith.cmpi ne, %sign3A_414, %sign3A_421 : i32
      %rem3A_423 = arith.remsi %add3A_248, %jit3A_406 : i32
      %ne3A_424 = arith.constant 0 : i32
      %ne3A_425 = arith.cmpi ne, %rem3A_423, %ne3A_424 : i32
      %and3A_426 = arith.andi %ne3A_422, %ne3A_425 : i1
      %sub3A_427 = arith.constant 1 : i32
      %sub3A_428 = arith.subi %div3A_407, %sub3A_427 : i32
      %select_n3A_429 = arith.select %and3A_426, %sub3A_428, %div3A_407 : i32
      %jit3A_430 = arith.constant 2 : i32
      %eq3A_431 = arith.constant 0 : i32
      %eq3A_432 = arith.cmpi eq, %jit3A_430, %eq3A_431 : i32
      %jit3A_433 = arith.constant 1 : i32
      %select_n3A_434 = arith.select %eq3A_432, %jit3A_433, %jit3A_430 : i32
      %rem3A_435 = arith.remsi %add3A_248, %select_n3A_434 : i32
      %ne3A_436 = arith.constant 0 : i32
      %ne3A_437 = arith.cmpi ne, %rem3A_435, %ne3A_436 : i32
      %lt3A_438 = arith.constant 0 : i32
      %lt3A_439 = arith.cmpi slt, %rem3A_435, %lt3A_438 : i32
      %lt3A_440 = arith.constant 0 : i32
      %lt3A_441 = arith.cmpi slt, %select_n3A_434, %lt3A_440 : i32
      %ne3A_442 = arith.xori %lt3A_439, %lt3A_441 : i1
      %and3A_443 = arith.andi %ne3A_442, %ne3A_437 : i1
      %add3A_444 = arith.addi %rem3A_435, %select_n3A_434 : i32
      %select_n3A_445 = arith.select %and3A_443, %add3A_444, %rem3A_435 : i32
      %mul3A_446 = arith.constant 2 : i32
      %mul3A_447 = arith.muli %select_n3A_445, %mul3A_446 : i32
      %add3A_448 = arith.addi %mul3A_4, %mul3A_447 : i32
      %dma_start3A_449 = arith.constant 0 : i32
      %dma_start3A_450 = arith.constant 0 : i32
      %dma_start3A_451 = tpu.memref_slice %arg4[%select_n3A_429, %dma_start3A_449, %add3A_448, %dma_start3A_450] : memref<50x8x128x1024xf32, #tpu.memory_space<hbm>> -> memref<1x8x2x1024xf32, #tpu.memory_space<hbm>>
      %dma_start3A_452 = tpu.memref_squeeze %dma_start3A_451 : memref<1x8x2x1024xf32, #tpu.memory_space<hbm>> -> memref<8x2x1024xf32, #tpu.memory_space<hbm>>
      %dma_start3A_453 = arith.constant 0 : i32
      %dma_start3A_454 = arith.constant 0 : i32
      %dma_start3A_455 = tpu.memref_slice %arg4[%select_n3A_429, %dma_start3A_453, %add3A_448, %dma_start3A_454] : memref<50x8x128x1024xf32, #tpu.memory_space<hbm>> -> memref<1x8x2x1024xf32, #tpu.memory_space<hbm>>
      %dma_start3A_456 = tpu.memref_squeeze %dma_start3A_455 : memref<1x8x2x1024xf32, #tpu.memory_space<hbm>> -> memref<8x2x1024xf32, #tpu.memory_space<hbm>>
      tpu.enqueue_dma source(%arg8 : memref<8x2x1024xf32, #tpu.memory_space<vmem>>) target(%dma_start3A_456 : memref<8x2x1024xf32, #tpu.memory_space<hbm>>) target_semaphore(%arg12 : memref<!tpu.dma_semaphore, #tpu.memory_space<semaphore_mem>>)
      %add3A_457 = arith.constant 1 : i32
      %add3A_458 = arith.addi %add3A_246, %add3A_457 : i32
      %jit3A_459 = arith.constant 2 : i32
      %div3A_460 = arith.divsi %add3A_458, %jit3A_459 : i32
      %sign3A_461 = arith.constant 0 : i32
      %sign3A_462 = arith.cmpi sgt, %add3A_458, %sign3A_461 : i32
      %sign3A_463 = arith.extui %sign3A_462 : i1 to i32
      %sign3A_464 = arith.constant 0 : i32
      %sign3A_465 = arith.cmpi slt, %add3A_458, %sign3A_464 : i32
      %sign3A_466 = arith.extui %sign3A_465 : i1 to i32
      %sign3A_467 = arith.subi %sign3A_463, %sign3A_466 : i32
      %sign3A_468 = arith.constant 0 : i32
      %sign3A_469 = arith.cmpi sgt, %jit3A_459, %sign3A_468 : i32
      %sign3A_470 = arith.extui %sign3A_469 : i1 to i32
      %sign3A_471 = arith.constant 0 : i32
      %sign3A_472 = arith.cmpi slt, %jit3A_459, %sign3A_471 : i32
      %sign3A_473 = arith.extui %sign3A_472 : i1 to i32
      %sign3A_474 = arith.subi %sign3A_470, %sign3A_473 : i32
      %ne3A_475 = arith.cmpi ne, %sign3A_467, %sign3A_474 : i32
      %rem3A_476 = arith.remsi %add3A_458, %jit3A_459 : i32
      %ne3A_477 = arith.constant 0 : i32
      %ne3A_478 = arith.cmpi ne, %rem3A_476, %ne3A_477 : i32
      %and3A_479 = arith.andi %ne3A_475, %ne3A_478 : i1
      %sub3A_480 = arith.constant 1 : i32
      %sub3A_481 = arith.subi %div3A_460, %sub3A_480 : i32
      %select_n3A_482 = arith.select %and3A_479, %sub3A_481, %div3A_460 : i32
      %jit3A_483 = arith.constant 2 : i32
      %eq3A_484 = arith.constant 0 : i32
      %eq3A_485 = arith.cmpi eq, %jit3A_483, %eq3A_484 : i32
      %jit3A_486 = arith.constant 1 : i32
      %select_n3A_487 = arith.select %eq3A_485, %jit3A_486, %jit3A_483 : i32
      %rem3A_488 = arith.remsi %add3A_458, %select_n3A_487 : i32
      %ne3A_489 = arith.constant 0 : i32
      %ne3A_490 = arith.cmpi ne, %rem3A_488, %ne3A_489 : i32
      %lt3A_491 = arith.constant 0 : i32
      %lt3A_492 = arith.cmpi slt, %rem3A_488, %lt3A_491 : i32
      %lt3A_493 = arith.constant 0 : i32
      %lt3A_494 = arith.cmpi slt, %select_n3A_487, %lt3A_493 : i32
      %ne3A_495 = arith.xori %lt3A_492, %lt3A_494 : i1
      %and3A_496 = arith.andi %ne3A_495, %ne3A_490 : i1
      %add3A_497 = arith.addi %rem3A_488, %select_n3A_487 : i32
      %select_n3A_498 = arith.select %and3A_496, %add3A_497, %rem3A_488 : i32
      %mul3A_499 = arith.constant 256 : i32
      %mul3A_500 = arith.muli %select_n3A_498, %mul3A_499 : i32
      %dma_wait3A_501 = tpu.memref_slice %arg5[%select_n3A_482, %mul3A_500] : memref<50x512xi32, #tpu.memory_space<vmem>> -> memref<1x256xi32, #tpu.memory_space<vmem>>
      %dma_wait3A_502 = tpu.memref_squeeze %dma_wait3A_501 : memref<1x256xi32, #tpu.memory_space<vmem>> -> memref<256xi32, #tpu.memory_space<vmem>>
      %dma_wait3A_503 = arith.constant 0 : i32
      %dma_wait3A_504 = arith.constant 0 : i32
      %dma_wait3A_505 = tpu.memref_slice %arg2[%dma_wait3A_503, %dma_wait3A_504] : memref<1000000x64xf32, #tpu.memory_space<hbm>> -> memref<1000000x64xf32, #tpu.memory_space<hbm>>
      tpu.wait_indirect_dma semaphore(%arg11 : memref<!tpu.dma_semaphore, #tpu.memory_space<semaphore_mem>>) src(%dma_wait3A_505 : memref<1000000x64xf32, #tpu.memory_space<hbm>>) dst(%arg7 : memref<256x64xf32, #tpu.memory_space<vmem>>)
      %sub3A_506 = arith.constant 2 : i32
      %sub3A_507 = arith.subi %add3A_458, %sub3A_506 : i32
      %jit3A_508 = arith.constant 2 : i32
      %div3A_509 = arith.divsi %sub3A_507, %jit3A_508 : i32
      %sign3A_510 = arith.constant 0 : i32
      %sign3A_511 = arith.cmpi sgt, %sub3A_507, %sign3A_510 : i32
      %sign3A_512 = arith.extui %sign3A_511 : i1 to i32
      %sign3A_513 = arith.constant 0 : i32
      %sign3A_514 = arith.cmpi slt, %sub3A_507, %sign3A_513 : i32
      %sign3A_515 = arith.extui %sign3A_514 : i1 to i32
      %sign3A_516 = arith.subi %sign3A_512, %sign3A_515 : i32
      %sign3A_517 = arith.constant 0 : i32
      %sign3A_518 = arith.cmpi sgt, %jit3A_508, %sign3A_517 : i32
      %sign3A_519 = arith.extui %sign3A_518 : i1 to i32
      %sign3A_520 = arith.constant 0 : i32
      %sign3A_521 = arith.cmpi slt, %jit3A_508, %sign3A_520 : i32
      %sign3A_522 = arith.extui %sign3A_521 : i1 to i32
      %sign3A_523 = arith.subi %sign3A_519, %sign3A_522 : i32
      %ne3A_524 = arith.cmpi ne, %sign3A_516, %sign3A_523 : i32
      %rem3A_525 = arith.remsi %sub3A_507, %jit3A_508 : i32
      %ne3A_526 = arith.constant 0 : i32
      %ne3A_527 = arith.cmpi ne, %rem3A_525, %ne3A_526 : i32
      %and3A_528 = arith.andi %ne3A_524, %ne3A_527 : i1
      %sub3A_529 = arith.constant 1 : i32
      %sub3A_530 = arith.subi %div3A_509, %sub3A_529 : i32
      %select_n3A_531 = arith.select %and3A_528, %sub3A_530, %div3A_509 : i32
      %jit3A_532 = arith.constant 2 : i32
      %eq3A_533 = arith.constant 0 : i32
      %eq3A_534 = arith.cmpi eq, %jit3A_532, %eq3A_533 : i32
      %jit3A_535 = arith.constant 1 : i32
      %select_n3A_536 = arith.select %eq3A_534, %jit3A_535, %jit3A_532 : i32
      %rem3A_537 = arith.remsi %sub3A_507, %select_n3A_536 : i32
      %ne3A_538 = arith.constant 0 : i32
      %ne3A_539 = arith.cmpi ne, %rem3A_537, %ne3A_538 : i32
      %lt3A_540 = arith.constant 0 : i32
      %lt3A_541 = arith.cmpi slt, %rem3A_537, %lt3A_540 : i32
      %lt3A_542 = arith.constant 0 : i32
      %lt3A_543 = arith.cmpi slt, %select_n3A_536, %lt3A_542 : i32
      %ne3A_544 = arith.xori %lt3A_541, %lt3A_543 : i1
      %and3A_545 = arith.andi %ne3A_544, %ne3A_539 : i1
      %add3A_546 = arith.addi %rem3A_537, %select_n3A_536 : i32
      %select_n3A_547 = arith.select %and3A_545, %add3A_546, %rem3A_537 : i32
      %mul3A_548 = arith.constant 2 : i32
      %mul3A_549 = arith.muli %select_n3A_547, %mul3A_548 : i32
      %add3A_550 = arith.addi %mul3A_4, %mul3A_549 : i32
      %dma_wait3A_551 = arith.constant 0 : i32
      %dma_wait3A_552 = arith.constant 0 : i32
      %dma_wait3A_553 = tpu.memref_slice %arg4[%select_n3A_531, %dma_wait3A_551, %add3A_550, %dma_wait3A_552] : memref<50x8x128x1024xf32, #tpu.memory_space<hbm>> -> memref<1x8x2x1024xf32, #tpu.memory_space<hbm>>
      %dma_wait3A_554 = tpu.memref_squeeze %dma_wait3A_553 : memref<1x8x2x1024xf32, #tpu.memory_space<hbm>> -> memref<8x2x1024xf32, #tpu.memory_space<hbm>>
      %dma_wait3A_555 = arith.constant 0 : i32
      %dma_wait3A_556 = arith.constant 0 : i32
      %dma_wait3A_557 = tpu.memref_slice %arg4[%select_n3A_531, %dma_wait3A_555, %add3A_550, %dma_wait3A_556] : memref<50x8x128x1024xf32, #tpu.memory_space<hbm>> -> memref<1x8x2x1024xf32, #tpu.memory_space<hbm>>
      %dma_wait3A_558 = tpu.memref_squeeze %dma_wait3A_557 : memref<1x8x2x1024xf32, #tpu.memory_space<hbm>> -> memref<8x2x1024xf32, #tpu.memory_space<hbm>>
      tpu.wait_dma2 semaphore(%arg13 : memref<!tpu.dma_semaphore, #tpu.memory_space<semaphore_mem>>) src(%arg9 : memref<8x2x1024xf32, #tpu.memory_space<vmem>>) dst(%dma_wait3A_558 : memref<8x2x1024xf32, #tpu.memory_space<hbm>>)
      %parallel_loop3A_559 = arith.constant 0 : i32
      %parallel_loop3A_560 = arith.constant 64 : i32
      %parallel_loop3A_561 = arith.constant 1 : i32
      scf.for %parallel_loop3A_667 = %parallel_loop3A_559 to %parallel_loop3A_560 step %parallel_loop3A_561  : i32 {
        %parallel_loop3A_668 = arith.constant 8 : i32
        %parallel_loop3A_669 = arith.remsi %parallel_loop3A_667, %parallel_loop3A_668 : i32
        %parallel_loop3A_670 = arith.constant 128 : i32
        %parallel_loop3A_671 = arith.muli %parallel_loop3A_669, %parallel_loop3A_670 : i32
        %parallel_loop3A_672 = arith.constant 8 : i32
        %parallel_loop3A_673 = arith.divsi %parallel_loop3A_667, %parallel_loop3A_672 : i32
        %parallel_loop3A_674 = arith.constant 0 : i32
        %parallel_loop3A_675 = vector.broadcast %parallel_loop3A_674 : i32 to vector<16xi32>
        %parallel_loop3A_676 = vector.broadcast %parallel_loop3A_667 : i32 to vector<16xi32>
        %parallel_loop3A_677 = arith.addi %parallel_loop3A_675, %parallel_loop3A_676 : vector<16xi32>
        %parallel_loop3A_678 = tpu.vector_load_idx %arg7[%add3A_7, %parallel_loop3A_677] : memref<256x64xf32, #tpu.memory_space<vmem>>[vector<16xi32>, vector<16xi32>], vector<16xf32>,
        %parallel_loop3A_679 = arith.constant 0 : i32
        %parallel_loop3A_680 = arith.addi %parallel_loop3A_671, %parallel_loop3A_679 : i32
        %parallel_loop3A_681 = arith.constant 0 : i32
        %parallel_loop3A_682 = arith.index_cast %parallel_loop3A_673 : i32 to index
        %parallel_loop3A_683 = arith.index_cast %parallel_loop3A_681 : i32 to index
        %parallel_loop3A_684 = arith.index_cast %parallel_loop3A_680 : i32 to index
        %parallel_loop3A_685 = tpu.vector_load %arg9[%parallel_loop3A_682, %parallel_loop3A_683, %parallel_loop3A_684] {strides = array<i32>} : memref<8x2x1024xf32, #tpu.memory_space<vmem>>, vector<16xf32>,
        tpu.vector_store %arg9[%parallel_loop3A_682, %parallel_loop3A_683, %parallel_loop3A_684], %parallel_loop3A_678 {strides = array<i32>} : memref<8x2x1024xf32, #tpu.memory_space<vmem>>, vector<16xf32>,
        %parallel_loop3A_686 = tpu.vector_load_idx %arg7[%add3A_10, %parallel_loop3A_677] : memref<256x64xf32, #tpu.memory_space<vmem>>[vector<16xi32>, vector<16xi32>], vector<16xf32>,
        %parallel_loop3A_687 = arith.constant 16 : i32
        %parallel_loop3A_688 = arith.addi %parallel_loop3A_671, %parallel_loop3A_687 : i32
        %parallel_loop3A_689 = arith.constant 0 : i32
        %parallel_loop3A_690 = arith.index_cast %parallel_loop3A_673 : i32 to index
        %parallel_loop3A_691 = arith.index_cast %parallel_loop3A_689 : i32 to index
        %parallel_loop3A_692 = arith.index_cast %parallel_loop3A_688 : i32 to index
        %parallel_loop3A_693 = tpu.vector_load %arg9[%parallel_loop3A_690, %parallel_loop3A_691, %parallel_loop3A_692] {strides = array<i32>} : memref<8x2x1024xf32, #tpu.memory_space<vmem>>, vector<16xf32>,
        tpu.vector_store %arg9[%parallel_loop3A_690, %parallel_loop3A_691, %parallel_loop3A_692], %parallel_loop3A_686 {strides = array<i32>} : memref<8x2x1024xf32, #tpu.memory_space<vmem>>, vector<16xf32>,
        %parallel_loop3A_694 = tpu.vector_load_idx %arg7[%add3A_13, %parallel_loop3A_677] : memref<256x64xf32, #tpu.memory_space<vmem>>[vector<16xi32>, vector<16xi32>], vector<16xf32>,
        %parallel_loop3A_695 = arith.constant 32 : i32
        %parallel_loop3A_696 = arith.addi %parallel_loop3A_671, %parallel_loop3A_695 : i32
        %parallel_loop3A_697 = arith.constant 0 : i32
        %parallel_loop3A_698 = arith.index_cast %parallel_loop3A_673 : i32 to index
        %parallel_loop3A_699 = arith.index_cast %parallel_loop3A_697 : i32 to index
        %parallel_loop3A_700 = arith.index_cast %parallel_loop3A_696 : i32 to index
        %parallel_loop3A_701 = tpu.vector_load %arg9[%parallel_loop3A_698, %parallel_loop3A_699, %parallel_loop3A_700] {strides = array<i32>} : memref<8x2x1024xf32, #tpu.memory_space<vmem>>, vector<16xf32>,
        tpu.vector_store %arg9[%parallel_loop3A_698, %parallel_loop3A_699, %parallel_loop3A_700], %parallel_loop3A_694 {strides = array<i32>} : memref<8x2x1024xf32, #tpu.memory_space<vmem>>, vector<16xf32>,
        %parallel_loop3A_702 = tpu.vector_load_idx %arg7[%add3A_16, %parallel_loop3A_677] : memref<256x64xf32, #tpu.memory_space<vmem>>[vector<16xi32>, vector<16xi32>], vector<16xf32>,
        %parallel_loop3A_703 = arith.constant 48 : i32
        %parallel_loop3A_704 = arith.addi %parallel_loop3A_671, %parallel_loop3A_703 : i32
        %parallel_loop3A_705 = arith.constant 0 : i32
        %parallel_loop3A_706 = arith.index_cast %parallel_loop3A_673 : i32 to index
        %parallel_loop3A_707 = arith.index_cast %parallel_loop3A_705 : i32 to index
        %parallel_loop3A_708 = arith.index_cast %parallel_loop3A_704 : i32 to index
        %parallel_loop3A_709 = tpu.vector_load %arg9[%parallel_loop3A_706, %parallel_loop3A_707, %parallel_loop3A_708] {strides = array<i32>} : memref<8x2x1024xf32, #tpu.memory_space<vmem>>, vector<16xf32>,
        tpu.vector_store %arg9[%parallel_loop3A_706, %parallel_loop3A_707, %parallel_loop3A_708], %parallel_loop3A_702 {strides = array<i32>} : memref<8x2x1024xf32, #tpu.memory_space<vmem>>, vector<16xf32>,
        %parallel_loop3A_710 = tpu.vector_load_idx %arg7[%add3A_19, %parallel_loop3A_677] : memref<256x64xf32, #tpu.memory_space<vmem>>[vector<16xi32>, vector<16xi32>], vector<16xf32>,
        %parallel_loop3A_711 = arith.constant 64 : i32
        %parallel_loop3A_712 = arith.addi %parallel_loop3A_671, %parallel_loop3A_711 : i32
        %parallel_loop3A_713 = arith.constant 0 : i32
        %parallel_loop3A_714 = arith.index_cast %parallel_loop3A_673 : i32 to index
        %parallel_loop3A_715 = arith.index_cast %parallel_loop3A_713 : i32 to index
        %parallel_loop3A_716 = arith.index_cast %parallel_loop3A_712 : i32 to index
        %parallel_loop3A_717 = tpu.vector_load %arg9[%parallel_loop3A_714, %parallel_loop3A_715, %parallel_loop3A_716] {strides = array<i32>} : memref<8x2x1024xf32, #tpu.memory_space<vmem>>, vector<16xf32>,
        tpu.vector_store %arg9[%parallel_loop3A_714, %parallel_loop3A_715, %parallel_loop3A_716], %parallel_loop3A_710 {strides = array<i32>} : memref<8x2x1024xf32, #tpu.memory_space<vmem>>, vector<16xf32>,
        %parallel_loop3A_718 = tpu.vector_load_idx %arg7[%add3A_22, %parallel_loop3A_677] : memref<256x64xf32, #tpu.memory_space<vmem>>[vector<16xi32>, vector<16xi32>], vector<16xf32>,
        %parallel_loop3A_719 = arith.constant 80 : i32
        %parallel_loop3A_720 = arith.addi %parallel_loop3A_671, %parallel_loop3A_719 : i32
        %parallel_loop3A_721 = arith.constant 0 : i32
        %parallel_loop3A_722 = arith.index_cast %parallel_loop3A_673 : i32 to index
        %parallel_loop3A_723 = arith.index_cast %parallel_loop3A_721 : i32 to index
        %parallel_loop3A_724 = arith.index_cast %parallel_loop3A_720 : i32 to index
        %parallel_loop3A_725 = tpu.vector_load %arg9[%parallel_loop3A_722, %parallel_loop3A_723, %parallel_loop3A_724] {strides = array<i32>} : memref<8x2x1024xf32, #tpu.memory_space<vmem>>, vector<16xf32>,
        tpu.vector_store %arg9[%parallel_loop3A_722, %parallel_loop3A_723, %parallel_loop3A_724], %parallel_loop3A_718 {strides = array<i32>} : memref<8x2x1024xf32, #tpu.memory_space<vmem>>, vector<16xf32>,
        %parallel_loop3A_726 = tpu.vector_load_idx %arg7[%add3A_25, %parallel_loop3A_677] : memref<256x64xf32, #tpu.memory_space<vmem>>[vector<16xi32>, vector<16xi32>], vector<16xf32>,
        %parallel_loop3A_727 = arith.constant 96 : i32
        %parallel_loop3A_728 = arith.addi %parallel_loop3A_671, %parallel_loop3A_727 : i32
        %parallel_loop3A_729 = arith.constant 0 : i32
        %parallel_loop3A_730 = arith.index_cast %parallel_loop3A_673 : i32 to index
        %parallel_loop3A_731 = arith.index_cast %parallel_loop3A_729 : i32 to index
        %parallel_loop3A_732 = arith.index_cast %parallel_loop3A_728 : i32 to index
        %parallel_loop3A_733 = tpu.vector_load %arg9[%parallel_loop3A_730, %parallel_loop3A_731, %parallel_loop3A_732] {strides = array<i32>} : memref<8x2x1024xf32, #tpu.memory_space<vmem>>, vector<16xf32>,
        tpu.vector_store %arg9[%parallel_loop3A_730, %parallel_loop3A_731, %parallel_loop3A_732], %parallel_loop3A_726 {strides = array<i32>} : memref<8x2x1024xf32, #tpu.memory_space<vmem>>, vector<16xf32>,
        %parallel_loop3A_734 = tpu.vector_load_idx %arg7[%add3A_28, %parallel_loop3A_677] : memref<256x64xf32, #tpu.memory_space<vmem>>[vector<16xi32>, vector<16xi32>], vector<16xf32>,
        %parallel_loop3A_735 = arith.constant 112 : i32
        %parallel_loop3A_736 = arith.addi %parallel_loop3A_671, %parallel_loop3A_735 : i32
        %parallel_loop3A_737 = arith.constant 0 : i32
        %parallel_loop3A_738 = arith.index_cast %parallel_loop3A_673 : i32 to index
        %parallel_loop3A_739 = arith.index_cast %parallel_loop3A_737 : i32 to index
        %parallel_loop3A_740 = arith.index_cast %parallel_loop3A_736 : i32 to index
        %parallel_loop3A_741 = tpu.vector_load %arg9[%parallel_loop3A_738, %parallel_loop3A_739, %parallel_loop3A_740] {strides = array<i32>} : memref<8x2x1024xf32, #tpu.memory_space<vmem>>, vector<16xf32>,
        tpu.vector_store %arg9[%parallel_loop3A_738, %parallel_loop3A_739, %parallel_loop3A_740], %parallel_loop3A_734 {strides = array<i32>} : memref<8x2x1024xf32, #tpu.memory_space<vmem>>, vector<16xf32>,
      } {sc.loop_unroll_factor = 8 : i64, sc.parallel_access}
      %parallel_loop3A_562 = arith.constant 0 : i32
      %parallel_loop3A_563 = arith.constant 64 : i32
      %parallel_loop3A_564 = arith.constant 1 : i32
      scf.for %parallel_loop3A_667 = %parallel_loop3A_562 to %parallel_loop3A_563 step %parallel_loop3A_564  : i32 {
        %parallel_loop3A_668 = arith.constant 8 : i32
        %parallel_loop3A_669 = arith.remsi %parallel_loop3A_667, %parallel_loop3A_668 : i32
        %parallel_loop3A_670 = arith.constant 128 : i32
        %parallel_loop3A_671 = arith.muli %parallel_loop3A_669, %parallel_loop3A_670 : i32
        %parallel_loop3A_672 = arith.constant 8 : i32
        %parallel_loop3A_673 = arith.divsi %parallel_loop3A_667, %parallel_loop3A_672 : i32
        %parallel_loop3A_674 = arith.constant 0 : i32
        %parallel_loop3A_675 = vector.broadcast %parallel_loop3A_674 : i32 to vector<16xi32>
        %parallel_loop3A_676 = vector.broadcast %parallel_loop3A_667 : i32 to vector<16xi32>
        %parallel_loop3A_677 = arith.addi %parallel_loop3A_675, %parallel_loop3A_676 : vector<16xi32>
        %parallel_loop3A_678 = tpu.vector_load_idx %arg7[%add3A_31, %parallel_loop3A_677] : memref<256x64xf32, #tpu.memory_space<vmem>>[vector<16xi32>, vector<16xi32>], vector<16xf32>,
        %parallel_loop3A_679 = arith.constant 0 : i32
        %parallel_loop3A_680 = arith.addi %parallel_loop3A_671, %parallel_loop3A_679 : i32
        %parallel_loop3A_681 = arith.constant 1 : i32
        %parallel_loop3A_682 = arith.index_cast %parallel_loop3A_673 : i32 to index
        %parallel_loop3A_683 = arith.index_cast %parallel_loop3A_681 : i32 to index
        %parallel_loop3A_684 = arith.index_cast %parallel_loop3A_680 : i32 to index
        %parallel_loop3A_685 = tpu.vector_load %arg9[%parallel_loop3A_682, %parallel_loop3A_683, %parallel_loop3A_684] {strides = array<i32>} : memref<8x2x1024xf32, #tpu.memory_space<vmem>>, vector<16xf32>,
        tpu.vector_store %arg9[%parallel_loop3A_682, %parallel_loop3A_683, %parallel_loop3A_684], %parallel_loop3A_678 {strides = array<i32>} : memref<8x2x1024xf32, #tpu.memory_space<vmem>>, vector<16xf32>,
        %parallel_loop3A_686 = tpu.vector_load_idx %arg7[%add3A_34, %parallel_loop3A_677] : memref<256x64xf32, #tpu.memory_space<vmem>>[vector<16xi32>, vector<16xi32>], vector<16xf32>,
        %parallel_loop3A_687 = arith.constant 16 : i32
        %parallel_loop3A_688 = arith.addi %parallel_loop3A_671, %parallel_loop3A_687 : i32
        %parallel_loop3A_689 = arith.constant 1 : i32
        %parallel_loop3A_690 = arith.index_cast %parallel_loop3A_673 : i32 to index
        %parallel_loop3A_691 = arith.index_cast %parallel_loop3A_689 : i32 to index
        %parallel_loop3A_692 = arith.index_cast %parallel_loop3A_688 : i32 to index
        %parallel_loop3A_693 = tpu.vector_load %arg9[%parallel_loop3A_690, %parallel_loop3A_691, %parallel_loop3A_692] {strides = array<i32>} : memref<8x2x1024xf32, #tpu.memory_space<vmem>>, vector<16xf32>,
        tpu.vector_store %arg9[%parallel_loop3A_690, %parallel_loop3A_691, %parallel_loop3A_692], %parallel_loop3A_686 {strides = array<i32>} : memref<8x2x1024xf32, #tpu.memory_space<vmem>>, vector<16xf32>,
        %parallel_loop3A_694 = tpu.vector_load_idx %arg7[%add3A_37, %parallel_loop3A_677] : memref<256x64xf32, #tpu.memory_space<vmem>>[vector<16xi32>, vector<16xi32>], vector<16xf32>,
        %parallel_loop3A_695 = arith.constant 32 : i32
        %parallel_loop3A_696 = arith.addi %parallel_loop3A_671, %parallel_loop3A_695 : i32
        %parallel_loop3A_697 = arith.constant 1 : i32
        %parallel_loop3A_698 = arith.index_cast %parallel_loop3A_673 : i32 to index
        %parallel_loop3A_699 = arith.index_cast %parallel_loop3A_697 : i32 to index
        %parallel_loop3A_700 = arith.index_cast %parallel_loop3A_696 : i32 to index
        %parallel_loop3A_701 = tpu.vector_load %arg9[%parallel_loop3A_698, %parallel_loop3A_699, %parallel_loop3A_700] {strides = array<i32>} : memref<8x2x1024xf32, #tpu.memory_space<vmem>>, vector<16xf32>,
        tpu.vector_store %arg9[%parallel_loop3A_698, %parallel_loop3A_699, %parallel_loop3A_700], %parallel_loop3A_694 {strides = array<i32>} : memref<8x2x1024xf32, #tpu.memory_space<vmem>>, vector<16xf32>,
        %parallel_loop3A_702 = tpu.vector_load_idx %arg7[%add3A_40, %parallel_loop3A_677] : memref<256x64xf32, #tpu.memory_space<vmem>>[vector<16xi32>, vector<16xi32>], vector<16xf32>,
        %parallel_loop3A_703 = arith.constant 48 : i32
        %parallel_loop3A_704 = arith.addi %parallel_loop3A_671, %parallel_loop3A_703 : i32
        %parallel_loop3A_705 = arith.constant 1 : i32
        %parallel_loop3A_706 = arith.index_cast %parallel_loop3A_673 : i32 to index
        %parallel_loop3A_707 = arith.index_cast %parallel_loop3A_705 : i32 to index
        %parallel_loop3A_708 = arith.index_cast %parallel_loop3A_704 : i32 to index
        %parallel_loop3A_709 = tpu.vector_load %arg9[%parallel_loop3A_706, %parallel_loop3A_707, %parallel_loop3A_708] {strides = array<i32>} : memref<8x2x1024xf32, #tpu.memory_space<vmem>>, vector<16xf32>,
        tpu.vector_store %arg9[%parallel_loop3A_706, %parallel_loop3A_707, %parallel_loop3A_708], %parallel_loop3A_702 {strides = array<i32>} : memref<8x2x1024xf32, #tpu.memory_space<vmem>>, vector<16xf32>,
        %parallel_loop3A_710 = tpu.vector_load_idx %arg7[%add3A_43, %parallel_loop3A_677] : memref<256x64xf32, #tpu.memory_space<vmem>>[vector<16xi32>, vector<16xi32>], vector<16xf32>,
        %parallel_loop3A_711 = arith.constant 64 : i32
        %parallel_loop3A_712 = arith.addi %parallel_loop3A_671, %parallel_loop3A_711 : i32
        %parallel_loop3A_713 = arith.constant 1 : i32
        %parallel_loop3A_714 = arith.index_cast %parallel_loop3A_673 : i32 to index
        %parallel_loop3A_715 = arith.index_cast %parallel_loop3A_713 : i32 to index
        %parallel_loop3A_716 = arith.index_cast %parallel_loop3A_712 : i32 to index
        %parallel_loop3A_717 = tpu.vector_load %arg9[%parallel_loop3A_714, %parallel_loop3A_715, %parallel_loop3A_716] {strides = array<i32>} : memref<8x2x1024xf32, #tpu.memory_space<vmem>>, vector<16xf32>,
        tpu.vector_store %arg9[%parallel_loop3A_714, %parallel_loop3A_715, %parallel_loop3A_716], %parallel_loop3A_710 {strides = array<i32>} : memref<8x2x1024xf32, #tpu.memory_space<vmem>>, vector<16xf32>,
        %parallel_loop3A_718 = tpu.vector_load_idx %arg7[%add3A_46, %parallel_loop3A_677] : memref<256x64xf32, #tpu.memory_space<vmem>>[vector<16xi32>, vector<16xi32>], vector<16xf32>,
        %parallel_loop3A_719 = arith.constant 80 : i32
        %parallel_loop3A_720 = arith.addi %parallel_loop3A_671, %parallel_loop3A_719 : i32
        %parallel_loop3A_721 = arith.constant 1 : i32
        %parallel_loop3A_722 = arith.index_cast %parallel_loop3A_673 : i32 to index
        %parallel_loop3A_723 = arith.index_cast %parallel_loop3A_721 : i32 to index
        %parallel_loop3A_724 = arith.index_cast %parallel_loop3A_720 : i32 to index
        %parallel_loop3A_725 = tpu.vector_load %arg9[%parallel_loop3A_722, %parallel_loop3A_723, %parallel_loop3A_724] {strides = array<i32>} : memref<8x2x1024xf32, #tpu.memory_space<vmem>>, vector<16xf32>,
        tpu.vector_store %arg9[%parallel_loop3A_722, %parallel_loop3A_723, %parallel_loop3A_724], %parallel_loop3A_718 {strides = array<i32>} : memref<8x2x1024xf32, #tpu.memory_space<vmem>>, vector<16xf32>,
        %parallel_loop3A_726 = tpu.vector_load_idx %arg7[%add3A_49, %parallel_loop3A_677] : memref<256x64xf32, #tpu.memory_space<vmem>>[vector<16xi32>, vector<16xi32>], vector<16xf32>,
        %parallel_loop3A_727 = arith.constant 96 : i32
        %parallel_loop3A_728 = arith.addi %parallel_loop3A_671, %parallel_loop3A_727 : i32
        %parallel_loop3A_729 = arith.constant 1 : i32
        %parallel_loop3A_730 = arith.index_cast %parallel_loop3A_673 : i32 to index
        %parallel_loop3A_731 = arith.index_cast %parallel_loop3A_729 : i32 to index
        %parallel_loop3A_732 = arith.index_cast %parallel_loop3A_728 : i32 to index
        %parallel_loop3A_733 = tpu.vector_load %arg9[%parallel_loop3A_730, %parallel_loop3A_731, %parallel_loop3A_732] {strides = array<i32>} : memref<8x2x1024xf32, #tpu.memory_space<vmem>>, vector<16xf32>,
        tpu.vector_store %arg9[%parallel_loop3A_730, %parallel_loop3A_731, %parallel_loop3A_732], %parallel_loop3A_726 {strides = array<i32>} : memref<8x2x1024xf32, #tpu.memory_space<vmem>>, vector<16xf32>,
        %parallel_loop3A_734 = tpu.vector_load_idx %arg7[%add3A_52, %parallel_loop3A_677] : memref<256x64xf32, #tpu.memory_space<vmem>>[vector<16xi32>, vector<16xi32>], vector<16xf32>,
        %parallel_loop3A_735 = arith.constant 112 : i32
        %parallel_loop3A_736 = arith.addi %parallel_loop3A_671, %parallel_loop3A_735 : i32
        %parallel_loop3A_737 = arith.constant 1 : i32
        %parallel_loop3A_738 = arith.index_cast %parallel_loop3A_673 : i32 to index
        %parallel_loop3A_739 = arith.index_cast %parallel_loop3A_737 : i32 to index
        %parallel_loop3A_740 = arith.index_cast %parallel_loop3A_736 : i32 to index
        %parallel_loop3A_741 = tpu.vector_load %arg9[%parallel_loop3A_738, %parallel_loop3A_739, %parallel_loop3A_740] {strides = array<i32>} : memref<8x2x1024xf32, #tpu.memory_space<vmem>>, vector<16xf32>,
        tpu.vector_store %arg9[%parallel_loop3A_738, %parallel_loop3A_739, %parallel_loop3A_740], %parallel_loop3A_734 {strides = array<i32>} : memref<8x2x1024xf32, #tpu.memory_space<vmem>>, vector<16xf32>,
      } {sc.loop_unroll_factor = 8 : i64, sc.parallel_access}
      %add3A_565 = arith.constant 2 : i32
      %add3A_566 = arith.addi %add3A_458, %add3A_565 : i32
      %min3A_567 = arith.constant 99 : i32
      %min3A_568 = arith.minsi %add3A_566, %min3A_567 : i32
      %jit3A_569 = arith.constant 2 : i32
      %div3A_570 = arith.divsi %min3A_568, %jit3A_569 : i32
      %sign3A_571 = arith.constant 0 : i32
      %sign3A_572 = arith.cmpi sgt, %min3A_568, %sign3A_571 : i32
      %sign3A_573 = arith.extui %sign3A_572 : i1 to i32
      %sign3A_574 = arith.constant 0 : i32
      %sign3A_575 = arith.cmpi slt, %min3A_568, %sign3A_574 : i32
      %sign3A_576 = arith.extui %sign3A_575 : i1 to i32
      %sign3A_577 = arith.subi %sign3A_573, %sign3A_576 : i32
      %sign3A_578 = arith.constant 0 : i32
      %sign3A_579 = arith.cmpi sgt, %jit3A_569, %sign3A_578 : i32
      %sign3A_580 = arith.extui %sign3A_579 : i1 to i32
      %sign3A_581 = arith.constant 0 : i32
      %sign3A_582 = arith.cmpi slt, %jit3A_569, %sign3A_581 : i32
      %sign3A_583 = arith.extui %sign3A_582 : i1 to i32
      %sign3A_584 = arith.subi %sign3A_580, %sign3A_583 : i32
      %ne3A_585 = arith.cmpi ne, %sign3A_577, %sign3A_584 : i32
      %rem3A_586 = arith.remsi %min3A_568, %jit3A_569 : i32
      %ne3A_587 = arith.constant 0 : i32
      %ne3A_588 = arith.cmpi ne, %rem3A_586, %ne3A_587 : i32
      %and3A_589 = arith.andi %ne3A_585, %ne3A_588 : i1
      %sub3A_590 = arith.constant 1 : i32
      %sub3A_591 = arith.subi %div3A_570, %sub3A_590 : i32
      %select_n3A_592 = arith.select %and3A_589, %sub3A_591, %div3A_570 : i32
      %jit3A_593 = arith.constant 2 : i32
      %eq3A_594 = arith.constant 0 : i32
      %eq3A_595 = arith.cmpi eq, %jit3A_593, %eq3A_594 : i32
      %jit3A_596 = arith.constant 1 : i32
      %select_n3A_597 = arith.select %eq3A_595, %jit3A_596, %jit3A_593 : i32
      %rem3A_598 = arith.remsi %min3A_568, %select_n3A_597 : i32
      %ne3A_599 = arith.constant 0 : i32
      %ne3A_600 = arith.cmpi ne, %rem3A_598, %ne3A_599 : i32
      %lt3A_601 = arith.constant 0 : i32
      %lt3A_602 = arith.cmpi slt, %rem3A_598, %lt3A_601 : i32
      %lt3A_603 = arith.constant 0 : i32
      %lt3A_604 = arith.cmpi slt, %select_n3A_597, %lt3A_603 : i32
      %ne3A_605 = arith.xori %lt3A_602, %lt3A_604 : i1
      %and3A_606 = arith.andi %ne3A_605, %ne3A_600 : i1
      %add3A_607 = arith.addi %rem3A_598, %select_n3A_597 : i32
      %select_n3A_608 = arith.select %and3A_606, %add3A_607, %rem3A_598 : i32
      %mul3A_609 = arith.constant 256 : i32
      %mul3A_610 = arith.muli %select_n3A_608, %mul3A_609 : i32
      %dma_start3A_611 = tpu.memref_slice %arg5[%select_n3A_592, %mul3A_610] : memref<50x512xi32, #tpu.memory_space<vmem>> -> memref<1x256xi32, #tpu.memory_space<vmem>>
      %dma_start3A_612 = tpu.memref_squeeze %dma_start3A_611 : memref<1x256xi32, #tpu.memory_space<vmem>> -> memref<256xi32, #tpu.memory_space<vmem>>
      %dma_start3A_613 = arith.constant 0 : i32
      %dma_start3A_614 = arith.constant 0 : i32
      %dma_start3A_615 = tpu.memref_slice %arg2[%dma_start3A_613, %dma_start3A_614] : memref<1000000x64xf32, #tpu.memory_space<hbm>> -> memref<1000000x64xf32, #tpu.memory_space<hbm>>
      tpu.enqueue_indirect_dma source(%dma_start3A_615 : memref<1000000x64xf32, #tpu.memory_space<hbm>>) target(%arg7 : memref<256x64xf32, #tpu.memory_space<vmem>>) offsets(%dma_start3A_612 : memref<256xi32, #tpu.memory_space<vmem>>) semaphore(%arg11 : memref<!tpu.dma_semaphore, #tpu.memory_space<semaphore_mem>>)
      %jit3A_616 = arith.constant 2 : i32
      %div3A_617 = arith.divsi %add3A_458, %jit3A_616 : i32
      %sign3A_618 = arith.constant 0 : i32
      %sign3A_619 = arith.cmpi sgt, %add3A_458, %sign3A_618 : i32
      %sign3A_620 = arith.extui %sign3A_619 : i1 to i32
      %sign3A_621 = arith.constant 0 : i32
      %sign3A_622 = arith.cmpi slt, %add3A_458, %sign3A_621 : i32
      %sign3A_623 = arith.extui %sign3A_622 : i1 to i32
      %sign3A_624 = arith.subi %sign3A_620, %sign3A_623 : i32
      %sign3A_625 = arith.constant 0 : i32
      %sign3A_626 = arith.cmpi sgt, %jit3A_616, %sign3A_625 : i32
      %sign3A_627 = arith.extui %sign3A_626 : i1 to i32
      %sign3A_628 = arith.constant 0 : i32
      %sign3A_629 = arith.cmpi slt, %jit3A_616, %sign3A_628 : i32
      %sign3A_630 = arith.extui %sign3A_629 : i1 to i32
      %sign3A_631 = arith.subi %sign3A_627, %sign3A_630 : i32
      %ne3A_632 = arith.cmpi ne, %sign3A_624, %sign3A_631 : i32
      %rem3A_633 = arith.remsi %add3A_458, %jit3A_616 : i32
      %ne3A_634 = arith.constant 0 : i32
      %ne3A_635 = arith.cmpi ne, %rem3A_633, %ne3A_634 : i32
      %and3A_636 = arith.andi %ne3A_632, %ne3A_635 : i1
      %sub3A_637 = arith.constant 1 : i32
      %sub3A_638 = arith.subi %div3A_617, %sub3A_637 : i32
      %select_n3A_639 = arith.select %and3A_636, %sub3A_638, %div3A_617 : i32
      %jit3A_640 = arith.constant 2 : i32
      %eq3A_641 = arith.constant 0 : i32
      %eq3A_642 = arith.cmpi eq, %jit3A_640, %eq3A_641 : i32
      %jit3A_643 = arith.constant 1 : i32
      %select_n3A_644 = arith.select %eq3A_642, %jit3A_643, %jit3A_640 : i32
      %rem3A_645 = arith.remsi %add3A_458, %select_n3A_644 : i32
      %ne3A_646 = arith.constant 0 : i32
      %ne3A_647 = arith.cmpi ne, %rem3A_645, %ne3A_646 : i32
      %lt3A_648 = arith.constant 0 : i32
      %lt3A_649 = arith.cmpi slt, %rem3A_645, %lt3A_648 : i32
      %lt3A_650 = arith.constant 0 : i32
      %lt3A_651 = arith.cmpi slt, %select_n3A_644, %lt3A_650 : i32
      %ne3A_652 = arith.xori %lt3A_649, %lt3A_651 : i1
      %and3A_653 = arith.andi %ne3A_652, %ne3A_647 : i1
      %add3A_654 = arith.addi %rem3A_645, %select_n3A_644 : i32
      %select_n3A_655 = arith.select %and3A_653, %add3A_654, %rem3A_645 : i32
      %mul3A_656 = arith.constant 2 : i32
      %mul3A_657 = arith.muli %select_n3A_655, %mul3A_656 : i32
      %add3A_658 = arith.addi %mul3A_4, %mul3A_657 : i32
      %dma_start3A_659 = arith.constant 0 : i32
      %dma_start3A_660 = arith.constant 0 : i32
      %dma_start3A_661 = tpu.memref_slice %arg4[%select_n3A_639, %dma_start3A_659, %add3A_658, %dma_start3A_660] : memref<50x8x128x1024xf32, #tpu.memory_space<hbm>> -> memref<1x8x2x1024xf32, #tpu.memory_space<hbm>>
      %dma_start3A_662 = tpu.memref_squeeze %dma_start3A_661 : memref<1x8x2x1024xf32, #tpu.memory_space<hbm>> -> memref<8x2x1024xf32, #tpu.memory_space<hbm>>
      %dma_start3A_663 = arith.constant 0 : i32
      %dma_start3A_664 = arith.constant 0 : i32
      %dma_start3A_665 = tpu.memref_slice %arg4[%select_n3A_639, %dma_start3A_663, %add3A_658, %dma_start3A_664] : memref<50x8x128x1024xf32, #tpu.memory_space<hbm>> -> memref<1x8x2x1024xf32, #tpu.memory_space<hbm>>
      %dma_start3A_666 = tpu.memref_squeeze %dma_start3A_665 : memref<1x8x2x1024xf32, #tpu.memory_space<hbm>> -> memref<8x2x1024xf32, #tpu.memory_space<hbm>>
      tpu.enqueue_dma source(%arg9 : memref<8x2x1024xf32, #tpu.memory_space<vmem>>) target(%dma_start3A_666 : memref<8x2x1024xf32, #tpu.memory_space<hbm>>) target_semaphore(%arg13 : memref<!tpu.dma_semaphore, #tpu.memory_space<semaphore_mem>>)
    }
    %scan3A_205 = arith.constant 49 : i32
    %dma_wait3A_206 = arith.constant 49 : i32
    %dma_wait3A_207 = arith.constant 256 : i32
    %dma_wait3A_208 = tpu.memref_slice %arg5[%dma_wait3A_206, %dma_wait3A_207] : memref<50x512xi32, #tpu.memory_space<vmem>> -> memref<1x256xi32, #tpu.memory_space<vmem>>
    %dma_wait3A_209 = tpu.memref_squeeze %dma_wait3A_208 : memref<1x256xi32, #tpu.memory_space<vmem>> -> memref<256xi32, #tpu.memory_space<vmem>>
    %dma_wait3A_210 = arith.constant 0 : i32
    %dma_wait3A_211 = arith.constant 0 : i32
    %dma_wait3A_212 = tpu.memref_slice %arg2[%dma_wait3A_210, %dma_wait3A_211] : memref<1000000x64xf32, #tpu.memory_space<hbm>> -> memref<1000000x64xf32, #tpu.memory_space<hbm>>
    tpu.wait_indirect_dma semaphore(%arg10 : memref<!tpu.dma_semaphore, #tpu.memory_space<semaphore_mem>>) src(%dma_wait3A_212 : memref<1000000x64xf32, #tpu.memory_space<hbm>>) dst(%arg6 : memref<256x64xf32, #tpu.memory_space<vmem>>)
    %dma_wait3A_213 = arith.constant 49 : i32
    %dma_wait3A_214 = arith.constant 256 : i32
    %dma_wait3A_215 = tpu.memref_slice %arg5[%dma_wait3A_213, %dma_wait3A_214] : memref<50x512xi32, #tpu.memory_space<vmem>> -> memref<1x256xi32, #tpu.memory_space<vmem>>
    %dma_wait3A_216 = tpu.memref_squeeze %dma_wait3A_215 : memref<1x256xi32, #tpu.memory_space<vmem>> -> memref<256xi32, #tpu.memory_space<vmem>>
    %dma_wait3A_217 = arith.constant 0 : i32
    %dma_wait3A_218 = arith.constant 0 : i32
    %dma_wait3A_219 = tpu.memref_slice %arg2[%dma_wait3A_217, %dma_wait3A_218] : memref<1000000x64xf32, #tpu.memory_space<hbm>> -> memref<1000000x64xf32, #tpu.memory_space<hbm>>
    tpu.wait_indirect_dma semaphore(%arg11 : memref<!tpu.dma_semaphore, #tpu.memory_space<semaphore_mem>>) src(%dma_wait3A_219 : memref<1000000x64xf32, #tpu.memory_space<hbm>>) dst(%arg7 : memref<256x64xf32, #tpu.memory_space<vmem>>)
    %add3A_220 = arith.constant 0 : i32
    %add3A_221 = arith.addi %mul3A_4, %add3A_220 : i32
    %dma_wait3A_222 = arith.constant 49 : i32
    %dma_wait3A_223 = arith.constant 0 : i32
    %dma_wait3A_224 = arith.constant 0 : i32
    %dma_wait3A_225 = tpu.memref_slice %arg4[%dma_wait3A_222, %dma_wait3A_223, %add3A_221, %dma_wait3A_224] : memref<50x8x128x1024xf32, #tpu.memory_space<hbm>> -> memref<1x8x2x1024xf32, #tpu.memory_space<hbm>>
    %dma_wait3A_226 = tpu.memref_squeeze %dma_wait3A_225 : memref<1x8x2x1024xf32, #tpu.memory_space<hbm>> -> memref<8x2x1024xf32, #tpu.memory_space<hbm>>
    %dma_wait3A_227 = arith.constant 0 : i32
    %dma_wait3A_228 = arith.constant 0 : i32
    %dma_wait3A_229 = tpu.memref_slice %arg4[%dma_wait3A_222, %dma_wait3A_227, %add3A_221, %dma_wait3A_228] : memref<50x8x128x1024xf32, #tpu.memory_space<hbm>> -> memref<1x8x2x1024xf32, #tpu.memory_space<hbm>>
    %dma_wait3A_230 = tpu.memref_squeeze %dma_wait3A_229 : memref<1x8x2x1024xf32, #tpu.memory_space<hbm>> -> memref<8x2x1024xf32, #tpu.memory_space<hbm>>
    tpu.wait_dma2 semaphore(%arg12 : memref<!tpu.dma_semaphore, #tpu.memory_space<semaphore_mem>>) src(%arg8 : memref<8x2x1024xf32, #tpu.memory_space<vmem>>) dst(%dma_wait3A_230 : memref<8x2x1024xf32, #tpu.memory_space<hbm>>)
    %add3A_231 = arith.constant 2 : i32
    %add3A_232 = arith.addi %mul3A_4, %add3A_231 : i32
    %dma_wait3A_233 = arith.constant 49 : i32
    %dma_wait3A_234 = arith.constant 0 : i32
    %dma_wait3A_235 = arith.constant 0 : i32
    %dma_wait3A_236 = tpu.memref_slice %arg4[%dma_wait3A_233, %dma_wait3A_234, %add3A_232, %dma_wait3A_235] : memref<50x8x128x1024xf32, #tpu.memory_space<hbm>> -> memref<1x8x2x1024xf32, #tpu.memory_space<hbm>>
    %dma_wait3A_237 = tpu.memref_squeeze %dma_wait3A_236 : memref<1x8x2x1024xf32, #tpu.memory_space<hbm>> -> memref<8x2x1024xf32, #tpu.memory_space<hbm>>
    %dma_wait3A_238 = arith.constant 0 : i32
    %dma_wait3A_239 = arith.constant 0 : i32
    %dma_wait3A_240 = tpu.memref_slice %arg4[%dma_wait3A_233, %dma_wait3A_238, %add3A_232, %dma_wait3A_239] : memref<50x8x128x1024xf32, #tpu.memory_space<hbm>> -> memref<1x8x2x1024xf32, #tpu.memory_space<hbm>>
    %dma_wait3A_241 = tpu.memref_squeeze %dma_wait3A_240 : memref<1x8x2x1024xf32, #tpu.memory_space<hbm>> -> memref<8x2x1024xf32, #tpu.memory_space<hbm>>
    tpu.wait_dma2 semaphore(%arg13 : memref<!tpu.dma_semaphore, #tpu.memory_space<semaphore_mem>>) src(%arg9 : memref<8x2x1024xf32, #tpu.memory_space<vmem>>) dst(%dma_wait3A_241 : memref<8x2x1024xf32, #tpu.memory_space<hbm>>)
    return
  }
}

</mosaic_0001>

<sc_bundles>
// kernel: kernel.3.cloned.1.call-start
scs
__scs_entry_jumppad:
0x0: {  	(pc) =	sbr.rel $0x88, $3  }
0x1: {  	(tag) =	ssettag $0x0;
	lr =	simm.s32 $0x1  }
0x2: {  	[smem:$0x3F9F] =	sst lr;
	_ =	strace $0xD0000000  }
0x3: {  	_ = 	snop  }
0x4: {  	_ = 	snop  }
0x5: {  	_ = 	snop  }
0x6: {  	_ = 	snop  }
0x7: {  	_ = 	snop  }
__scs_overlays_trampoline_lowered:
0x8: {  	[smem:$0x3FAE] =	sst s0  }
0x9: {  	[smem:$0x3FAF] =	sst s1  }
0xa: {  	[smem:$0x3FB0] =	sst s2  }
0xb: {  	[smem:$0x3FB1] =	sst s3  }
0xc: {  	[smem:$0x3FB2] =	sst s4  }
0xd: {  	[smem:$0x3FB3] =	sst s5  }
0xe: {  	[smem:$0x3FB4] =	sst s6  }
0xf: {  	[smem:$0x3FB5] =	sst s7  }
0x10: {  	[smem:$0x3FB6] =	sst s8  }
0x11: {  	[smem:$0x3FB7] =	sst s9;
	s0 =	simm.s32 @!p0 $0x0  }
0x12: {  	s1 =	sld [smem:$0x3F9D];
	s0 =	simm.s32 @p0 $0x1  }
0x13: {  	[smem:$0x3FB8] =	sst s0;
	s0 =	simm.s32 @!p1 $0x0  }
0x14: {  	s2 =	sld [smem:$0x3F9C];
	s0 =	simm.s32 @p1 $0x1  }
0x15: {  	[smem:$0x3FB9] =	sst s0;
	s0 =	simm.s32 @!p2 $0x0  }
0x16: {  	s3 =	sld [smem:$0x3FDB];
	s0 =	simm.s32 @p2 $0x1  }
0x17: {  	s4 =	simm.s32 $0x1BF5;
	[smem:$0x3FBB] =	sst s0  }
0x18: {  	s0 =	sld [smem:$0x3F9E];
	_ =	swait.ge [sflag:s4], $0x0  }
0x19: {  	s7 =	sld [smem:$0x3F9F]  }
0x1a: {  	s8 =	sadd.s32 $0xFFFFE003, lr  }
0x1b: {  	s9 =	sadd.s32 $0xFFFFFEF7, lr;
	s5 =	simm.s32 $0xFFFFFFFF;
	p2 =	slt.u32 s8, $0xFFFFF086  }
0x1c: {  	p1 =	slt.u32 s9, $0xF7A;
	s5 =	simm.s32 @!p2 $0x0  }
0x1d: {  	s5 =	simm.s32 @p1 $0x1;
	p0 =	seq.s32 s7, s2  }
0x1e: {  	s7 =	smul.u32 @!p0 $0xF7A, s2;
	p2 =	seq.s32 @!p0 s5, $0x0  }
0x1f: {  	s9 =	smul.u32 $0xF7A, s1;
	s8 =	simm.s32 @!p0 $0x1BF5;
	p2 =	por !p2, p0  }
0x20: {  	[sflag:s8] =	ssyncset.s32 @!p0 $0xFFFFF086;
	s6 =	sadd.s32 @!p0 s3, s7;
	s7 =	simm.s32 @!p0 $0x108  }
0x21: {  	s3 =	sadd.s32 s3, s9;
	s6 =	sadd.s32 @!p0 $0x88, s6;
	s7 =	simm.s32 @p2 $0x1082  }
0x22: {  	[simem:s7], [sflag:s8] =	dma.local @!p0 [hbm:s6], $0xF7A  }
0x23: {  	s9 =	sor.u32 $0xD0000000, s2;
	s6 =	simm.s32 $0x108;
	_ =	swait.ge @!p0 [sflag:s8], $0x0  }
0x24: {  	s3 =	sadd.s32 $0x88, s3;
	s6 =	simm.s32 @!p1 $0x1082;
	[sflag:s4] =	ssyncset.s32 $0xFFFFF086  }
0x25: {  	[simem:s6], [sflag:s4] =	dma.local [hbm:s3], $0xF7A  }
0x26: {  	[smem:$0x3F9F] =	sst s1;
	(tag) =	ssettag s2;
	_ =	strace s9  }
0x27: {  	s1 =	sld [smem:$0x3FAF]  }
0x28: {  	s2 =	sld [smem:$0x3FB0]  }
0x29: {  	s4 =	sld [smem:$0x3FB2]  }
0x2a: {  	p0 =	seq.s32 s5, $0x0;
	s5 =	sld [smem:$0x3FB3]  }
0x2b: {  	s6 =	sld [smem:$0x3FB4]  }
0x2c: {  	s7 =	sld [smem:$0x3FB5]  }
0x2d: {  	s3 =	simm.s32 $0x108;
	s8 =	sld [smem:$0x3FB6]  }
0x2e: {  	s3 =	simm.s32 @!p0 $0x1082;
	s9 =	sld [smem:$0x3FB7]  }
0x2f: {  	lr =	sadd.s32 s0, s3;
	s0 =	sld [smem:$0x3FAE]  }
0x30: {  	s3 =	sld [smem:$0x3FB1]  }
0x31: {  	[smem:$0x3FBA] =	sst s10  }
0x32: {  	s10 =	sld [smem:$0x3FB8];
	_ =	sdelay $0x3  }
0x33: {  	p0 =	seq.s32 s10, $0x1;
	s10 =	sld [smem:$0x3FBA];
	_ =	sdelay $0x3  }
0x34: {  	[smem:$0x3FBA] =	sst s10  }
0x35: {  	s10 =	sld [smem:$0x3FB9];
	_ =	sdelay $0x3  }
0x36: {  	p1 =	seq.s32 s10, $0x1;
	s10 =	sld [smem:$0x3FBA];
	_ =	sdelay $0x3  }
0x37: {  	[smem:$0x3FBA] =	sst s10  }
0x38: {  	s10 =	sld [smem:$0x3FBB]  }
0x39: {  	_ = 	snop;
	(pc) =	sbr.ind lr, $3  }
0x3a: {  	_ = 	snop  }
0x3b: {  	_ = 	snop  }
0x3c: {  	p2 =	seq.s32 s10, $0x1;
	s10 =	sld [smem:$0x3FBA]  }
0x3d: {  	_ =	shalt  }
0x3e: {  	_ =	shalt  }
0x3f: {  	_ =	shalt  }
0x40: {  	_ =	shalt  }
0x41: {  	_ =	shalt  }
0x42: {  	_ =	shalt  }
0x43: {  	_ =	shalt  }
0x44: {  	_ =	shalt  }
0x45: {  	_ =	shalt  }
0x46: {  	_ =	shalt  }
0x47: {  	_ =	shalt  }
0x48: {  	_ =	shalt  }
0x49: {  	_ =	shalt  }
0x4a: {  	_ =	shalt  }
0x4b: {  	_ =	shalt  }
0x4c: {  	_ =	shalt  }
0x4d: {  	_ =	shalt  }
0x4e: {  	_ =	shalt  }
0x4f: {  	_ =	shalt  }
0x50: {  	_ =	shalt  }
0x51: {  	_ =	shalt  }
0x52: {  	_ =	shalt  }
0x53: {  	_ =	shalt  }
0x54: {  	_ =	shalt  }
0x55: {  	_ =	shalt  }
0x56: {  	_ =	shalt  }
0x57: {  	_ =	shalt  }
0x58: {  	_ =	shalt  }
0x59: {  	_ =	shalt  }
0x5a: {  	_ =	shalt  }
0x5b: {  	_ =	shalt  }
0x5c: {  	_ =	shalt  }
0x5d: {  	_ =	shalt  }
0x5e: {  	_ =	shalt  }
0x5f: {  	_ =	shalt  }
0x60: {  	_ =	shalt  }
0x61: {  	_ =	shalt  }
0x62: {  	_ =	shalt  }
0x63: {  	_ =	shalt  }
0x64: {  	_ =	shalt  }
0x65: {  	_ =	shalt  }
0x66: {  	_ =	shalt  }
0x67: {  	_ =	shalt  }
0x68: {  	_ =	shalt  }
0x69: {  	_ =	shalt  }
0x6a: {  	_ =	shalt  }
0x6b: {  	_ =	shalt  }
0x6c: {  	_ =	shalt  }
0x6d: {  	_ =	shalt  }
0x6e: {  	_ =	shalt  }
0x6f: {  	_ =	shalt  }
0x70: {  	_ =	shalt  }
0x71: {  	_ =	shalt  }
0x72: {  	_ =	shalt  }
0x73: {  	_ =	shalt  }
0x74: {  	_ =	shalt  }
0x75: {  	_ =	shalt  }
0x76: {  	_ =	shalt  }
0x77: {  	_ =	shalt  }
0x78: {  	_ =	shalt  }
0x79: {  	_ =	shalt  }
0x7a: {  	_ =	shalt  }
0x7b: {  	_ =	shalt  }
0x7c: {  	_ =	shalt  }
0x7d: {  	_ =	shalt  }
0x7e: {  	_ =	shalt  }
0x7f: {  	_ =	shalt  }
0x80: {  	_ =	shalt  }
0x81: {  	_ =	shalt  }
0x82: {  	_ =	shalt  }
0x83: {  	_ =	shalt  }
0x84: {  	_ =	shalt  }
0x85: {  	_ =	shalt  }
0x86: {  	_ =	shalt  }
0x87: {  	_ =	shalt  }
.Lfunc_end0:
.L_simem_size_0:
called_computation_lowered:
.L_overlay_start_0:
0x88: {  	s2 =	sld [smem:$0x3FD9]  }
0x89: {  	s3 =	sld [smem:$0x3FFE];
	_ =	sdelay $0x1  }
0x8a: {  	s1 =	srdreg.scid  }
0x8b: {  	s0 =	sand.u32 $0x1, s1  }
0x8c: {  	s17 =	sshll.u32 s0, $0xA;
	s2 =	sadd.s32 s3, s2  }
0x8d: {  	s2 =	sadd.s32 s2, s17  }
0x8e: {  	[smem:$0x3FC6] =	sst s2  }
0x8f: {  	_ = 	snop  }
0x90: {  	s2 =	sld [smem:$0x3FD0];
	(tm) =	ssettm $0x1  }
0x91: {  	s18 =	sld [smem:$0x3FFB];
	_ =	sdelay $0x3  }
0x92: {  	_ =	strace s18  }
0x93: {  	s3 =	sld [smem:$0x3FFC];
	_ =	sdelay $0x3  }
0x94: {  	_ =	strace s3  }
0x95: {  	s3 =	sld [smem:$0x3FFD];
	_ =	sdelay $0x3  }
0x96: {  	_ =	strace s3  }
0x97: {  	_ =	strace $0x8FFFFFFF  }
0x98: {  	s19 =	sld [smem:$0x3FDB];
	_ =	sdelay $0x1  }
0x99: {  	s4 =	simm.s32 $_scs_section_size  }
0x9a: {  	s5 =	simm.s32 $_size__tile_overlayer_lowered;
	s6 =	simm.s32 $_tile_overlayer_lowered  }
0x9b: {  	s22 =	simm.s32 $0x1BFF;
	s21 =	sshll.u32 s6, $0x1;
	s3 =	sadd.s32 s4, s19  }
0x9c: {  	s7 =	simm.s32 $0x0;
	s20 =	sshll.u32 s5, $0x1;
	s5 =	sadd.s32 s21, s3  }
0x9d: {  	[timem:s7], [sflag:s22] =	dma.local [hbm:s5], s20  }
0x9e: {  	_ =	swait.ge [sflag:s22], s20  }
0x9f: {  	s4 =	ssub.s32 $0x0, s20;
	[sflag:s22] =	ssyncset.done $0x0  }
0xa0: {  	[sflag:s22] =	ssyncadd.s32 s4;
	_ =	sdelay $0x1  }
0xa1: {  	s23 =	simm.s32 $0x1B8B  }
0xa2: {  	_ =	swait.ge [sflag:s23], $0x1  }
0xa3: {  	[sflag:s23] =	ssyncset.done $0x0  }
0xa4: {  	s25 =	simm.s32 $0x1B8E;
	s24 =	sld [smem:$0x3FFE];
	[sflag:s23] =	ssyncadd.s32 $0xFFFFFFFF  }
0xa5: {  	s26 =	simm.s32 $execute0_lowered;
	[smem:$0x3FD2] =	sst s25  }
0xa6: {  	s5 =	sshll.u32 s26, $0x1;
	_ =	strace $0x80000046;
	[dreg:$0x1] =	wrdreg $0xFFFFFFFF  }
0xa7: {  	s28 =	simm.s32 $_size_execute0_lowered;
	s3 =	sadd.s32 s3, s5;
	[dreg:$0x0] =	wrdreg $0x0  }
0xa8: {  	s5 =	sshll.u32 s28, $0x1;
	[dreg:$0x2] =	wrdreg s3  }
0xa9: {  	[dreg:$0x3] =	wrdreg s5  }
0xaa: {  	[dreg:$0x4] =	wrdreg $0xC0  }
0xab: {  	_ =	task [dreg:s7], $0x5FFFF  }
0xac: {  	[dreg:$0x1] =	wrdreg $0xFFFFFFFF  }
0xad: {  	[dreg:$0x0] =	wrdreg $0x60  }
0xae: {  	[dreg:$0x2] =	wrdreg s24  }
0xaf: {  	[dreg:$0x3] =	wrdreg s2  }
0xb0: {  	[dreg:$0x4] =	wrdreg $0x9  }
0xb1: {  	_ =	task.clear_ibuf [dreg:s7], $0x5FFFF;
	_ =	strace $0x90000046  }
0xb2: {  	s29 =	simm.s32 $0x9;
	_ =	strace $0x80000048  }
0xb3: {  	_ =	swait.ge [sflag:s29], $0x1  }
0xb4: {  	[sflag:s29] =	ssyncadd.s32 $0xFFFFFFFF  }
0xb5: {  	_ =	strace $0x90000048  }
0xb6: {  	_ =	sfence  }
0xb7: {  	s30 =	sld [smem:$0x0];
	_ =	sdelay $0x2  }
0xb8: {  	s31 =	sshll.u32 s1, $0xD;
	s1 =	sshrl.u32 s1, $0x2  }
0xb9: {  	s3 =	sand.u32 $0x4000, s31;
	s1 =	sadd.s32 s1, s30  }
0xba: {  	s0 =	sor.u32 s3, s0;
	s1 =	sshll.u32 s1, $0x11  }
0xbb: {  	s0 =	sor.u32 s1, s0  }
0xbc: {  	s0 =	sadd.s32 $0x8F2B, s0  }
0xbd: {  	[sflag:s0] =	ssyncadd.remote.s32 $0x1  }
0xbe: {  	_ =	sfence.sel $0xFFFF  }
0xbf: {  	[dreg:$0x0] =	wrdreg $0xFFFFFFFF;
	(pc) =	sbr.abs _section_cstart, $3  }
0xc0: {  	[dreg:$0x1] =	wrdreg $0xFFFFFFFF  }
0xc1: {  	_ =	task.clear_ibuf [dreg:s7], $0x2FFFF;
	_ =	strace $0x9FFFFFFF  }
0xc2: {  	(tm) =	ssettm $0x7FFFFFFF  }
0xc3: {  	_ =	shalt  }
tec
execute0_lowered:
.L_overlay_start_1:
0x0: {  	(tag) =	ssettag $0x1  }
0x1: {  	v0 =	vlaneseq.u32  }
0x2: {  	v38 =	vmul.u32 $0x40, v0;
	_ =	sdelay $0x1  }
0x3: {  	v0 =	vor.u32 $0x400, v38  }
0x4: {  	[tilespmem:$0x1FC00] =	vst v0;
	v0 =	vor.u32 $0xC00, v38  }
0x5: {  	[tilespmem:$0x1FC10] =	vst v0;
	v0 =	vor.u32 $0x1802, v38  }
0x6: {  	[tilespmem:$0x1FC20] =	vst v0;
	v0 =	vor.u32 $0x1C02, v38  }
0x7: {  	[tilespmem:$0x1FC30] =	vst v0;
	v0 =	vor.u32 $0x803, v38  }
0x8: {  	[tilespmem:$0x1FC40] =	vst v0;
	v0 =	vor.u32 $0x1003, v38  }
0x9: {  	s4 =	rddreg [dreg:$0x0];
	[tilespmem:$0x1FC50] =	vst v0;
	v0 =	vor.u32 $0x1C03, v38  }
0xa: {  	s5 =	rddreg [dreg:$0x1];
	s2 =	simm.s32 $0x0;
	[tilespmem:$0x1FC60] =	vst v0;
	v0 =	vor.u32 $0x4, v38  }
0xb: {  	[smem:$0x7FF] =	sst s2;
	[tilespmem:$0x1FC70] =	vst v0;
	v0 =	vor.u32 $0x1404, v38  }
0xc: {  	s0 =	rddreg [dreg:$0x2];
	v22 =	vor.u32 $0x800, v38;
	_ =	strace $0x80000047;
	[tilespmem:$0x1FC80] =	vst v0  }
0xd: {  	v31 =	vor.u32 $0x1000, v38;
	[tilespmem:$0x1FCF0] =	vst v22  }
0xe: {  	v26 =	vor.u32 $0x1800, v38;
	[tilespmem:$0x1FD00] =	vst v31  }
0xf: {  	v3 =	vor.u32 $0x1, v38;
	[tilespmem:$0x1FD10] =	vst v26  }
0x10: {  	v51 =	vor.u32 $0x401, v38;
	[tilespmem:$0x1FD20] =	vst v3  }
0x11: {  	v60 =	vor.u32 $0x801, v38;
	[tilespmem:$0x1FD30] =	vst v51  }
0x12: {  	v32 =	vor.u32 $0xC01, v38;
	[tilespmem:$0x1FD40] =	vst v60  }
0x13: {  	v20 =	vor.u32 $0x1001, v38;
	[tilespmem:$0x1FD50] =	vst v32  }
0x14: {  	v23 =	vor.u32 $0x1801, v38;
	[tilespmem:$0x1FD60] =	vst v20  }
0x15: {  	v53 =	vor.u32 $0x2, v38;
	[tilespmem:$0x1FD70] =	vst v23  }
0x16: {  	v28 =	vor.u32 $0x402, v38;
	[tilespmem:$0x1FD80] =	vst v53  }
0x17: {  	v14 =	vor.u32 $0x802, v38;
	[tilespmem:$0x1FD90] =	vst v28  }
0x18: {  	v29 =	vor.u32 $0xC02, v38;
	[tilespmem:$0x1FDA0] =	vst v14  }
0x19: {  	v33 =	vor.u32 $0x1002, v38;
	[tilespmem:$0x1FDB0] =	vst v29  }
0x1a: {  	[tilespmem:$0x1FDC0] =	vst v33  }
0x1b: {  	v42 =	vor.u32 $0x3, v38;
	[tilespmem:$0x1FDD0] =	vst v38  }
0x1c: {  	v63 =	vor.u32 $0x403, v38;
	[tilespmem:$0x1FDE0] =	vst v42  }
0x1d: {  	v43 =	vor.u32 $0xC03, v38;
	[tilespmem:$0x1FDF0] =	vst v63  }
0x1e: {  	v37 =	vor.u32 $0x1403, v38;
	[tilespmem:$0x1FE00] =	vst v43  }
0x1f: {  	v36 =	vor.u32 $0x1803, v38;
	[tilespmem:$0x1FE10] =	vst v37  }
0x20: {  	v13 =	vor.u32 $0x404, v38;
	[tilespmem:$0x1FE20] =	vst v36  }
0x21: {  	v48 =	vor.u32 $0x804, v38;
	[tilespmem:$0x1FE30] =	vst v13  }
0x22: {  	v19 =	vor.u32 $0xC04, v38;
	[tilespmem:$0x1FE40] =	vst v48  }
0x23: {  	v35 =	vor.u32 $0x1004, v38;
	[tilespmem:$0x1FE50] =	vst v19  }
0x24: {  	v40 =	vor.u32 $0x1C00, v38;
	[tilespmem:$0x1FE60] =	vst v35  }
0x25: {  	v54 =	vor.u32 $0x5, v38;
	[tilespmem:$0x1FE70] =	vst v40  }
0x26: {  	v62 =	vor.u32 $0x405, v38;
	[tilespmem:$0x1FE80] =	vst v54  }
0x27: {  	v57 =	vor.u32 $0x805, v38;
	[tilespmem:$0x1FE90] =	vst v62  }
0x28: {  	v45 =	vor.u32 $0xC05, v38;
	[tilespmem:$0x1FEA0] =	vst v57  }
0x29: {  	v50 =	vor.u32 $0x1005, v38;
	[tilespmem:$0x1FEB0] =	vst v45  }
0x2a: {  	v24 =	vor.u32 $0x1405, v38;
	[tilespmem:$0x1FEC0] =	vst v50  }
0x2b: {  	v56 =	vor.u32 $0x1805, v38;
	[tilespmem:$0x1FED0] =	vst v24  }
0x2c: {  	v49 =	vor.u32 $0x6, v38;
	[tilespmem:$0x1FEE0] =	vst v56  }
0x2d: {  	v25 =	vor.u32 $0x406, v38;
	[tilespmem:$0x1FEF0] =	vst v49  }
0x2e: {  	v58 =	vor.u32 $0x806, v38;
	[tilespmem:$0x1FF00] =	vst v25  }
0x2f: {  	v59 =	vor.u32 $0xC06, v38;
	[tilespmem:$0x1FF10] =	vst v58  }
0x30: {  	v34 =	vor.u32 $0x1406, v38;
	[tilespmem:$0x1FF20] =	vst v59  }
0x31: {  	v61 =	vor.u32 $0x7, v38;
	[tilespmem:$0x1FF30] =	vst v34  }
0x32: {  	v30 =	vor.u32 $0x407, v38;
	[tilespmem:$0x1FF40] =	vst v61  }
0x33: {  	v55 =	vor.u32 $0x807, v38;
	[tilespmem:$0x1FF50] =	vst v30  }
0x34: {  	v46 =	vor.u32 $0xC07, v38;
	[tilespmem:$0x1FF60] =	vst v55  }
0x35: {  	v1 =	vor.u32 $0x1C07, v38;
	[tilespmem:$0x1FF70] =	vst v46  }
0x36: {  	v21 =	vor.u32 $0x1007, v38;
	[tilespmem:$0x1FF90] =	vst v1  }
0x37: {  	v2 =	vor.u32 $0x1C01, v38;
	[tilespmem:$0x1FFA0] =	vst v21  }
0x38: {  	v27 =	vor.u32 $0x1C06, v38;
	[tilespmem:$0x1FFB0] =	vst v2  }
0x39: {  	s3 =	srdreg.scid;
	s1 =	stileid.u32;
	v39 =	vor.u32 $0x1400, v38;
	[tilespmem:$0x1FFC0] =	vst v27  }
0x3a: {  	s9 =	simm.s32 $0x4000;
	s10 =	simm.s32 $0x5;
	s11 =	simm.s32 $0x100;
	v41 =	vor.u32 $0x1401, v38;
	[tilespmem:$0x1FFD0] =	vst v39  }
0x3b: {  	s12 =	simm.s32 $0x6400;
	s13 =	simm.s32 $0xA400;
	s14 =	simm.s32 $0x1;
	v4 =	vor.u32 $0x1402, v38;
	[tilespmem:$0x1FFE0] =	vst v41  }
0x3c: {  	s15 =	simm.s32 $0x800;
	s16 =	simm.s32 $0x20000;
	s17 =	simm.s32 $0xE400;
	v0 =	vor.u32 $0x1804, v38;
	[tilespmem:$0x1FFF0] =	vst v4  }
0x3d: {  	s18 =	simm.s32 $0x2;
	s19 =	simm.s32 $0x300;
	s20 =	simm.s32 $0x12400;
	[tilespmem:$0x1FC90] =	vst v0;
	v0 =	vor.u32 $0x1C04, v38  }
0x3e: {  	s21 =	simm.s32 $0x3;
	s6 =	sand.u32 $0x1, s3;
	s30 =	sshll.u32 s1, $0x1;
	[tilespmem:$0x1FCA0] =	vst v0;
	v0 =	vor.u32 $0x1C05, v38  }
0x3f: {  	s22 =	simm.s32 $0x4;
	s23 =	simm.s32 $0x0;
	s7 =	sor.u32 s6, s30;
	[tilespmem:$0x1FCB0] =	vst v0;
	v0 =	vor.u32 $0x1006, v38  }
0x40: {  	s3 =	sadd.s32 $0xF42A00, s4;
	s6 =	ssub.s32 $0x2, s6;
	s8 =	sshll.u32 s7, $0x6;
	[tilespmem:$0x1FCC0] =	vst v0;
	v0 =	vor.u32 $0x1806, v38  }
0x41: {  	s31 =	sshrl.u32 s6, $0x1;
	s7 =	sshll.u32 s7, $0x9;
	s4 =	sadd.s32 s8, s4;
	[tilespmem:$0x1FCD0] =	vst v0;
	v0 =	vor.u32 $0x1407, v38  }
0x42: {  	s8 =	ssub.s32 s6, s31;
	s5 =	sadd.s32 s5, s7;
	s4 =	sadd.s32 $0x600, s4;
	[tilespmem:$0x1FCE0] =	vst v0;
	v0 =	vor.u32 $0x1807, v38  }
0x43: {  	s6 =	sadd.s32 $0x100, s5;
	s7 =	smax.u32 s8, $0x1;
	s8 =	simm.s32 $0x200;
	[tilespmem:$0x1FF80] =	vst v0  }
.LBB2_1:
0x44: {  	s24 =	simm.s32 $0x0  }
0x45: {  	[tilespmem:s2], [sflag:$0x5] =	stream.strided.gather [hbm4b:s4+s8], $0x6400, s9, s8, $0x38;
	v0 =	vmov s24;
	[tilespmem:$0x16400] =	vst v63  }
0x46: {  	_ =	swait.ge [sflag:s10], $0x6400;
	v0 =	vshrl.u32 v0, $0x3  }
0x47: {  	[sflag:s10] =	ssyncset.done $0x0;
	v0 =	vshll.u32 v0, $0x3  }
0x48: {  	[sflag:s10] =	ssyncadd.s32 $0xFFFF9C00;
	v1 =	vbroadcast v0, $0x0  }
0x49: {  	[tilespmem:s12], [sflag:$0x1] =	stream.indirect.gather [hbm4b:s3+s11], $0x40, s2, s11, $0xb8;
	[tilespmem:$0x16400] =	vst v63  }
0x4a: {  	v0 =	vor.u32 v38, v1  }
0x4b: {  	v44 =	vmov v3;
	[tilespmem:s13], [sflag:$0x2] =	stream.indirect.gather [hbm4b:s3+s11], $0x40, s11, s11, $0xb8;
	v2 =	vor.u32 v3, v1;
	v3 =	vor.u32 v49, v1;
	[tilespmem:$0x16400] =	vst v63  }
0x4c: {  	v5 =	vor.u32 v42, v1;
	_ =	swait.ge [sflag:s14], $0x4000  }
0x4d: {  	v4 =	vor.u32 v53, v1;
	[sflag:s14] =	ssyncset.done $0x0  }
0x4e: {  	v16 =	vld [tilespmem:$0x1FC70];
	[sflag:s14] =	ssyncadd.s32 $0xFFFFC000  }
0x4f: {  	v0 =	vld.idx.msk [tilespmem:v0+s12+$0x0], $0xffff  }
0x50: {  	v3 =	vld.idx.msk [tilespmem:v3+s12+$0x0], $0xffff  }
0x51: {  	v6 =	vor.u32 v54, v1;
	v5 =	vld.idx.msk [tilespmem:v5+s12+$0x0], $0xffff  }
0x52: {  	v9 =	vor.u32 v61, v1;
	v4 =	vld.idx.msk [tilespmem:v4+s12+$0x0], $0xffff  }
0x53: {  	s25 =	simm.s32 $0xE600;
	v17 =	vld [tilespmem:$0x1FC00]  }
0x54: {  	v7 =	vor.u32 v16, v1;
	[tilespmem:s25+$0xFFFFFE00] =	vst v0  }
0x55: {  	v10 =	vor.u32 v25, v1;
	v2 =	vld.idx.msk [tilespmem:v2+s12+$0x0], $0xffff;
	[tilespmem:s25+$0x100] =	vst v3  }
0x56: {  	v11 =	vor.u32 v63, v1;
	v6 =	vld.idx.msk [tilespmem:v6+s12+$0x0], $0xffff;
	[tilespmem:s25+$0xFFFFFF80] =	vst v5  }
0x57: {  	v12 =	vor.u32 v28, v1;
	v9 =	vld.idx.msk [tilespmem:v9+s12+$0x0], $0xffff;
	[tilespmem:s25+$0xFFFFFF00] =	vst v4  }
0x58: {  	v8 =	vor.u32 v17, v1;
	v18 =	vld [tilespmem:$0x1FC40]  }
0x59: {  	v0 =	vld.idx.msk [tilespmem:v7+s12+$0x0], $0xffff;
	v7 =	vor.u32 v51, v1  }
0x5a: {  	v52 =	vmovc v53;
	v53 =	vmov v25;
	v25 =	vmov v13;
	v13 =	vor.u32 v13, v1;
	v10 =	vld.idx.msk [tilespmem:v10+s12+$0x0], $0xffff  }
0x5b: {  	v3 =	vor.u32 v62, v1;
	v5 =	vld.idx.msk [tilespmem:v11+s12+$0x0], $0xffff  }
0x5c: {  	v4 =	vor.u32 v58, v1;
	[tilespmem:s25+$0xFFFFFE80] =	vst v2;
	v2 =	vld.idx.msk [tilespmem:v12+s12+$0x0], $0xffff  }
0x5d: {  	[tilespmem:s25+$0x80] =	vst v6;
	v8 =	vld.idx.msk [tilespmem:v8+s12+$0x0], $0xffff;
	v11 =	vor.u32 v18, v1  }
0x5e: {  	v12 =	vor.u32 v14, v1;
	v7 =	vld.idx.msk [tilespmem:v7+s12+$0x0], $0xffff;
	[tilespmem:s25+$0x0] =	vst v0  }
0x5f: {  	[tilespmem:s25+$0x180] =	vst v9;
	v0 =	vor.u32 v60, v1;
	v6 =	vld.idx.msk [tilespmem:v13+s12+$0x0], $0xffff  }
0x60: {  	v3 =	vld.idx.msk [tilespmem:v3+s12+$0x0], $0xffff;
	[tilespmem:s25+$0x110] =	vst v10;
	v13 =	vor.u32 v48, v1  }
0x61: {  	v10 =	vor.u32 v57, v1;
	[tilespmem:s25+$0xFFFFFF90] =	vst v5;
	v4 =	vld.idx.msk [tilespmem:v4+s12+$0x0], $0xffff  }
0x62: {  	s26 =	simm.s32 $0x8;
	v5 =	vor.u32 v59, v1;
	[tilespmem:s25+$0xFFFFFF10] =	vst v2;
	v2 =	vld.idx.msk [tilespmem:v11+s12+$0x0], $0xffff  }
0x63: {  	v11 =	vor.u32 v43, v1;
	[tilespmem:s25+$0xFFFFFE90] =	vst v7;
	v7 =	vld.idx.msk [tilespmem:v12+s12+$0x0], $0xffff;
	v12 =	vmov s26  }
0x64: {  	v63 =	vmovc v59;
	v59 =	vmov v14;
	v14 =	vor.u32 v22, v1;
	v15 =	vld.idx.msk [tilespmem:v0+s12+$0x0], $0xffff;
	[tilespmem:s25+$0x10] =	vst v6;
	v0 =	vshrl.u32 v12, $0x3  }
0x65: {  	[tilespmem:s25+$0x90] =	vst v3;
	v6 =	vor.u32 v29, v1;
	v3 =	vld.idx.msk [tilespmem:v13+s12+$0x0], $0xffff;
	v0 =	vshll.u32 v0, $0x3  }
0x66: {  	v10 =	vld.idx.msk [tilespmem:v10+s12+$0x0], $0xffff;
	[tilespmem:s25+$0x120] =	vst v4;
	v4 =	vor.u32 v30, v1;
	v0 =	vbroadcast v0, $0x0  }
0x67: {  	v12 =	vor.u32 v19, v1;
	v5 =	vld.idx.msk [tilespmem:v5+s12+$0x0], $0xffff;
	[tilespmem:s25+$0xFFFFFFA0] =	vst v2  }
0x68: {  	[tilespmem:s25+$0xFFFFFE10] =	vst v8;
	v2 =	vld.idx.msk [tilespmem:v11+s12+$0x0], $0xffff;
	v8 =	vor.u32 v38, v0  }
0x69: {  	v11 =	vor.u32 v32, v1;
	[tilespmem:s25+$0xFFFFFF20] =	vst v7;
	v7 =	vld.idx.msk [tilespmem:v14+s12+$0x0], $0xffff  }
0x6a: {  	[tilespmem:s25+$0x20] =	vst v3;
	v3 =	vld.idx.msk [tilespmem:v6+s12+$0x0], $0xffff;
	v6 =	vor.u32 v44, v0  }
0x6b: {  	v4 =	vld.idx.msk [tilespmem:v4+s12+$0x0], $0xffff  }
0x6c: {  	v13 =	vor.u32 v52, v0;
	v9 =	vld.idx.msk [tilespmem:v12+s12+$0x0], $0xffff  }
0x6d: {  	[tilespmem:s25+$0xFFFFFEA0] =	vst v15;
	v12 =	vor.u32 v49, v0;
	v8 =	vld.idx.msk [tilespmem:v8+s12+$0x0], $0xffff  }
0x6e: {  	v14 =	vor.u32 v45, v1;
	v11 =	vld.idx.msk [tilespmem:v11+s12+$0x0], $0xffff  }
0x6f: {  	v15 =	vor.u32 v33, v1;
	[tilespmem:s25+$0x130] =	vst v5;
	v5 =	vld.idx.msk [tilespmem:v6+s12+$0x0], $0xffff  }
0x70: {  	v6 =	vld [tilespmem:$0x1FCC0];
	[tilespmem:s25+$0xA0] =	vst v10;
	v10 =	vor.u32 v54, v0  }
0x71: {  	v13 =	vld.idx.msk [tilespmem:v13+s12+$0x0], $0xffff;
	[tilespmem:s25+$0xFFFFFE20] =	vst v7;
	v7 =	vor.u32 v16, v0  }
0x72: {  	v16 =	vor.u32 v35, v1;
	v12 =	vld.idx.msk [tilespmem:v12+s12+$0x0], $0xffff  }
0x73: {  	[tilespmem:s25+$0xFFFFFF30] =	vst v3;
	v3 =	vld.idx.msk [tilespmem:v14+s12+$0x0], $0xffff;
	v14 =	vor.u32 v17, v0  }
0x74: {  	s28 =	simm.s32 $0xEE00;
	[tilespmem:s25+$0x30] =	vst v9;
	v9 =	vld.idx.msk [tilespmem:v15+s12+$0x0], $0xffff  }
0x75: {  	[tilespmem:s28+$0xFFFFFE00] =	vst v8;
	v6 =	vor.u32 v6, v1;
	v10 =	vld.idx.msk [tilespmem:v10+s12+$0x0], $0xffff  }
0x76: {  	[tilespmem:s28+$0xFFFFFE80] =	vst v5;
	v5 =	vld.idx.msk [tilespmem:v7+s12+$0x0], $0xffff  }
0x77: {  	[tilespmem:s28+$0xFFFFFF00] =	vst v13;
	v13 =	vld.idx.msk [tilespmem:v16+s12+$0x0], $0xffff  }
0x78: {  	v8 =	vor.u32 v55, v1;
	[tilespmem:s25+$0xFFFFFEB0] =	vst v11;
	v16 =	vld.idx.msk [tilespmem:v14+s12+$0x0], $0xffff  }
0x79: {  	v11 =	vor.u32 v28, v0;
	v14 =	vld [tilespmem:$0x1FC10]  }
0x7a: {  	v7 =	vor.u32 v51, v0;
	[tilespmem:s25+$0x190] =	vst v4;
	v6 =	vld.idx.msk [tilespmem:v6+s12+$0x0], $0xffff  }
0x7b: {  	[tilespmem:s25+$0xFFFFFF40] =	vst v9  }
0x7c: {  	v4 =	vor.u32 v62, v0;
	[tilespmem:s25+$0xB0] =	vst v3  }
0x7d: {  	v15 =	vor.u32 v61, v0;
	[tilespmem:s28+$0x100] =	vst v12;
	v3 =	vld.idx.msk [tilespmem:v8+s12+$0x0], $0xffff  }
0x7e: {  	v9 =	vor.u32 v42, v0;
	v11 =	vld.idx.msk [tilespmem:v11+s12+$0x0], $0xffff;
	[tilespmem:s28+$0x80] =	vst v10  }
0x7f: {  	v8 =	vor.u32 v53, v0;
	v7 =	vld.idx.msk [tilespmem:v7+s12+$0x0], $0xffff;
	[tilespmem:s25+$0x140] =	vst v6  }
0x80: {  	v47 =	vmov v19;
	v14 =	vor.u32 v14, v1;
	v19 =	vld [tilespmem:$0x1FC50]  }
0x81: {  	v10 =	vor.u32 v59, v0;
	v4 =	vld.idx.msk [tilespmem:v4+s12+$0x0], $0xffff;
	[tilespmem:s25+$0x40] =	vst v13  }
0x82: {  	v15 =	vld.idx.msk [tilespmem:v15+s12+$0x0], $0xffff;
	v6 =	vor.u32 v25, v0;
	[tilespmem:s28+$0x0] =	vst v5  }
0x83: {  	v9 =	vld.idx.msk [tilespmem:v9+s12+$0x0], $0xffff;
	v13 =	vor.u32 v50, v1;
	[tilespmem:s25+$0xFFFFFFB0] =	vst v2  }
0x84: {  	v8 =	vld.idx.msk [tilespmem:v8+s12+$0x0], $0xffff;
	v5 =	vor.u32 v20, v1;
	[tilespmem:s28+$0xFFFFFF10] =	vst v11  }
0x85: {  	v12 =	vld.idx.msk [tilespmem:v14+s12+$0x0], $0xffff;
	[tilespmem:s28+$0xFFFFFE90] =	vst v7;
	v14 =	vor.u32 v19, v1  }
0x86: {  	v2 =	vor.u32 v60, v0;
	[tilespmem:s28+$0x90] =	vst v4;
	v7 =	vld.idx.msk [tilespmem:v10+s12+$0x0], $0xffff  }
0x87: {  	[tilespmem:s28+$0x180] =	vst v15;
	v6 =	vld.idx.msk [tilespmem:v6+s12+$0x0], $0xffff  }
0x88: {  	v11 =	vor.u32 v58, v0;
	[tilespmem:s25+$0x1A0] =	vst v3;
	v4 =	vld.idx.msk [tilespmem:v13+s12+$0x0], $0xffff  }
0x89: {  	[tilespmem:s28+$0xFFFFFE10] =	vst v16;
	v10 =	vor.u32 v31, v1;
	v5 =	vld.idx.msk [tilespmem:v5+s12+$0x0], $0xffff  }
0x8a: {  	[tilespmem:s25+$0xFFFFFE30] =	vst v12;
	v13 =	vor.u32 v34, v1;
	v12 =	vld.idx.msk [tilespmem:v14+s12+$0x0], $0xffff  }
0x8b: {  	[tilespmem:s28+$0x110] =	vst v8;
	v14 =	vld.idx.msk [tilespmem:v2+s12+$0x0], $0xffff;
	v2 =	vor.u32 v57, v0  }
0x8c: {  	v49 =	vmov v58;
	v58 =	vld [tilespmem:$0x1FDF0]  }
0x8d: {  	v8 =	vld.idx.msk [tilespmem:v11+s12+$0x0], $0xffff  }
0x8e: {  	v15 =	vor.u32 v37, v1;
	v3 =	vld.idx.msk [tilespmem:v10+s12+$0x0], $0xffff  }
0x8f: {  	v17 =	vor.u32 v48, v0;
	[tilespmem:s25+$0xFFFFFFC0] =	vst v12;
	v12 =	vld.idx.msk [tilespmem:v13+s12+$0x0], $0xffff  }
0x90: {  	v38 =	vmov v20;
	v10 =	vor.u32 v41, v1;
	[tilespmem:s28+$0x10] =	vst v6;
	v20 =	vld.idx.msk [tilespmem:v2+s12+$0x0], $0xffff  }
0x91: {  	v11 =	vor.u32 v58, v0;
	v6 =	vld [tilespmem:$0x1FFF0];
	[tilespmem:s25+$0xFFFFFEC0] =	vst v5  }
0x92: {  	v5 =	vld [tilespmem:$0x1FCD0]  }
0x93: {  	v16 =	vor.u32 v46, v1;
	v13 =	vld.idx.msk [tilespmem:v15+s12+$0x0], $0xffff;
	[tilespmem:s25+$0xC0] =	vst v4  }
0x94: {  	v2 =	vor.u32 v39, v1;
	v15 =	vld.idx.msk [tilespmem:v17+s12+$0x0], $0xffff;
	[tilespmem:s28+$0xFFFFFF80] =	vst v9  }
0x95: {  	v4 =	vld.idx.msk [tilespmem:v10+s12+$0x0], $0xffff;
	[tilespmem:s25+$0xFFFFFE40] =	vst v3;
	v3 =	vor.u32 v24, v1  }
0x96: {  	v10 =	vld.idx.msk [tilespmem:v11+s12+$0x0], $0xffff;
	v6 =	vor.u32 v6, v1  }
0x97: {  	v9 =	vld [tilespmem:$0x1FC80];
	[tilespmem:s28+$0xFFFFFF20] =	vst v7;
	v5 =	vor.u32 v5, v1  }
0x98: {  	[tilespmem:s25+$0xFFFFFFD0] =	vst v13;
	v13 =	vld.idx.msk [tilespmem:v16+s12+$0x0], $0xffff  }
0x99: {  	v7 =	vor.u32 v23, v1;
	[tilespmem:s28+$0x20] =	vst v15;
	v15 =	vld.idx.msk [tilespmem:v2+s12+$0x0], $0xffff  }
0x9a: {  	[tilespmem:s25+$0x150] =	vst v12;
	v12 =	vor.u32 v63, v0;
	v17 =	vld.idx.msk [tilespmem:v3+s12+$0x0], $0xffff  }
0x9b: {  	v2 =	vor.u32 v36, v1;
	v6 =	vld.idx.msk [tilespmem:v6+s12+$0x0], $0xffff  }
0x9c: {  	v16 =	vor.u32 v18, v0;
	[tilespmem:s25+$0xFFFFFED0] =	vst v4;
	v5 =	vld.idx.msk [tilespmem:v5+s12+$0x0], $0xffff  }
0x9d: {  	v18 =	vld [tilespmem:$0x1FC60]  }
0x9e: {  	[tilespmem:s28+$0x120] =	vst v8;
	v7 =	vld.idx.msk [tilespmem:v7+s12+$0x0], $0xffff  }
0x9f: {  	v3 =	vor.u32 v19, v0;
	v11 =	vor.u32 v9, v1;
	[tilespmem:s28+$0xFFFFFF90] =	vst v10;
	v12 =	vld.idx.msk [tilespmem:v12+s12+$0x0], $0xffff  }
0xa0: {  	v19 =	vor.u32 v26, v1;
	v8 =	vor.u32 v21, v1;
	v26 =	vld.idx.msk [tilespmem:v2+s12+$0x0], $0xffff;
	[tilespmem:s25+$0xFFFFFF50] =	vst v6  }
0xa1: {  	v16 =	vld.idx.msk [tilespmem:v16+s12+$0x0], $0xffff;
	[tilespmem:s25+$0x160] =	vst v5  }
0xa2: {  	v5 =	vld [tilespmem:$0x1FFB0];
	[tilespmem:s25+$0x1B0] =	vst v13  }
0xa3: {  	v10 =	vld [tilespmem:$0x1FC90];
	[tilespmem:s25+$0xD0] =	vst v17  }
0xa4: {  	v28 =	vmov v22;
	v22 =	vld.idx.msk [tilespmem:v11+s12+$0x0], $0xffff;
	[tilespmem:s25+$0xFFFFFE50] =	vst v15  }
0xa5: {  	v60 =	vmov v29;
	v29 =	vld.idx.msk [tilespmem:v8+s12+$0x0], $0xffff;
	[tilespmem:s25+$0xFFFFFEE0] =	vst v7  }
0xa6: {  	v9 =	vor.u32 v18, v1;
	v2 =	vor.u32 v18, v0;
	v18 =	vor.u32 v28, v0;
	v28 =	vld [tilespmem:$0x1FC20]  }
0xa7: {  	v11 =	vor.u32 v56, v1;
	v15 =	vmov v47;
	v47 =	vld [tilespmem:$0x1FDC0]  }
0xa8: {  	v54 =	vld [tilespmem:$0x1FCB0]  }
0xa9: {  	v33 =	vmov v61;
	v7 =	vld [tilespmem:$0x1FCE0];
	[tilespmem:s28+$0x130] =	vst v12  }
0xaa: {  	v44 =	vmovc v48;
	v61 =	vmovc v33;
	v48 =	vmov v32;
	v37 =	vmov v50;
	[tilespmem:s25+$0x50] =	vst v22;
	v23 =	vor.u32 v5, v1  }
0xab: {  	v57 =	vmovc v43;
	v39 =	vmov v46;
	v24 =	vor.u32 v27, v1;
	v4 =	vor.u32 v38, v0;
	[tilespmem:s28+$0xFFFFFFA0] =	vst v16  }
0xac: {  	v46 =	vmov v53;
	v6 =	vor.u32 v45, v0;
	v17 =	vld.idx.msk [tilespmem:v11+s12+$0x0], $0xffff;
	[tilespmem:s25+$0xFFFFFFE0] =	vst v26;
	v27 =	vor.u32 v10, v1  }
0xad: {  	v53 =	vmov v38;
	v21 =	vld.idx.msk [tilespmem:v19+s12+$0x0], $0xffff;
	v10 =	vor.u32 v30, v0;
	v30 =	vor.u32 v43, v0;
	[tilespmem:s25+$0x1C0] =	vst v29  }
0xae: {  	v45 =	vmovc v51;
	v8 =	vmovc v55;
	v55 =	vmov v42;
	v31 =	vor.u32 v7, v1;
	v22 =	vor.u32 v54, v1;
	v54 =	vld [tilespmem:$0x1FC30]  }
0xaf: {  	v42 =	vmovc v25;
	v51 =	vmov v8;
	v8 =	vor.u32 v8, v0;
	v28 =	vor.u32 v28, v1;
	v25 =	vld.idx.msk [tilespmem:v23+s12+$0x0], $0xffff  }
0xb0: {  	v56 =	vmovc v37;
	v11 =	vor.u32 v32, v0;
	v19 =	vor.u32 v60, v0;
	v62 =	vmov v15;
	v23 =	vld.idx.msk [tilespmem:v24+s12+$0x0], $0xffff  }
0xb1: {  	v15 =	vor.u32 v15, v0;
	v12 =	vor.u32 v35, v0;
	v26 =	vor.u32 v40, v1;
	v24 =	vld.idx.msk [tilespmem:v27+s12+$0x0], $0xffff  }
0xb2: {  	v5 =	vor.u32 v50, v0;
	v50 =	vmovc v52;
	v52 =	vmovc v59;
	v59 =	vmov v63;
	v63 =	vmov v35;
	v16 =	vld.idx.msk [tilespmem:v30+s12+$0x0], $0xffff  }
0xb3: {  	s29 =	simm.s32 $0xEE00;
	v43 =	vmovc v49;
	v49 =	vmov v39;
	v7 =	vor.u32 v39, v0;
	v13 =	vor.u32 v47, v0;
	v27 =	vld.idx.msk [tilespmem:v31+s12+$0x0], $0xffff  }
.LBB2_2:
0xb4: {  	[tilespmem:s25+$0xFFFFFEF0] =	vst v25;
	v25 =	vld.idx.msk [tilespmem:v28+s12+$0x0], $0xffff  }
0xb5: {  	v28 =	vld [tilespmem:$0x1FF80]  }
0xb6: {  	v31 =	vld.idx.msk [tilespmem:v9+s12+$0x0], $0xffff  }
0xb7: {  	v9 =	vld [tilespmem:$0x1FCA0]  }
0xb8: {  	[tilespmem:s28+$0xFFFFFEA0] =	vst v14;
	v14 =	vld [tilespmem:$0x1FF90]  }
0xb9: {  	v39 =	vld [tilespmem:$0x1FC70]  }
0xba: {  	v40 =	vld [tilespmem:$0x1FC60]  }
0xbb: {  	s26 =	sadd.s32 $0x8, s26;
	v18 =	vld.idx.msk [tilespmem:v18+s12+$0x0], $0xffff;
	[tilespmem:s25+$0xFFFFFE60] =	vst v21  }
0xbc: {  	v33 =	vld [tilespmem:$0x1FC50];
	v30 =	vor.u32 v54, v1;
	v21 =	vmov s26;
	[tilespmem:s25+$0x1D0] =	vst v27  }
0xbd: {  	v28 =	vor.u32 v28, v1;
	v9 =	vor.u32 v9, v1;
	v27 =	vor.u32 v14, v1;
	v1 =	vmovc v0;
	v0 =	vld [tilespmem:$0x1FDD0]  }
0xbe: {  	v34 =	vld [tilespmem:$0x1FC40];
	v21 =	vshrl.u32 v21, $0x3  }
0xbf: {  	v41 =	vld [tilespmem:$0x1FC00];
	[tilespmem:s25+$0xE0] =	vst v17;
	v17 =	vshll.u32 v21, $0x3  }
0xc0: {  	v19 =	vld.idx.msk [tilespmem:v19+s12+$0x0], $0xffff;
	v29 =	vbroadcast v17, $0x0  }
0xc1: {  	v15 =	vld.idx.msk [tilespmem:v15+s12+$0x0], $0xffff  }
0xc2: {  	[tilespmem:s28+$0xA0] =	vst v20;
	v32 =	vor.u32 v0, v29;
	v0 =	vld [tilespmem:$0x1FD20]  }
0xc3: {  	v22 =	vld.idx.msk [tilespmem:v22+s12+$0x0], $0xffff  }
0xc4: {  	v11 =	vld.idx.msk [tilespmem:v11+s12+$0x0], $0xffff  }
0xc5: {  	[tilespmem:s25+$0x60] =	vst v24;
	v24 =	vld [tilespmem:$0x1FE80]  }
0xc6: {  	[tilespmem:s25+$0x170] =	vst v23;
	v23 =	vld [tilespmem:$0x1FEF0]  }
0xc7: {  	[tilespmem:s25+$0xFFFFFF60] =	vst v25;
	v20 =	vor.u32 v33, v29;
	v33 =	vor.u32 v0, v29;
	v0 =	vld [tilespmem:$0x1FE90]  }
0xc8: {  	v26 =	vld.idx.msk [tilespmem:v26+s12+$0x0], $0xffff;
	[tilespmem:s25+$0xFFFFFFF0] =	vst v31  }
0xc9: {  	v30 =	vld.idx.msk [tilespmem:v30+s12+$0x0], $0xffff;
	[tilespmem:s25+$0xF0] =	vst v22;
	v25 =	vor.u32 v55, v29  }
0xca: {  	[tilespmem:s28+$0xFFFFFF30] =	vst v19;
	v31 =	vld.idx.msk [tilespmem:v6+s12+$0x0], $0xffff  }
0xcb: {  	v13 =	vld.idx.msk [tilespmem:v13+s12+$0x0], $0xffff  }
0xcc: {  	v35 =	vor.u32 v0, v29;
	v0 =	vld [tilespmem:$0x1FEB0]  }
0xcd: {  	v28 =	vld.idx.msk [tilespmem:v28+s12+$0x0], $0xffff  }
0xce: {  	[tilespmem:s28+$0xFFFFFE20] =	vst v18;
	v17 =	vor.u32 v34, v29;
	v25 =	vld.idx.msk [tilespmem:v25+s12+$0x0], $0xffff  }
0xcf: {  	v14 =	vor.u32 v53, v29;
	v21 =	vor.u32 v58, v29;
	v34 =	vor.u32 v45, v29;
	v19 =	vld.idx.msk [tilespmem:v32+s12+$0x0], $0xffff  }
0xd0: {  	v18 =	vor.u32 v50, v29;
	v37 =	vor.u32 v46, v29;
	v38 =	vor.u32 v39, v29;
	v22 =	vld.idx.msk [tilespmem:v33+s12+$0x0], $0xffff  }
0xd1: {  	v39 =	vor.u32 v56, v29;
	v36 =	vor.u32 v0, v29;
	v0 =	vmov v29;
	v29 =	vld.idx.msk [tilespmem:v9+s12+$0x0], $0xffff  }
0xd2: {  	[tilespmem:s29+$0x30] =	vst v15;
	v15 =	vld [tilespmem:$0x1FCC0]  }
0xd3: {  	v9 =	vmov v2;
	v2 =	vor.u32 v40, v0;
	v23 =	vor.u32 v23, v0;
	v40 =	vld.idx.msk [tilespmem:v10+s12+$0x0], $0xffff;
	[tilespmem:s25+$0x1E0] =	vst v28  }
0xd4: {  	v24 =	vor.u32 v24, v0;
	v10 =	vld.idx.msk [tilespmem:v27+s12+$0x0], $0xffff  }
0xd5: {  	v27 =	vld [tilespmem:$0x1FD90]  }
0xd6: {  	[tilespmem:s25+$0x70] =	vst v29;
	v29 =	vld.idx.msk [tilespmem:v18+s12+$0x0], $0xffff  }
0xd7: {  	[tilespmem:s25+$0xFFFFFE70] =	vst v26;
	v18 =	vld [tilespmem:$0x1FD40]  }
0xd8: {  	v26 =	vor.u32 v41, v0;
	[tilespmem:s25+$0xFFFFFF70] =	vst v30;
	v23 =	vld.idx.msk [tilespmem:v23+s12+$0x0], $0xffff  }
0xd9: {  	v24 =	vld.idx.msk [tilespmem:v24+s12+$0x0], $0xffff;
	[tilespmem:s25+$0x1F0] =	vst v10;
	s25 =	smov.u32 s29  }
0xda: {  	[tilespmem:s25+$0xFFFFFEB0] =	vst v11;
	v11 =	vld [tilespmem:$0x1FCF0]  }
0xdb: {  	s28 =	sadd.s32 $0x800, s28;
	v28 =	vor.u32 v61, v0;
	v6 =	vmov v36;
	v36 =	vld.idx.msk [tilespmem:v38+s12+$0x0], $0xffff  }
0xdc: {  	[tilespmem:s28+$0xFFFFFE00] =	vst v19;
	v12 =	vld.idx.msk [tilespmem:v12+s12+$0x0], $0xffff  }
0xdd: {  	v15 =	vor.u32 v15, v1;
	v26 =	vld.idx.msk [tilespmem:v26+s12+$0x0], $0xffff  }
0xde: {  	v10 =	vld [tilespmem:$0x1FF50];
	[tilespmem:s25+$0x190] =	vst v40  }
0xdf: {  	[tilespmem:s25+$0xFFFFFF40] =	vst v13;
	v30 =	vor.u32 v18, v0;
	v18 =	vor.u32 v11, v0;
	v11 =	vld [tilespmem:$0x1FEA0]  }
0xe0: {  	v27 =	vor.u32 v27, v0;
	[tilespmem:s25+$0xB0] =	vst v31;
	v28 =	vld.idx.msk [tilespmem:v28+s12+$0x0], $0xffff  }
0xe1: {  	v32 =	vor.u32 v42, v0;
	[tilespmem:s25+$0xFFFFFFB0] =	vst v16;
	v31 =	vld.idx.msk [tilespmem:v8+s12+$0x0], $0xffff  }
0xe2: {  	[tilespmem:s28+$0xFFFFFE80] =	vst v22;
	v15 =	vld.idx.msk [tilespmem:v15+s12+$0x0], $0xffff  }
0xe3: {  	[tilespmem:s25+$0x40] =	vst v12;
	v12 =	vld [tilespmem:$0x1FD00]  }
0xe4: {  	[tilespmem:s28+$0xFFFFFF00] =	vst v29;
	v38 =	vor.u32 v11, v0;
	v11 =	vld [tilespmem:$0x1FC10]  }
0xe5: {  	[tilespmem:s28+$0x0] =	vst v36;
	v13 =	vld.idx.msk [tilespmem:v27+s12+$0x0], $0xffff  }
0xe6: {  	[tilespmem:s28+$0x80] =	vst v24;
	v16 =	vld.idx.msk [tilespmem:v32+s12+$0x0], $0xffff  }
0xe7: {  	v33 =	vor.u32 v52, v0;
	[tilespmem:s28+$0x100] =	vst v23;
	v27 =	vld.idx.msk [tilespmem:v34+s12+$0x0], $0xffff  }
0xe8: {  	v24 =	vld.idx.msk [tilespmem:v35+s12+$0x0], $0xffff;
	[tilespmem:s25+$0x140] =	vst v15  }
0xe9: {  	v34 =	vld.idx.msk [tilespmem:v37+s12+$0x0], $0xffff;
	v41 =	vor.u32 v11, v1  }
0xea: {  	v37 =	vld [tilespmem:$0x1FE10];
	[tilespmem:s28+$0xFFFFFF10] =	vst v13  }
0xeb: {  	[tilespmem:s28+$0x10] =	vst v16;
	v16 =	vld [tilespmem:$0x1FFF0]  }
0xec: {  	[tilespmem:s28+$0xFFFFFE90] =	vst v27;
	v27 =	vld.idx.msk [tilespmem:v33+s12+$0x0], $0xffff  }
0xed: {  	v33 =	vld.idx.msk [tilespmem:v3+s12+$0x0], $0xffff  }
0xee: {  	v29 =	vor.u32 v44, v0;
	[tilespmem:s28+$0x90] =	vst v24;
	v23 =	vld.idx.msk [tilespmem:v41+s12+$0x0], $0xffff  }
0xef: {  	v40 =	vor.u32 v43, v0;
	v24 =	vld.idx.msk [tilespmem:v5+s12+$0x0], $0xffff  }
0xf0: {  	v5 =	vld [tilespmem:$0x1FF30]  }
0xf1: {  	[tilespmem:s28+$0x180] =	vst v28;
	v28 =	vld.idx.msk [tilespmem:v4+s12+$0x0], $0xffff;
	v36 =	vor.u32 v37, v1  }
0xf2: {  	v4 =	vmov v14;
	v14 =	vld.idx.msk [tilespmem:v30+s12+$0x0], $0xffff;
	[tilespmem:s28+$0x110] =	vst v34  }
0xf3: {  	v29 =	vld.idx.msk [tilespmem:v29+s12+$0x0], $0xffff;
	[tilespmem:s25+$0xFFFFFE30] =	vst v23;
	v23 =	vor.u32 v12, v1  }
0xf4: {  	v30 =	vld.idx.msk [tilespmem:v40+s12+$0x0], $0xffff  }
0xf5: {  	v3 =	vmovc v20;
	v16 =	vor.u32 v16, v1;
	v20 =	vor.u32 v5, v1;
	v5 =	vmov v39;
	v39 =	vld [tilespmem:$0x1FFD0];
	[tilespmem:s25+$0xFFFFFFC0] =	vst v33  }
0xf6: {  	v33 =	vld.idx.msk [tilespmem:v36+s12+$0x0], $0xffff  }
0xf7: {  	v36 =	vld [tilespmem:$0x1FE20];
	[tilespmem:s28+$0xFFFFFE10] =	vst v26  }
0xf8: {  	[tilespmem:s28+$0xFFFFFF80] =	vst v25;
	v23 =	vld.idx.msk [tilespmem:v23+s12+$0x0], $0xffff  }
0xf9: {  	v21 =	vld.idx.msk [tilespmem:v21+s12+$0x0], $0xffff  }
0xfa: {  	v16 =	vld.idx.msk [tilespmem:v16+s12+$0x0], $0xffff  }
0xfb: {  	[tilespmem:s28+$0xFFFFFF20] =	vst v27;
	v27 =	vld [tilespmem:$0x1FD70]  }
0xfc: {  	v41 =	vld [tilespmem:$0x1FFE0]  }
0xfd: {  	[tilespmem:s25+$0xFFFFFE40] =	vst v23;
	v23 =	vld [tilespmem:$0x1FED0]  }
0xfe: {  	[tilespmem:s25+$0x1A0] =	vst v31;
	v31 =	vld.idx.msk [tilespmem:v20+s12+$0x0], $0xffff  }
0xff: {  	v20 =	vld [tilespmem:$0x1FCD0];
	[tilespmem:s25+$0xFFFFFFD0] =	vst v33  }
0x100: {  	[tilespmem:s25+$0xFFFFFF50] =	vst v16;
	v16 =	vld [tilespmem:$0x1FEE0]  }
0x101: {  	[tilespmem:s28+$0xFFFFFF90] =	vst v21;
	v21 =	vld [tilespmem:$0x1FFB0];
	v26 =	vor.u32 v41, v1  }
0x102: {  	v33 =	vld.idx.msk [tilespmem:v17+s12+$0x0], $0xffff;
	v23 =	vor.u32 v23, v1  }
0x103: {  	v17 =	vld [tilespmem:$0x1FFC0]  }
0x104: {  	[tilespmem:s25+$0xFFFFFEC0] =	vst v28;
	v28 =	vor.u32 v20, v1;
	v20 =	vld.idx.msk [tilespmem:v38+s12+$0x0], $0xffff  }
0x105: {  	[tilespmem:s25+$0x150] =	vst v31;
	v31 =	vld.idx.msk [tilespmem:v7+s12+$0x0], $0xffff  }
0x106: {  	[tilespmem:s25+$0xC0] =	vst v24;
	v25 =	vld.idx.msk [tilespmem:v26+s12+$0x0], $0xffff  }
0x107: {  	v27 =	vor.u32 v27, v1;
	v23 =	vld.idx.msk [tilespmem:v23+s12+$0x0], $0xffff  }
0x108: {  	v16 =	vor.u32 v16, v1;
	v34 =	vor.u32 v17, v1;
	v17 =	vld [tilespmem:$0x1FC90]  }
0x109: {  	v28 =	vld.idx.msk [tilespmem:v28+s12+$0x0], $0xffff  }
0x10a: {  	[tilespmem:s28+$0x20] =	vst v29;
	v26 =	vld [tilespmem:$0x1FC80]  }
0x10b: {  	[tilespmem:s25+$0xFFFFFED0] =	vst v25;
	v25 =	vld [tilespmem:$0x1FFA0]  }
0x10c: {  	v29 =	vor.u32 v36, v1;
	v27 =	vld.idx.msk [tilespmem:v27+s12+$0x0], $0xffff;
	[tilespmem:s25+$0xD0] =	vst v23  }
0x10d: {  	v35 =	vor.u32 v59, v0;
	[tilespmem:s25+$0x1B0] =	vst v31;
	v31 =	vor.u32 v17, v1;
	v17 =	vld.idx.msk [tilespmem:v16+s12+$0x0], $0xffff  }
0x10e: {  	v16 =	vld [tilespmem:$0x1FCE0]  }
0x10f: {  	v40 =	vld [tilespmem:$0x1FE70];
	v24 =	vor.u32 v39, v1  }
0x110: {  	v38 =	vld [tilespmem:$0x1FD10];
	v26 =	vor.u32 v26, v1  }
0x111: {  	v29 =	vld.idx.msk [tilespmem:v29+s12+$0x0], $0xffff;
	[tilespmem:s28+$0x120] =	vst v30;
	v25 =	vor.u32 v25, v1  }
0x112: {  	v30 =	vld.idx.msk [tilespmem:v35+s12+$0x0], $0xffff;
	[tilespmem:s25+$0x160] =	vst v28;
	v28 =	vor.u32 v21, v1  }
0x113: {  	v22 =	vor.u32 v57, v0;
	[tilespmem:s25+$0xFFFFFEE0] =	vst v27;
	v27 =	vor.u32 v16, v1;
	v16 =	vld [tilespmem:$0x1FC20]  }
0x114: {  	v24 =	vld.idx.msk [tilespmem:v24+s12+$0x0], $0xffff  }
0x115: {  	v32 =	vor.u32 v49, v0;
	v26 =	vld.idx.msk [tilespmem:v26+s12+$0x0], $0xffff  }
0x116: {  	v7 =	vmov v32;
	v32 =	vor.u32 v38, v1;
	v35 =	vld.idx.msk [tilespmem:v25+s12+$0x0], $0xffff  }
0x117: {  	[tilespmem:s28+$0xFFFFFFA0] =	vst v33;
	v25 =	vld.idx.msk [tilespmem:v28+s12+$0x0], $0xffff  }
0x118: {  	v28 =	vor.u32 v16, v1;
	v16 =	vld.idx.msk [tilespmem:v22+s12+$0x0], $0xffff  }
0x119: {  	p0 =	slt.u32 s26, $0x38;
	v22 =	vld [tilespmem:$0x1FCB0]  }
.Ltmp0:
0x11a: {  	v19 =	vor.u32 v60, v0;
	v38 =	vld [tilespmem:$0x1FDD0];
	[tilespmem:s25+$0xFFFFFE50] =	vst v24;
	(pc) =	sbr.rel @p0 .LBB2_2-.Ltmp0, $4  }
0x11b: {  	v8 =	vor.u32 v51, v0;
	v10 =	vor.u32 v10, v0;
	v21 =	vld.idx.msk [tilespmem:v32+s12+$0x0], $0xffff;
	[tilespmem:s25+$0x50] =	vst v26  }
0x11c: {  	v15 =	vor.u32 v62, v0;
	v13 =	vor.u32 v47, v0;
	[tilespmem:s28+$0x130] =	vst v30;
	v24 =	vld.idx.msk [tilespmem:v31+s12+$0x0], $0xffff  }
0x11d: {  	v11 =	vor.u32 v48, v0;
	v12 =	vor.u32 v63, v0;
	v23 =	vld.idx.msk [tilespmem:v34+s12+$0x0], $0xffff;
	[tilespmem:s25+$0x1C0] =	vst v35  }
0x11e: {  	s24 =	simm.s32 $0xEBF0;
	s29 =	smov.u32 s28;
	v26 =	vor.u32 v40, v1;
	[tilespmem:s25+$0xFFFFFFE0] =	vst v29;
	v27 =	vld.idx.msk [tilespmem:v27+s12+$0x0], $0xffff;
	v22 =	vor.u32 v22, v1  }
0x11f: {  	_ =	sdelay $0x1  }
0x120: {  	[tilespmem:s25+$0xFFFFFE60] =	vst v21  }
0x121: {  	v29 =	vld [tilespmem:$0x1FF80];
	[tilespmem:s25+$0xFFFFFEF0] =	vst v25  }
0x122: {  	v18 =	vld.idx.msk [tilespmem:v18+s12+$0x0], $0xffff;
	[tilespmem:s25+$0xE0] =	vst v17  }
0x123: {  	[tilespmem:s28+$0xA0] =	vst v20  }
0x124: {  	[tilespmem:s28+$0xFFFFFEA0] =	vst v14  }
0x125: {  	[tilespmem:s25+$0x1D0] =	vst v27  }
0x126: {  	v27 =	vld [tilespmem:$0x1FCA0]  }
0x127: {  	[tilespmem:s28+$0xFFFFFE20] =	vst v18;
	v18 =	vld.idx.msk [tilespmem:v26+s12+$0x0], $0xffff;
	v62 =	vor.u32 v29, v1  }
0x128: {  	v26 =	vld [tilespmem:$0x1FF90];
	_ =	sdelay $0x1  }
0x129: {  	v19 =	vld.idx.msk [tilespmem:v19+s12+$0x0], $0xffff  }
0x12a: {  	v15 =	vld.idx.msk [tilespmem:v15+s12+$0x0], $0xffff  }
0x12b: {  	v14 =	vor.u32 v27, v1;
	v17 =	vld.idx.msk [tilespmem:v62+s12+$0x0], $0xffff  }
0x12c: {  	v25 =	vld.idx.msk [tilespmem:v28+s12+$0x0], $0xffff;
	[tilespmem:s25+$0x60] =	vst v24;
	v20 =	vor.u32 v26, v1  }
0x12d: {  	v63 =	vld.idx.msk [tilespmem:v22+s12+$0x0], $0xffff;
	[tilespmem:s25+$0x170] =	vst v23;
	v1 =	vor.u32 v54, v1  }
0x12e: {  	v9 =	vld.idx.msk [tilespmem:v9+s12+$0x0], $0xffff;
	[tilespmem:s28+$0xFFFFFF30] =	vst v19  }
0x12f: {  	v10 =	vld.idx.msk [tilespmem:v10+s12+$0x0], $0xffff;
	[tilespmem:s29+$0x30] =	vst v15  }
0x130: {  	v14 =	vld.idx.msk [tilespmem:v14+s12+$0x0], $0xffff;
	[tilespmem:s25+$0x1E0] =	vst v17  }
0x131: {  	[tilespmem:s25+$0xFFFFFF60] =	vst v25;
	v17 =	vld.idx.msk [tilespmem:v20+s12+$0x0], $0xffff  }
0x132: {  	[tilespmem:s25+$0xF0] =	vst v63;
	v1 =	vld.idx.msk [tilespmem:v1+s12+$0x0], $0xffff  }
0x133: {  	v11 =	vld.idx.msk [tilespmem:v11+s12+$0x0], $0xffff;
	[tilespmem:s25+$0xFFFFFE70] =	vst v18  }
0x134: {  	v15 =	vld [tilespmem:$0x1FCC0];
	[tilespmem:s25+$0xFFFFFFF0] =	vst v9  }
0x135: {  	v9 =	vld.idx.msk [tilespmem:v13+s12+$0x0], $0xffff;
	[tilespmem:s25+$0x70] =	vst v14  }
0x136: {  	v6 =	vld.idx.msk [tilespmem:v6+s12+$0x0], $0xffff;
	[tilespmem:s25+$0x1F0] =	vst v17  }
0x137: {  	v13 =	vld [tilespmem:$0x1FC10];
	[tilespmem:s25+$0xFFFFFF70] =	vst v1  }
0x138: {  	[tilespmem:s29+$0xFFFFFEB0] =	vst v11  }
0x139: {  	[tilespmem:s29+$0x190] =	vst v10  }
0x13a: {  	v15 =	vor.u32 v15, v0;
	[tilespmem:s29+$0xFFFFFF40] =	vst v9  }
0x13b: {  	v9 =	vld [tilespmem:$0x1FF30]  }
0x13c: {  	[tilespmem:s29+$0xB0] =	vst v6  }
0x13d: {  	v11 =	vld.idx.msk [tilespmem:v12+s12+$0x0], $0xffff;
	[tilespmem:s29+$0xFFFFFFB0] =	vst v16;
	v13 =	vor.u32 v13, v0  }
0x13e: {  	v10 =	vld [tilespmem:$0x1FD00]  }
0x13f: {  	v1 =	vld.idx.msk [tilespmem:v15+s12+$0x0], $0xffff  }
0x140: {  	v8 =	vld.idx.msk [tilespmem:v8+s12+$0x0], $0xffff;
	v9 =	vor.u32 v9, v0  }
0x141: {  	v4 =	vld.idx.msk [tilespmem:v4+s12+$0x0], $0xffff  }
0x142: {  	v6 =	vld.idx.msk [tilespmem:v13+s12+$0x0], $0xffff  }
0x143: {  	v5 =	vld.idx.msk [tilespmem:v5+s12+$0x0], $0xffff;
	[tilespmem:s29+$0x40] =	vst v11  }
0x144: {  	v10 =	vor.u32 v10, v0;
	[tilespmem:s29+$0x140] =	vst v1;
	v1 =	vld.idx.msk [tilespmem:v3+s12+$0x0], $0xffff  }
0x145: {  	[tilespmem:s29+$0x1A0] =	vst v8;
	v8 =	vld.idx.msk [tilespmem:v9+s12+$0x0], $0xffff  }
0x146: {  	v3 =	vor.u32 v41, v0;
	v9 =	vld [tilespmem:$0x1FFF0]  }
0x147: {  	v7 =	vld.idx.msk [tilespmem:v7+s12+$0x0], $0xffff;
	[tilespmem:s29+$0xFFFFFE30] =	vst v6  }
0x148: {  	v11 =	vor.u32 v37, v0;
	v6 =	vld [tilespmem:$0x1FCD0]  }
0x149: {  	v10 =	vld.idx.msk [tilespmem:v10+s12+$0x0], $0xffff;
	[tilespmem:s29+$0xFFFFFEC0] =	vst v4  }
0x14a: {  	v4 =	vld [tilespmem:$0x1FFA0];
	[tilespmem:s29+$0xFFFFFFC0] =	vst v1  }
0x14b: {  	v9 =	vor.u32 v9, v0;
	v3 =	vld.idx.msk [tilespmem:v3+s12+$0x0], $0xffff;
	[tilespmem:s29+$0xC0] =	vst v5  }
0x14c: {  	v1 =	vor.u32 v39, v0;
	v12 =	vld [tilespmem:$0x1FED0]  }
0x14d: {  	v11 =	vld.idx.msk [tilespmem:v11+s12+$0x0], $0xffff  }
0x14e: {  	v5 =	vld [tilespmem:$0x1FD70];
	[tilespmem:s29+$0x150] =	vst v8  }
0x14f: {  	v8 =	vld [tilespmem:$0x1FC80];
	[tilespmem:s29+$0x1B0] =	vst v7;
	v6 =	vor.u32 v6, v0  }
0x150: {  	v9 =	vld.idx.msk [tilespmem:v9+s12+$0x0], $0xffff;
	[tilespmem:s29+$0xFFFFFE40] =	vst v10;
	v4 =	vor.u32 v4, v0  }
0x151: {  	v1 =	vld.idx.msk [tilespmem:v1+s12+$0x0], $0xffff;
	[tilespmem:s29+$0xFFFFFED0] =	vst v3;
	v12 =	vor.u32 v12, v0  }
0x152: {  	v3 =	vld [tilespmem:$0x1FCE0];
	[tilespmem:s29+$0xFFFFFFD0] =	vst v11  }
0x153: {  	v10 =	vld [tilespmem:$0x1FD10]  }
0x154: {  	v5 =	vor.u32 v5, v0;
	v6 =	vld.idx.msk [tilespmem:v6+s12+$0x0], $0xffff  }
0x155: {  	v7 =	vor.u32 v36, v0;
	v4 =	vld.idx.msk [tilespmem:v4+s12+$0x0], $0xffff  }
0x156: {  	[tilespmem:s29+$0xFFFFFF50] =	vst v9;
	v11 =	vld.idx.msk [tilespmem:v12+s12+$0x0], $0xffff  }
0x157: {  	v8 =	vor.u32 v8, v0;
	v12 =	vld [tilespmem:$0x1FEE0]  }
0x158: {  	v9 =	vld [tilespmem:$0x1FFB0]  }
0x159: {  	v3 =	vor.u32 v3, v0;
	v5 =	vld.idx.msk [tilespmem:v5+s12+$0x0], $0xffff  }
0x15a: {  	v10 =	vor.u32 v10, v0;
	[tilespmem:s29+$0x160] =	vst v6;
	v6 =	vld.idx.msk [tilespmem:v7+s12+$0x0], $0xffff  }
0x15b: {  	v7 =	vld [tilespmem:$0x1FC90];
	[tilespmem:s29+$0x1C0] =	vst v4  }
0x15c: {  	v8 =	vld.idx.msk [tilespmem:v8+s12+$0x0], $0xffff;
	[tilespmem:s29+$0xFFFFFE50] =	vst v1;
	v12 =	vor.u32 v12, v0  }
0x15d: {  	v1 =	vld [tilespmem:$0x1FC20]  }
0x15e: {  	v3 =	vld.idx.msk [tilespmem:v3+s12+$0x0], $0xffff  }
0x15f: {  	v9 =	vor.u32 v9, v0;
	[tilespmem:s29+$0xFFFFFEE0] =	vst v5;
	v4 =	vld.idx.msk [tilespmem:v10+s12+$0x0], $0xffff  }
0x160: {  	v5 =	vor.u32 v29, v0;
	v10 =	vld [tilespmem:$0x1FFC0];
	[tilespmem:s29+$0xD0] =	vst v11  }
0x161: {  	[tilespmem:s29+$0x50] =	vst v8;
	v11 =	vld.idx.msk [tilespmem:v12+s12+$0x0], $0xffff  }
0x162: {  	v7 =	vor.u32 v7, v0;
	v12 =	vld [tilespmem:$0x1FCB0]  }
0x163: {  	v1 =	vor.u32 v1, v0  }
0x164: {  	v8 =	vor.u32 v40, v0;
	v9 =	vld.idx.msk [tilespmem:v9+s12+$0x0], $0xffff;
	[tilespmem:s29+$0x1D0] =	vst v3  }
0x165: {  	v10 =	vor.u32 v10, v0;
	v3 =	vld.idx.msk [tilespmem:v5+s12+$0x0], $0xffff  }
0x166: {  	v5 =	vor.u32 v26, v0  }
0x167: {  	[tilespmem:s29+$0xFFFFFFE0] =	vst v6;
	v7 =	vld.idx.msk [tilespmem:v7+s12+$0x0], $0xffff;
	v12 =	vor.u32 v12, v0  }
0x168: {  	v6 =	vor.u32 v27, v0;
	[tilespmem:s29+$0xFFFFFE60] =	vst v4;
	v1 =	vld.idx.msk [tilespmem:v1+s12+$0x0], $0xffff  }
0x169: {  	v8 =	vld.idx.msk [tilespmem:v8+s12+$0x0], $0xffff;
	[tilespmem:s29+$0xFFFFFEF0] =	vst v9  }
0x16a: {  	v4 =	vld.idx.msk [tilespmem:v10+s12+$0x0], $0xffff;
	[tilespmem:s29+$0x1E0] =	vst v3  }
0x16b: {  	s30 =	simm.s32 $0x0;
	[tilespmem:s29+$0xE0] =	vst v11;
	v0 =	vor.u32 v54, v0;
	v3 =	vld.idx.msk [tilespmem:v5+s12+$0x0], $0xffff  }
0x16c: {  	[tilespmem:s29+$0x60] =	vst v7;
	v7 =	vmov s30;
	v9 =	vld.idx.msk [tilespmem:v12+s12+$0x0], $0xffff  }
0x16d: {  	[tilespmem:s29+$0xFFFFFF60] =	vst v1;
	v1 =	vld.idx.msk [tilespmem:v6+s12+$0x0], $0xffff;
	v6 =	vshrl.u32 v7, $0x3  }
0x16e: {  	v7 =	vld.idx.msk [tilespmem:v2+s12+$0x0], $0xffff;
	v2 =	vshll.u32 v6, $0x3  }
0x16f: {  	[tilespmem:s29+$0xFFFFFE70] =	vst v8;
	v2 =	vbroadcast v2, $0x0  }
0x170: {  	v13 =	vor.u32 $0x2000, v38;
	[tilespmem:s29+$0x170] =	vst v4;
	v0 =	vld.idx.msk [tilespmem:v0+s12+$0x0], $0xffff  }
0x171: {  	v15 =	vor.u32 $0x2001, v38;
	[tilespmem:s29+$0x1F0] =	vst v3;
	v4 =	vor.u32 v13, v2  }
0x172: {  	v16 =	vor.u32 $0x2003, v38;
	v5 =	vor.u32 v15, v2;
	[tilespmem:s29+$0xF0] =	vst v9  }
0x173: {  	v14 =	vor.u32 $0x2006, v38;
	v3 =	vor.u32 v16, v2;
	[tilespmem:s29+$0x70] =	vst v1  }
0x174: {  	v32 =	vor.u32 $0x2007, v38;
	v1 =	vor.u32 v14, v2;
	[tilespmem:s29+$0xFFFFFFF0] =	vst v7  }
0x175: {  	[tilespmem:s29+$0xFFFFFF70] =	vst v0;
	v0 =	vor.u32 v32, v2  }
0x176: {  	v18 =	vor.u32 $0x2004, v38;
	v4 =	vld.idx.msk [tilespmem:v4+s12+$0x0], $0xffff  }
0x177: {  	v20 =	vor.u32 $0x2005, v38;
	v6 =	vor.u32 v18, v2;
	v5 =	vld.idx.msk [tilespmem:v5+s12+$0x0], $0xffff  }
0x178: {  	v23 =	vor.u32 $0x2401, v38;
	v7 =	vor.u32 v20, v2;
	v3 =	vld.idx.msk [tilespmem:v3+s12+$0x0], $0xffff  }
0x179: {  	v22 =	vor.u32 $0x2406, v38;
	v9 =	vor.u32 v23, v2;
	v1 =	vld.idx.msk [tilespmem:v1+s12+$0x0], $0xffff  }
0x17a: {  	v25 =	vor.u32 $0x2400, v38;
	v8 =	vor.u32 v22, v2;
	v0 =	vld.idx.msk [tilespmem:v0+s12+$0x0], $0xffff  }
0x17b: {  	v43 =	vor.u32 $0x2407, v38;
	v10 =	vor.u32 v25, v2;
	[tilespmem:s24+$0xFFFFFC10] =	vst v4  }
0x17c: {  	v27 =	vor.u32 $0x2002, v38;
	v11 =	vor.u32 v43, v2;
	v4 =	vld.idx.msk [tilespmem:v6+s12+$0x0], $0xffff;
	[tilespmem:s24+$0xFFFFFC90] =	vst v5  }
0x17d: {  	v28 =	vor.u32 $0x2405, v38;
	v7 =	vld.idx.msk [tilespmem:v7+s12+$0x0], $0xffff;
	v6 =	vor.u32 v27, v2;
	[tilespmem:s24+$0xFFFFFD90] =	vst v3  }
0x17e: {  	v33 =	vor.u32 $0x2404, v38;
	[tilespmem:s24+$0xFFFFFF10] =	vst v1;
	v1 =	vor.u32 v28, v2;
	v3 =	vld.idx.msk [tilespmem:v9+s12+$0x0], $0xffff  }
0x17f: {  	v49 =	vor.u32 $0x2806, v38;
	v5 =	vld.idx.msk [tilespmem:v8+s12+$0x0], $0xffff;
	[tilespmem:s24+$0xFFFFFF90] =	vst v0;
	v0 =	vor.u32 v33, v2  }
0x180: {  	v39 =	vor.u32 $0x2801, v38;
	v9 =	vld.idx.msk [tilespmem:v10+s12+$0x0], $0xffff;
	v8 =	vor.u32 v49, v2  }
0x181: {  	v40 =	vor.u32 $0x2807, v38;
	v10 =	vor.u32 v39, v2;
	[tilespmem:s24+$0xFFFFFE10] =	vst v4;
	v4 =	vld.idx.msk [tilespmem:v11+s12+$0x0], $0xffff  }
0x182: {  	v50 =	vor.u32 $0x2402, v38;
	[tilespmem:s24+$0xFFFFFE90] =	vst v7;
	v11 =	vor.u32 v40, v2;
	v6 =	vld.idx.msk [tilespmem:v6+s12+$0x0], $0xffff  }
0x183: {  	v7 =	vor.u32 v50, v2;
	v1 =	vld.idx.msk [tilespmem:v1+s12+$0x0], $0xffff;
	[tilespmem:s24+$0xFFFFFCA0] =	vst v3  }
0x184: {  	v57 =	vor.u32 $0x2805, v38;
	[tilespmem:s24+$0xFFFFFF20] =	vst v5;
	v0 =	vld.idx.msk [tilespmem:v0+s12+$0x0], $0xffff  }
0x185: {  	v31 =	vor.u32 $0x2C06, v38;
	[tilespmem:s24+$0xFFFFFC20] =	vst v9;
	v5 =	vor.u32 v57, v2;
	v3 =	vld.idx.msk [tilespmem:v8+s12+$0x0], $0xffff  }
0x186: {  	v45 =	vor.u32 $0x2C01, v38;
	v9 =	vor.u32 v31, v2;
	v8 =	vld.idx.msk [tilespmem:v10+s12+$0x0], $0xffff;
	[tilespmem:s24+$0xFFFFFFA0] =	vst v4  }
0x187: {  	v26 =	vor.u32 $0x2804, v38;
	v10 =	vor.u32 v45, v2;
	[tilespmem:s24+$0xFFFFFD10] =	vst v6;
	v6 =	vld.idx.msk [tilespmem:v11+s12+$0x0], $0xffff  }
0x188: {  	v53 =	vor.u32 $0x2C07, v38;
	v4 =	vor.u32 v26, v2;
	[tilespmem:s24+$0xFFFFFEA0] =	vst v1;
	v7 =	vld.idx.msk [tilespmem:v7+s12+$0x0], $0xffff  }
0x189: {  	v29 =	vor.u32 $0x2802, v38;
	v1 =	vor.u32 v53, v2;
	[tilespmem:s24+$0xFFFFFE20] =	vst v0  }
0x18a: {  	v47 =	vor.u32 $0x2403, v38;
	v11 =	vor.u32 v29, v2;
	v5 =	vld.idx.msk [tilespmem:v5+s12+$0x0], $0xffff;
	[tilespmem:s24+$0xFFFFFF30] =	vst v3  }
0x18b: {  	v55 =	vor.u32 $0x3006, v38;
	v3 =	vor.u32 v47, v2;
	[tilespmem:s24+$0xFFFFFCB0] =	vst v8;
	v8 =	vld.idx.msk [tilespmem:v9+s12+$0x0], $0xffff  }
0x18c: {  	v60 =	vor.u32 $0x2800, v38;
	v0 =	vld.idx.msk [tilespmem:v10+s12+$0x0], $0xffff;
	v9 =	vor.u32 v55, v2;
	[tilespmem:s24+$0xFFFFFFB0] =	vst v6  }
0x18d: {  	v12 =	vor.u32 $0x3007, v38;
	v10 =	vor.u32 v60, v2;
	v4 =	vld.idx.msk [tilespmem:v4+s12+$0x0], $0xffff;
	[tilespmem:s24+$0xFFFFFD20] =	vst v7  }
0x18e: {  	v36 =	vor.u32 $0x3001, v38;
	v1 =	vld.idx.msk [tilespmem:v1+s12+$0x0], $0xffff;
	[tilespmem:$0x1FB30] =	vst v12  }
0x18f: {  	v6 =	vor.u32 v36, v2;
	v7 =	vld.idx.msk [tilespmem:v11+s12+$0x0], $0xffff;
	[tilespmem:s24+$0xFFFFFEB0] =	vst v5  }
0x190: {  	v35 =	vor.u32 $0x2C05, v38;
	v5 =	vor.u32 v12, v2;
	v3 =	vld.idx.msk [tilespmem:v3+s12+$0x0], $0xffff;
	[tilespmem:s24+$0xFFFFFF40] =	vst v8  }
0x191: {  	v54 =	vor.u32 $0x2C04, v38;
	v11 =	vor.u32 v35, v2;
	[tilespmem:s24+$0xFFFFFCC0] =	vst v0;
	v0 =	vld.idx.msk [tilespmem:v9+s12+$0x0], $0xffff  }
0x192: {  	v30 =	vor.u32 $0x3406, v38;
	v8 =	vor.u32 v54, v2;
	v9 =	vld.idx.msk [tilespmem:v10+s12+$0x0], $0xffff;
	[tilespmem:s24+$0xFFFFFE30] =	vst v4  }
0x193: {  	v4 =	vor.u32 v30, v2;
	[tilespmem:s24+$0xFFFFFFC0] =	vst v1  }
0x194: {  	v59 =	vor.u32 $0x2803, v38;
	v6 =	vld.idx.msk [tilespmem:v6+s12+$0x0], $0xffff;
	[tilespmem:s24+$0xFFFFFD30] =	vst v7  }
0x195: {  	v34 =	vor.u32 $0x3401, v38;
	v10 =	vor.u32 v59, v2;
	v1 =	vld.idx.msk [tilespmem:v5+s12+$0x0], $0xffff;
	[tilespmem:s24+$0xFFFFFDA0] =	vst v3  }
0x196: {  	v5 =	vor.u32 v34, v2;
	v7 =	vld.idx.msk [tilespmem:v11+s12+$0x0], $0xffff;
	[tilespmem:s24+$0xFFFFFF50] =	vst v0  }
0x197: {  	v42 =	vor.u32 $0x3407, v38;
	v12 =	vor.u32 $0x3806, v38;
	v8 =	vld.idx.msk [tilespmem:v8+s12+$0x0], $0xffff;
	[tilespmem:s24+$0xFFFFFC30] =	vst v9  }
0x198: {  	v37 =	vor.u32 $0x2C02, v38;
	v3 =	vor.u32 v42, v2;
	v4 =	vld.idx.msk [tilespmem:v4+s12+$0x0], $0xffff;
	[tilespmem:$0x1FB40] =	vst v12  }
0x199: {  	v11 =	vor.u32 v37, v2;
	[tilespmem:s24+$0xFFFFFCD0] =	vst v6  }
0x19a: {  	v9 =	vld.idx.msk [tilespmem:v10+s12+$0x0], $0xffff;
	[tilespmem:s24+$0xFFFFFFD0] =	vst v1;
	v1 =	vor.u32 $0x3807, v38  }
0x19b: {  	v62 =	vor.u32 $0x3005, v38;
	v5 =	vld.idx.msk [tilespmem:v5+s12+$0x0], $0xffff;
	[tilespmem:$0x1FB50] =	vst v1  }
0x19c: {  	v17 =	vor.u32 $0x2C03, v38;
	v0 =	vor.u32 v62, v2;
	[tilespmem:s24+$0xFFFFFEC0] =	vst v7  }
0x19d: {  	v63 =	vor.u32 $0x3004, v38;
	v10 =	vor.u32 v12, v2;
	v3 =	vld.idx.msk [tilespmem:v3+s12+$0x0], $0xffff;
	[tilespmem:$0x1FB70] =	vst v17  }
0x19e: {  	v44 =	vor.u32 $0x3801, v38;
	v6 =	vor.u32 v63, v2;
	[tilespmem:s24+$0xFFFFFE40] =	vst v8;
	v8 =	vld.idx.msk [tilespmem:v11+s12+$0x0], $0xffff  }
0x19f: {  	v7 =	vor.u32 v44, v2;
	[tilespmem:s24+$0xFFFFFF60] =	vst v4  }
0x1a0: {  	v12 =	vor.u32 v1, v2;
	[tilespmem:s24+$0xFFFFFDB0] =	vst v9  }
0x1a1: {  	v52 =	vor.u32 $0x3405, v38;
	v11 =	vor.u32 v17, v2;
	v0 =	vld.idx.msk [tilespmem:v0+s12+$0x0], $0xffff;
	[tilespmem:s24+$0xFFFFFCE0] =	vst v5  }
0x1a2: {  	s31 =	simm.s32 $0x8;
	v4 =	vor.u32 v52, v2;
	v9 =	vld.idx.msk [tilespmem:v10+s12+$0x0], $0xffff;
	[tilespmem:s24+$0xFFFFFFE0] =	vst v3  }
0x1a3: {  	v41 =	vor.u32 $0x3002, v38;
	v1 =	vmov s31;
	v6 =	vld.idx.msk [tilespmem:v6+s12+$0x0], $0xffff;
	[tilespmem:s24+$0xFFFFFD40] =	vst v8  }
0x1a4: {  	v19 =	vor.u32 $0x3404, v38;
	v1 =	vshrl.u32 v1, $0x3;
	v10 =	vor.u32 v41, v2;
	v7 =	vld.idx.msk [tilespmem:v7+s12+$0x0], $0xffff;
	[tilespmem:$0x1F9D0] =	vst v13  }
0x1a5: {  	v1 =	vshll.u32 v1, $0x3;
	v5 =	vor.u32 v19, v2;
	v8 =	vld.idx.msk [tilespmem:v12+s12+$0x0], $0xffff  }
0x1a6: {  	v1 =	vbroadcast v1, $0x0;
	[tilespmem:s24+$0xFFFFFED0] =	vst v0;
	v0 =	vld.idx.msk [tilespmem:v11+s12+$0x0], $0xffff  }
0x1a7: {  	v4 =	vld.idx.msk [tilespmem:v4+s12+$0x0], $0xffff;
	[tilespmem:$0x1F9E0] =	vst v15  }
0x1a8: {  	v21 =	vor.u32 $0x3C01, v38;
	v3 =	vor.u32 v13, v1;
	[tilespmem:s24+$0xFFFFFF70] =	vst v9  }
0x1a9: {  	v12 =	vor.u32 v21, v2;
	v10 =	vld.idx.msk [tilespmem:v10+s12+$0x0], $0xffff;
	[tilespmem:s24+$0xFFFFFE50] =	vst v6;
	v6 =	vor.u32 $0x3C07, v38  }
0x1aa: {  	v5 =	vld.idx.msk [tilespmem:v5+s12+$0x0], $0xffff;
	[tilespmem:$0x1F9F0] =	vst v6  }
0x1ab: {  	[tilespmem:s24+$0xFFFFFCF0] =	vst v7  }
0x1ac: {  	[tilespmem:$0x1FA00] =	vst v16  }
0x1ad: {  	v13 =	vor.u32 $0x3402, v38;
	v11 =	vor.u32 v15, v1;
	v3 =	vld.idx.msk [tilespmem:v3+s12+$0x0], $0xffff;
	[tilespmem:s24+$0xFFFFFFF0] =	vst v8  }
0x1ae: {  	v17 =	vor.u32 $0x3003, v38;
	v8 =	vld.idx.msk [tilespmem:v12+s12+$0x0], $0xffff;
	[tilespmem:$0x1FA10] =	vst v13  }
0x1af: {  	v9 =	vor.u32 v17, v2;
	[tilespmem:s24+$0xFFFFFDC0] =	vst v0  }
0x1b0: {  	[tilespmem:$0x1FA20] =	vst v18  }
0x1b1: {  	v6 =	vor.u32 v6, v2;
	[tilespmem:s24+$0xFFFFFEE0] =	vst v4  }
0x1b2: {  	v7 =	vor.u32 v16, v1;
	v11 =	vld.idx.msk [tilespmem:v11+s12+$0x0], $0xffff;
	[tilespmem:$0x1FA30] =	vst v20  }
0x1b3: {  	[tilespmem:s24+$0xFFFFFD50] =	vst v10  }
0x1b4: {  	v12 =	vor.u32 v13, v2;
	v9 =	vld.idx.msk [tilespmem:v9+s12+$0x0], $0xffff;
	[tilespmem:$0x1FA40] =	vst v14  }
0x1b5: {  	s25 =	simm.s32 $0xF3F0;
	[tilespmem:s24+$0xFFFFFE60] =	vst v5  }
0x1b6: {  	v0 =	vor.u32 v18, v1;
	v6 =	vld.idx.msk [tilespmem:v6+s12+$0x0], $0xffff;
	[tilespmem:s25+$0xFFFFFC10] =	vst v3  }
0x1b7: {  	v5 =	vld.idx.msk [tilespmem:v7+s12+$0x0], $0xffff;
	[tilespmem:$0x1FA50] =	vst v32  }
0x1b8: {  	v4 =	vor.u32 v20, v1;
	[tilespmem:s24+$0xFFFFFD00] =	vst v8  }
0x1b9: {  	v12 =	vld.idx.msk [tilespmem:v12+s12+$0x0], $0xffff;
	[tilespmem:$0x1FA60] =	vst v25  }
0x1ba: {  	v10 =	vor.u32 v14, v1;
	[tilespmem:s25+$0xFFFFFC90] =	vst v11  }
0x1bb: {  	v24 =	vor.u32 $0x3403, v38;
	v0 =	vld.idx.msk [tilespmem:v0+s12+$0x0], $0xffff;
	[tilespmem:$0x1FA70] =	vst v23  }
0x1bc: {  	v7 =	vor.u32 v24, v2;
	[tilespmem:s24+$0xFFFFFDD0] =	vst v9  }
0x1bd: {  	v4 =	vld.idx.msk [tilespmem:v4+s12+$0x0], $0xffff;
	[tilespmem:$0x1FA80] =	vst v27  }
0x1be: {  	v13 =	vor.u32 $0x3802, v38;
	v3 =	vor.u32 v32, v1;
	[tilespmem:s24+$0x0] =	vst v6  }
0x1bf: {  	v8 =	vor.u32 v25, v1;
	v10 =	vld.idx.msk [tilespmem:v10+s12+$0x0], $0xffff;
	[tilespmem:$0x1FA90] =	vst v13  }
0x1c0: {  	[tilespmem:s25+$0xFFFFFD90] =	vst v5  }
0x1c1: {  	v7 =	vld.idx.msk [tilespmem:v7+s12+$0x0], $0xffff;
	[tilespmem:$0x1FAA0] =	vst v28  }
0x1c2: {  	[tilespmem:s24+$0xFFFFFD60] =	vst v12  }
0x1c3: {  	v11 =	vor.u32 v23, v1;
	v3 =	vld.idx.msk [tilespmem:v3+s12+$0x0], $0xffff;
	v12 =	vor.u32 $0x3803, v38;
	[tilespmem:s25+$0xFFFFFE10] =	vst v0  }
0x1c4: {  	v9 =	vor.u32 v27, v1;
	v8 =	vld.idx.msk [tilespmem:v8+s12+$0x0], $0xffff;
	[tilespmem:$0x1FAB0] =	vst v12  }
0x1c5: {  	v6 =	vor.u32 v13, v2;
	[tilespmem:s25+$0xFFFFFE90] =	vst v4  }
0x1c6: {  	[tilespmem:$0x1FAC0] =	vst v22  }
0x1c7: {  	v5 =	vor.u32 v28, v1;
	[tilespmem:s25+$0xFFFFFF10] =	vst v10  }
0x1c8: {  	v11 =	vld.idx.msk [tilespmem:v11+s12+$0x0], $0xffff;
	[tilespmem:$0x1FAD0] =	vst v33  }
0x1c9: {  	v0 =	vor.u32 v12, v2;
	v12 =	vor.u32 $0x3804, v38;
	v9 =	vld.idx.msk [tilespmem:v9+s12+$0x0], $0xffff;
	[tilespmem:s24+$0xFFFFFDE0] =	vst v7  }
0x1ca: {  	v4 =	vor.u32 v22, v1;
	v6 =	vld.idx.msk [tilespmem:v6+s12+$0x0], $0xffff;
	[tilespmem:$0x1FAE0] =	vst v12  }
0x1cb: {  	[tilespmem:s25+$0xFFFFFF90] =	vst v3  }
0x1cc: {  	v10 =	vor.u32 v33, v1;
	v3 =	vld.idx.msk [tilespmem:v5+s12+$0x0], $0xffff;
	[tilespmem:$0x1FAF0] =	vst v39  }
0x1cd: {  	v7 =	vor.u32 v12, v2;
	[tilespmem:s25+$0xFFFFFC20] =	vst v8  }
0x1ce: {  	v0 =	vld.idx.msk [tilespmem:v0+s12+$0x0], $0xffff;
	[tilespmem:s25+$0xFFFFFCA0] =	vst v11  }
0x1cf: {  	v48 =	vor.u32 $0x2C00, v38;
	v5 =	vor.u32 v39, v1;
	v4 =	vld.idx.msk [tilespmem:v4+s12+$0x0], $0xffff;
	[tilespmem:$0x1FB00] =	vst v43  }
0x1d0: {  	v8 =	vor.u32 v48, v2;
	[tilespmem:s25+$0xFFFFFD10] =	vst v9  }
0x1d1: {  	v27 =	vor.u32 $0x3C03, v38;
	v11 =	vor.u32 v43, v1;
	v9 =	vld.idx.msk [tilespmem:v10+s12+$0x0], $0xffff;
	[tilespmem:s24+$0xFFFFFD70] =	vst v6  }
0x1d2: {  	v10 =	vor.u32 v27, v2;
	v6 =	vld.idx.msk [tilespmem:v7+s12+$0x0], $0xffff;
	[tilespmem:$0x1FB10] =	vst v49  }
0x1d3: {  	v7 =	vor.u32 v49, v1;
	[tilespmem:s25+$0xFFFFFEA0] =	vst v3  }
0x1d4: {  	v3 =	vld.idx.msk [tilespmem:v5+s12+$0x0], $0xffff;
	v5 =	vor.u32 v50, v1;
	[tilespmem:s24+$0xFFFFFDF0] =	vst v0  }
0x1d5: {  	v0 =	vld.idx.msk [tilespmem:v8+s12+$0x0], $0xffff;
	v8 =	vor.u32 v57, v1;
	[tilespmem:s25+$0xFFFFFF20] =	vst v4  }
0x1d6: {  	v4 =	vld.idx.msk [tilespmem:v11+s12+$0x0], $0xffff;
	v11 =	vor.u32 v45, v1;
	[tilespmem:s25+$0xFFFFFE20] =	vst v9  }
0x1d7: {  	v12 =	vor.u32 $0x3C04, v38;
	v9 =	vld.idx.msk [tilespmem:v10+s12+$0x0], $0xffff;
	v10 =	vor.u32 v26, v1;
	[tilespmem:s24+$0xFFFFFE70] =	vst v6  }
0x1d8: {  	v6 =	vld.idx.msk [tilespmem:v7+s12+$0x0], $0xffff;
	v7 =	vor.u32 v12, v2;
	[tilespmem:$0x1FB20] =	vst v12  }
0x1d9: {  	[tilespmem:s25+$0xFFFFFCB0] =	vst v3;
	v3 =	vld.idx.msk [tilespmem:v5+s12+$0x0], $0xffff;
	v5 =	vor.u32 v40, v1  }
0x1da: {  	[tilespmem:s24+$0xFFFFFC40] =	vst v0;
	v0 =	vld.idx.msk [tilespmem:v8+s12+$0x0], $0xffff;
	v8 =	vor.u32 v31, v1  }
0x1db: {  	v58 =	vmov v26;
	v26 =	vor.u32 $0x3000, v38;
	[tilespmem:s25+$0xFFFFFFA0] =	vst v4;
	v4 =	vld.idx.msk [tilespmem:v11+s12+$0x0], $0xffff;
	v11 =	vor.u32 v29, v1  }
0x1dc: {  	[tilespmem:s24+$0xFFFFFE00] =	vst v9;
	v9 =	vld.idx.msk [tilespmem:v10+s12+$0x0], $0xffff;
	v10 =	vor.u32 v26, v2  }
0x1dd: {  	[tilespmem:s25+$0xFFFFFF30] =	vst v6;
	v6 =	vld.idx.msk [tilespmem:v7+s12+$0x0], $0xffff;
	v7 =	vor.u32 v47, v1  }
0x1de: {  	[tilespmem:s25+$0xFFFFFD20] =	vst v3;
	v3 =	vld.idx.msk [tilespmem:v5+s12+$0x0], $0xffff;
	v5 =	vor.u32 v60, v1  }
0x1df: {  	[tilespmem:s25+$0xFFFFFEB0] =	vst v0;
	v0 =	vld.idx.msk [tilespmem:v8+s12+$0x0], $0xffff  }
0x1e0: {  	[tilespmem:s25+$0xFFFFFCC0] =	vst v4;
	v4 =	vld.idx.msk [tilespmem:v11+s12+$0x0], $0xffff  }
0x1e1: {  	[tilespmem:s25+$0xFFFFFE30] =	vst v9;
	v9 =	vld.idx.msk [tilespmem:v10+s12+$0x0], $0xffff  }
0x1e2: {  	v25 =	vor.u32 $0x3400, v38;
	[tilespmem:s24+$0xFFFFFE80] =	vst v6;
	v6 =	vld.idx.msk [tilespmem:v7+s12+$0x0], $0xffff  }
0x1e3: {  	[tilespmem:s25+$0xFFFFFFB0] =	vst v3;
	v3 =	vld.idx.msk [tilespmem:v5+s12+$0x0], $0xffff;
	v5 =	vor.u32 v25, v2  }
0x1e4: {  	[tilespmem:s25+$0xFFFFFF40] =	vst v0  }
0x1e5: {  	v8 =	vor.u32 v35, v1;
	[tilespmem:s25+$0xFFFFFD30] =	vst v4  }
0x1e6: {  	v11 =	vor.u32 v53, v1;
	[tilespmem:s24+$0xFFFFFC50] =	vst v9  }
0x1e7: {  	v10 =	vor.u32 v55, v1;
	[tilespmem:s25+$0xFFFFFDA0] =	vst v6  }
0x1e8: {  	v7 =	vor.u32 v54, v1;
	[tilespmem:s25+$0xFFFFFC30] =	vst v3;
	v3 =	vld.idx.msk [tilespmem:v5+s12+$0x0], $0xffff  }
0x1e9: {  	v5 =	vld [tilespmem:$0x1FB30]  }
0x1ea: {  	v22 =	vor.u32 $0x3805, v38;
	v0 =	vld.idx.msk [tilespmem:v8+s12+$0x0], $0xffff;
	v8 =	vor.u32 v59, v1  }
0x1eb: {  	v12 =	vor.u32 $0x3C06, v38;
	v4 =	vld.idx.msk [tilespmem:v11+s12+$0x0], $0xffff;
	v11 =	vor.u32 v22, v2  }
0x1ec: {  	v9 =	vld.idx.msk [tilespmem:v10+s12+$0x0], $0xffff;
	v10 =	vor.u32 v12, v2  }
0x1ed: {  	v6 =	vld.idx.msk [tilespmem:v7+s12+$0x0], $0xffff;
	v7 =	vor.u32 v36, v1  }
0x1ee: {  	v56 =	vmov v35;
	v35 =	vmov v5;
	v5 =	vor.u32 v5, v1  }
0x1ef: {  	v32 =	vmov v47;
	[tilespmem:s25+$0xFFFFFEC0] =	vst v0;
	v0 =	vld.idx.msk [tilespmem:v8+s12+$0x0], $0xffff  }
0x1f0: {  	v47 =	vmovc v60;
	v60 =	vmov v55;
	v55 =	vor.u32 $0x3800, v38;
	v8 =	vor.u32 v30, v1;
	[tilespmem:s25+$0xFFFFFFC0] =	vst v4;
	v4 =	vld.idx.msk [tilespmem:v11+s12+$0x0], $0xffff  }
0x1f1: {  	v11 =	vor.u32 v55, v2;
	[tilespmem:s25+$0xFFFFFF50] =	vst v9;
	v9 =	vld.idx.msk [tilespmem:v10+s12+$0x0], $0xffff  }
0x1f2: {  	[tilespmem:s25+$0xFFFFFE40] =	vst v6;
	v6 =	vld.idx.msk [tilespmem:v7+s12+$0x0], $0xffff  }
0x1f3: {  	[tilespmem:s24+$0xFFFFFC60] =	vst v3;
	v3 =	vld.idx.msk [tilespmem:v5+s12+$0x0], $0xffff  }
0x1f4: {  	[tilespmem:s25+$0xFFFFFDB0] =	vst v0  }
0x1f5: {  	v0 =	vld.idx.msk [tilespmem:v8+s12+$0x0], $0xffff;
	[tilespmem:s24+$0xFFFFFEF0] =	vst v4  }
0x1f6: {  	v11 =	vld.idx.msk [tilespmem:v11+s12+$0x0], $0xffff;
	[tilespmem:s24+$0xFFFFFF80] =	vst v9  }
0x1f7: {  	v23 =	vor.u32 $0x3C02, v38;
	[tilespmem:s25+$0xFFFFFCD0] =	vst v6  }
0x1f8: {  	v13 =	vor.u32 v23, v2;
	[tilespmem:s25+$0xFFFFFFD0] =	vst v3  }
0x1f9: {  	v5 =	vor.u32 v48, v1;
	v3 =	vld [tilespmem:$0x1FB40]  }
0x1fa: {  	v7 =	vor.u32 v37, v1;
	[tilespmem:s25+$0xFFFFFF60] =	vst v0  }
0x1fb: {  	v8 =	vor.u32 v62, v1;
	[tilespmem:s24+$0xFFFFFC70] =	vst v11  }
0x1fc: {  	v9 =	vor.u32 v34, v1;
	v0 =	vld [tilespmem:$0x1FB50]  }
0x1fd: {  	v13 =	vld.idx.msk [tilespmem:v13+s12+$0x0], $0xffff;
	v6 =	vor.u32 v42, v1  }
0x1fe: {  	v4 =	vld.idx.msk [tilespmem:v5+s12+$0x0], $0xffff;
	v5 =	vor.u32 v3, v1  }
0x1ff: {  	v10 =	vld.idx.msk [tilespmem:v7+s12+$0x0], $0xffff  }
0x200: {  	v46 =	vmovc v50;
	v61 =	vmov v54;
	v50 =	vmov v57;
	v57 =	vmov v12;
	v12 =	vld.idx.msk [tilespmem:v8+s12+$0x0], $0xffff  }
0x201: {  	v54 =	vmovc v36;
	v36 =	vmovc v62;
	v62 =	vmov v42;
	v15 =	vld.idx.msk [tilespmem:v9+s12+$0x0], $0xffff;
	v42 =	vmov v0;
	v0 =	vor.u32 v0, v1  }
0x202: {  	v16 =	vld.idx.msk [tilespmem:v6+s12+$0x0], $0xffff;
	[tilespmem:$0x1FB60] =	vst v0  }
0x203: {  	v11 =	vld.idx.msk [tilespmem:v5+s12+$0x0], $0xffff;
	[tilespmem:$0x1FB80] =	vst v24  }
0x204: {  	v20 =	vor.u32 $0x3C05, v38;
	v28 =	vor.u32 $0x3C00, v38;
	[tilespmem:$0x1FB90] =	vst v27  }
0x205: {  	v51 =	vmovc v45;
	v18 =	vor.u32 v20, v2;
	v14 =	vor.u32 v28, v2;
	v33 =	vmov v21;
	v0 =	vld [tilespmem:$0x1FB70];
	[tilespmem:$0x1FBA0] =	vst v26  }
0x206: {  	v39 =	vmovc v40;
	v43 =	vmovc v17;
	v49 =	vmov v41;
	v45 =	vmov v31;
	v40 =	vmov v29;
	[tilespmem:$0x1FBB0] =	vst v25  }
0x207: {  	v29 =	vmovc v53;
	v31 =	vmovc v37;
	v53 =	vmov v59;
	v38 =	vmov v44;
	v59 =	vmov v30;
	[tilespmem:$0x1FBC0] =	vst v22  }
0x208: {  	v37 =	vmovc v34;
	v34 =	vmov v63;
	v8 =	vor.u32 v41, v1;
	v9 =	vor.u32 v52, v1;
	[tilespmem:$0x1FBD0] =	vst v23  }
0x209: {  	v41 =	vmovc v52;
	v6 =	vor.u32 v17, v1;
	v17 =	vor.u32 v44, v1;
	v44 =	vmov v21;
	[tilespmem:$0x1FBE0] =	vst v20  }
0x20a: {  	s26 =	simm.s32 $0x10;
	v30 =	vmovc v3;
	v3 =	vor.u32 v63, v1;
	[tilespmem:$0x1FBF0] =	vst v28;
	v63 =	vmov v0;
	v7 =	vor.u32 v0, v1  }
.LBB2_4:
0x20b: {  	v5 =	vmov s26;
	v0 =	vld [tilespmem:$0x1F9D0]  }
0x20c: {  	v5 =	vshrl.u32 v5, $0x3  }
0x20d: {  	v5 =	vshll.u32 v5, $0x3  }
0x20e: {  	v5 =	vbroadcast v5, $0x0;
	_ =	sdelay $0x1  }
0x20f: {  	[tilespmem:s25+$0xFFFFFFE0] =	vst v16;
	v16 =	vor.u32 v0, v5;
	v0 =	vld [tilespmem:$0x1FB00];
	_ =	sdelay $0x2  }
0x210: {  	[tilespmem:s25+$0xFFFFFCE0] =	vst v15  }
0x211: {  	v15 =	vld.idx.msk [tilespmem:v17+s12+$0x0], $0xffff  }
0x212: {  	v17 =	vor.u32 v0, v5;
	v0 =	vld [tilespmem:$0x1FB60];
	_ =	sdelay $0x7  }
0x213: {  	v20 =	vld.idx.msk [tilespmem:v0+s12+$0x0], $0xffff  }
0x214: {  	v0 =	vld [tilespmem:$0x1F9E0];
	_ =	sdelay $0x3  }
0x215: {  	[tilespmem:s25+$0xFFFFFD40] =	vst v10;
	v10 =	vld.idx.msk [tilespmem:v18+s12+$0x0], $0xffff  }
0x216: {  	v21 =	vor.u32 v0, v5;
	v0 =	vld [tilespmem:$0x1FA80];
	_ =	sdelay $0x2  }
0x217: {  	[tilespmem:s25+$0xFFFFFED0] =	vst v12  }
0x218: {  	[tilespmem:s24+$0xFFFFFD80] =	vst v13  }
0x219: {  	v13 =	vld.idx.msk [tilespmem:v9+s12+$0x0], $0xffff;
	[tilespmem:s24+$0xFFFFFF00] =	vst v10;
	v10 =	vor.u32 v0, v5;
	v0 =	vor.u32 v42, v5  }
0x21a: {  	[tilespmem:$0x1FB60] =	vst v0;
	v0 =	vld [tilespmem:$0x1FA00];
	_ =	sdelay $0x2  }
0x21b: {  	v12 =	vld.idx.msk [tilespmem:v14+s12+$0x0], $0xffff  }
0x21c: {  	v14 =	vld.idx.msk [tilespmem:v3+s12+$0x0], $0xffff  }
0x21d: {  	[tilespmem:s25+$0xFFFFFF70] =	vst v11;
	v11 =	vor.u32 v0, v5;
	v0 =	vld [tilespmem:$0x1FA20];
	_ =	sdelay $0x4  }
0x21e: {  	[tilespmem:s25+$0xFFFFFE50] =	vst v14;
	v14 =	vor.u32 v0, v5;
	v0 =	vld [tilespmem:$0x1F9F0];
	_ =	sdelay $0x4  }
0x21f: {  	v22 =	vor.u32 v0, v1;
	v0 =	vld [tilespmem:$0x1FA30];
	_ =	sdelay $0x2  }
0x220: {  	[tilespmem:s24+$0xFFFFFC80] =	vst v12  }
0x221: {  	v12 =	vld.idx.msk [tilespmem:v16+s12+$0x0], $0xffff  }
0x222: {  	v16 =	vor.u32 v0, v5;
	v0 =	vld [tilespmem:$0x1FA40];
	_ =	sdelay $0x4  }
0x223: {  	[tilespmem:s25+$0xFFFFFCF0] =	vst v15;
	v15 =	vor.u32 v0, v5;
	v0 =	vld [tilespmem:$0x1FA10];
	_ =	sdelay $0x4  }
0x224: {  	v23 =	vor.u32 v0, v1;
	v0 =	vld [tilespmem:$0x1FA50];
	_ =	sdelay $0x2  }
0x225: {  	v7 =	vld.idx.msk [tilespmem:v7+s12+$0x0], $0xffff  }
0x226: {  	[tilespmem:s25+$0xFFFFFFF0] =	vst v20;
	v20 =	vld.idx.msk [tilespmem:v21+s12+$0x0], $0xffff  }
0x227: {  	v21 =	vor.u32 v0, v5;
	v0 =	vld [tilespmem:$0x1FA60];
	_ =	sdelay $0x4  }
0x228: {  	[tilespmem:s25+$0xFFFFFDC0] =	vst v7;
	v7 =	vor.u32 v0, v5;
	v0 =	vld [tilespmem:$0x1FB80];
	_ =	sdelay $0x3  }
0x229: {  	v52 =	vmov v19;
	v19 =	vor.u32 v19, v1;
	v8 =	vld.idx.msk [tilespmem:v8+s12+$0x0], $0xffff  }
0x22a: {  	v24 =	vor.u32 v0, v1;
	v0 =	vld [tilespmem:$0x1FAD0];
	_ =	sdelay $0x2  }
0x22b: {  	v18 =	vor.u32 v44, v1;
	[tilespmem:s25+$0xFFFFFEE0] =	vst v13  }
0x22c: {  	s24 =	smov.u32 s25;
	v19 =	vld.idx.msk [tilespmem:v19+s12+$0x0], $0xffff;
	[tilespmem:s25+$0xFFFFFD50] =	vst v8;
	s25 =	sadd.s32 $0x800, s25  }
0x22d: {  	[tilespmem:s25+$0xFFFFFC10] =	vst v12;
	v12 =	vor.u32 v0, v5;
	v0 =	vld [tilespmem:$0x1FA70];
	_ =	sdelay $0x2  }
0x22e: {  	v18 =	vld.idx.msk [tilespmem:v18+s12+$0x0], $0xffff  }
0x22f: {  	[tilespmem:s24+$0xFFFFFE60] =	vst v19;
	v19 =	vld.idx.msk [tilespmem:v23+s12+$0x0], $0xffff  }
0x230: {  	v23 =	vor.u32 v0, v5;
	v0 =	vld [tilespmem:$0x1FAC0];
	_ =	sdelay $0x2  }
0x231: {  	v6 =	vld.idx.msk [tilespmem:v6+s12+$0x0], $0xffff  }
0x232: {  	v8 =	vld.idx.msk [tilespmem:v22+s12+$0x0], $0xffff  }
0x233: {  	[tilespmem:s24+$0xFFFFFD00] =	vst v18;
	v18 =	vor.u32 v0, v5;
	v0 =	vld [tilespmem:$0x1FAA0];
	_ =	sdelay $0x3  }
0x234: {  	v11 =	vld.idx.msk [tilespmem:v11+s12+$0x0], $0xffff;
	[tilespmem:s24+$0xFFFFFDD0] =	vst v6  }
0x235: {  	[tilespmem:s24+$0x0] =	vst v8;
	v6 =	vor.u32 v0, v5;
	v0 =	vld [tilespmem:$0x1FA90]  }
0x236: {  	v8 =	vld.idx.msk [tilespmem:v21+s12+$0x0], $0xffff;
	_ =	sdelay $0x3  }
0x237: {  	[tilespmem:s25+$0xFFFFFC90] =	vst v20;
	v20 =	vor.u32 v0, v1;
	v0 =	vld [tilespmem:$0x1FAB0]  }
0x238: {  	[tilespmem:s25+$0xFFFFFF90] =	vst v8  }
0x239: {  	v17 =	vld.idx.msk [tilespmem:v17+s12+$0x0], $0xffff  }
0x23a: {  	v9 =	vor.u32 v39, v5;
	v14 =	vld.idx.msk [tilespmem:v14+s12+$0x0], $0xffff  }
0x23b: {  	v16 =	vld.idx.msk [tilespmem:v16+s12+$0x0], $0xffff  }
0x23c: {  	[tilespmem:s24+$0xFFFFFD60] =	vst v19;
	v19 =	vor.u32 v0, v1;
	v0 =	vld [tilespmem:$0x1FAF0]  }
0x23d: {  	v15 =	vld.idx.msk [tilespmem:v15+s12+$0x0], $0xffff  }
0x23e: {  	v10 =	vld.idx.msk [tilespmem:v10+s12+$0x0], $0xffff;
	[tilespmem:s25+$0xFFFFFFA0] =	vst v17  }
0x23f: {  	v9 =	vld.idx.msk [tilespmem:v9+s12+$0x0], $0xffff  }
0x240: {  	v21 =	vld.idx.msk [tilespmem:v23+s12+$0x0], $0xffff  }
0x241: {  	v23 =	vor.u32 v0, v5;
	v0 =	vld [tilespmem:$0x1FB10]  }
0x242: {  	v28 =	vor.u32 v29, v5;
	v7 =	vld.idx.msk [tilespmem:v7+s12+$0x0], $0xffff  }
0x243: {  	[tilespmem:s25+$0xFFFFFE10] =	vst v14;
	v24 =	vld.idx.msk [tilespmem:v24+s12+$0x0], $0xffff  }
0x244: {  	[tilespmem:s25+$0xFFFFFE90] =	vst v16;
	v12 =	vld.idx.msk [tilespmem:v12+s12+$0x0], $0xffff  }
0x245: {  	[tilespmem:s25+$0xFFFFFF10] =	vst v15;
	v16 =	vld.idx.msk [tilespmem:v20+s12+$0x0], $0xffff  }
0x246: {  	[tilespmem:s25+$0xFFFFFFB0] =	vst v9;
	v15 =	vor.u32 v0, v5;
	v0 =	vld [tilespmem:$0x1FAE0]  }
0x247: {  	v13 =	vor.u32 v46, v5;
	[tilespmem:s25+$0xFFFFFD90] =	vst v11;
	v9 =	vld.idx.msk [tilespmem:v28+s12+$0x0], $0xffff  }
0x248: {  	[tilespmem:s25+$0xFFFFFC20] =	vst v7;
	v6 =	vld.idx.msk [tilespmem:v6+s12+$0x0], $0xffff  }
0x249: {  	[tilespmem:s24+$0xFFFFFDE0] =	vst v24;
	v24 =	vor.u32 v47, v5;
	v28 =	vld [tilespmem:$0x1FBF0]  }
0x24a: {  	v18 =	vld.idx.msk [tilespmem:v18+s12+$0x0], $0xffff;
	[tilespmem:s25+$0xFFFFFD10] =	vst v10  }
0x24b: {  	v8 =	vld.idx.msk [tilespmem:v19+s12+$0x0], $0xffff;
	[tilespmem:s24+$0xFFFFFD70] =	vst v16;
	v20 =	vor.u32 v0, v1  }
0x24c: {  	[tilespmem:s25+$0xFFFFFCA0] =	vst v21;
	v21 =	vor.u32 v27, v1;
	v13 =	vld.idx.msk [tilespmem:v13+s12+$0x0], $0xffff  }
0x24d: {  	v25 =	vor.u32 v40, v5;
	[tilespmem:s25+$0xFFFFFEA0] =	vst v6;
	v6 =	vld [tilespmem:$0x1FB20]  }
0x24e: {  	v16 =	vld.idx.msk [tilespmem:v24+s12+$0x0], $0xffff  }
0x24f: {  	[tilespmem:s25+$0xFFFFFF20] =	vst v18;
	v23 =	vld.idx.msk [tilespmem:v23+s12+$0x0], $0xffff  }
0x250: {  	v26 =	vor.u32 v50, v5;
	[tilespmem:s24+$0xFFFFFDF0] =	vst v8;
	v20 =	vld.idx.msk [tilespmem:v20+s12+$0x0], $0xffff  }
0x251: {  	v18 =	vld.idx.msk [tilespmem:v21+s12+$0x0], $0xffff;
	[tilespmem:s25+$0xFFFFFD20] =	vst v13  }
0x252: {  	v27 =	vor.u32 v51, v5;
	v13 =	vld.idx.msk [tilespmem:v25+s12+$0x0], $0xffff  }
0x253: {  	v25 =	vld [tilespmem:$0x1FBB0]  }
0x254: {  	v14 =	vor.u32 v58, v5;
	[tilespmem:s25+$0xFFFFFE20] =	vst v12;
	v12 =	vld.idx.msk [tilespmem:v15+s12+$0x0], $0xffff  }
0x255: {  	v15 =	vor.u32 v6, v1;
	[tilespmem:s24+$0xFFFFFE70] =	vst v20;
	v20 =	vld.idx.msk [tilespmem:v26+s12+$0x0], $0xffff  }
0x256: {  	v24 =	vor.u32 v45, v5;
	[tilespmem:s25+$0xFFFFFCB0] =	vst v23;
	v26 =	vld [tilespmem:$0x1FBA0]  }
0x257: {  	v21 =	vld.idx.msk [tilespmem:v27+s12+$0x0], $0xffff  }
0x258: {  	v22 =	vor.u32 v32, v5;
	v27 =	vld [tilespmem:$0x1FB90]  }
0x259: {  	v14 =	vld.idx.msk [tilespmem:v14+s12+$0x0], $0xffff  }
0x25a: {  	v0 =	vor.u32 v56, v5;
	[tilespmem:s25+$0xFFFFFF30] =	vst v12;
	v15 =	vld.idx.msk [tilespmem:v15+s12+$0x0], $0xffff  }
0x25b: {  	[tilespmem:s24+$0xFFFFFC40] =	vst v4;
	v12 =	vld.idx.msk [tilespmem:v24+s12+$0x0], $0xffff;
	v4 =	vor.u32 v26, v1  }
0x25c: {  	v10 =	vor.u32 v61, v5;
	[tilespmem:s24+$0xFFFFFE00] =	vst v18;
	v24 =	vld [tilespmem:$0x1FB80]  }
0x25d: {  	v17 =	vor.u32 v60, v5;
	[tilespmem:s25+$0xFFFFFEB0] =	vst v20;
	v20 =	vld.idx.msk [tilespmem:v22+s12+$0x0], $0xffff  }
0x25e: {  	v23 =	vor.u32 v54, v5;
	v22 =	vld [tilespmem:$0x1FBC0]  }
0x25f: {  	[tilespmem:s25+$0xFFFFFD30] =	vst v13;
	v0 =	vld.idx.msk [tilespmem:v0+s12+$0x0], $0xffff  }
0x260: {  	v11 =	vor.u32 v53, v5;
	[tilespmem:s25+$0xFFFFFE30] =	vst v14;
	v4 =	vld.idx.msk [tilespmem:v4+s12+$0x0], $0xffff  }
0x261: {  	v18 =	vor.u32 v25, v1;
	[tilespmem:s25+$0xFFFFFF40] =	vst v12;
	v10 =	vld.idx.msk [tilespmem:v10+s12+$0x0], $0xffff  }
0x262: {  	[tilespmem:s25+$0xFFFFFCC0] =	vst v21;
	v14 =	vor.u32 v57, v1;
	v13 =	vld.idx.msk [tilespmem:v17+s12+$0x0], $0xffff  }
0x263: {  	v19 =	vor.u32 v31, v5;
	[tilespmem:s24+$0xFFFFFE80] =	vst v15;
	v15 =	vld.idx.msk [tilespmem:v23+s12+$0x0], $0xffff  }
0x264: {  	v23 =	vld [tilespmem:$0x1FBD0];
	v12 =	vor.u32 v22, v1;
	[tilespmem:s25+$0xFFFFFDA0] =	vst v20  }
0x265: {  	v17 =	vor.u32 v35, v5;
	v11 =	vld.idx.msk [tilespmem:v11+s12+$0x0], $0xffff;
	[tilespmem:s24+$0xFFFFFC50] =	vst v4  }
0x266: {  	[tilespmem:s25+$0xFFFFFFC0] =	vst v9;
	v4 =	vor.u32 v59, v5;
	v18 =	vld.idx.msk [tilespmem:v18+s12+$0x0], $0xffff  }
0x267: {  	v20 =	vor.u32 v55, v1;
	[tilespmem:s25+$0xFFFFFEC0] =	vst v0;
	v9 =	vld.idx.msk [tilespmem:v14+s12+$0x0], $0xffff  }
0x268: {  	[tilespmem:s25+$0xFFFFFE40] =	vst v10;
	v10 =	vld.idx.msk [tilespmem:v19+s12+$0x0], $0xffff  }
0x269: {  	v2 =	vor.u32 v48, v5;
	[tilespmem:s25+$0xFFFFFF50] =	vst v13;
	v0 =	vld.idx.msk [tilespmem:v12+s12+$0x0], $0xffff  }
0x26a: {  	v21 =	vor.u32 v37, v5;
	[tilespmem:s25+$0xFFFFFC30] =	vst v16;
	v16 =	vld.idx.msk [tilespmem:v17+s12+$0x0], $0xffff  }
0x26b: {  	v13 =	vor.u32 v23, v1;
	v17 =	vld.idx.msk [tilespmem:v4+s12+$0x0], $0xffff;
	[tilespmem:s24+$0xFFFFFC60] =	vst v18  }
0x26c: {  	v12 =	vor.u32 v36, v5;
	v19 =	vld.idx.msk [tilespmem:v20+s12+$0x0], $0xffff  }
0x26d: {  	[tilespmem:s25+$0xFFFFFDB0] =	vst v11;
	v11 =	vor.u32 v62, v5;
	v20 =	vld [tilespmem:$0x1FBE0]  }
0x26e: {  	p0 =	slt.u32 s26, $0x38;
	[tilespmem:s25+$0xFFFFFCD0] =	vst v15;
	v4 =	vld.idx.msk [tilespmem:v2+s12+$0x0], $0xffff;
	v2 =	vor.u32 v30, v5  }
.Ltmp1:
0x26f: {  	v15 =	vld.idx.msk [tilespmem:v21+s12+$0x0], $0xffff;
	[tilespmem:s24+$0xFFFFFEF0] =	vst v0;
	(pc) =	sbr.rel @p0 .LBB2_4-.Ltmp1, $4  }
0x270: {  	v3 =	vor.u32 v34, v5;
	v7 =	vor.u32 v63, v5;
	v13 =	vld.idx.msk [tilespmem:v13+s12+$0x0], $0xffff;
	[tilespmem:s24+$0xFFFFFF80] =	vst v9  }
0x271: {  	v44 =	vmov v33;
	v8 =	vor.u32 v49, v5;
	v6 =	vor.u32 v43, v5;
	v12 =	vld.idx.msk [tilespmem:v12+s12+$0x0], $0xffff;
	[tilespmem:s25+$0xFFFFFFD0] =	vst v16  }
0x272: {  	v14 =	vor.u32 v28, v1;
	v16 =	vld.idx.msk [tilespmem:v11+s12+$0x0], $0xffff;
	[tilespmem:s25+$0xFFFFFF60] =	vst v17;
	v18 =	vor.u32 v20, v1;
	v1 =	vmov v5  }
0x273: {  	s26 =	sadd.s32 $0x8, s26;
	v11 =	vld.idx.msk [tilespmem:v2+s12+$0x0], $0xffff;
	[tilespmem:s24+$0xFFFFFC70] =	vst v19;
	v19 =	vmov v52;
	v9 =	vor.u32 v41, v1;
	v17 =	vor.u32 v38, v1  }
0x274: {  	[tilespmem:$0x1F740] =	vst v46  }
0x275: {  	[tilespmem:$0x1F750] =	vst v32  }
0x276: {  	[tilespmem:$0x1F760] =	vst v43  }
0x277: {  	[tilespmem:$0x1F770] =	vst v33  }
0x278: {  	[tilespmem:$0x1F780] =	vst v34  }
0x279: {  	[tilespmem:$0x1F790] =	vst v48  }
0x27a: {  	[tilespmem:$0x1F7A0] =	vst v49  }
0x27b: {  	[tilespmem:$0x1F7B0] =	vst v41  }
0x27c: {  	[tilespmem:$0x1F7C0] =	vst v38  }
0x27d: {  	[tilespmem:$0x1F7D0] =	vst v36  }
0x27e: {  	[tilespmem:$0x1F7E0] =	vst v31  }
0x27f: {  	[tilespmem:$0x1F7F0] =	vst v62  }
0x280: {  	[tilespmem:$0x1F800] =	vst v37  }
0x281: {  	[tilespmem:$0x1F810] =	vst v53  }
0x282: {  	[tilespmem:$0x1F820] =	vst v59  }
0x283: {  	[tilespmem:$0x1F830] =	vst v61  }
0x284: {  	[tilespmem:$0x1F840] =	vst v56  }
0x285: {  	[tilespmem:$0x1F850] =	vst v54  }
0x286: {  	[tilespmem:$0x1F860] =	vst v47  }
0x287: {  	[tilespmem:$0x1F870] =	vst v60  }
0x288: {  	[tilespmem:$0x1F880] =	vst v40  }
0x289: {  	[tilespmem:$0x1F890] =	vst v29  }
0x28a: {  	[tilespmem:$0x1F8A0] =	vst v58  }
0x28b: {  	[tilespmem:$0x1F8B0] =	vst v51  }
0x28c: {  	[tilespmem:$0x1F8C0] =	vst v45  }
0x28d: {  	[tilespmem:$0x1F8D0] =	vst v50  }
0x28e: {  	[tilespmem:$0x1F8E0] =	vst v39  }
0x28f: {  	[tilespmem:s25+$0xFFFFFD40] =	vst v10  }
0x290: {  	v0 =	vld.idx.msk [tilespmem:v7+s12+$0x0], $0xffff;
	[tilespmem:s24+$0xFFFFFD80] =	vst v13  }
0x291: {  	v2 =	vld.idx.msk [tilespmem:v18+s12+$0x0], $0xffff;
	[tilespmem:s25+$0xFFFFFCE0] =	vst v15  }
0x292: {  	v3 =	vld.idx.msk [tilespmem:v3+s12+$0x0], $0xffff;
	[tilespmem:s25+$0xFFFFFED0] =	vst v12  }
0x293: {  	[tilespmem:s25+$0xFFFFFFE0] =	vst v16  }
0x294: {  	[tilespmem:s25+$0xFFFFFF70] =	vst v11  }
0x295: {  	[tilespmem:s25+$0xFFFFFDC0] =	vst v0  }
0x296: {  	v38 =	vld.idx.msk [tilespmem:v17+s12+$0x0], $0xffff;
	[tilespmem:s24+$0xFFFFFF00] =	vst v2  }
0x297: {  	[tilespmem:s25+$0xFFFFFE50] =	vst v3;
	v0 =	vld.idx.msk [tilespmem:v6+s12+$0x0], $0xffff  }
0x298: {  	v3 =	vld [tilespmem:$0x1FB60]  }
0x299: {  	v7 =	vor.u32 v19, v1;
	v6 =	vld.idx.msk [tilespmem:v14+s12+$0x0], $0xffff;
	_ =	sdelay $0x1  }
0x29a: {  	v11 =	vld [tilespmem:$0x1FA10];
	[tilespmem:s25+$0xFFFFFC40] =	vst v4  }
0x29b: {  	v5 =	vor.u32 v26, v1;
	v8 =	vld.idx.msk [tilespmem:v8+s12+$0x0], $0xffff;
	[tilespmem:s25+$0xFFFFFCF0] =	vst v38  }
0x29c: {  	v9 =	vld.idx.msk [tilespmem:v9+s12+$0x0], $0xffff;
	v2 =	vor.u32 v24, v1;
	[tilespmem:s25+$0xFFFFFDD0] =	vst v0  }
0x29d: {  	[tilespmem:s24+$0xFFFFFC80] =	vst v6;
	v6 =	vld.idx.msk [tilespmem:v7+s12+$0x0], $0xffff  }
0x29e: {  	v7 =	vld [tilespmem:$0x1FAB0]  }
0x29f: {  	v11 =	vor.u32 v11, v1;
	v3 =	vld.idx.msk [tilespmem:v3+s12+$0x0], $0xffff  }
0x2a0: {  	v0 =	vld.idx.msk [tilespmem:v5+s12+$0x0], $0xffff  }
0x2a1: {  	v4 =	vor.u32 v44, v1;
	v2 =	vld.idx.msk [tilespmem:v2+s12+$0x0], $0xffff;
	[tilespmem:s25+$0xFFFFFD50] =	vst v8  }
0x2a2: {  	v5 =	vor.u32 v25, v1;
	v8 =	vld [tilespmem:$0x1FAE0]  }
0x2a3: {  	v10 =	vld [tilespmem:$0x1F9F0];
	v7 =	vor.u32 v7, v1  }
0x2a4: {  	[tilespmem:s25+$0xFFFFFFF0] =	vst v3;
	v3 =	vld.idx.msk [tilespmem:v11+s12+$0x0], $0xffff  }
0x2a5: {  	v39 =	vld [tilespmem:$0x1FA90];
	[tilespmem:s25+$0xFFFFFC50] =	vst v0  }
0x2a6: {  	v4 =	vld.idx.msk [tilespmem:v4+s12+$0x0], $0xffff;
	[tilespmem:s25+$0xFFFFFDE0] =	vst v2  }
0x2a7: {  	[tilespmem:s25+$0xFFFFFE60] =	vst v6;
	v2 =	vld.idx.msk [tilespmem:v5+s12+$0x0], $0xffff  }
0x2a8: {  	v5 =	vld.idx.msk [tilespmem:v7+s12+$0x0], $0xffff;
	[tilespmem:$0x1F8F0] =	vst v55  }
0x2a9: {  	[tilespmem:s25+$0xFFFFFEE0] =	vst v9  }
0x2aa: {  	v8 =	vor.u32 v8, v1;
	[tilespmem:s25+$0xFFFFFD60] =	vst v3  }
0x2ab: {  	v10 =	vor.u32 v10, v1;
	v3 =	vld [tilespmem:$0x1FB20]  }
0x2ac: {  	v11 =	vor.u32 v39, v1  }
0x2ad: {  	v0 =	vor.u32 v22, v1  }
0x2ae: {  	v6 =	vor.u32 v55, v1  }
0x2af: {  	v7 =	vor.u32 v27, v1;
	v8 =	vld.idx.msk [tilespmem:v8+s12+$0x0], $0xffff  }
0x2b0: {  	v40 =	vld.idx.msk [tilespmem:v10+s12+$0x0], $0xffff;
	[tilespmem:s25+$0xFFFFFD00] =	vst v4;
	v3 =	vor.u32 v3, v1  }
0x2b1: {  	v41 =	vor.u32 v57, v1;
	v4 =	vld.idx.msk [tilespmem:v11+s12+$0x0], $0xffff;
	[tilespmem:$0x1F900] =	vst v57  }
0x2b2: {  	v42 =	vor.u32 v23, v1;
	v0 =	vld.idx.msk [tilespmem:v0+s12+$0x0], $0xffff;
	[tilespmem:s25+$0xFFFFFC60] =	vst v2  }
0x2b3: {  	[tilespmem:s25+$0xFFFFFDF0] =	vst v5;
	v5 =	vor.u32 v20, v1;
	v2 =	vld.idx.msk [tilespmem:v6+s12+$0x0], $0xffff  }
0x2b4: {  	[tilespmem:s25+$0xFFFFFE70] =	vst v8;
	v1 =	vor.u32 v28, v1;
	v6 =	vld.idx.msk [tilespmem:v7+s12+$0x0], $0xffff  }
0x2b5: {  	[tilespmem:s25+$0x0] =	vst v40;
	v3 =	vld.idx.msk [tilespmem:v3+s12+$0x0], $0xffff  }
0x2b6: {  	[tilespmem:s25+$0xFFFFFD70] =	vst v4;
	v4 =	vld.idx.msk [tilespmem:v41+s12+$0x0], $0xffff  }
0x2b7: {  	[tilespmem:s25+$0xFFFFFEF0] =	vst v0;
	v0 =	vld.idx.msk [tilespmem:v42+s12+$0x0], $0xffff  }
0x2b8: {  	[tilespmem:s25+$0xFFFFFC70] =	vst v2;
	v2 =	vld.idx.msk [tilespmem:v5+s12+$0x0], $0xffff  }
0x2b9: {  	[tilespmem:s25+$0xFFFFFE00] =	vst v6;
	v1 =	vld.idx.msk [tilespmem:v1+s12+$0x0], $0xffff  }
0x2ba: {  	[tilespmem:s25+$0xFFFFFE80] =	vst v3  }
0x2bb: {  	[tilespmem:s25+$0xFFFFFF80] =	vst v4  }
0x2bc: {  	[tilespmem:s25+$0xFFFFFD80] =	vst v0  }
0x2bd: {  	[tilespmem:s25+$0xFFFFFF00] =	vst v2  }
0x2be: {  	[tilespmem:s25+$0xFFFFFC80] =	vst v1  }
0x2bf: {  	[tilespmem:s12], [sflag:$0x1] =	stream.indirect.gather [hbm4b:s3+s11], $0x40, s8, s11, $0xb8;
	[tilespmem:$0x16400] =	vst v63  }
0x2c0: {  	_ = 	snop  }
0x2c1: {  	v15 =	vld [tilespmem:$0x1FDD0];
	[hbm4b:s5+s15] =	stream.strided.scatter [tilespmem:s17], [sflag:$0x3], $0x4000, s16, s15, $0x38  }
0x2c2: {  	s31 =	simm.s32 $0x0;
	v18 =	vld [tilespmem:$0x1FD20];
	_ =	swait.ge [sflag:s18], $0x4000  }
0x2c3: {  	v3 =	vmov s31;
	v19 =	vld [tilespmem:$0x1FEF0]  }
0x2c4: {  	v0 =	vshrl.u32 v3, $0x3;
	v21 =	vld [tilespmem:$0x1FD80]  }
0x2c5: {  	v0 =	vshll.u32 v0, $0x3;
	v22 =	vld [tilespmem:$0x1FDE0]  }
0x2c6: {  	v2 =	vbroadcast v0, $0x0;
	v23 =	vld [tilespmem:$0x1FE80]  }
0x2c7: {  	v16 =	vld [tilespmem:$0x1FC70]  }
0x2c8: {  	v17 =	vld [tilespmem:$0x1FC00];
	v0 =	vor.u32 v15, v2  }
0x2c9: {  	v24 =	vld [tilespmem:$0x1FF40];
	v1 =	vor.u32 v18, v2  }
0x2ca: {  	v25 =	vld [tilespmem:$0x1FF00];
	v3 =	vor.u32 v19, v2  }
0x2cb: {  	[sflag:s18] =	ssyncset.done $0x0;
	v26 =	vld [tilespmem:$0x1FDF0];
	v4 =	vor.u32 v21, v2  }
0x2cc: {  	v27 =	vld [tilespmem:$0x1FD90];
	[sflag:s18] =	ssyncadd.s32 $0xFFFFC000;
	v5 =	vor.u32 v22, v2  }
0x2cd: {  	v6 =	vor.u32 v23, v2;
	v0 =	vld.idx.msk [tilespmem:v0+s13+$0x0], $0xffff  }
0x2ce: {  	v44 =	vor.u32 v24, v2;
	v1 =	vld.idx.msk [tilespmem:v1+s13+$0x0], $0xffff  }
0x2cf: {  	v7 =	vor.u32 v16, v2;
	v3 =	vld.idx.msk [tilespmem:v3+s13+$0x0], $0xffff  }
0x2d0: {  	v4 =	vld.idx.msk [tilespmem:v4+s13+$0x0], $0xffff  }
0x2d1: {  	v43 =	vor.u32 v17, v2;
	v5 =	vld.idx.msk [tilespmem:v5+s13+$0x0], $0xffff  }
0x2d2: {  	v6 =	vld.idx.msk [tilespmem:v6+s13+$0x0], $0xffff  }
0x2d3: {  	s25 =	simm.s32 $0x12600;
	v9 =	vld.idx.msk [tilespmem:v44+s13+$0x0], $0xffff  }
0x2d4: {  	v45 =	vor.u32 v25, v2;
	[tilespmem:s25+$0xFFFFFE00] =	vst v0;
	v0 =	vld.idx.msk [tilespmem:v7+s13+$0x0], $0xffff  }
0x2d5: {  	v29 =	vld [tilespmem:$0x1FD30]  }
0x2d6: {  	v46 =	vor.u32 v26, v2;
	v8 =	vld.idx.msk [tilespmem:v43+s13+$0x0], $0xffff  }
0x2d7: {  	v28 =	vld [tilespmem:$0x1FE30];
	[tilespmem:s25+$0x100] =	vst v3  }
0x2d8: {  	v12 =	vor.u32 v27, v2;
	v32 =	vld [tilespmem:$0x1FE90];
	[tilespmem:s25+$0xFFFFFF80] =	vst v5  }
0x2d9: {  	v10 =	vld.idx.msk [tilespmem:v45+s13+$0x0], $0xffff;
	[tilespmem:s25+$0xFFFFFF00] =	vst v4  }
0x2da: {  	v33 =	vld [tilespmem:$0x1FF10]  }
0x2db: {  	v5 =	vld.idx.msk [tilespmem:v46+s13+$0x0], $0xffff  }
0x2dc: {  	v7 =	vor.u32 v29, v2;
	v20 =	vld [tilespmem:$0x1FC40]  }
0x2dd: {  	v13 =	vor.u32 v28, v2;
	[tilespmem:s25+$0xFFFFFE80] =	vst v1;
	v1 =	vld.idx.msk [tilespmem:v12+s13+$0x0], $0xffff  }
0x2de: {  	v34 =	vld [tilespmem:$0x1FDA0];
	[tilespmem:s25+$0x0] =	vst v0  }
0x2df: {  	v37 =	vld [tilespmem:$0x1FD40];
	[tilespmem:s25+$0x80] =	vst v6  }
0x2e0: {  	v36 =	vld [tilespmem:$0x1FE40]  }
0x2e1: {  	v3 =	vor.u32 v32, v2;
	v7 =	vld.idx.msk [tilespmem:v7+s13+$0x0], $0xffff  }
0x2e2: {  	[tilespmem:s25+$0x110] =	vst v10;
	v4 =	vor.u32 v33, v2;
	v6 =	vld.idx.msk [tilespmem:v13+s13+$0x0], $0xffff  }
0x2e3: {  	v47 =	vor.u32 v20, v2;
	v38 =	vld [tilespmem:$0x1FEA0];
	[tilespmem:s25+$0xFFFFFF90] =	vst v5  }
0x2e4: {  	v42 =	vld [tilespmem:$0x1FF20];
	[tilespmem:s25+$0xFFFFFF10] =	vst v1  }
0x2e5: {  	v44 =	vld [tilespmem:$0x1FE00]  }
0x2e6: {  	v13 =	vor.u32 v36, v2;
	v3 =	vld.idx.msk [tilespmem:v3+s13+$0x0], $0xffff  }
0x2e7: {  	v4 =	vld.idx.msk [tilespmem:v4+s13+$0x0], $0xffff  }
0x2e8: {  	v12 =	vor.u32 v34, v2;
	v11 =	vld.idx.msk [tilespmem:v47+s13+$0x0], $0xffff;
	[tilespmem:s25+$0xFFFFFE90] =	vst v7  }
0x2e9: {  	v0 =	vor.u32 v37, v2;
	v43 =	vld [tilespmem:$0x1FCF0];
	[tilespmem:s25+$0x10] =	vst v6  }
0x2ea: {  	v48 =	vor.u32 v38, v2;
	v6 =	vld [tilespmem:$0x1FDB0]  }
0x2eb: {  	[tilespmem:s25+$0x90] =	vst v3;
	v3 =	vld.idx.msk [tilespmem:v13+s13+$0x0], $0xffff  }
0x2ec: {  	v5 =	vor.u32 v42, v2;
	v13 =	vld [tilespmem:$0x1FE50]  }
0x2ed: {  	v7 =	vld.idx.msk [tilespmem:v12+s13+$0x0], $0xffff;
	v14 =	vor.u32 v44, v2  }
0x2ee: {  	s26 =	simm.s32 $0x8;
	v0 =	vld.idx.msk [tilespmem:v0+s13+$0x0], $0xffff  }
0x2ef: {  	v1 =	vmov s26;
	v10 =	vld.idx.msk [tilespmem:v48+s13+$0x0], $0xffff;
	[tilespmem:s25+$0x120] =	vst v4;
	v6 =	vor.u32 v6, v2  }
0x2f0: {  	v1 =	vshrl.u32 v1, $0x3;
	v12 =	vor.u32 v43, v2;
	v30 =	vld [tilespmem:$0x1FF50]  }
0x2f1: {  	v1 =	vshll.u32 v1, $0x3;
	v5 =	vld.idx.msk [tilespmem:v5+s13+$0x0], $0xffff;
	[tilespmem:s25+$0xFFFFFFA0] =	vst v11;
	v13 =	vor.u32 v13, v2  }
0x2f2: {  	v1 =	vbroadcast v1, $0x0;
	[tilespmem:s25+$0xFFFFFE10] =	vst v8;
	v8 =	vld.idx.msk [tilespmem:v14+s13+$0x0], $0xffff  }
0x2f3: {  	v40 =	vld [tilespmem:$0x1FD50];
	[tilespmem:s25+$0xFFFFFF20] =	vst v7  }
0x2f4: {  	[tilespmem:s25+$0x20] =	vst v3;
	v3 =	vld.idx.msk [tilespmem:v6+s13+$0x0], $0xffff;
	v6 =	vor.u32 v18, v1  }
0x2f5: {  	v7 =	vld.idx.msk [tilespmem:v12+s13+$0x0], $0xffff  }
0x2f6: {  	v49 =	vor.u32 v15, v1;
	[tilespmem:s25+$0x180] =	vst v9;
	v50 =	vld.idx.msk [tilespmem:v13+s13+$0x0], $0xffff  }
0x2f7: {  	v13 =	vor.u32 v21, v1;
	v21 =	vld [tilespmem:$0x1FEB0];
	[tilespmem:s25+$0xFFFFFEA0] =	vst v0  }
0x2f8: {  	v4 =	vor.u32 v30, v2;
	v53 =	vld [tilespmem:$0x1FDC0]  }
0x2f9: {  	v12 =	vor.u32 v19, v1;
	[tilespmem:s25+$0x130] =	vst v5;
	v5 =	vld.idx.msk [tilespmem:v6+s13+$0x0], $0xffff  }
0x2fa: {  	v14 =	vor.u32 v40, v2;
	v6 =	vld [tilespmem:$0x1FCC0];
	[tilespmem:s25+$0xA0] =	vst v10  }
0x2fb: {  	v61 =	vor.u32 v23, v1;
	v0 =	vld.idx.msk [tilespmem:v49+s13+$0x0], $0xffff;
	[tilespmem:s25+$0xFFFFFE20] =	vst v7  }
0x2fc: {  	v56 =	vld [tilespmem:$0x1FE60]  }
0x2fd: {  	v4 =	vld.idx.msk [tilespmem:v4+s13+$0x0], $0xffff  }
0x2fe: {  	v12 =	vld.idx.msk [tilespmem:v12+s13+$0x0], $0xffff;
	v15 =	vor.u32 v21, v2  }
0x2ff: {  	v14 =	vld.idx.msk [tilespmem:v14+s13+$0x0], $0xffff;
	[tilespmem:s25+$0xFFFFFF30] =	vst v3;
	v60 =	vor.u32 v53, v2  }
0x300: {  	s28 =	simm.s32 $0x12E00;
	v10 =	vld.idx.msk [tilespmem:v61+s13+$0x0], $0xffff;
	[tilespmem:s25+$0x30] =	vst v50;
	v6 =	vor.u32 v6, v2  }
0x301: {  	v7 =	vor.u32 v16, v1;
	v13 =	vld.idx.msk [tilespmem:v13+s13+$0x0], $0xffff;
	[tilespmem:s28+$0xFFFFFE00] =	vst v0;
	v16 =	vor.u32 v56, v2  }
0x302: {  	v23 =	vld [tilespmem:$0x1FF60]  }
0x303: {  	v3 =	vld.idx.msk [tilespmem:v15+s13+$0x0], $0xffff  }
0x304: {  	[tilespmem:s25+$0xFFFFFEB0] =	vst v14;
	v62 =	vld.idx.msk [tilespmem:v60+s13+$0x0], $0xffff  }
0x305: {  	[tilespmem:s28+$0xFFFFFE80] =	vst v5;
	v0 =	vld.idx.msk [tilespmem:v6+s13+$0x0], $0xffff  }
0x306: {  	v63 =	vor.u32 v24, v1;
	[tilespmem:s28+$0xFFFFFF00] =	vst v13;
	v13 =	vld.idx.msk [tilespmem:v16+s13+$0x0], $0xffff  }
0x307: {  	v14 =	vor.u32 v27, v1;
	v16 =	vld [tilespmem:$0x1FC10];
	[tilespmem:s25+$0x190] =	vst v4  }
0x308: {  	[tilespmem:s28+$0x80] =	vst v10  }
0x309: {  	v5 =	vld.idx.msk [tilespmem:v7+s13+$0x0], $0xffff;
	v7 =	vor.u32 v29, v1;
	[tilespmem:s28+$0x100] =	vst v12  }
0x30a: {  	[tilespmem:s25+$0xB0] =	vst v3  }
0x30b: {  	v11 =	vld.idx.msk [tilespmem:v63+s13+$0x0], $0xffff;
	v6 =	vor.u32 v23, v2;
	[tilespmem:s25+$0xFFFFFF40] =	vst v62  }
0x30c: {  	v14 =	vld.idx.msk [tilespmem:v14+s13+$0x0], $0xffff;
	[tilespmem:s25+$0x140] =	vst v0  }
0x30d: {  	v16 =	vor.u32 v16, v2;
	v19 =	vld [tilespmem:$0x1FC50]  }
0x30e: {  	v15 =	vor.u32 v17, v1;
	v7 =	vld.idx.msk [tilespmem:v7+s13+$0x0], $0xffff;
	[tilespmem:s25+$0x40] =	vst v13  }
0x30f: {  	v4 =	vor.u32 v32, v1;
	v57 =	vld [tilespmem:$0x1FEC0]  }
0x310: {  	v3 =	vld.idx.msk [tilespmem:v6+s13+$0x0], $0xffff;
	v6 =	vor.u32 v25, v1;
	[tilespmem:s28+$0x0] =	vst v5  }
0x311: {  	v0 =	vor.u32 v28, v1;
	v48 =	vld [tilespmem:$0x1FD60]  }
0x312: {  	v12 =	vld.idx.msk [tilespmem:v16+s13+$0x0], $0xffff;
	v16 =	vor.u32 v19, v2  }
0x313: {  	v15 =	vld.idx.msk [tilespmem:v15+s13+$0x0], $0xffff  }
0x314: {  	v4 =	vld.idx.msk [tilespmem:v4+s13+$0x0], $0xffff;
	[tilespmem:s25+$0xFFFFFFB0] =	vst v8;
	v13 =	vor.u32 v57, v2  }
0x315: {  	[tilespmem:s28+$0xFFFFFF10] =	vst v14;
	v6 =	vld.idx.msk [tilespmem:v6+s13+$0x0], $0xffff  }
0x316: {  	[tilespmem:s28+$0xFFFFFE90] =	vst v7;
	v0 =	vld.idx.msk [tilespmem:v0+s13+$0x0], $0xffff;
	v5 =	vor.u32 v48, v2  }
0x317: {  	[tilespmem:s25+$0xFFFFFE30] =	vst v12;
	v12 =	vld.idx.msk [tilespmem:v16+s13+$0x0], $0xffff  }
0x318: {  	v39 =	vld [tilespmem:$0x1FD00]  }
0x319: {  	v32 =	vor.u32 v22, v1;
	[tilespmem:s28+$0x90] =	vst v4;
	v4 =	vld.idx.msk [tilespmem:v13+s13+$0x0], $0xffff  }
0x31a: {  	v13 =	vld [tilespmem:$0x1FF30]  }
0x31b: {  	[tilespmem:s28+$0x180] =	vst v11;
	v5 =	vld.idx.msk [tilespmem:v5+s13+$0x0], $0xffff  }
0x31c: {  	v11 =	vld [tilespmem:$0x1FE10];
	[tilespmem:s28+$0x110] =	vst v6  }
0x31d: {  	[tilespmem:s25+$0x1A0] =	vst v3  }
0x31e: {  	v9 =	vld.idx.msk [tilespmem:v32+s13+$0x0], $0xffff;
	[tilespmem:s28+$0xFFFFFE10] =	vst v15  }
0x31f: {  	v51 =	vld [tilespmem:$0x1FFE0];
	[tilespmem:s28+$0x10] =	vst v0  }
0x320: {  	[tilespmem:s25+$0xFFFFFFC0] =	vst v12  }
0x321: {  	v10 =	vor.u32 v39, v2;
	v0 =	vld [tilespmem:$0x1FFF0];
	[tilespmem:s25+$0xFFFFFEC0] =	vst v5  }
0x322: {  	v61 =	vmov v34;
	v34 =	vor.u32 v34, v1;
	v29 =	vld [tilespmem:$0x1FCD0]  }
0x323: {  	v16 =	vor.u32 v13, v2;
	v50 =	vld [tilespmem:$0x1FF70];
	[tilespmem:s25+$0xC0] =	vst v4  }
0x324: {  	v17 =	vor.u32 v36, v1;
	[tilespmem:s28+$0xFFFFFF80] =	vst v9  }
0x325: {  	v11 =	vor.u32 v11, v2;
	v4 =	vld [tilespmem:$0x1FFD0]  }
0x326: {  	v6 =	vor.u32 v38, v1;
	v3 =	vld.idx.msk [tilespmem:v10+s13+$0x0], $0xffff  }
0x327: {  	v7 =	vld.idx.msk [tilespmem:v34+s13+$0x0], $0xffff  }
0x328: {  	v12 =	vld.idx.msk [tilespmem:v16+s13+$0x0], $0xffff  }
0x329: {  	v15 =	vld.idx.msk [tilespmem:v17+s13+$0x0], $0xffff;
	v10 =	vor.u32 v51, v2  }
0x32a: {  	v11 =	vld.idx.msk [tilespmem:v11+s13+$0x0], $0xffff  }
0x32b: {  	v18 =	vld.idx.msk [tilespmem:v6+s13+$0x0], $0xffff;
	v4 =	vor.u32 v4, v2;
	[tilespmem:s25+$0xFFFFFE40] =	vst v3  }
0x32c: {  	v3 =	vld [tilespmem:$0x1FED0]  }
0x32d: {  	v55 =	vld [tilespmem:$0x1FC80];
	[tilespmem:s25+$0x150] =	vst v12  }
0x32e: {  	v6 =	vld.idx.msk [tilespmem:v10+s13+$0x0], $0xffff;
	[tilespmem:s28+$0xFFFFFF20] =	vst v7  }
0x32f: {  	v14 =	vor.u32 v33, v1;
	v49 =	vld [tilespmem:$0x1FD70];
	[tilespmem:s25+$0xFFFFFFD0] =	vst v11  }
0x330: {  	v16 =	vor.u32 v50, v2;
	[tilespmem:s28+$0x20] =	vst v15;
	v15 =	vld.idx.msk [tilespmem:v4+s13+$0x0], $0xffff  }
0x331: {  	v4 =	vld [tilespmem:$0x1FE20];
	_ =	sdelay $0x1  }
0x332: {  	v60 =	vmov v37;
	v37 =	vor.u32 v37, v1  }
0x333: {  	v45 =	vld.idx.msk [tilespmem:v14+s13+$0x0], $0xffff;
	v14 =	vor.u32 v26, v1  }
0x334: {  	v0 =	vor.u32 v0, v2;
	v58 =	vld.idx.msk [tilespmem:v16+s13+$0x0], $0xffff;
	[tilespmem:s25+$0xFFFFFED0] =	vst v6  }
0x335: {  	v5 =	vor.u32 v29, v2;
	v16 =	vor.u32 v4, v2;
	v4 =	vld [tilespmem:$0x1FC60]  }
0x336: {  	v3 =	vor.u32 v3, v2  }
0x337: {  	v13 =	vld.idx.msk [tilespmem:v37+s13+$0x0], $0xffff  }
0x338: {  	v9 =	vld.idx.msk [tilespmem:v14+s13+$0x0], $0xffff;
	v10 =	vor.u32 v55, v2  }
0x339: {  	v0 =	vld.idx.msk [tilespmem:v0+s13+$0x0], $0xffff  }
0x33a: {  	v5 =	vld.idx.msk [tilespmem:v5+s13+$0x0], $0xffff;
	v6 =	vor.u32 v4, v2  }
0x33b: {  	v3 =	vld.idx.msk [tilespmem:v3+s13+$0x0], $0xffff;
	[tilespmem:$0x1F910] =	vst v6  }
0x33c: {  	v7 =	vor.u32 v19, v1;
	[tilespmem:s28+$0x120] =	vst v45  }
0x33d: {  	v17 =	vor.u32 v20, v1;
	v20 =	vld.idx.msk [tilespmem:v10+s13+$0x0], $0xffff;
	[tilespmem:$0x1F920] =	vst v7  }
0x33e: {  	v55 =	vld [tilespmem:$0x1FFA0];
	[tilespmem:s25+$0xFFFFFF50] =	vst v0  }
0x33f: {  	v12 =	vor.u32 v49, v2;
	v0 =	vld [tilespmem:$0x1FEE0];
	_ =	sdelay $0x2  }
0x340: {  	v14 =	vor.u32 v42, v1;
	_ =	sdelay $0x1  }
0x341: {  	v59 =	vld.idx.msk [tilespmem:v12+s13+$0x0], $0xffff;
	v12 =	vor.u32 v0, v2;
	v0 =	vor.u32 v48, v1  }
0x342: {  	[tilespmem:$0x1F930] =	vst v0  }
0x343: {  	v39 =	vmov v42;
	v42 =	vld [tilespmem:$0x1FD10];
	v0 =	vor.u32 v21, v1;
	[tilespmem:s25+$0x160] =	vst v5  }
0x344: {  	v14 =	vld.idx.msk [tilespmem:v14+s13+$0x0], $0xffff;
	[tilespmem:$0x1F940] =	vst v0  }
0x345: {  	v0 =	vor.u32 v57, v1;
	[tilespmem:s28+$0xFFFFFF90] =	vst v9;
	v24 =	vld.idx.msk [tilespmem:v16+s13+$0x0], $0xffff  }
0x346: {  	[tilespmem:$0x1F950] =	vst v0;
	v0 =	vld [tilespmem:$0x1FFC0];
	_ =	sdelay $0x2  }
0x347: {  	v6 =	vor.u32 v55, v2;
	_ =	sdelay $0x1  }
0x348: {  	v63 =	vmovc v38;
	v31 =	vmov v21;
	v38 =	vld [tilespmem:$0x1FFB0];
	[tilespmem:s25+$0x1B0] =	vst v58;
	v21 =	vor.u32 v0, v2;
	v0 =	vor.u32 v4, v1  }
0x349: {  	v35 =	vmov v22;
	v22 =	vld.idx.msk [tilespmem:v17+s13+$0x0], $0xffff;
	[tilespmem:$0x1F960] =	vst v0  }
0x34a: {  	v62 =	vld [tilespmem:$0x1FC90];
	v0 =	vor.u32 v30, v1;
	[tilespmem:s25+$0xD0] =	vst v3  }
0x34b: {  	v27 =	vld.idx.msk [tilespmem:v6+s13+$0x0], $0xffff;
	[tilespmem:$0x1F970] =	vst v0  }
0x34c: {  	[tilespmem:s25+$0xFFFFFE50] =	vst v15  }
0x34d: {  	[tilespmem:s25+$0xFFFFFEE0] =	vst v59  }
0x34e: {  	v0 =	vld [tilespmem:$0x1FCE0]  }
0x34f: {  	v19 =	vor.u32 v42, v2;
	_ =	sdelay $0x3  }
0x350: {  	v47 =	vmovc v25;
	v15 =	vld.idx.msk [tilespmem:v12+s13+$0x0], $0xffff;
	v58 =	vmov v0;
	v25 =	vor.u32 v0, v2;
	v0 =	vor.u32 v23, v1  }
0x351: {  	v19 =	vld.idx.msk [tilespmem:v19+s13+$0x0], $0xffff;
	[tilespmem:$0x1F980] =	vst v0;
	v0 =	vor.u32 v40, v1  }
0x352: {  	[tilespmem:$0x1F990] =	vst v0  }
0x353: {  	[tilespmem:s28+$0x130] =	vst v14  }
0x354: {  	v0 =	vld [tilespmem:$0x1FDB0];
	_ =	sdelay $0x4  }
0x355: {  	v37 =	vor.u32 v38, v2;
	v34 =	vmov v0;
	v17 =	vor.u32 v0, v1;
	v0 =	vld [tilespmem:$0x1FE50];
	_ =	sdelay $0x2  }
0x356: {  	v51 =	vmov v26;
	v26 =	vor.u32 v62, v2  }
0x357: {  	v54 =	vmov v28;
	v28 =	vor.u32 v44, v1;
	v32 =	vmov v23  }
0x358: {  	v23 =	vld.idx.msk [tilespmem:v37+s13+$0x0], $0xffff;
	[tilespmem:s25+$0x50] =	vst v20;
	v37 =	vmov v0;
	v12 =	vor.u32 v0, v1;
	v0 =	vor.u32 v50, v1  }
0x359: {  	v21 =	vld.idx.msk [tilespmem:v21+s13+$0x0], $0xffff;
	[tilespmem:$0x1F9A0] =	vst v0;
	v0 =	vor.u32 v53, v1  }
0x35a: {  	[tilespmem:$0x1F9B0] =	vst v0  }
0x35b: {  	v0 =	vor.u32 v56, v1;
	[tilespmem:s28+$0xFFFFFFA0] =	vst v22;
	v22 =	vld.idx.msk [tilespmem:v26+s13+$0x0], $0xffff  }
0x35c: {  	v41 =	vmovc v33;
	v33 =	vmov v43;
	v16 =	vor.u32 v43, v1;
	v43 =	vmov v56;
	[tilespmem:$0x1F9C0] =	vst v0;
	v56 =	vld [tilespmem:$0x1FC20]  }
0x35d: {  	v14 =	vld.idx.msk [tilespmem:v28+s13+$0x0], $0xffff;
	[tilespmem:s25+$0x1C0] =	vst v27  }
0x35e: {  	v28 =	vld [tilespmem:$0x1FCB0];
	[tilespmem:s25+$0xFFFFFFE0] =	vst v24  }
0x35f: {  	v46 =	vmov v36;
	v36 =	vld [tilespmem:$0x1FE70]  }
0x360: {  	v25 =	vld.idx.msk [tilespmem:v25+s13+$0x0], $0xffff  }
0x361: {  	v5 =	vld [tilespmem:$0x1FCA0]  }
0x362: {  	v45 =	vmov v44;
	v44 =	vmov v53;
	v53 =	vld [tilespmem:$0x1FF90]  }
0x363: {  	v59 =	vmov v40;
	v40 =	vld [tilespmem:$0x1FC30]  }
0x364: {  	s29 =	simm.s32 $0x12E00;
	v27 =	vld [tilespmem:$0x1FF80];
	v26 =	vor.u32 v56, v2;
	v20 =	vor.u32 v28, v2;
	v24 =	vor.u32 v36, v2  }
.LBB2_6:
0x365: {  	v0 =	vld [tilespmem:$0x1F910];
	_ =	sdelay $0x3  }
0x366: {  	s26 =	sadd.s32 $0x8, s26  }
0x367: {  	v16 =	vld.idx.msk [tilespmem:v16+s13+$0x0], $0xffff;
	[tilespmem:s25+$0xFFFFFE60] =	vst v19;
	v19 =	vmov s26  }
0x368: {  	v28 =	vor.u32 v40, v2;
	v4 =	vor.u32 v53, v2;
	[tilespmem:s25+$0xFFFFFEF0] =	vst v23;
	v23 =	vld.idx.msk [tilespmem:v26+s13+$0x0], $0xffff;
	v19 =	vshrl.u32 v19, $0x3  }
0x369: {  	v26 =	vor.u32 v27, v2;
	[tilespmem:s25+$0xE0] =	vst v15;
	v7 =	vor.u32 v5, v2;
	v2 =	vmovc v1;
	v1 =	vld [tilespmem:$0x1FD30];
	v15 =	vshll.u32 v19, $0x3  }
0x36a: {  	v27 =	vbroadcast v15, $0x0;
	v15 =	vld.idx.msk [tilespmem:v0+s13+$0x0], $0xffff  }
0x36b: {  	v0 =	vld [tilespmem:$0x1FDD0];
	_ =	sdelay $0x3  }
0x36c: {  	v3 =	vor.u32 v1, v27;
	v1 =	vld [tilespmem:$0x1FD80]  }
0x36d: {  	v5 =	vor.u32 v0, v27;
	v0 =	vld [tilespmem:$0x1FC40];
	_ =	sdelay $0x2  }
0x36e: {  	v24 =	vld.idx.msk [tilespmem:v24+s13+$0x0], $0xffff  }
0x36f: {  	[tilespmem:s28+$0xFFFFFE20] =	vst v16;
	v16 =	vor.u32 v1, v27;
	v1 =	vld [tilespmem:$0x1FE90]  }
0x370: {  	[tilespmem:s25+$0x1D0] =	vst v25;
	v25 =	vor.u32 v0, v27;
	v0 =	vld [tilespmem:$0x1FC50];
	_ =	sdelay $0x3  }
0x371: {  	v6 =	vor.u32 v1, v27;
	v1 =	vld [tilespmem:$0x1FC70]  }
0x372: {  	[tilespmem:s28+$0xA0] =	vst v18;
	v18 =	vor.u32 v0, v27;
	v0 =	vld [tilespmem:$0x1FD20]  }
0x373: {  	v17 =	vld.idx.msk [tilespmem:v17+s13+$0x0], $0xffff  }
0x374: {  	[tilespmem:s28+$0xFFFFFEA0] =	vst v13;
	v12 =	vld.idx.msk [tilespmem:v12+s13+$0x0], $0xffff  }
0x375: {  	v13 =	vor.u32 v48, v27;
	v19 =	vor.u32 v51, v27;
	[tilespmem:s25+$0xFFFFFF60] =	vst v23;
	v23 =	vor.u32 v35, v27  }
0x376: {  	[tilespmem:s25+$0x60] =	vst v22;
	v8 =	vor.u32 v31, v27;
	v9 =	vor.u32 v47, v27;
	v11 =	vor.u32 v57, v27  }
0x377: {  	v10 =	vor.u32 v1, v27;
	v1 =	vmov v27;
	v0 =	vor.u32 v0, v27;
	v27 =	vld.idx.msk [tilespmem:v7+s13+$0x0], $0xffff  }
0x378: {  	v7 =	vld [tilespmem:$0x1F960];
	_ =	sdelay $0x4  }
0x379: {  	[tilespmem:s25+$0x170] =	vst v21;
	v21 =	vmov v7;
	v7 =	vld [tilespmem:$0x1FC60];
	_ =	sdelay $0x4  }
0x37a: {  	v7 =	vor.u32 v7, v1  }
0x37b: {  	[tilespmem:$0x1F960] =	vst v7;
	v7 =	vld [tilespmem:$0x1FEF0];
	_ =	sdelay $0x2  }
0x37c: {  	v29 =	vld [tilespmem:$0x1F990];
	_ =	sdelay $0x1  }
0x37d: {  	[tilespmem:$0x1F910] =	vst v21;
	v21 =	vor.u32 v7, v1;
	v7 =	vld [tilespmem:$0x1F970];
	_ =	sdelay $0x2  }
0x37e: {  	v26 =	vld.idx.msk [tilespmem:v26+s13+$0x0], $0xffff  }
0x37f: {  	v22 =	vld [tilespmem:$0x1FE80]  }
0x380: {  	v20 =	vld.idx.msk [tilespmem:v20+s13+$0x0], $0xffff  }
0x381: {  	v29 =	vld.idx.msk [tilespmem:v29+s13+$0x0], $0xffff  }
0x382: {  	[tilespmem:s25+$0xFFFFFFF0] =	vst v15;
	v15 =	vld [tilespmem:$0x1F940]  }
0x383: {  	v7 =	vld.idx.msk [tilespmem:v7+s13+$0x0], $0xffff;
	[tilespmem:s25+$0x1E0] =	vst v26  }
0x384: {  	v4 =	vld.idx.msk [tilespmem:v4+s13+$0x0], $0xffff  }
0x385: {  	v28 =	vld.idx.msk [tilespmem:v28+s13+$0x0], $0xffff;
	[tilespmem:s28+$0xFFFFFF30] =	vst v17  }
0x386: {  	v17 =	vld [tilespmem:$0x1FC00];
	[tilespmem:s25+$0xF0] =	vst v20  }
0x387: {  	v5 =	vld.idx.msk [tilespmem:v5+s13+$0x0], $0xffff;
	[tilespmem:s25+$0xFFFFFE70] =	vst v24  }
0x388: {  	[tilespmem:s29+$0x30] =	vst v12;
	v12 =	vld [tilespmem:$0x1FCC0]  }
0x389: {  	v23 =	vld.idx.msk [tilespmem:v23+s13+$0x0], $0xffff;
	[tilespmem:s25+$0x1F0] =	vst v4;
	v4 =	vmov v8  }
0x38a: {  	v24 =	vld [tilespmem:$0x1FD90];
	[tilespmem:$0x1F940] =	vst v4;
	v4 =	vor.u32 v30, v1  }
0x38b: {  	[tilespmem:$0x1F970] =	vst v4;
	v4 =	vld [tilespmem:$0x1F9B0]  }
0x38c: {  	v15 =	vld.idx.msk [tilespmem:v15+s13+$0x0], $0xffff  }
0x38d: {  	v12 =	vor.u32 v12, v2;
	v21 =	vld.idx.msk [tilespmem:v21+s13+$0x0], $0xffff  }
0x38e: {  	v26 =	vld [tilespmem:$0x1FF40]  }
0x38f: {  	v22 =	vor.u32 v22, v1;
	v0 =	vld.idx.msk [tilespmem:v0+s13+$0x0], $0xffff  }
0x390: {  	s28 =	sadd.s32 $0x800, s28;
	v17 =	vor.u32 v17, v1;
	[tilespmem:s25+$0x70] =	vst v27;
	v27 =	vld.idx.msk [tilespmem:v16+s13+$0x0], $0xffff  }
0x391: {  	[tilespmem:s28+$0xFFFFFE00] =	vst v5;
	v10 =	vld.idx.msk [tilespmem:v10+s13+$0x0], $0xffff  }
0x392: {  	v8 =	vld.idx.msk [tilespmem:v12+s13+$0x0], $0xffff;
	[tilespmem:s28+$0x100] =	vst v21  }
0x393: {  	v26 =	vor.u32 v26, v1;
	v4 =	vld.idx.msk [tilespmem:v4+s13+$0x0], $0xffff;
	[tilespmem:s25+$0xFFFFFF70] =	vst v28;
	s25 =	smov.u32 s29  }
0x394: {  	v12 =	vld.idx.msk [tilespmem:v22+s13+$0x0], $0xffff;
	[tilespmem:s25+$0xFFFFFEB0] =	vst v29  }
0x395: {  	v29 =	vld.idx.msk [tilespmem:v17+s13+$0x0], $0xffff;
	[tilespmem:s25+$0x190] =	vst v7  }
0x396: {  	v17 =	vld [tilespmem:$0x1FC10];
	[tilespmem:s25+$0xB0] =	vst v15  }
0x397: {  	[tilespmem:s28+$0xFFFFFE80] =	vst v0;
	v0 =	vld [tilespmem:$0x1F9C0]  }
0x398: {  	v24 =	vor.u32 v24, v1;
	[tilespmem:s25+$0x140] =	vst v8;
	v26 =	vld.idx.msk [tilespmem:v26+s13+$0x0], $0xffff  }
0x399: {  	[tilespmem:s28+$0x80] =	vst v12;
	v9 =	vld.idx.msk [tilespmem:v9+s13+$0x0], $0xffff  }
0x39a: {  	[tilespmem:s28+$0xFFFFFF00] =	vst v27;
	v6 =	vld.idx.msk [tilespmem:v6+s13+$0x0], $0xffff  }
0x39b: {  	v15 =	vor.u32 v32, v1;
	v8 =	vld.idx.msk [tilespmem:v3+s13+$0x0], $0xffff;
	[tilespmem:s25+$0xFFFFFF40] =	vst v4  }
0x39c: {  	v4 =	vld [tilespmem:$0x1F980];
	[tilespmem:$0x1F980] =	vst v15;
	v15 =	vor.u32 v59, v1  }
0x39d: {  	v30 =	vor.u32 v17, v2;
	[tilespmem:$0x1F990] =	vst v15;
	v15 =	vld.idx.msk [tilespmem:v24+s13+$0x0], $0xffff;
	v24 =	vmov v11;
	v11 =	vor.u32 v43, v1  }
0x39e: {  	[tilespmem:$0x1F9C0] =	vst v11;
	v11 =	vld [tilespmem:$0x1F930]  }
0x39f: {  	v28 =	vor.u32 v61, v1;
	[tilespmem:s28+$0x90] =	vst v6;
	v6 =	vld [tilespmem:$0x1F950]  }
0x3a0: {  	[tilespmem:$0x1F950] =	vst v24;
	v24 =	vld [tilespmem:$0x1FE10]  }
0x3a1: {  	v27 =	vld.idx.msk [tilespmem:v0+s13+$0x0], $0xffff  }
0x3a2: {  	v5 =	vor.u32 v60, v1;
	v21 =	vld.idx.msk [tilespmem:v30+s13+$0x0], $0xffff  }
0x3a3: {  	v7 =	vor.u32 v41, v1;
	v30 =	vld [tilespmem:$0x1FF50];
	[tilespmem:s28+$0xFFFFFF10] =	vst v15  }
0x3a4: {  	[tilespmem:s28+$0xFFFFFE90] =	vst v8;
	v8 =	vld.idx.msk [tilespmem:v28+s13+$0x0], $0xffff  }
0x3a5: {  	v28 =	vld [tilespmem:$0x1FCB0]  }
0x3a6: {  	v20 =	vor.u32 v54, v1;
	[tilespmem:s28+$0x110] =	vst v9;
	v4 =	vld.idx.msk [tilespmem:v4+s13+$0x0], $0xffff  }
0x3a7: {  	[tilespmem:s28+$0x180] =	vst v26;
	v26 =	vmov v13;
	v13 =	vld.idx.msk [tilespmem:v5+s13+$0x0], $0xffff  }
0x3a8: {  	[tilespmem:s28+$0x0] =	vst v10;
	v5 =	vld.idx.msk [tilespmem:v7+s13+$0x0], $0xffff  }
0x3a9: {  	[tilespmem:s25+$0x40] =	vst v27;
	v27 =	vmov v18;
	v18 =	vld [tilespmem:$0x1FF30]  }
0x3aa: {  	[tilespmem:s25+$0xFFFFFE30] =	vst v21;
	v21 =	vld [tilespmem:$0x1F920]  }
0x3ab: {  	[tilespmem:s25+$0xFFFFFFB0] =	vst v14;
	v14 =	vld.idx.msk [tilespmem:v20+s13+$0x0], $0xffff  }
0x3ac: {  	v7 =	vld [tilespmem:$0x1FFE0];
	v20 =	vor.u32 v44, v1  }
0x3ad: {  	[tilespmem:$0x1F9B0] =	vst v20;
	v20 =	vld [tilespmem:$0x1FD00]  }
0x3ae: {  	v11 =	vld.idx.msk [tilespmem:v11+s13+$0x0], $0xffff;
	v18 =	vor.u32 v18, v2  }
0x3af: {  	v0 =	vor.u32 v63, v1;
	v6 =	vld.idx.msk [tilespmem:v6+s13+$0x0], $0xffff  }
0x3b0: {  	[tilespmem:s28+$0x10] =	vst v14;
	v14 =	vld [tilespmem:$0x1FFF0]  }
0x3b1: {  	[tilespmem:s28+$0xFFFFFE10] =	vst v29;
	v29 =	vld [tilespmem:$0x1FCD0];
	v7 =	vor.u32 v7, v2  }
0x3b2: {  	v20 =	vor.u32 v20, v2;
	v21 =	vld.idx.msk [tilespmem:v21+s13+$0x0], $0xffff  }
0x3b3: {  	v24 =	vor.u32 v24, v2;
	v9 =	vld.idx.msk [tilespmem:v18+s13+$0x0], $0xffff  }
0x3b4: {  	[tilespmem:s25+$0x1A0] =	vst v4;
	v18 =	vld.idx.msk [tilespmem:v0+s13+$0x0], $0xffff  }
0x3b5: {  	[tilespmem:s25+$0xFFFFFEC0] =	vst v11;
	v0 =	vld [tilespmem:$0x1FFD0];
	v14 =	vor.u32 v14, v2  }
0x3b6: {  	[tilespmem:s25+$0xC0] =	vst v6;
	v6 =	vld.idx.msk [tilespmem:v7+s13+$0x0], $0xffff  }
0x3b7: {  	v11 =	vor.u32 v29, v2;
	v4 =	vld.idx.msk [tilespmem:v20+s13+$0x0], $0xffff;
	[tilespmem:s25+$0xFFFFFFC0] =	vst v21  }
0x3b8: {  	v20 =	vld.idx.msk [tilespmem:v24+s13+$0x0], $0xffff;
	[tilespmem:s28+$0xFFFFFF80] =	vst v23  }
0x3b9: {  	v7 =	vld.idx.msk [tilespmem:v19+s13+$0x0], $0xffff  }
0x3ba: {  	v14 =	vld.idx.msk [tilespmem:v14+s13+$0x0], $0xffff  }
0x3bb: {  	[tilespmem:s25+$0x150] =	vst v9;
	v19 =	vld [tilespmem:$0x1FC80]  }
0x3bc: {  	v22 =	vor.u32 v46, v1;
	v9 =	vld.idx.msk [tilespmem:v11+s13+$0x0], $0xffff  }
0x3bd: {  	v10 =	vor.u32 v39, v1;
	[tilespmem:s28+$0xFFFFFF20] =	vst v8;
	v11 =	vld [tilespmem:$0x1F9A0]  }
0x3be: {  	v15 =	vor.u32 v50, v1;
	v0 =	vor.u32 v0, v2;
	[tilespmem:s25+$0xFFFFFE40] =	vst v4;
	v4 =	vld [tilespmem:$0x1FED0]  }
0x3bf: {  	v8 =	vor.u32 v49, v2;
	[tilespmem:s25+$0xFFFFFFD0] =	vst v20;
	v20 =	vmov v15;
	v15 =	vld [tilespmem:$0x1FE20]  }
0x3c0: {  	[tilespmem:$0x1F920] =	vst v27;
	v27 =	vld [tilespmem:$0x1FF80]  }
0x3c1: {  	v21 =	vld.idx.msk [tilespmem:v22+s13+$0x0], $0xffff;
	[tilespmem:s28+$0x120] =	vst v5  }
0x3c2: {  	v10 =	vld.idx.msk [tilespmem:v10+s13+$0x0], $0xffff;
	v19 =	vor.u32 v19, v2  }
0x3c3: {  	[tilespmem:s25+$0xFFFFFED0] =	vst v6;
	v0 =	vld.idx.msk [tilespmem:v0+s13+$0x0], $0xffff;
	v4 =	vor.u32 v4, v2  }
0x3c4: {  	v8 =	vld.idx.msk [tilespmem:v8+s13+$0x0], $0xffff;
	v15 =	vor.u32 v15, v2  }
0x3c5: {  	[tilespmem:s25+$0xFFFFFF50] =	vst v14;
	v14 =	vld [tilespmem:$0x1FEE0]  }
0x3c6: {  	[tilespmem:s28+$0x20] =	vst v21;
	v11 =	vld.idx.msk [tilespmem:v11+s13+$0x0], $0xffff  }
0x3c7: {  	[tilespmem:s28+$0xFFFFFF90] =	vst v7;
	v7 =	vor.u32 v38, v2;
	v5 =	vld.idx.msk [tilespmem:v19+s13+$0x0], $0xffff  }
0x3c8: {  	v6 =	vor.u32 v55, v2;
	[tilespmem:$0x1F9A0] =	vst v20;
	v4 =	vld.idx.msk [tilespmem:v4+s13+$0x0], $0xffff  }
0x3c9: {  	[tilespmem:s25+$0x160] =	vst v9;
	v19 =	vor.u32 v42, v2;
	v9 =	vld.idx.msk [tilespmem:v15+s13+$0x0], $0xffff  }
0x3ca: {  	[tilespmem:s25+$0xFFFFFEE0] =	vst v8;
	v15 =	vld [tilespmem:$0x1FFC0]  }
0x3cb: {  	v20 =	vld.idx.msk [tilespmem:v25+s13+$0x0], $0xffff;
	[tilespmem:s25+$0x1B0] =	vst v11;
	v11 =	vor.u32 v62, v2  }
0x3cc: {  	[tilespmem:s25+$0xFFFFFE50] =	vst v0;
	v14 =	vor.u32 v14, v2;
	v23 =	vld.idx.msk [tilespmem:v7+s13+$0x0], $0xffff  }
0x3cd: {  	v3 =	vor.u32 v45, v1;
	[tilespmem:s25+$0xD0] =	vst v4;
	v4 =	vld.idx.msk [tilespmem:v6+s13+$0x0], $0xffff  }
0x3ce: {  	v0 =	vor.u32 v58, v2;
	v19 =	vld.idx.msk [tilespmem:v19+s13+$0x0], $0xffff  }
0x3cf: {  	p0 =	slt.u32 s26, $0x38;
	[tilespmem:s25+$0x50] =	vst v5;
	v5 =	vld [tilespmem:$0x1FCA0];
	v21 =	vor.u32 v15, v2  }
.Ltmp2:
0x3d0: {  	[tilespmem:$0x1F930] =	vst v26;
	v22 =	vld.idx.msk [tilespmem:v11+s13+$0x0], $0xffff;
	(pc) =	sbr.rel @p0 .LBB2_6-.Ltmp2, $4  }
0x3d1: {  	[tilespmem:s28+$0xFFFFFFA0] =	vst v20;
	v15 =	vld.idx.msk [tilespmem:v14+s13+$0x0], $0xffff  }
0x3d2: {  	v16 =	vor.u32 v33, v1;
	v12 =	vor.u32 v37, v1;
	v14 =	vld.idx.msk [tilespmem:v3+s13+$0x0], $0xffff;
	[tilespmem:s25+$0x1C0] =	vst v4  }
0x3d3: {  	v17 =	vor.u32 v34, v1;
	v26 =	vor.u32 v56, v2;
	[tilespmem:s28+$0x130] =	vst v10;
	v25 =	vld.idx.msk [tilespmem:v0+s13+$0x0], $0xffff  }
0x3d4: {  	s24 =	simm.s32 $0x12BF0;
	s29 =	smov.u32 s28;
	v24 =	vor.u32 v36, v2;
	v20 =	vor.u32 v28, v2;
	[tilespmem:s25+$0xFFFFFFE0] =	vst v9;
	v21 =	vld.idx.msk [tilespmem:v21+s13+$0x0], $0xffff  }
0x3d5: {  	_ =	sdelay $0x2  }
0x3d6: {  	[tilespmem:s25+$0xFFFFFE60] =	vst v19;
	v0 =	vor.u32 v27, v2  }
0x3d7: {  	[tilespmem:s25+$0xFFFFFEF0] =	vst v23;
	v3 =	vld.idx.msk [tilespmem:v16+s13+$0x0], $0xffff  }
0x3d8: {  	[tilespmem:s28+$0xA0] =	vst v18  }
0x3d9: {  	[tilespmem:s28+$0xFFFFFEA0] =	vst v13  }
0x3da: {  	v4 =	vld.idx.msk [tilespmem:v26+s13+$0x0], $0xffff;
	[tilespmem:s25+$0x1D0] =	vst v25  }
0x3db: {  	[tilespmem:s25+$0x60] =	vst v22;
	v0 =	vld.idx.msk [tilespmem:v0+s13+$0x0], $0xffff  }
0x3dc: {  	[tilespmem:s28+$0xFFFFFE20] =	vst v3;
	v3 =	vld.idx.msk [tilespmem:v17+s13+$0x0], $0xffff  }
0x3dd: {  	[tilespmem:s25+$0xE0] =	vst v15  }
0x3de: {  	v13 =	vmov v5;
	v5 =	vor.u32 v5, v2;
	[tilespmem:s25+$0x170] =	vst v21  }
0x3df: {  	v8 =	vld.idx.msk [tilespmem:v12+s13+$0x0], $0xffff;
	[tilespmem:s25+$0xFFFFFF60] =	vst v4  }
0x3e0: {  	v6 =	vld.idx.msk [tilespmem:v24+s13+$0x0], $0xffff;
	[tilespmem:s25+$0x1E0] =	vst v0  }
0x3e1: {  	v7 =	vld.idx.msk [tilespmem:v20+s13+$0x0], $0xffff;
	[tilespmem:s28+$0xFFFFFF30] =	vst v3  }
0x3e2: {  	v3 =	vld [tilespmem:$0x1F910]  }
0x3e3: {  	v0 =	vld.idx.msk [tilespmem:v5+s13+$0x0], $0xffff;
	_ =	sdelay $0x1  }
0x3e4: {  	[tilespmem:s25+$0xFFFFFE70] =	vst v6  }
0x3e5: {  	[tilespmem:s25+$0xF0] =	vst v7  }
0x3e6: {  	v5 =	vld [tilespmem:$0x1F990];
	[tilespmem:s29+$0x30] =	vst v8  }
0x3e7: {  	v4 =	vor.u32 v53, v2;
	v2 =	vor.u32 v40, v2;
	v6 =	vld [tilespmem:$0x1FCC0];
	[tilespmem:s25+$0x70] =	vst v0  }
0x3e8: {  	v0 =	vld [tilespmem:$0x1F970]  }
0x3e9: {  	v3 =	vld.idx.msk [tilespmem:v3+s13+$0x0], $0xffff;
	_ =	sdelay $0x2  }
0x3ea: {  	v2 =	vld.idx.msk [tilespmem:v2+s13+$0x0], $0xffff  }
0x3eb: {  	v4 =	vld.idx.msk [tilespmem:v4+s13+$0x0], $0xffff  }
0x3ec: {  	v5 =	vld.idx.msk [tilespmem:v5+s13+$0x0], $0xffff;
	[tilespmem:s25+$0xFFFFFFF0] =	vst v3  }
0x3ed: {  	v3 =	vld [tilespmem:$0x1F9B0]  }
0x3ee: {  	v0 =	vld.idx.msk [tilespmem:v0+s13+$0x0], $0xffff  }
0x3ef: {  	v7 =	vld [tilespmem:$0x1F940]  }
0x3f0: {  	[tilespmem:s25+$0x1F0] =	vst v4  }
0x3f1: {  	v4 =	vld [tilespmem:$0x1FC10];
	[tilespmem:s25+$0xFFFFFF70] =	vst v2  }
0x3f2: {  	[tilespmem:s29+$0xFFFFFEB0] =	vst v5  }
0x3f3: {  	[tilespmem:s29+$0x190] =	vst v0  }
0x3f4: {  	v0 =	vld [tilespmem:$0x1F9C0]  }
0x3f5: {  	v6 =	vor.u32 v6, v1;
	v3 =	vld.idx.msk [tilespmem:v3+s13+$0x0], $0xffff;
	_ =	sdelay $0x1  }
0x3f6: {  	v7 =	vld.idx.msk [tilespmem:v7+s13+$0x0], $0xffff;
	_ =	sdelay $0x2  }
0x3f7: {  	v2 =	vld.idx.msk [tilespmem:v6+s13+$0x0], $0xffff;
	[tilespmem:s29+$0xFFFFFF40] =	vst v3  }
0x3f8: {  	v3 =	vld [tilespmem:$0x1F980]  }
0x3f9: {  	v5 =	vld [tilespmem:$0x1FF30];
	[tilespmem:s29+$0xB0] =	vst v7  }
0x3fa: {  	v0 =	vld.idx.msk [tilespmem:v0+s13+$0x0], $0xffff;
	[tilespmem:s29+$0xFFFFFFB0] =	vst v14  }
0x3fb: {  	v6 =	vld [tilespmem:$0x1FD00]  }
0x3fc: {  	v7 =	vld [tilespmem:$0x1F930];
	[tilespmem:s29+$0x140] =	vst v2  }
0x3fd: {  	v4 =	vor.u32 v4, v1;
	v2 =	vld [tilespmem:$0x1F920];
	_ =	sdelay $0x1  }
0x3fe: {  	v8 =	vld [tilespmem:$0x1FFE0];
	[tilespmem:s29+$0x40] =	vst v0  }
0x3ff: {  	v0 =	vld [tilespmem:$0x1F950]  }
0x400: {  	v5 =	vor.u32 v5, v1;
	v3 =	vld.idx.msk [tilespmem:v3+s13+$0x0], $0xffff  }
0x401: {  	v4 =	vld.idx.msk [tilespmem:v4+s13+$0x0], $0xffff  }
0x402: {  	v9 =	vld [tilespmem:$0x1FE10]  }
0x403: {  	v7 =	vld.idx.msk [tilespmem:v7+s13+$0x0], $0xffff  }
0x404: {  	v2 =	vld.idx.msk [tilespmem:v2+s13+$0x0], $0xffff  }
0x405: {  	[tilespmem:s29+$0x1A0] =	vst v3;
	v3 =	vld.idx.msk [tilespmem:v5+s13+$0x0], $0xffff  }
0x406: {  	v5 =	vld [tilespmem:$0x1FFF0];
	[tilespmem:s29+$0xFFFFFE30] =	vst v4  }
0x407: {  	v6 =	vor.u32 v6, v1;
	v10 =	vld [tilespmem:$0x1F9A0]  }
0x408: {  	v0 =	vld.idx.msk [tilespmem:v0+s13+$0x0], $0xffff;
	_ =	sdelay $0x2  }
0x409: {  	v8 =	vor.u32 v8, v1;
	[tilespmem:s29+$0xFFFFFEC0] =	vst v7  }
0x40a: {  	v6 =	vld.idx.msk [tilespmem:v6+s13+$0x0], $0xffff;
	[tilespmem:s29+$0xFFFFFFC0] =	vst v2  }
0x40b: {  	v9 =	vor.u32 v9, v1;
	v2 =	vld [tilespmem:$0x1FFD0];
	[tilespmem:s29+$0xC0] =	vst v0  }
0x40c: {  	v4 =	vor.u32 v29, v1;
	v11 =	vld [tilespmem:$0x1FED0]  }
0x40d: {  	v5 =	vor.u32 v5, v1;
	v10 =	vld.idx.msk [tilespmem:v10+s13+$0x0], $0xffff  }
0x40e: {  	v8 =	vld.idx.msk [tilespmem:v8+s13+$0x0], $0xffff;
	[tilespmem:s29+$0x150] =	vst v3  }
0x40f: {  	v7 =	vor.u32 v55, v1;
	v3 =	vld [tilespmem:$0x1FC80]  }
0x410: {  	v9 =	vld.idx.msk [tilespmem:v9+s13+$0x0], $0xffff;
	v2 =	vor.u32 v2, v1  }
0x411: {  	v0 =	vor.u32 v49, v1;
	v4 =	vld.idx.msk [tilespmem:v4+s13+$0x0], $0xffff;
	[tilespmem:s29+$0xFFFFFE40] =	vst v6  }
0x412: {  	v11 =	vor.u32 v11, v1;
	v5 =	vld.idx.msk [tilespmem:v5+s13+$0x0], $0xffff;
	[tilespmem:s29+$0x1B0] =	vst v10  }
0x413: {  	v6 =	vld [tilespmem:$0x1FE20]  }
0x414: {  	v3 =	vor.u32 v3, v1;
	v7 =	vld.idx.msk [tilespmem:v7+s13+$0x0], $0xffff  }
0x415: {  	v2 =	vld.idx.msk [tilespmem:v2+s13+$0x0], $0xffff;
	[tilespmem:s29+$0xFFFFFED0] =	vst v8;
	v8 =	vor.u32 v58, v1  }
0x416: {  	[tilespmem:s29+$0xFFFFFFD0] =	vst v9;
	v9 =	vor.u32 v42, v1;
	v0 =	vld.idx.msk [tilespmem:v0+s13+$0x0], $0xffff  }
0x417: {  	v10 =	vld.idx.msk [tilespmem:v11+s13+$0x0], $0xffff;
	[tilespmem:s29+$0xFFFFFF50] =	vst v5  }
0x418: {  	v11 =	vld [tilespmem:$0x1FEE0];
	[tilespmem:s29+$0x160] =	vst v4;
	v6 =	vor.u32 v6, v1  }
0x419: {  	v3 =	vld.idx.msk [tilespmem:v3+s13+$0x0], $0xffff;
	[tilespmem:s29+$0x1C0] =	vst v7  }
0x41a: {  	[tilespmem:s29+$0xFFFFFE50] =	vst v2;
	v7 =	vld.idx.msk [tilespmem:v8+s13+$0x0], $0xffff  }
0x41b: {  	v5 =	vor.u32 v38, v1;
	v8 =	vld.idx.msk [tilespmem:v9+s13+$0x0], $0xffff;
	[tilespmem:s29+$0xFFFFFEE0] =	vst v0  }
0x41c: {  	v2 =	vor.u32 v56, v1;
	v9 =	vld [tilespmem:$0x1FFC0]  }
0x41d: {  	v4 =	vld.idx.msk [tilespmem:v6+s13+$0x0], $0xffff;
	v6 =	vor.u32 v62, v1  }
0x41e: {  	v11 =	vor.u32 v11, v1;
	_ =	sdelay $0x1  }
0x41f: {  	v0 =	vor.u32 v27, v1;
	[tilespmem:s29+$0xD0] =	vst v10;
	v5 =	vld.idx.msk [tilespmem:v5+s13+$0x0], $0xffff  }
0x420: {  	[tilespmem:s29+$0x50] =	vst v3;
	v3 =	vor.u32 v36, v1;
	v2 =	vld.idx.msk [tilespmem:v2+s13+$0x0], $0xffff  }
0x421: {  	[tilespmem:s29+$0x1D0] =	vst v7;
	v9 =	vor.u32 v9, v1;
	v6 =	vld.idx.msk [tilespmem:v6+s13+$0x0], $0xffff  }
0x422: {  	v10 =	vld.idx.msk [tilespmem:v11+s13+$0x0], $0xffff;
	[tilespmem:s29+$0xFFFFFFE0] =	vst v4;
	v4 =	vor.u32 v13, v1  }
0x423: {  	[tilespmem:s29+$0xFFFFFE60] =	vst v8  }
0x424: {  	v11 =	vor.u32 v28, v1;
	v0 =	vld.idx.msk [tilespmem:v0+s13+$0x0], $0xffff;
	[tilespmem:s29+$0xFFFFFEF0] =	vst v5  }
0x425: {  	v3 =	vld.idx.msk [tilespmem:v3+s13+$0x0], $0xffff;
	[tilespmem:s29+$0xFFFFFF60] =	vst v2  }
0x426: {  	s30 =	simm.s32 $0x0;
	v7 =	vld.idx.msk [tilespmem:v9+s13+$0x0], $0xffff;
	[tilespmem:s29+$0x60] =	vst v6  }
0x427: {  	[tilespmem:s29+$0xE0] =	vst v10;
	v6 =	vmov s30;
	v2 =	vld.idx.msk [tilespmem:v4+s13+$0x0], $0xffff  }
0x428: {  	v4 =	vshrl.u32 v6, $0x3;
	v6 =	vld [tilespmem:$0x1F960]  }
0x429: {  	v5 =	vor.u32 v53, v1;
	v8 =	vld.idx.msk [tilespmem:v11+s13+$0x0], $0xffff;
	_ =	sdelay $0x1  }
0x42a: {  	[tilespmem:s29+$0x1E0] =	vst v0  }
0x42b: {  	[tilespmem:s29+$0xFFFFFE70] =	vst v3  }
0x42c: {  	v1 =	vor.u32 v40, v1;
	[tilespmem:s29+$0x170] =	vst v7  }
0x42d: {  	v0 =	vshll.u32 v4, $0x3;
	v4 =	vld.idx.msk [tilespmem:v5+s13+$0x0], $0xffff;
	[tilespmem:s29+$0xF0] =	vst v8  }
0x42e: {  	v25 =	vld [tilespmem:$0x1F9D0]  }
0x42f: {  	[tilespmem:s29+$0x70] =	vst v2;
	v6 =	vld.idx.msk [tilespmem:v6+s13+$0x0], $0xffff  }
0x430: {  	v26 =	vld [tilespmem:$0x1F9E0]  }
0x431: {  	v1 =	vld.idx.msk [tilespmem:v1+s13+$0x0], $0xffff;
	v0 =	vbroadcast v0, $0x0;
	_ =	sdelay $0x1  }
0x432: {  	v3 =	vor.u32 v25, v0  }
0x433: {  	[tilespmem:s29+$0xFFFFFFF0] =	vst v6  }
0x434: {  	v2 =	vor.u32 v26, v0;
	v15 =	vld [tilespmem:$0x1FA80];
	[tilespmem:s29+$0x1F0] =	vst v4  }
0x435: {  	v30 =	vld [tilespmem:$0x1FA00];
	[tilespmem:s29+$0xFFFFFF70] =	vst v1  }
0x436: {  	v36 =	vld [tilespmem:$0x1FA20]  }
0x437: {  	v3 =	vld.idx.msk [tilespmem:v3+s13+$0x0], $0xffff  }
0x438: {  	v32 =	vld [tilespmem:$0x1FA30]  }
0x439: {  	v2 =	vld.idx.msk [tilespmem:v2+s13+$0x0], $0xffff  }
0x43a: {  	v39 =	vld [tilespmem:$0x1FA40]  }
0x43b: {  	v40 =	vld [tilespmem:$0x1FA50];
	v5 =	vor.u32 v15, v0  }
0x43c: {  	v34 =	vld [tilespmem:$0x1F740];
	v4 =	vor.u32 v30, v0  }
0x43d: {  	v29 =	vld [tilespmem:$0x1F750];
	v1 =	vor.u32 v36, v0  }
0x43e: {  	v24 =	vld [tilespmem:$0x1FAD0];
	v6 =	vor.u32 v32, v0;
	[tilespmem:s24+$0xFFFFFC10] =	vst v3  }
0x43f: {  	v7 =	vor.u32 v39, v0;
	v27 =	vld [tilespmem:$0x1FAA0]  }
0x440: {  	v8 =	vor.u32 v40, v0;
	v5 =	vld.idx.msk [tilespmem:v5+s13+$0x0], $0xffff  }
0x441: {  	v4 =	vld.idx.msk [tilespmem:v4+s13+$0x0], $0xffff  }
0x442: {  	v1 =	vld.idx.msk [tilespmem:v1+s13+$0x0], $0xffff  }
0x443: {  	v9 =	vor.u32 v34, v0;
	v6 =	vld.idx.msk [tilespmem:v6+s13+$0x0], $0xffff  }
0x444: {  	v7 =	vld.idx.msk [tilespmem:v7+s13+$0x0], $0xffff  }
0x445: {  	v10 =	vor.u32 v29, v0;
	v8 =	vld.idx.msk [tilespmem:v8+s13+$0x0], $0xffff;
	[tilespmem:s24+$0xFFFFFD10] =	vst v5  }
0x446: {  	v28 =	vld [tilespmem:$0x1FA70]  }
0x447: {  	v11 =	vor.u32 v24, v0;
	v33 =	vld [tilespmem:$0x1FB00]  }
0x448: {  	v9 =	vld.idx.msk [tilespmem:v9+s13+$0x0], $0xffff;
	[tilespmem:s24+$0xFFFFFD90] =	vst v4  }
0x449: {  	v3 =	vor.u32 v27, v0;
	v38 =	vld [tilespmem:$0x1FA60]  }
0x44a: {  	v10 =	vld.idx.msk [tilespmem:v10+s13+$0x0], $0xffff;
	[tilespmem:s24+$0xFFFFFE10] =	vst v1  }
0x44b: {  	v44 =	vld [tilespmem:$0x1FAC0];
	[tilespmem:s24+$0xFFFFFE90] =	vst v6  }
0x44c: {  	v11 =	vld.idx.msk [tilespmem:v11+s13+$0x0], $0xffff;
	[tilespmem:s24+$0xFFFFFC90] =	vst v2  }
0x44d: {  	v47 =	vld [tilespmem:$0x1F810]  }
0x44e: {  	v3 =	vld.idx.msk [tilespmem:v3+s13+$0x0], $0xffff  }
0x44f: {  	v55 =	vld [tilespmem:$0x1F8A0];
	[tilespmem:s24+$0xFFFFFF90] =	vst v8  }
0x450: {  	v60 =	vld [tilespmem:$0x1F8D0];
	[tilespmem:s24+$0xFFFFFF10] =	vst v7  }
0x451: {  	v5 =	vor.u32 v28, v0;
	v61 =	vld [tilespmem:$0x1FAF0];
	[tilespmem:s24+$0xFFFFFD20] =	vst v9  }
0x452: {  	v12 =	vor.u32 v33, v0;
	v16 =	vld [tilespmem:$0x1F8E0];
	[tilespmem:s24+$0xFFFFFDA0] =	vst v10  }
0x453: {  	v4 =	vor.u32 v38, v0;
	v14 =	vld [tilespmem:$0x1F880];
	[tilespmem:s24+$0xFFFFFE20] =	vst v11  }
0x454: {  	v1 =	vor.u32 v44, v0;
	v17 =	vld [tilespmem:$0x1FB70];
	[tilespmem:s24+$0xFFFFFEA0] =	vst v3  }
0x455: {  	v2 =	vor.u32 v47, v0;
	v18 =	vld [tilespmem:$0x1FB10]  }
0x456: {  	v6 =	vor.u32 v55, v0;
	v5 =	vld.idx.msk [tilespmem:v5+s13+$0x0], $0xffff  }
0x457: {  	v8 =	vor.u32 v60, v0;
	v7 =	vld.idx.msk [tilespmem:v12+s13+$0x0], $0xffff  }
0x458: {  	v4 =	vld.idx.msk [tilespmem:v4+s13+$0x0], $0xffff  }
0x459: {  	v12 =	vor.u32 v61, v0;
	v1 =	vld.idx.msk [tilespmem:v1+s13+$0x0], $0xffff  }
0x45a: {  	v2 =	vld.idx.msk [tilespmem:v2+s13+$0x0], $0xffff  }
0x45b: {  	v9 =	vor.u32 v16, v0;
	v6 =	vld.idx.msk [tilespmem:v6+s13+$0x0], $0xffff  }
0x45c: {  	v10 =	vor.u32 v14, v0;
	[tilespmem:s24+$0xFFFFFCA0] =	vst v5;
	v5 =	vld.idx.msk [tilespmem:v8+s13+$0x0], $0xffff  }
0x45d: {  	v19 =	vld [tilespmem:$0x1F840]  }
0x45e: {  	v12 =	vld.idx.msk [tilespmem:v12+s13+$0x0], $0xffff;
	[tilespmem:s24+$0xFFFFFFA0] =	vst v7  }
0x45f: {  	v11 =	vor.u32 v17, v0;
	v20 =	vld [tilespmem:$0x1F860]  }
0x460: {  	[tilespmem:s24+$0xFFFFFC20] =	vst v4;
	v4 =	vld.idx.msk [tilespmem:v9+s13+$0x0], $0xffff  }
0x461: {  	v10 =	vld.idx.msk [tilespmem:v10+s13+$0x0], $0xffff  }
0x462: {  	v3 =	vor.u32 v18, v0;
	v21 =	vld [tilespmem:$0x1F890];
	[tilespmem:s24+$0xFFFFFDB0] =	vst v2  }
0x463: {  	v22 =	vld [tilespmem:$0x1F830]  }
0x464: {  	[tilespmem:s24+$0xFFFFFF20] =	vst v1;
	v1 =	vld.idx.msk [tilespmem:v11+s13+$0x0], $0xffff  }
0x465: {  	v23 =	vld [tilespmem:$0x1F7E0];
	[tilespmem:s24+$0xFFFFFEB0] =	vst v5  }
0x466: {  	v50 =	vld [tilespmem:$0x1F8C0];
	[tilespmem:s24+$0xFFFFFE30] =	vst v6  }
0x467: {  	v3 =	vld.idx.msk [tilespmem:v3+s13+$0x0], $0xffff;
	v8 =	vor.u32 v19, v0;
	[tilespmem:s24+$0xFFFFFFB0] =	vst v4  }
0x468: {  	v46 =	vld [tilespmem:$0x1F7D0]  }
0x469: {  	v7 =	vor.u32 v20, v0;
	v31 =	vld [tilespmem:$0x1F760];
	[tilespmem:s24+$0xFFFFFCB0] =	vst v12  }
0x46a: {  	v9 =	vor.u32 v21, v0;
	v35 =	vld [tilespmem:$0x1F8B0];
	[tilespmem:s24+$0xFFFFFD30] =	vst v10  }
0x46b: {  	v2 =	vor.u32 v22, v0;
	v62 =	vld [tilespmem:$0x1F790]  }
0x46c: {  	v11 =	vor.u32 v23, v0;
	[tilespmem:s24+$0xFFFFFF30] =	vst v3;
	v6 =	vld.idx.msk [tilespmem:v8+s13+$0x0], $0xffff  }
0x46d: {  	v5 =	vor.u32 v50, v0;
	v48 =	vld [tilespmem:$0x1FB30]  }
0x46e: {  	v7 =	vld.idx.msk [tilespmem:v7+s13+$0x0], $0xffff  }
0x46f: {  	v4 =	vor.u32 v46, v0;
	v9 =	vld.idx.msk [tilespmem:v9+s13+$0x0], $0xffff  }
0x470: {  	v8 =	vor.u32 v31, v0;
	v2 =	vld.idx.msk [tilespmem:v2+s13+$0x0], $0xffff  }
0x471: {  	[tilespmem:s24+$0xFFFFFDC0] =	vst v1;
	v11 =	vld.idx.msk [tilespmem:v11+s13+$0x0], $0xffff  }
0x472: {  	[tilespmem:s24+$0xFFFFFEC0] =	vst v6;
	v5 =	vld.idx.msk [tilespmem:v5+s13+$0x0], $0xffff  }
0x473: {  	v10 =	vor.u32 v62, v0;
	v51 =	vld [tilespmem:$0x1F870]  }
0x474: {  	v1 =	vld.idx.msk [tilespmem:v4+s13+$0x0], $0xffff  }
0x475: {  	[tilespmem:s24+$0xFFFFFC30] =	vst v7;
	v6 =	vld.idx.msk [tilespmem:v8+s13+$0x0], $0xffff  }
0x476: {  	v12 =	vor.u32 v35, v0;
	v57 =	vld [tilespmem:$0x1F7B0]  }
0x477: {  	v3 =	vor.u32 v48, v0;
	v41 =	vld [tilespmem:$0x1F780];
	[tilespmem:s24+$0xFFFFFFC0] =	vst v9  }
0x478: {  	[tilespmem:s24+$0xFFFFFE40] =	vst v2;
	v9 =	vld.idx.msk [tilespmem:v10+s13+$0x0], $0xffff  }
0x479: {  	v2 =	vld [tilespmem:$0x1FB80]  }
0x47a: {  	v10 =	vld [tilespmem:$0x1FBA0]  }
0x47b: {  	v12 =	vld.idx.msk [tilespmem:v12+s13+$0x0], $0xffff;
	[tilespmem:s24+$0xFFFFFF40] =	vst v5;
	v4 =	vor.u32 v51, v0  }
0x47c: {  	v3 =	vld.idx.msk [tilespmem:v3+s13+$0x0], $0xffff;
	v7 =	vor.u32 v57, v0;
	[tilespmem:s24+$0xFFFFFED0] =	vst v1  }
0x47d: {  	v8 =	vor.u32 v41, v0;
	v58 =	vld [tilespmem:$0x1F7F0];
	[tilespmem:s24+$0xFFFFFD40] =	vst v11  }
0x47e: {  	v2 =	vor.u32 v2, v0;
	v63 =	vld [tilespmem:$0x1F820];
	[tilespmem:s24+$0xFFFFFDD0] =	vst v6  }
0x47f: {  	v10 =	vor.u32 v10, v0;
	v45 =	vld [tilespmem:$0x1FBC0]  }
0x480: {  	v1 =	vld.idx.msk [tilespmem:v4+s13+$0x0], $0xffff  }
0x481: {  	v5 =	vld.idx.msk [tilespmem:v7+s13+$0x0], $0xffff  }
0x482: {  	[tilespmem:s24+$0xFFFFFC40] =	vst v9;
	v6 =	vld.idx.msk [tilespmem:v8+s13+$0x0], $0xffff  }
0x483: {  	v4 =	vor.u32 v58, v0;
	v2 =	vld.idx.msk [tilespmem:v2+s13+$0x0], $0xffff;
	[tilespmem:$0x1F730] =	vst v52  }
0x484: {  	v10 =	vld.idx.msk [tilespmem:v10+s13+$0x0], $0xffff;
	[tilespmem:s24+$0xFFFFFFD0] =	vst v3  }
0x485: {  	v7 =	vor.u32 v63, v0;
	v3 =	vld [tilespmem:$0x1FAB0]  }
0x486: {  	v9 =	vor.u32 v52, v0;
	v11 =	vld [tilespmem:$0x1FBB0];
	[tilespmem:s24+$0xFFFFFF50] =	vst v1  }
0x487: {  	v8 =	vor.u32 v45, v0;
	v53 =	vld [tilespmem:$0x1F850]  }
0x488: {  	[tilespmem:s24+$0xFFFFFEE0] =	vst v5;
	v4 =	vld.idx.msk [tilespmem:v4+s13+$0x0], $0xffff  }
0x489: {  	v43 =	vld [tilespmem:$0x1F7A0]  }
0x48a: {  	[tilespmem:s24+$0xFFFFFE50] =	vst v6;
	v5 =	vld.idx.msk [tilespmem:v7+s13+$0x0], $0xffff  }
0x48b: {  	[tilespmem:s24+$0xFFFFFDE0] =	vst v2;
	v2 =	vld.idx.msk [tilespmem:v9+s13+$0x0], $0xffff;
	v3 =	vor.u32 v3, v0  }
0x48c: {  	v6 =	vld.idx.msk [tilespmem:v8+s13+$0x0], $0xffff;
	v11 =	vor.u32 v11, v0  }
0x48d: {  	v8 =	vld [tilespmem:$0x1FB40];
	[tilespmem:s24+$0xFFFFFC50] =	vst v10  }
0x48e: {  	v9 =	vld [tilespmem:$0x1FBE0];
	[tilespmem:s24+$0xFFFFFCC0] =	vst v12;
	v1 =	vor.u32 v53, v0  }
0x48f: {  	v37 =	vld [tilespmem:$0x1FB90]  }
0x490: {  	v7 =	vor.u32 v43, v0;
	v3 =	vld.idx.msk [tilespmem:v3+s13+$0x0], $0xffff  }
0x491: {  	v10 =	vld.idx.msk [tilespmem:v11+s13+$0x0], $0xffff  }
0x492: {  	s31 =	simm.s32 $0x8;
	v11 =	vld [tilespmem:$0x1FAE0];
	[tilespmem:s24+$0xFFFFFFE0] =	vst v4  }
0x493: {  	v8 =	vor.u32 v8, v0;
	v4 =	vmov s31;
	[tilespmem:s24+$0xFFFFFF60] =	vst v5;
	v13 =	vld.idx.msk [tilespmem:v1+s13+$0x0], $0xffff  }
0x494: {  	v9 =	vor.u32 v9, v0;
	v1 =	vshrl.u32 v4, $0x3;
	v4 =	vld [tilespmem:$0x1F8F0]  }
0x495: {  	[tilespmem:s24+$0xFFFFFEF0] =	vst v6;
	v5 =	vld.idx.msk [tilespmem:v7+s13+$0x0], $0xffff  }
0x496: {  	v6 =	vld [tilespmem:$0x1F800];
	[tilespmem:s24+$0xFFFFFE60] =	vst v2  }
0x497: {  	v2 =	vld [tilespmem:$0x1FA10]  }
0x498: {  	v7 =	vld.idx.msk [tilespmem:v8+s13+$0x0], $0xffff  }
0x499: {  	v11 =	vor.u32 v11, v0;
	v8 =	vld.idx.msk [tilespmem:v9+s13+$0x0], $0xffff;
	[tilespmem:s24+$0xFFFFFDF0] =	vst v3  }
0x49a: {  	v12 =	vor.u32 v37, v0;
	v1 =	vshll.u32 v1, $0x3;
	v42 =	vld [tilespmem:$0x1F900];
	[tilespmem:s24+$0xFFFFFC60] =	vst v10  }
0x49b: {  	v1 =	vbroadcast v1, $0x0;
	[tilespmem:s24+$0xFFFFFCD0] =	vst v13  }
0x49c: {  	v4 =	vor.u32 v4, v0;
	[tilespmem:s24+$0xFFFFFD50] =	vst v5  }
0x49d: {  	v10 =	vor.u32 v25, v1;
	v5 =	vld [tilespmem:$0x1FB20]  }
0x49e: {  	v6 =	vor.u32 v6, v0;
	[tilespmem:s24+$0xFFFFFF70] =	vst v7;
	v3 =	vld.idx.msk [tilespmem:v11+s13+$0x0], $0xffff  }
0x49f: {  	v2 =	vor.u32 v2, v0;
	v11 =	vld.idx.msk [tilespmem:v12+s13+$0x0], $0xffff;
	[tilespmem:s24+$0xFFFFFF00] =	vst v8  }
0x4a0: {  	v9 =	vor.u32 v42, v0;
	v8 =	vld [tilespmem:$0x1F7C0]  }
0x4a1: {  	v4 =	vld.idx.msk [tilespmem:v4+s13+$0x0], $0xffff  }
0x4a2: {  	v7 =	vor.u32 v15, v1;
	v10 =	vld.idx.msk [tilespmem:v10+s13+$0x0], $0xffff  }
0x4a3: {  	v12 =	vor.u32 v26, v1;
	v6 =	vld.idx.msk [tilespmem:v6+s13+$0x0], $0xffff  }
0x4a4: {  	v5 =	vor.u32 v5, v0;
	v2 =	vld.idx.msk [tilespmem:v2+s13+$0x0], $0xffff  }
0x4a5: {  	[tilespmem:s24+$0xFFFFFE70] =	vst v3;
	v8 =	vor.u32 v8, v0;
	v9 =	vld.idx.msk [tilespmem:v9+s13+$0x0], $0xffff  }
0x4a6: {  	v3 =	vld [tilespmem:$0x1FA90];
	[tilespmem:s24+$0xFFFFFE00] =	vst v11;
	v11 =	vor.u32 v30, v1  }
0x4a7: {  	s25 =	simm.s32 $0x133F0;
	v7 =	vld.idx.msk [tilespmem:v7+s13+$0x0], $0xffff;
	[tilespmem:s24+$0xFFFFFC70] =	vst v4  }
0x4a8: {  	v12 =	vld.idx.msk [tilespmem:v12+s13+$0x0], $0xffff;
	v4 =	vor.u32 v36, v1;
	[tilespmem:s25+$0xFFFFFC10] =	vst v10  }
0x4a9: {  	[tilespmem:s24+$0xFFFFFCE0] =	vst v6;
	v6 =	vor.u32 v32, v1;
	v5 =	vld.idx.msk [tilespmem:v5+s13+$0x0], $0xffff  }
0x4aa: {  	[tilespmem:s24+$0xFFFFFD60] =	vst v2;
	v2 =	vor.u32 v39, v1;
	v8 =	vld.idx.msk [tilespmem:v8+s13+$0x0], $0xffff  }
0x4ab: {  	v3 =	vor.u32 v3, v0;
	[tilespmem:s24+$0xFFFFFF80] =	vst v9;
	v10 =	vld.idx.msk [tilespmem:v11+s13+$0x0], $0xffff  }
0x4ac: {  	v9 =	vor.u32 v40, v1;
	v11 =	vld [tilespmem:$0x1F770]  }
0x4ad: {  	v4 =	vld.idx.msk [tilespmem:v4+s13+$0x0], $0xffff;
	[tilespmem:s25+$0xFFFFFC90] =	vst v12;
	v12 =	vor.u32 v34, v1  }
0x4ae: {  	v6 =	vld.idx.msk [tilespmem:v6+s13+$0x0], $0xffff;
	[tilespmem:s25+$0xFFFFFD10] =	vst v7;
	v7 =	vor.u32 v24, v1  }
0x4af: {  	[tilespmem:s24+$0xFFFFFE80] =	vst v5;
	v5 =	vor.u32 v29, v1;
	v2 =	vld.idx.msk [tilespmem:v2+s13+$0x0], $0xffff  }
0x4b0: {  	v3 =	vld.idx.msk [tilespmem:v3+s13+$0x0], $0xffff;
	[tilespmem:s24+$0xFFFFFCF0] =	vst v8;
	v8 =	vor.u32 v27, v1  }
0x4b1: {  	v9 =	vld.idx.msk [tilespmem:v9+s13+$0x0], $0xffff;
	v11 =	vor.u32 v11, v0  }
0x4b2: {  	[tilespmem:s25+$0xFFFFFE10] =	vst v4;
	v4 =	vor.u32 v38, v1;
	v12 =	vld.idx.msk [tilespmem:v12+s13+$0x0], $0xffff  }
0x4b3: {  	[tilespmem:s25+$0xFFFFFD90] =	vst v10;
	v10 =	vor.u32 v33, v1;
	v7 =	vld.idx.msk [tilespmem:v7+s13+$0x0], $0xffff  }
0x4b4: {  	[tilespmem:s25+$0xFFFFFE90] =	vst v6;
	v6 =	vor.u32 v44, v1;
	v5 =	vld.idx.msk [tilespmem:v5+s13+$0x0], $0xffff  }
0x4b5: {  	[tilespmem:s25+$0xFFFFFF10] =	vst v2;
	v2 =	vor.u32 v47, v1;
	v8 =	vld.idx.msk [tilespmem:v8+s13+$0x0], $0xffff  }
0x4b6: {  	[tilespmem:s24+$0xFFFFFD70] =	vst v3;
	v3 =	vor.u32 v28, v1;
	v11 =	vld.idx.msk [tilespmem:v11+s13+$0x0], $0xffff  }
0x4b7: {  	[tilespmem:s25+$0xFFFFFF90] =	vst v9;
	v9 =	vor.u32 v55, v1;
	v4 =	vld.idx.msk [tilespmem:v4+s13+$0x0], $0xffff  }
0x4b8: {  	v10 =	vld.idx.msk [tilespmem:v10+s13+$0x0], $0xffff;
	[tilespmem:s25+$0xFFFFFD20] =	vst v12  }
0x4b9: {  	v6 =	vld.idx.msk [tilespmem:v6+s13+$0x0], $0xffff;
	[tilespmem:s25+$0xFFFFFDA0] =	vst v5;
	v5 =	vor.u32 v16, v1  }
0x4ba: {  	[tilespmem:s25+$0xFFFFFE20] =	vst v7;
	v7 =	vor.u32 v14, v1;
	v2 =	vld.idx.msk [tilespmem:v2+s13+$0x0], $0xffff  }
0x4bb: {  	v3 =	vld.idx.msk [tilespmem:v3+s13+$0x0], $0xffff;
	[tilespmem:s24+$0xFFFFFD00] =	vst v11;
	v11 =	vor.u32 v60, v1  }
0x4bc: {  	v12 =	vor.u32 v61, v1;
	v9 =	vld.idx.msk [tilespmem:v9+s13+$0x0], $0xffff;
	[tilespmem:s25+$0xFFFFFEA0] =	vst v8  }
0x4bd: {  	v8 =	vld [tilespmem:$0x1FBD0];
	[tilespmem:s25+$0xFFFFFFA0] =	vst v10;
	v10 =	vor.u32 v18, v1  }
0x4be: {  	[tilespmem:s25+$0xFFFFFF20] =	vst v6;
	v6 =	vor.u32 v20, v1;
	v5 =	vld.idx.msk [tilespmem:v5+s13+$0x0], $0xffff  }
0x4bf: {  	v7 =	vld.idx.msk [tilespmem:v7+s13+$0x0], $0xffff;
	[tilespmem:s25+$0xFFFFFDB0] =	vst v2;
	v2 =	vor.u32 v21, v1  }
0x4c0: {  	[tilespmem:s25+$0xFFFFFCA0] =	vst v3;
	v3 =	vor.u32 v17, v1;
	v11 =	vld.idx.msk [tilespmem:v11+s13+$0x0], $0xffff  }
0x4c1: {  	[tilespmem:s25+$0xFFFFFC20] =	vst v4;
	v4 =	vor.u32 v19, v1;
	v12 =	vld.idx.msk [tilespmem:v12+s13+$0x0], $0xffff  }
0x4c2: {  	[tilespmem:s25+$0xFFFFFE30] =	vst v9;
	v8 =	vor.u32 v8, v0;
	v10 =	vld.idx.msk [tilespmem:v10+s13+$0x0], $0xffff  }
0x4c3: {  	v9 =	vor.u32 v22, v1;
	v6 =	vld.idx.msk [tilespmem:v6+s13+$0x0], $0xffff;
	[tilespmem:s25+$0xFFFFFFB0] =	vst v5  }
0x4c4: {  	v5 =	vor.u32 v50, v1;
	v2 =	vld.idx.msk [tilespmem:v2+s13+$0x0], $0xffff  }
0x4c5: {  	v3 =	vld.idx.msk [tilespmem:v3+s13+$0x0], $0xffff;
	[tilespmem:s25+$0xFFFFFEB0] =	vst v11;
	v11 =	vor.u32 v23, v1  }
0x4c6: {  	[tilespmem:s25+$0xFFFFFCB0] =	vst v12;
	v12 =	vor.u32 v31, v1;
	v4 =	vld.idx.msk [tilespmem:v4+s13+$0x0], $0xffff  }
0x4c7: {  	[tilespmem:s25+$0xFFFFFD30] =	vst v7;
	v7 =	vor.u32 v46, v1;
	v8 =	vld.idx.msk [tilespmem:v8+s13+$0x0], $0xffff  }
0x4c8: {  	v9 =	vld.idx.msk [tilespmem:v9+s13+$0x0], $0xffff;
	[tilespmem:s25+$0xFFFFFF30] =	vst v10  }
0x4c9: {  	[tilespmem:s25+$0xFFFFFC30] =	vst v6;
	v5 =	vld.idx.msk [tilespmem:v5+s13+$0x0], $0xffff  }
0x4ca: {  	v10 =	vor.u32 v48, v1;
	[tilespmem:s25+$0xFFFFFDC0] =	vst v3;
	v11 =	vld.idx.msk [tilespmem:v11+s13+$0x0], $0xffff  }
0x4cb: {  	v3 =	vor.u32 v62, v1;
	v12 =	vld.idx.msk [tilespmem:v12+s13+$0x0], $0xffff;
	[tilespmem:s25+$0xFFFFFEC0] =	vst v4  }
0x4cc: {  	[tilespmem:s24+$0xFFFFFD80] =	vst v8;
	v8 =	vor.u32 v35, v1;
	v6 =	vld.idx.msk [tilespmem:v7+s13+$0x0], $0xffff  }
0x4cd: {  	v52 =	vmov v35;
	v35 =	vld [tilespmem:$0x1F8F0]  }
0x4ce: {  	v4 =	vor.u32 v41, v1;
	v44 =	vld [tilespmem:$0x1FB50];
	[tilespmem:s25+$0xFFFFFFC0] =	vst v2  }
0x4cf: {  	v10 =	vld.idx.msk [tilespmem:v10+s13+$0x0], $0xffff  }
0x4d0: {  	[tilespmem:s25+$0xFFFFFE40] =	vst v9;
	v3 =	vld.idx.msk [tilespmem:v3+s13+$0x0], $0xffff  }
0x4d1: {  	[tilespmem:s25+$0xFFFFFD40] =	vst v11;
	v8 =	vld.idx.msk [tilespmem:v8+s13+$0x0], $0xffff  }
0x4d2: {  	v11 =	vld [tilespmem:$0x1FB80]  }
0x4d3: {  	[tilespmem:s25+$0xFFFFFDD0] =	vst v12;
	v4 =	vld.idx.msk [tilespmem:v4+s13+$0x0], $0xffff  }
0x4d4: {  	v12 =	vld [tilespmem:$0x1FBA0];
	[tilespmem:s25+$0xFFFFFF40] =	vst v5  }
0x4d5: {  	v47 =	vld [tilespmem:$0x1FBF0];
	[tilespmem:s25+$0xFFFFFED0] =	vst v6  }
0x4d6: {  	v2 =	vor.u32 v51, v1;
	[tilespmem:s25+$0xFFFFFCC0] =	vst v8  }
0x4d7: {  	v9 =	vor.u32 v57, v1;
	v38 =	vld [tilespmem:$0x1F9F0];
	[tilespmem:s25+$0xFFFFFC40] =	vst v3  }
0x4d8: {  	v54 =	vmov v31;
	v31 =	vmov v50;
	v7 =	vor.u32 v44, v0;
	[tilespmem:s25+$0xFFFFFFD0] =	vst v10  }
0x4d9: {  	v50 =	vmovc v46;
	v46 =	vmovc v41;
	v41 =	vmov v57;
	v57 =	vmov v11;
	v11 =	vor.u32 v11, v1;
	[tilespmem:s25+$0xFFFFFE50] =	vst v4  }
0x4da: {  	v4 =	vld [tilespmem:$0x1F730]  }
0x4db: {  	v2 =	vld.idx.msk [tilespmem:v2+s13+$0x0], $0xffff;
	v6 =	vor.u32 v58, v1  }
0x4dc: {  	v9 =	vld.idx.msk [tilespmem:v9+s13+$0x0], $0xffff;
	v33 =	vmov v12;
	v12 =	vor.u32 v12, v1  }
0x4dd: {  	v25 =	vmov v48;
	v7 =	vld.idx.msk [tilespmem:v7+s13+$0x0], $0xffff;
	v5 =	vor.u32 v47, v0  }
0x4de: {  	v13 =	vor.u32 v45, v1;
	v48 =	vmovc v51;
	v51 =	vmov v58;
	v3 =	vld.idx.msk [tilespmem:v11+s13+$0x0], $0xffff;
	v0 =	vor.u32 v38, v0  }
0x4df: {  	v58 =	vmovc v63;
	v11 =	vor.u32 v63, v1;
	v63 =	vmovc v45;
	v45 =	vmov v4;
	v10 =	vor.u32 v4, v1;
	v4 =	vld [tilespmem:$0x1FAB0]  }
0x4e0: {  	v15 =	vld.idx.msk [tilespmem:v6+s13+$0x0], $0xffff  }
0x4e1: {  	v12 =	vld.idx.msk [tilespmem:v12+s13+$0x0], $0xffff  }
0x4e2: {  	v5 =	vld.idx.msk [tilespmem:v5+s13+$0x0], $0xffff;
	[tilespmem:s24+$0xFFFFFFF0] =	vst v7  }
0x4e3: {  	v8 =	vld.idx.msk [tilespmem:v0+s13+$0x0], $0xffff  }
0x4e4: {  	v30 =	vmov v4;
	v14 =	vor.u32 v4, v1;
	v4 =	vld [tilespmem:$0x1FBB0];
	[tilespmem:s25+$0xFFFFFF50] =	vst v2  }
0x4e5: {  	[tilespmem:s25+$0xFFFFFEE0] =	vst v9;
	v6 =	vld.idx.msk [tilespmem:v10+s13+$0x0], $0xffff  }
0x4e6: {  	[tilespmem:s25+$0xFFFFFDE0] =	vst v3;
	v7 =	vld.idx.msk [tilespmem:v11+s13+$0x0], $0xffff  }
0x4e7: {  	[tilespmem:s25+$0xFFFFFC50] =	vst v12;
	v2 =	vld.idx.msk [tilespmem:v13+s13+$0x0], $0xffff  }
0x4e8: {  	v3 =	vld [tilespmem:$0x1FB40];
	[tilespmem:s24+$0xFFFFFC80] =	vst v5  }
0x4e9: {  	v5 =	vld [tilespmem:$0x1FBE0];
	[tilespmem:s25+$0xFFFFFFE0] =	vst v15  }
0x4ea: {  	v11 =	vld [tilespmem:$0x1FAE0]  }
0x4eb: {  	v28 =	vld [tilespmem:$0x1FA50]  }
0x4ec: {  	v27 =	vld [tilespmem:$0x1FA00]  }
0x4ed: {  	v24 =	vld [tilespmem:$0x1F9E0];
	v55 =	vor.u32 v4, v1  }
0x4ee: {  	v32 =	vmov v23;
	v23 =	vld [tilespmem:$0x1FA40]  }
0x4ef: {  	v49 =	vmov v17;
	v59 =	vmov v18;
	v56 =	vmov v22;
	v22 =	vld [tilespmem:$0x1F9D0]  }
0x4f0: {  	v26 =	vmovc v62;
	v36 =	vmovc v19;
	v39 =	vmov v21;
	v40 =	vmov v20;
	v61 =	vmov v37;
	v60 =	vld [tilespmem:$0x1FA30]  }
0x4f1: {  	v62 =	vmovc v42;
	v0 =	vor.u32 v37, v1;
	v34 =	vmov v3;
	v10 =	vor.u32 v3, v1;
	v3 =	vld.idx.msk [tilespmem:v14+s13+$0x0], $0xffff  }
0x4f2: {  	v37 =	vmovc v43;
	v12 =	vor.u32 v53, v1;
	v42 =	vmov v5;
	v9 =	vor.u32 v5, v1;
	v5 =	vld.idx.msk [tilespmem:v55+s13+$0x0], $0xffff  }
0x4f3: {  	s26 =	simm.s32 $0x10;
	v29 =	vmovc v4;
	v4 =	vor.u32 v43, v1;
	v43 =	vmovc v53;
	v53 =	vmov v11;
	v11 =	vor.u32 v11, v1;
	v55 =	vld [tilespmem:$0x1FA20]  }
.LBB2_8:
0x4f4: {  	_ =	sdelay $0x2  }
0x4f5: {  	v12 =	vld.idx.msk [tilespmem:v12+s13+$0x0], $0xffff  }
0x4f6: {  	v4 =	vld.idx.msk [tilespmem:v4+s13+$0x0], $0xffff  }
0x4f7: {  	v17 =	vld [tilespmem:$0x1F7C0]  }
0x4f8: {  	v13 =	vmov s26;
	v18 =	vld [tilespmem:$0x1FA90]  }
0x4f9: {  	v19 =	vld [tilespmem:$0x1FAC0];
	[tilespmem:s24+$0x0] =	vst v8;
	v8 =	vshrl.u32 v13, $0x3  }
0x4fa: {  	[tilespmem:s25+$0xFFFFFF60] =	vst v7;
	v7 =	vshll.u32 v8, $0x3;
	v8 =	vld [tilespmem:$0x1F800]  }
0x4fb: {  	[tilespmem:s25+$0xFFFFFEF0] =	vst v2;
	v10 =	vld.idx.msk [tilespmem:v10+s13+$0x0], $0xffff  }
0x4fc: {  	[tilespmem:s25+$0xFFFFFE60] =	vst v6;
	v6 =	vld.idx.msk [tilespmem:v9+s13+$0x0], $0xffff  }
0x4fd: {  	v13 =	vor.u32 v35, v1;
	[tilespmem:s25+$0xFFFFFDF0] =	vst v3;
	v9 =	vld.idx.msk [tilespmem:v11+s13+$0x0], $0xffff  }
0x4fe: {  	[tilespmem:s25+$0xFFFFFC60] =	vst v5;
	v5 =	vld.idx.msk [tilespmem:v0+s13+$0x0], $0xffff;
	v2 =	vbroadcast v7, $0x0  }
0x4ff: {  	v11 =	vor.u32 v62, v1;
	[tilespmem:s25+$0xFFFFFD50] =	vst v4;
	v4 =	vld [tilespmem:$0x1FB20]  }
0x500: {  	[tilespmem:s25+$0xFFFFFCD0] =	vst v12;
	v12 =	vld [tilespmem:$0x1FA80];
	v14 =	vor.u32 v22, v2  }
0x501: {  	v7 =	vld [tilespmem:$0x1FA10];
	v15 =	vor.u32 v24, v2  }
0x502: {  	v13 =	vld.idx.msk [tilespmem:v13+s13+$0x0], $0xffff  }
0x503: {  	v20 =	vld [tilespmem:$0x1FA70];
	v8 =	vor.u32 v8, v1;
	[tilespmem:s25+$0xFFFFFF70] =	vst v10  }
0x504: {  	v4 =	vor.u32 v4, v1;
	[tilespmem:s25+$0xFFFFFF00] =	vst v6;
	v6 =	vld.idx.msk [tilespmem:v11+s13+$0x0], $0xffff  }
0x505: {  	v12 =	vor.u32 v12, v2;
	[tilespmem:s25+$0xFFFFFE70] =	vst v9;
	v11 =	vld.idx.msk [tilespmem:v14+s13+$0x0], $0xffff  }
0x506: {  	[tilespmem:s25+$0xFFFFFE00] =	vst v5;
	v5 =	vor.u32 v28, v2;
	v9 =	vld.idx.msk [tilespmem:v15+s13+$0x0], $0xffff  }
0x507: {  	v7 =	vor.u32 v7, v1;
	[tilespmem:s25+$0xFFFFFC70] =	vst v13;
	v13 =	vld [tilespmem:$0x1FA60]  }
0x508: {  	v16 =	vor.u32 v27, v2;
	v8 =	vld.idx.msk [tilespmem:v8+s13+$0x0], $0xffff  }
0x509: {  	v4 =	vld.idx.msk [tilespmem:v4+s13+$0x0], $0xffff  }
0x50a: {  	v14 =	vor.u32 v60, v2;
	v12 =	vld.idx.msk [tilespmem:v12+s13+$0x0], $0xffff  }
0x50b: {  	v5 =	vld.idx.msk [tilespmem:v5+s13+$0x0], $0xffff  }
0x50c: {  	s24 =	smov.u32 s25;
	v17 =	vor.u32 v17, v1;
	v7 =	vld.idx.msk [tilespmem:v7+s13+$0x0], $0xffff  }
0x50d: {  	[tilespmem:s24+$0xFFFFFF80] =	vst v6;
	v6 =	vld.idx.msk [tilespmem:v16+s13+$0x0], $0xffff  }
0x50e: {  	v18 =	vor.u32 v18, v1;
	v16 =	vld [tilespmem:$0x1F770]  }
0x50f: {  	v14 =	vld.idx.msk [tilespmem:v14+s13+$0x0], $0xffff  }
0x510: {  	v10 =	vor.u32 v55, v2;
	[tilespmem:s25+$0xFFFFFCE0] =	vst v8;
	v8 =	vld [tilespmem:$0x1F740]  }
0x511: {  	v17 =	vld.idx.msk [tilespmem:v17+s13+$0x0], $0xffff  }
0x512: {  	v15 =	vor.u32 v23, v2;
	[tilespmem:s25+$0xFFFFFD60] =	vst v7;
	v7 =	vld [tilespmem:$0x1F750]  }
0x513: {  	s25 =	sadd.s32 $0x800, s25;
	v18 =	vld.idx.msk [tilespmem:v18+s13+$0x0], $0xffff  }
0x514: {  	[tilespmem:s25+$0xFFFFFC10] =	vst v11;
	v11 =	vld [tilespmem:$0x1FAD0]  }
0x515: {  	[tilespmem:s25+$0xFFFFFC90] =	vst v9;
	v9 =	vld.idx.msk [tilespmem:v10+s13+$0x0], $0xffff  }
0x516: {  	v10 =	vld [tilespmem:$0x1FAA0]  }
0x517: {  	v13 =	vor.u32 v13, v2;
	[tilespmem:s24+$0xFFFFFE80] =	vst v4;
	v4 =	vld.idx.msk [tilespmem:v15+s13+$0x0], $0xffff  }
0x518: {  	[tilespmem:s25+$0xFFFFFD10] =	vst v12;
	v12 =	vld [tilespmem:$0x1FB00]  }
0x519: {  	v16 =	vor.u32 v16, v1;
	[tilespmem:s25+$0xFFFFFD90] =	vst v6;
	v6 =	vld [tilespmem:$0x1F810]  }
0x51a: {  	[tilespmem:s25+$0xFFFFFF90] =	vst v5;
	v5 =	vld [tilespmem:$0x1F8E0]  }
0x51b: {  	v20 =	vor.u32 v20, v2;
	[tilespmem:s25+$0xFFFFFE90] =	vst v14;
	v14 =	vld [tilespmem:$0x1F8D0]  }
0x51c: {  	v13 =	vld.idx.msk [tilespmem:v13+s13+$0x0], $0xffff  }
0x51d: {  	v8 =	vor.u32 v8, v2;
	[tilespmem:s24+$0xFFFFFCF0] =	vst v17;
	v17 =	vld [tilespmem:$0x1F880]  }
0x51e: {  	v7 =	vor.u32 v7, v2;
	v16 =	vld.idx.msk [tilespmem:v16+s13+$0x0], $0xffff  }
0x51f: {  	[tilespmem:s25+$0xFFFFFE10] =	vst v9;
	v9 =	vld [tilespmem:$0x1F8A0]  }
0x520: {  	v11 =	vor.u32 v11, v2;
	[tilespmem:s25+$0xFFFFFF10] =	vst v4;
	v4 =	vld.idx.msk [tilespmem:v20+s13+$0x0], $0xffff  }
0x521: {  	v10 =	vor.u32 v10, v2;
	[tilespmem:s24+$0xFFFFFD70] =	vst v18;
	v20 =	vld [tilespmem:$0x1FBD0]  }
0x522: {  	v12 =	vor.u32 v12, v2;
	v8 =	vld.idx.msk [tilespmem:v8+s13+$0x0], $0xffff  }
0x523: {  	v19 =	vor.u32 v19, v2;
	v7 =	vld.idx.msk [tilespmem:v7+s13+$0x0], $0xffff  }
0x524: {  	v17 =	vor.u32 v17, v2;
	[tilespmem:s24+$0xFFFFFD00] =	vst v16;
	v16 =	vld [tilespmem:$0x1FAF0]  }
0x525: {  	v6 =	vor.u32 v6, v2;
	v11 =	vld.idx.msk [tilespmem:v11+s13+$0x0], $0xffff  }
0x526: {  	v9 =	vor.u32 v9, v2;
	v10 =	vld.idx.msk [tilespmem:v10+s13+$0x0], $0xffff  }
0x527: {  	v14 =	vor.u32 v14, v2;
	[tilespmem:s25+$0xFFFFFC20] =	vst v13;
	v12 =	vld.idx.msk [tilespmem:v12+s13+$0x0], $0xffff  }
0x528: {  	v5 =	vor.u32 v5, v2;
	v19 =	vld.idx.msk [tilespmem:v19+s13+$0x0], $0xffff;
	[tilespmem:s25+$0xFFFFFD20] =	vst v8  }
0x529: {  	[tilespmem:s25+$0xFFFFFDA0] =	vst v7;
	v17 =	vld.idx.msk [tilespmem:v17+s13+$0x0], $0xffff;
	v16 =	vor.u32 v16, v2  }
0x52a: {  	v20 =	vor.u32 v20, v1;
	v6 =	vld.idx.msk [tilespmem:v6+s13+$0x0], $0xffff;
	[tilespmem:s25+$0xFFFFFE20] =	vst v11  }
0x52b: {  	v7 =	vor.u32 v49, v2;
	[tilespmem:s25+$0xFFFFFEA0] =	vst v10;
	v9 =	vld.idx.msk [tilespmem:v9+s13+$0x0], $0xffff  }
0x52c: {  	v18 =	vor.u32 v59, v2;
	[tilespmem:s25+$0xFFFFFFA0] =	vst v12;
	v14 =	vld.idx.msk [tilespmem:v14+s13+$0x0], $0xffff  }
0x52d: {  	v15 =	vor.u32 v40, v2;
	[tilespmem:s25+$0xFFFFFCA0] =	vst v4;
	v5 =	vld.idx.msk [tilespmem:v5+s13+$0x0], $0xffff  }
0x52e: {  	[tilespmem:s25+$0xFFFFFF20] =	vst v19;
	v10 =	vor.u32 v36, v2;
	v16 =	vld.idx.msk [tilespmem:v16+s13+$0x0], $0xffff  }
0x52f: {  	v12 =	vor.u32 v39, v2;
	[tilespmem:s25+$0xFFFFFDB0] =	vst v6;
	v6 =	vld.idx.msk [tilespmem:v20+s13+$0x0], $0xffff  }
0x530: {  	v11 =	vor.u32 v56, v2;
	[tilespmem:s25+$0xFFFFFD30] =	vst v17;
	v7 =	vld.idx.msk [tilespmem:v7+s13+$0x0], $0xffff  }
0x531: {  	v8 =	vor.u32 v32, v2;
	[tilespmem:s25+$0xFFFFFE30] =	vst v9;
	v9 =	vld.idx.msk [tilespmem:v18+s13+$0x0], $0xffff  }
0x532: {  	v13 =	vor.u32 v52, v2;
	[tilespmem:s25+$0xFFFFFEB0] =	vst v14;
	v14 =	vld.idx.msk [tilespmem:v15+s13+$0x0], $0xffff  }
0x533: {  	v3 =	vor.u32 v54, v2;
	[tilespmem:s25+$0xFFFFFFB0] =	vst v5;
	v10 =	vld.idx.msk [tilespmem:v10+s13+$0x0], $0xffff  }
0x534: {  	v21 =	vor.u32 v31, v2;
	v12 =	vld.idx.msk [tilespmem:v12+s13+$0x0], $0xffff;
	[tilespmem:s25+$0xFFFFFCB0] =	vst v16  }
0x535: {  	v5 =	vor.u32 v50, v2;
	v11 =	vld.idx.msk [tilespmem:v11+s13+$0x0], $0xffff;
	[tilespmem:s24+$0xFFFFFD80] =	vst v6  }
0x536: {  	v6 =	vor.u32 v26, v2;
	v8 =	vld.idx.msk [tilespmem:v8+s13+$0x0], $0xffff;
	[tilespmem:s25+$0xFFFFFDC0] =	vst v7  }
0x537: {  	[tilespmem:s25+$0xFFFFFF30] =	vst v9;
	v7 =	vor.u32 v25, v2;
	v13 =	vld.idx.msk [tilespmem:v13+s13+$0x0], $0xffff  }
0x538: {  	v9 =	vor.u32 v46, v2;
	[tilespmem:s25+$0xFFFFFC30] =	vst v14;
	v3 =	vld.idx.msk [tilespmem:v3+s13+$0x0], $0xffff  }
0x539: {  	v14 =	vor.u32 v44, v1;
	[tilespmem:s25+$0xFFFFFEC0] =	vst v10;
	v10 =	vld.idx.msk [tilespmem:v21+s13+$0x0], $0xffff  }
0x53a: {  	v15 =	vor.u32 v48, v2;
	[tilespmem:s25+$0xFFFFFFC0] =	vst v12;
	v5 =	vld.idx.msk [tilespmem:v5+s13+$0x0], $0xffff  }
0x53b: {  	[tilespmem:s25+$0xFFFFFE40] =	vst v11;
	v11 =	vor.u32 v41, v2;
	v6 =	vld.idx.msk [tilespmem:v6+s13+$0x0], $0xffff  }
0x53c: {  	[tilespmem:s25+$0xFFFFFD40] =	vst v8;
	v8 =	vor.u32 v57, v2;
	v7 =	vld.idx.msk [tilespmem:v7+s13+$0x0], $0xffff  }
0x53d: {  	v12 =	vor.u32 v33, v2;
	[tilespmem:s25+$0xFFFFFDD0] =	vst v3;
	v3 =	vld.idx.msk [tilespmem:v9+s13+$0x0], $0xffff  }
0x53e: {  	[tilespmem:s25+$0xFFFFFF40] =	vst v10;
	v9 =	vor.u32 v47, v1;
	v10 =	vld.idx.msk [tilespmem:v14+s13+$0x0], $0xffff  }
0x53f: {  	v14 =	vor.u32 v51, v2;
	[tilespmem:s25+$0xFFFFFED0] =	vst v5;
	v5 =	vld.idx.msk [tilespmem:v15+s13+$0x0], $0xffff  }
0x540: {  	v0 =	vor.u32 v61, v2;
	[tilespmem:s25+$0xFFFFFCC0] =	vst v13;
	v13 =	vor.u32 v38, v1;
	v1 =	vmov v2;
	v11 =	vld.idx.msk [tilespmem:v11+s13+$0x0], $0xffff  }
0x541: {  	v4 =	vor.u32 v37, v2;
	[tilespmem:s25+$0xFFFFFC40] =	vst v6;
	v6 =	vor.u32 v58, v1;
	v2 =	vld.idx.msk [tilespmem:v8+s13+$0x0], $0xffff  }
0x542: {  	v16 =	vor.u32 v63, v1;
	v15 =	vld.idx.msk [tilespmem:v12+s13+$0x0], $0xffff;
	[tilespmem:s25+$0xFFFFFFD0] =	vst v7  }
0x543: {  	[tilespmem:s25+$0xFFFFFE50] =	vst v3;
	v3 =	vor.u32 v45, v1;
	v17 =	vld.idx.msk [tilespmem:v9+s13+$0x0], $0xffff  }
0x544: {  	v9 =	vor.u32 v30, v1;
	v14 =	vld.idx.msk [tilespmem:v14+s13+$0x0], $0xffff;
	[tilespmem:s24+$0xFFFFFFF0] =	vst v10  }
0x545: {  	p0 =	slt.u32 s26, $0x38;
	v18 =	vor.u32 v29, v1;
	[tilespmem:s25+$0xFFFFFF50] =	vst v5;
	v8 =	vld.idx.msk [tilespmem:v13+s13+$0x0], $0xffff  }
.Ltmp3:
0x546: {  	[tilespmem:s25+$0xFFFFFEE0] =	vst v11;
	v7 =	vld.idx.msk [tilespmem:v6+s13+$0x0], $0xffff;
	(pc) =	sbr.rel @p0 .LBB2_8-.Ltmp3, $4  }
0x547: {  	[tilespmem:s25+$0xFFFFFDE0] =	vst v2;
	v2 =	vld.idx.msk [tilespmem:v16+s13+$0x0], $0xffff  }
0x548: {  	[tilespmem:s25+$0xFFFFFC50] =	vst v15;
	v6 =	vld.idx.msk [tilespmem:v3+s13+$0x0], $0xffff  }
0x549: {  	v12 =	vor.u32 v43, v1;
	v10 =	vor.u32 v34, v1;
	v3 =	vld.idx.msk [tilespmem:v9+s13+$0x0], $0xffff;
	[tilespmem:s24+$0xFFFFFC80] =	vst v17  }
0x54a: {  	s26 =	sadd.s32 $0x8, s26;
	v11 =	vor.u32 v53, v1;
	v9 =	vor.u32 v42, v1;
	[tilespmem:s25+$0xFFFFFFE0] =	vst v14;
	v5 =	vld.idx.msk [tilespmem:v18+s13+$0x0], $0xffff  }
0x54b: {  	v13 =	vld [tilespmem:$0x1F800]  }
0x54c: {  	v14 =	vld [tilespmem:$0x1FA10];
	_ =	sdelay $0x2  }
0x54d: {  	v12 =	vld.idx.msk [tilespmem:v12+s13+$0x0], $0xffff  }
0x54e: {  	v4 =	vld.idx.msk [tilespmem:v4+s13+$0x0], $0xffff;
	v13 =	vor.u32 v13, v1  }
0x54f: {  	v14 =	vor.u32 v14, v1  }
0x550: {  	[tilespmem:s25+$0xFFFFFF60] =	vst v7  }
0x551: {  	[tilespmem:s25+$0xFFFFFEF0] =	vst v2;
	v58 =	vld.idx.msk [tilespmem:v10+s13+$0x0], $0xffff  }
0x552: {  	v9 =	vld.idx.msk [tilespmem:v9+s13+$0x0], $0xffff;
	[tilespmem:s25+$0xFFFFFCD0] =	vst v12  }
0x553: {  	[tilespmem:s25+$0xFFFFFD50] =	vst v4;
	v57 =	vld.idx.msk [tilespmem:v13+s13+$0x0], $0xffff  }
0x554: {  	[tilespmem:s24+$0x0] =	vst v8;
	v2 =	vld.idx.msk [tilespmem:v14+s13+$0x0], $0xffff  }
0x555: {  	v59 =	vor.u32 v35, v1;
	v4 =	vld [tilespmem:$0x1F7C0];
	[tilespmem:s25+$0xFFFFFE60] =	vst v6  }
0x556: {  	v6 =	vld [tilespmem:$0x1FA90];
	[tilespmem:s25+$0xFFFFFDF0] =	vst v3  }
0x557: {  	v3 =	vld.idx.msk [tilespmem:v11+s13+$0x0], $0xffff;
	[tilespmem:s25+$0xFFFFFC60] =	vst v5  }
0x558: {  	v5 =	vor.u32 v44, v1;
	v0 =	vld.idx.msk [tilespmem:v0+s13+$0x0], $0xffff;
	[tilespmem:s25+$0xFFFFFCE0] =	vst v57  }
0x559: {  	v7 =	vld [tilespmem:$0x1FB20];
	[tilespmem:s25+$0xFFFFFD60] =	vst v2  }
0x55a: {  	v60 =	vor.u32 v62, v1;
	v62 =	vld.idx.msk [tilespmem:v59+s13+$0x0], $0xffff;
	v4 =	vor.u32 v4, v1;
	[tilespmem:s25+$0xFFFFFF70] =	vst v58  }
0x55b: {  	v6 =	vor.u32 v6, v1;
	v36 =	vld [tilespmem:$0x1F770];
	[tilespmem:s25+$0xFFFFFF00] =	vst v9  }
0x55c: {  	v9 =	vld [tilespmem:$0x1FBD0]  }
0x55d: {  	v5 =	vld.idx.msk [tilespmem:v5+s13+$0x0], $0xffff;
	[tilespmem:s25+$0xFFFFFE70] =	vst v3;
	v3 =	vor.u32 v47, v1  }
0x55e: {  	[tilespmem:s25+$0xFFFFFE00] =	vst v0;
	v0 =	vor.u32 v38, v1  }
0x55f: {  	v4 =	vld.idx.msk [tilespmem:v4+s13+$0x0], $0xffff;
	v7 =	vor.u32 v7, v1  }
0x560: {  	v2 =	vld.idx.msk [tilespmem:v6+s13+$0x0], $0xffff;
	v61 =	vor.u32 v36, v1  }
0x561: {  	v63 =	vld.idx.msk [tilespmem:v60+s13+$0x0], $0xffff;
	[tilespmem:s25+$0xFFFFFC70] =	vst v62;
	v9 =	vor.u32 v9, v1  }
0x562: {  	[tilespmem:s25+$0xFFFFFFF0] =	vst v5;
	v3 =	vld.idx.msk [tilespmem:v3+s13+$0x0], $0xffff  }
0x563: {  	v0 =	vld.idx.msk [tilespmem:v0+s13+$0x0], $0xffff  }
0x564: {  	[tilespmem:s25+$0xFFFFFCF0] =	vst v4;
	v1 =	vld.idx.msk [tilespmem:v7+s13+$0x0], $0xffff  }
0x565: {  	[tilespmem:s25+$0xFFFFFD70] =	vst v2;
	v4 =	vld.idx.msk [tilespmem:v61+s13+$0x0], $0xffff  }
0x566: {  	[tilespmem:s25+$0xFFFFFF80] =	vst v63;
	v2 =	vld.idx.msk [tilespmem:v9+s13+$0x0], $0xffff  }
0x567: {  	[tilespmem:s25+$0xFFFFFC80] =	vst v3  }
0x568: {  	[tilespmem:s25+$0x0] =	vst v0  }
0x569: {  	[tilespmem:s25+$0xFFFFFE80] =	vst v1  }
0x56a: {  	[tilespmem:s25+$0xFFFFFD00] =	vst v4  }
0x56b: {  	[tilespmem:s25+$0xFFFFFD80] =	vst v2  }
0x56c: {  	v31 =	vld [tilespmem:$0x1FD00]  }
0x56d: {  	v26 =	vld [tilespmem:$0x1FD10]  }
0x56e: {  	v3 =	vld [tilespmem:$0x1FD20]  }
0x56f: {  	v51 =	vld [tilespmem:$0x1FD30]  }
0x570: {  	v60 =	vld [tilespmem:$0x1FD40]  }
0x571: {  	v32 =	vld [tilespmem:$0x1FD50]  }
0x572: {  	v20 =	vld [tilespmem:$0x1FD60]  }
0x573: {  	v23 =	vld [tilespmem:$0x1FD70]  }
0x574: {  	v53 =	vld [tilespmem:$0x1FD80]  }
0x575: {  	v28 =	vld [tilespmem:$0x1FD90]  }
0x576: {  	v14 =	vld [tilespmem:$0x1FDA0]  }
0x577: {  	v29 =	vld [tilespmem:$0x1FDB0]  }
0x578: {  	v33 =	vld [tilespmem:$0x1FDC0]  }
0x579: {  	v39 =	vld [tilespmem:$0x1FC20]  }
0x57a: {  	v42 =	vld [tilespmem:$0x1FDE0]  }
0x57b: {  	v63 =	vld [tilespmem:$0x1FDF0]  }
0x57c: {  	v35 =	vld [tilespmem:$0x1FE60]  }
0x57d: {  	v43 =	vld [tilespmem:$0x1FE00]  }
0x57e: {  	v13 =	vld [tilespmem:$0x1FE30]  }
0x57f: {  	v22 =	vld [tilespmem:$0x1FCF0]  }
0x580: {  	v48 =	vld [tilespmem:$0x1FE40]  }
0x581: {  	v54 =	vld [tilespmem:$0x1FE80]  }
0x582: {  	v49 =	vld [tilespmem:$0x1FEF0]  }
0x583: {  	v25 =	vld [tilespmem:$0x1FF00]  }
0x584: {  	v62 =	vld [tilespmem:$0x1FE90]  }
0x585: {  	v57 =	vld [tilespmem:$0x1FEA0]  }
0x586: {  	v61 =	vld [tilespmem:$0x1FF40]  }
0x587: {  	v58 =	vld [tilespmem:$0x1FF10]  }
0x588: {  	v19 =	vld [tilespmem:$0x1FE50]  }
0x589: {  	v59 =	vld [tilespmem:$0x1FF20]  }
0x58a: {  	v45 =	vld [tilespmem:$0x1FEB0]  }
0x58b: {  	v50 =	vld [tilespmem:$0x1FEC0]  }
0x58c: {  	[tilespmem:s13], [sflag:$0x2] =	stream.indirect.gather [hbm4b:s3+s11], $0x40, s19, s11, $0xb8;
	v55 =	vld [tilespmem:$0x1FF60]  }
0x58d: {  	s24 =	simm.s32 $0x0;
	v46 =	vld [tilespmem:$0x1FF70]  }
0x58e: {  	v30 =	vld [tilespmem:$0x1FF50];
	[hbm4b:s6+s15] =	stream.strided.scatter [tilespmem:s20], [sflag:$0x4], $0x4000, s16, s15, $0x38  }
.LBB2_10:
0x58f: {  	s25 =	simm.s32 $0x0;
	_ =	swait.ge [sflag:s14], $0x4000  }
0x590: {  	v0 =	vmov s25;
	v15 =	vld [tilespmem:$0x1FDD0]  }
0x591: {  	v0 =	vshrl.u32 v0, $0x3  }
0x592: {  	v0 =	vshll.u32 v0, $0x3  }
0x593: {  	v2 =	vbroadcast v0, $0x0;
	_ =	sdelay $0x1  }
0x594: {  	[sflag:s14] =	ssyncset.done $0x0;
	v0 =	vor.u32 v15, v2  }
0x595: {  	v34 =	vmov v3;
	[sflag:s14] =	ssyncadd.s32 $0xFFFFC000;
	v1 =	vor.u32 v3, v2;
	v3 =	vor.u32 v49, v2  }
0x596: {  	_ =	swait.ge [sflag:s21], $0x4000;
	v5 =	vor.u32 v42, v2  }
0x597: {  	[sflag:s21] =	ssyncset.done $0x0;
	v16 =	vld [tilespmem:$0x1FC70];
	v4 =	vor.u32 v53, v2  }
0x598: {  	[sflag:s21] =	ssyncadd.s32 $0xFFFFC000  }
0x599: {  	v0 =	vld.idx.msk [tilespmem:v0+s12+$0x0], $0xffff  }
0x59a: {  	v6 =	vor.u32 v54, v2;
	v3 =	vld.idx.msk [tilespmem:v3+s12+$0x0], $0xffff  }
0x59b: {  	v9 =	vor.u32 v61, v2;
	v5 =	vld.idx.msk [tilespmem:v5+s12+$0x0], $0xffff  }
0x59c: {  	v7 =	vor.u32 v16, v2;
	v4 =	vld.idx.msk [tilespmem:v4+s12+$0x0], $0xffff  }
0x59d: {  	s25 =	simm.s32 $0xE600;
	v17 =	vld [tilespmem:$0x1FC00]  }
0x59e: {  	v10 =	vor.u32 v25, v2;
	v1 =	vld.idx.msk [tilespmem:v1+s12+$0x0], $0xffff;
	[tilespmem:s25+$0xFFFFFE00] =	vst v0  }
0x59f: {  	v11 =	vor.u32 v63, v2;
	v6 =	vld.idx.msk [tilespmem:v6+s12+$0x0], $0xffff;
	[tilespmem:s25+$0x100] =	vst v3  }
0x5a0: {  	v12 =	vor.u32 v28, v2;
	v9 =	vld.idx.msk [tilespmem:v9+s12+$0x0], $0xffff;
	[tilespmem:s25+$0xFFFFFF80] =	vst v5  }
0x5a1: {  	v0 =	vld.idx.msk [tilespmem:v7+s12+$0x0], $0xffff;
	v7 =	vor.u32 v51, v2;
	[tilespmem:s25+$0xFFFFFF00] =	vst v4  }
0x5a2: {  	v8 =	vor.u32 v17, v2;
	v18 =	vld [tilespmem:$0x1FC40]  }
0x5a3: {  	v44 =	vmov v63;
	v63 =	vmov v13;
	v13 =	vor.u32 v13, v2;
	v10 =	vld.idx.msk [tilespmem:v10+s12+$0x0], $0xffff  }
0x5a4: {  	v3 =	vor.u32 v62, v2;
	v5 =	vld.idx.msk [tilespmem:v11+s12+$0x0], $0xffff  }
0x5a5: {  	v4 =	vor.u32 v58, v2;
	[tilespmem:s25+$0xFFFFFE80] =	vst v1;
	v1 =	vld.idx.msk [tilespmem:v12+s12+$0x0], $0xffff  }
0x5a6: {  	v12 =	vor.u32 v14, v2;
	[tilespmem:s25+$0x80] =	vst v6;
	v7 =	vld.idx.msk [tilespmem:v7+s12+$0x0], $0xffff  }
0x5a7: {  	v8 =	vld.idx.msk [tilespmem:v8+s12+$0x0], $0xffff;
	[tilespmem:s25+$0x0] =	vst v0;
	v11 =	vor.u32 v18, v2  }
0x5a8: {  	v0 =	vor.u32 v60, v2;
	v6 =	vld.idx.msk [tilespmem:v13+s12+$0x0], $0xffff;
	[tilespmem:s25+$0x110] =	vst v10  }
0x5a9: {  	v3 =	vld.idx.msk [tilespmem:v3+s12+$0x0], $0xffff;
	v13 =	vor.u32 v48, v2;
	[tilespmem:s25+$0xFFFFFF90] =	vst v5  }
0x5aa: {  	v10 =	vor.u32 v57, v2;
	[tilespmem:s25+$0xFFFFFF10] =	vst v1;
	v4 =	vld.idx.msk [tilespmem:v4+s12+$0x0], $0xffff  }
0x5ab: {  	s26 =	simm.s32 $0x8;
	v5 =	vor.u32 v59, v2;
	[tilespmem:s25+$0xFFFFFE90] =	vst v7;
	v7 =	vld.idx.msk [tilespmem:v12+s12+$0x0], $0xffff  }
0x5ac: {  	v1 =	vmov s26;
	[tilespmem:s25+$0xFFFFFE10] =	vst v8;
	v12 =	vor.u32 v22, v2;
	v11 =	vld.idx.msk [tilespmem:v11+s12+$0x0], $0xffff  }
0x5ad: {  	v21 =	vmov v14;
	v14 =	vor.u32 v43, v2;
	v1 =	vshrl.u32 v1, $0x3;
	v0 =	vld.idx.msk [tilespmem:v0+s12+$0x0], $0xffff;
	[tilespmem:s25+$0x10] =	vst v6  }
0x5ae: {  	v1 =	vshll.u32 v1, $0x3;
	[tilespmem:s25+$0x90] =	vst v3;
	v6 =	vor.u32 v29, v2;
	v3 =	vld.idx.msk [tilespmem:v13+s12+$0x0], $0xffff  }
0x5af: {  	v1 =	vbroadcast v1, $0x0;
	v10 =	vld.idx.msk [tilespmem:v10+s12+$0x0], $0xffff;
	[tilespmem:s25+$0x120] =	vst v4;
	v4 =	vor.u32 v30, v2  }
0x5b0: {  	v13 =	vor.u32 v19, v2;
	v5 =	vld.idx.msk [tilespmem:v5+s12+$0x0], $0xffff;
	[tilespmem:s25+$0xFFFFFF20] =	vst v7  }
0x5b1: {  	v7 =	vld.idx.msk [tilespmem:v12+s12+$0x0], $0xffff;
	v12 =	vor.u32 v49, v1;
	[tilespmem:s25+$0xFFFFFFA0] =	vst v11  }
0x5b2: {  	[tilespmem:s25+$0x180] =	vst v9;
	v11 =	vor.u32 v15, v1;
	v8 =	vld.idx.msk [tilespmem:v14+s12+$0x0], $0xffff  }
0x5b3: {  	[tilespmem:s25+$0x20] =	vst v3;
	v3 =	vld.idx.msk [tilespmem:v6+s12+$0x0], $0xffff;
	v6 =	vor.u32 v34, v1  }
0x5b4: {  	v4 =	vld.idx.msk [tilespmem:v4+s12+$0x0], $0xffff  }
0x5b5: {  	v14 =	vor.u32 v32, v2;
	v9 =	vld.idx.msk [tilespmem:v13+s12+$0x0], $0xffff  }
0x5b6: {  	v13 =	vor.u32 v53, v1;
	v12 =	vld.idx.msk [tilespmem:v12+s12+$0x0], $0xffff  }
0x5b7: {  	v15 =	vor.u32 v45, v2;
	[tilespmem:s25+$0xFFFFFEA0] =	vst v0;
	v0 =	vld.idx.msk [tilespmem:v11+s12+$0x0], $0xffff  }
0x5b8: {  	[tilespmem:s25+$0x130] =	vst v5;
	v11 =	vor.u32 v33, v2;
	v5 =	vld.idx.msk [tilespmem:v6+s12+$0x0], $0xffff  }
0x5b9: {  	v6 =	vld [tilespmem:$0x1FCC0];
	[tilespmem:s25+$0xA0] =	vst v10;
	v10 =	vor.u32 v54, v1  }
0x5ba: {  	v14 =	vld.idx.msk [tilespmem:v14+s12+$0x0], $0xffff;
	[tilespmem:s25+$0xFFFFFE20] =	vst v7;
	v7 =	vor.u32 v16, v1  }
0x5bb: {  	v16 =	vor.u32 v35, v2;
	v13 =	vld.idx.msk [tilespmem:v13+s12+$0x0], $0xffff  }
0x5bc: {  	[tilespmem:s25+$0xFFFFFF30] =	vst v3;
	v3 =	vld.idx.msk [tilespmem:v15+s12+$0x0], $0xffff;
	v15 =	vor.u32 v17, v1  }
0x5bd: {  	s28 =	simm.s32 $0xEE00;
	[tilespmem:s25+$0x30] =	vst v9;
	v9 =	vld.idx.msk [tilespmem:v11+s12+$0x0], $0xffff  }
0x5be: {  	[tilespmem:s28+$0xFFFFFE00] =	vst v0;
	v6 =	vor.u32 v6, v2;
	v10 =	vld.idx.msk [tilespmem:v10+s12+$0x0], $0xffff  }
0x5bf: {  	[tilespmem:s28+$0xFFFFFE80] =	vst v5;
	v5 =	vld.idx.msk [tilespmem:v7+s12+$0x0], $0xffff  }
0x5c0: {  	[tilespmem:s28+$0xFFFFFF00] =	vst v13;
	v13 =	vld.idx.msk [tilespmem:v16+s12+$0x0], $0xffff  }
0x5c1: {  	[tilespmem:s25+$0xFFFFFEB0] =	vst v14;
	v14 =	vor.u32 v28, v1;
	v16 =	vld.idx.msk [tilespmem:v15+s12+$0x0], $0xffff  }
0x5c2: {  	v7 =	vor.u32 v51, v1;
	v15 =	vld [tilespmem:$0x1FC10]  }
0x5c3: {  	[tilespmem:s25+$0x190] =	vst v4;
	v0 =	vld.idx.msk [tilespmem:v6+s12+$0x0], $0xffff;
	v6 =	vor.u32 v55, v2  }
0x5c4: {  	[tilespmem:s25+$0xB0] =	vst v3  }
0x5c5: {  	v11 =	vor.u32 v61, v1;
	[tilespmem:s28+$0x100] =	vst v12  }
0x5c6: {  	v4 =	vor.u32 v62, v1;
	[tilespmem:s25+$0xFFFFFF40] =	vst v9;
	v14 =	vld.idx.msk [tilespmem:v14+s12+$0x0], $0xffff  }
0x5c7: {  	v7 =	vld.idx.msk [tilespmem:v7+s12+$0x0], $0xffff;
	[tilespmem:s28+$0x80] =	vst v10;
	v15 =	vor.u32 v15, v2  }
0x5c8: {  	v10 =	vor.u32 v21, v1;
	v3 =	vld.idx.msk [tilespmem:v6+s12+$0x0], $0xffff;
	[tilespmem:s25+$0x140] =	vst v0  }
0x5c9: {  	v6 =	vor.u32 v25, v1;
	v21 =	vld [tilespmem:$0x1FC50]  }
0x5ca: {  	v11 =	vld.idx.msk [tilespmem:v11+s12+$0x0], $0xffff;
	v0 =	vor.u32 v63, v1;
	[tilespmem:s25+$0x40] =	vst v13  }
0x5cb: {  	v4 =	vld.idx.msk [tilespmem:v4+s12+$0x0], $0xffff;
	v13 =	vor.u32 v50, v2;
	[tilespmem:s28+$0x0] =	vst v5  }
0x5cc: {  	v5 =	vor.u32 v20, v2;
	[tilespmem:s28+$0xFFFFFF10] =	vst v14;
	v12 =	vld.idx.msk [tilespmem:v15+s12+$0x0], $0xffff  }
0x5cd: {  	[tilespmem:s28+$0xFFFFFE90] =	vst v7;
	v7 =	vld.idx.msk [tilespmem:v10+s12+$0x0], $0xffff  }
0x5ce: {  	v6 =	vld.idx.msk [tilespmem:v6+s12+$0x0], $0xffff;
	v15 =	vor.u32 v21, v2  }
0x5cf: {  	[tilespmem:s25+$0xFFFFFFB0] =	vst v8;
	v0 =	vld.idx.msk [tilespmem:v0+s12+$0x0], $0xffff  }
0x5d0: {  	v9 =	vor.u32 v42, v1;
	[tilespmem:s28+$0x90] =	vst v4;
	v4 =	vld.idx.msk [tilespmem:v13+s12+$0x0], $0xffff  }
0x5d1: {  	v10 =	vor.u32 v31, v2;
	v5 =	vld.idx.msk [tilespmem:v5+s12+$0x0], $0xffff;
	[tilespmem:s25+$0xFFFFFE30] =	vst v12  }
0x5d2: {  	v13 =	vld [tilespmem:$0x1FF30]  }
0x5d3: {  	v8 =	vor.u32 v60, v1;
	[tilespmem:s28+$0x180] =	vst v11;
	v12 =	vld.idx.msk [tilespmem:v15+s12+$0x0], $0xffff  }
0x5d4: {  	v11 =	vld [tilespmem:$0x1FE10];
	[tilespmem:s25+$0x1A0] =	vst v3  }
0x5d5: {  	v9 =	vld.idx.msk [tilespmem:v9+s12+$0x0], $0xffff;
	[tilespmem:s28+$0xFFFFFE10] =	vst v16  }
0x5d6: {  	v14 =	vor.u32 v58, v1;
	v3 =	vld.idx.msk [tilespmem:v10+s12+$0x0], $0xffff;
	[tilespmem:s28+$0x110] =	vst v6  }
0x5d7: {  	v37 =	vmov v57;
	v10 =	vld [tilespmem:$0x1FFE0];
	[tilespmem:s28+$0x10] =	vst v0  }
0x5d8: {  	v6 =	vor.u32 v37, v1;
	v15 =	vld.idx.msk [tilespmem:v8+s12+$0x0], $0xffff;
	[tilespmem:s25+$0xFFFFFFC0] =	vst v12  }
0x5d9: {  	v13 =	vor.u32 v13, v2;
	v0 =	vld [tilespmem:$0x1FFF0];
	[tilespmem:s25+$0xFFFFFEC0] =	vst v5  }
0x5da: {  	v11 =	vor.u32 v11, v2;
	v5 =	vld [tilespmem:$0x1FCD0];
	[tilespmem:s25+$0xC0] =	vst v4  }
0x5db: {  	v8 =	vld.idx.msk [tilespmem:v14+s12+$0x0], $0xffff;
	[tilespmem:s28+$0xFFFFFF80] =	vst v9  }
0x5dc: {  	v17 =	vor.u32 v48, v1;
	v4 =	vld [tilespmem:$0x1FFD0]  }
0x5dd: {  	v38 =	vmov v20;
	v20 =	vld.idx.msk [tilespmem:v6+s12+$0x0], $0xffff  }
0x5de: {  	v10 =	vor.u32 v10, v2;
	v12 =	vld.idx.msk [tilespmem:v13+s12+$0x0], $0xffff  }
0x5df: {  	v14 =	vor.u32 v44, v1;
	v11 =	vld.idx.msk [tilespmem:v11+s12+$0x0], $0xffff;
	[tilespmem:s25+$0xFFFFFE40] =	vst v3  }
0x5e0: {  	v16 =	vor.u32 v46, v2;
	v3 =	vld [tilespmem:$0x1FED0]  }
0x5e1: {  	v13 =	vld.idx.msk [tilespmem:v17+s12+$0x0], $0xffff;
	v4 =	vor.u32 v4, v2  }
0x5e2: {  	v9 =	vld [tilespmem:$0x1FC80]  }
0x5e3: {  	[tilespmem:s28+$0xFFFFFF20] =	vst v7;
	v6 =	vld.idx.msk [tilespmem:v10+s12+$0x0], $0xffff;
	v0 =	vor.u32 v0, v2  }
0x5e4: {  	v10 =	vld.idx.msk [tilespmem:v14+s12+$0x0], $0xffff;
	v5 =	vor.u32 v5, v2;
	[tilespmem:s25+$0x150] =	vst v12  }
0x5e5: {  	[tilespmem:s25+$0xFFFFFFD0] =	vst v11;
	v11 =	vld.idx.msk [tilespmem:v16+s12+$0x0], $0xffff;
	v3 =	vor.u32 v3, v2  }
0x5e6: {  	[tilespmem:s28+$0x20] =	vst v13;
	v13 =	vld.idx.msk [tilespmem:v4+s12+$0x0], $0xffff  }
0x5e7: {  	v4 =	vld [tilespmem:$0x1FE20]  }
0x5e8: {  	v14 =	vor.u32 v9, v2;
	v0 =	vld.idx.msk [tilespmem:v0+s12+$0x0], $0xffff  }
0x5e9: {  	v12 =	vld.idx.msk [tilespmem:v5+s12+$0x0], $0xffff  }
0x5ea: {  	v31 =	vmov v19;
	v7 =	vor.u32 v23, v2;
	[tilespmem:s25+$0xFFFFFED0] =	vst v6;
	v19 =	vld.idx.msk [tilespmem:v3+s12+$0x0], $0xffff  }
0x5eb: {  	v3 =	vld [tilespmem:$0x1FC60];
	[tilespmem:s28+$0x120] =	vst v8  }
0x5ec: {  	v17 =	vor.u32 v59, v1;
	v16 =	vor.u32 v4, v2;
	v4 =	vld [tilespmem:$0x1FFA0]  }
0x5ed: {  	v52 =	vmov v25;
	v25 =	vmov v22;
	v22 =	vld.idx.msk [tilespmem:v14+s12+$0x0], $0xffff;
	[tilespmem:s25+$0xFFFFFF50] =	vst v0  }
0x5ee: {  	v18 =	vor.u32 v18, v1;
	v0 =	vld [tilespmem:$0x1FEE0];
	[tilespmem:s25+$0x160] =	vst v12  }
0x5ef: {  	v7 =	vld.idx.msk [tilespmem:v7+s12+$0x0], $0xffff;
	[tilespmem:s28+$0xFFFFFF90] =	vst v10  }
0x5f0: {  	v10 =	vld [tilespmem:$0x1FFC0]  }
0x5f1: {  	v23 =	vld.idx.msk [tilespmem:v17+s12+$0x0], $0xffff;
	v8 =	vor.u32 v4, v2  }
0x5f2: {  	v4 =	vor.u32 v21, v1;
	v21 =	vor.u32 v26, v2;
	v26 =	vld.idx.msk [tilespmem:v16+s12+$0x0], $0xffff  }
0x5f3: {  	v16 =	vld.idx.msk [tilespmem:v18+s12+$0x0], $0xffff  }
0x5f4: {  	v14 =	vor.u32 v0, v2;
	v0 =	vld [tilespmem:$0x1FFB0];
	[tilespmem:s25+$0x1B0] =	vst v11  }
0x5f5: {  	v56 =	vmov v28;
	v28 =	vor.u32 v10, v2;
	v10 =	vld [tilespmem:$0x1FC90];
	[tilespmem:s25+$0xD0] =	vst v19  }
0x5f6: {  	v40 =	vmov v60;
	v60 =	vmov v29;
	[tilespmem:s25+$0xFFFFFE50] =	vst v13;
	v29 =	vld.idx.msk [tilespmem:v8+s12+$0x0], $0xffff  }
0x5f7: {  	[tilespmem:s25+$0xFFFFFEE0] =	vst v7  }
0x5f8: {  	v7 =	vld [tilespmem:$0x1FCE0];
	[tilespmem:s28+$0x130] =	vst v23  }
0x5f9: {  	[tilespmem:s25+$0x50] =	vst v22  }
0x5fa: {  	v21 =	vld.idx.msk [tilespmem:v21+s12+$0x0], $0xffff;
	[tilespmem:s28+$0xFFFFFFA0] =	vst v16;
	v24 =	vor.u32 v0, v2  }
0x5fb: {  	v47 =	vmov v55;
	v17 =	vld.idx.msk [tilespmem:v14+s12+$0x0], $0xffff;
	v11 =	vor.u32 v10, v2;
	[tilespmem:s25+$0x1C0] =	vst v29  }
0x5fc: {  	v57 =	vmovc v49;
	v49 =	vmov v37;
	v10 =	vor.u32 v30, v1;
	v30 =	vor.u32 v43, v1;
	v22 =	vld [tilespmem:$0x1FCB0];
	[tilespmem:s25+$0xFFFFFFE0] =	vst v26  }
0x5fd: {  	v53 =	vmovc v38;
	v5 =	vor.u32 v38, v1;
	v6 =	vor.u32 v45, v1;
	v27 =	vor.u32 v7, v2;
	v26 =	vld [tilespmem:$0x1FE70]  }
0x5fe: {  	v9 =	vor.u32 v3, v2;
	v3 =	vor.u32 v3, v1;
	v12 =	vor.u32 v32, v1;
	v23 =	vld.idx.msk [tilespmem:v28+s12+$0x0], $0xffff  }
0x5ff: {  	v18 =	vor.u32 v25, v1;
	v19 =	vor.u32 v60, v1;
	v28 =	vor.u32 v39, v2;
	v25 =	vld.idx.msk [tilespmem:v24+s12+$0x0], $0xffff  }
0x600: {  	v51 =	vmovc v40;
	v13 =	vor.u32 v33, v1;
	v8 =	vor.u32 v55, v1;
	v55 =	vmov v34;
	v24 =	vld.idx.msk [tilespmem:v11+s12+$0x0], $0xffff  }
0x601: {  	v0 =	vor.u32 v50, v1;
	v14 =	vor.u32 v31, v1;
	v7 =	vor.u32 v46, v1;
	v16 =	vld.idx.msk [tilespmem:v30+s12+$0x0], $0xffff  }
0x602: {  	s29 =	simm.s32 $0xEE00;
	v11 =	vor.u32 v35, v1;
	v27 =	vld.idx.msk [tilespmem:v27+s12+$0x0], $0xffff;
	v22 =	vor.u32 v22, v2;
	v26 =	vor.u32 v26, v2  }
.LBB2_11:
0x603: {  	[tilespmem:s28+$0xFFFFFEA0] =	vst v15;
	v15 =	vld [tilespmem:$0x1FC30]  }
0x604: {  	[tilespmem:s25+$0xFFFFFEF0] =	vst v25;
	v25 =	vld.idx.msk [tilespmem:v28+s12+$0x0], $0xffff  }
0x605: {  	v28 =	vld [tilespmem:$0x1FF80]  }
0x606: {  	v31 =	vld.idx.msk [tilespmem:v9+s12+$0x0], $0xffff  }
0x607: {  	v9 =	vld [tilespmem:$0x1FCA0]  }
0x608: {  	v30 =	vor.u32 v15, v2;
	v15 =	vld [tilespmem:$0x1FF90];
	_ =	sdelay $0x2  }
0x609: {  	s26 =	sadd.s32 $0x8, s26;
	v18 =	vld.idx.msk [tilespmem:v18+s12+$0x0], $0xffff;
	[tilespmem:s25+$0xFFFFFE60] =	vst v21  }
0x60a: {  	v21 =	vmov s26;
	[tilespmem:s25+$0x1D0] =	vst v27  }
0x60b: {  	v28 =	vor.u32 v28, v2;
	v9 =	vor.u32 v9, v2;
	v27 =	vor.u32 v15, v2;
	v2 =	vmovc v1;
	v1 =	vld [tilespmem:$0x1FDD0]  }
0x60c: {  	v21 =	vshrl.u32 v21, $0x3  }
0x60d: {  	[tilespmem:s25+$0xE0] =	vst v17;
	v17 =	vshll.u32 v21, $0x3  }
0x60e: {  	v29 =	vbroadcast v17, $0x0;
	_ =	sdelay $0x1  }
0x60f: {  	v32 =	vor.u32 v1, v29;
	v1 =	vld [tilespmem:$0x1FC40];
	_ =	sdelay $0x4  }
0x610: {  	v17 =	vor.u32 v1, v29;
	v1 =	vld [tilespmem:$0x1FC50];
	_ =	sdelay $0x2  }
0x611: {  	v19 =	vld.idx.msk [tilespmem:v19+s12+$0x0], $0xffff  }
0x612: {  	v14 =	vld.idx.msk [tilespmem:v14+s12+$0x0], $0xffff  }
0x613: {  	[tilespmem:s28+$0xA0] =	vst v20;
	v20 =	vor.u32 v1, v29;
	v1 =	vld [tilespmem:$0x1FD30]  }
0x614: {  	v22 =	vld.idx.msk [tilespmem:v22+s12+$0x0], $0xffff  }
0x615: {  	v12 =	vld.idx.msk [tilespmem:v12+s12+$0x0], $0xffff  }
0x616: {  	v26 =	vld.idx.msk [tilespmem:v26+s12+$0x0], $0xffff  }
0x617: {  	v40 =	vld.idx.msk [tilespmem:v10+s12+$0x0], $0xffff  }
0x618: {  	[tilespmem:s25+$0xFFFFFF60] =	vst v25;
	v34 =	vor.u32 v1, v29;
	v1 =	vld [tilespmem:$0x1FD80]  }
0x619: {  	[tilespmem:s25+$0xF0] =	vst v22;
	v33 =	vor.u32 v55, v29;
	v28 =	vld.idx.msk [tilespmem:v28+s12+$0x0], $0xffff  }
0x61a: {  	[tilespmem:s25+$0xFFFFFFF0] =	vst v31;
	v31 =	vld.idx.msk [tilespmem:v6+s12+$0x0], $0xffff  }
0x61b: {  	v25 =	vor.u32 v42, v29;
	v30 =	vld.idx.msk [tilespmem:v30+s12+$0x0], $0xffff;
	[tilespmem:s28+$0xFFFFFF30] =	vst v19  }
0x61c: {  	v13 =	vld.idx.msk [tilespmem:v13+s12+$0x0], $0xffff  }
0x61d: {  	[tilespmem:s28+$0xFFFFFE20] =	vst v18;
	v18 =	vor.u32 v1, v29;
	v1 =	vld [tilespmem:$0x1FC70]  }
0x61e: {  	v22 =	vld.idx.msk [tilespmem:v33+s12+$0x0], $0xffff;
	[tilespmem:s25+$0x1E0] =	vst v28  }
0x61f: {  	v10 =	vld.idx.msk [tilespmem:v27+s12+$0x0], $0xffff  }
0x620: {  	[tilespmem:s25+$0x60] =	vst v24;
	v21 =	vor.u32 v44, v29;
	v35 =	vor.u32 v62, v29;
	v25 =	vld.idx.msk [tilespmem:v25+s12+$0x0], $0xffff  }
0x621: {  	v36 =	vor.u32 v45, v29;
	v37 =	vor.u32 v52, v29;
	v39 =	vor.u32 v50, v29;
	v19 =	vld.idx.msk [tilespmem:v32+s12+$0x0], $0xffff  }
0x622: {  	[tilespmem:s25+$0x170] =	vst v23;
	v15 =	vor.u32 v53, v29;
	v38 =	vor.u32 v1, v29;
	v1 =	vmov v29;
	v29 =	vld.idx.msk [tilespmem:v9+s12+$0x0], $0xffff  }
0x623: {  	[tilespmem:s25+$0xFFFFFE70] =	vst v26;
	v26 =	vld [tilespmem:$0x1FC00]  }
0x624: {  	[tilespmem:s25+$0x1F0] =	vst v10;
	v10 =	vld [tilespmem:$0x1FF50];
	v23 =	vor.u32 v57, v1  }
0x625: {  	v9 =	vmov v3;
	v3 =	vld [tilespmem:$0x1FC60];
	v24 =	vor.u32 v54, v1  }
0x626: {  	[tilespmem:s29+$0x30] =	vst v14;
	v14 =	vld [tilespmem:$0x1FCC0]  }
0x627: {  	[tilespmem:s25+$0x70] =	vst v29;
	v29 =	vld.idx.msk [tilespmem:v18+s12+$0x0], $0xffff  }
0x628: {  	v18 =	vld [tilespmem:$0x1FDA0]  }
0x629: {  	v26 =	vor.u32 v26, v1;
	v23 =	vld.idx.msk [tilespmem:v23+s12+$0x0], $0xffff  }
0x62a: {  	v28 =	vor.u32 v61, v1;
	v24 =	vld.idx.msk [tilespmem:v24+s12+$0x0], $0xffff  }
0x62b: {  	v6 =	vmov v36;
	[tilespmem:s25+$0xFFFFFF70] =	vst v30;
	s25 =	smov.u32 s29;
	v36 =	vld.idx.msk [tilespmem:v38+s12+$0x0], $0xffff  }
0x62c: {  	s28 =	sadd.s32 $0x800, s28;
	v14 =	vor.u32 v14, v2;
	[tilespmem:s25+$0xFFFFFEB0] =	vst v12;
	v12 =	vld [tilespmem:$0x1FCF0]  }
0x62d: {  	[tilespmem:s28+$0xFFFFFE00] =	vst v19;
	v11 =	vld.idx.msk [tilespmem:v11+s12+$0x0], $0xffff  }
0x62e: {  	v27 =	vor.u32 v56, v1;
	v26 =	vld.idx.msk [tilespmem:v26+s12+$0x0], $0xffff;
	[tilespmem:s25+$0x190] =	vst v40  }
0x62f: {  	v28 =	vld.idx.msk [tilespmem:v28+s12+$0x0], $0xffff  }
0x630: {  	[tilespmem:s25+$0xB0] =	vst v31;
	v31 =	vld.idx.msk [tilespmem:v8+s12+$0x0], $0xffff  }
0x631: {  	[tilespmem:s25+$0xFFFFFF40] =	vst v13;
	v14 =	vld.idx.msk [tilespmem:v14+s12+$0x0], $0xffff  }
0x632: {  	v32 =	vor.u32 v63, v1;
	v33 =	vor.u32 v18, v1;
	[tilespmem:s28+$0xFFFFFF00] =	vst v29;
	v18 =	vor.u32 v12, v1;
	v12 =	vld [tilespmem:$0x1FC10]  }
0x633: {  	[tilespmem:s28+$0xFFFFFE80] =	vst v22;
	v13 =	vld.idx.msk [tilespmem:v27+s12+$0x0], $0xffff  }
0x634: {  	v27 =	vld.idx.msk [tilespmem:v34+s12+$0x0], $0xffff;
	[tilespmem:s28+$0x80] =	vst v24  }
0x635: {  	[tilespmem:s25+$0x40] =	vst v11;
	v11 =	vld [tilespmem:$0x1FDC0]  }
0x636: {  	[tilespmem:s28+$0x0] =	vst v36;
	v24 =	vld.idx.msk [tilespmem:v35+s12+$0x0], $0xffff  }
0x637: {  	[tilespmem:s25+$0xFFFFFFB0] =	vst v16;
	v16 =	vld.idx.msk [tilespmem:v32+s12+$0x0], $0xffff  }
0x638: {  	[tilespmem:s25+$0x140] =	vst v14;
	v14 =	vld [tilespmem:$0x1FE50]  }
0x639: {  	[tilespmem:s28+$0x100] =	vst v23;
	v41 =	vor.u32 v12, v2;
	v12 =	vld [tilespmem:$0x1FD50]  }
0x63a: {  	v34 =	vld.idx.msk [tilespmem:v37+s12+$0x0], $0xffff  }
0x63b: {  	v37 =	vld [tilespmem:$0x1FE10]  }
0x63c: {  	[tilespmem:s28+$0xFFFFFF10] =	vst v13;
	v13 =	vor.u32 v11, v1;
	v11 =	vld [tilespmem:$0x1FD00]  }
0x63d: {  	[tilespmem:s28+$0xFFFFFE90] =	vst v27;
	v27 =	vld.idx.msk [tilespmem:v33+s12+$0x0], $0xffff  }
0x63e: {  	v33 =	vld.idx.msk [tilespmem:v4+s12+$0x0], $0xffff;
	[tilespmem:s28+$0x90] =	vst v24  }
0x63f: {  	v30 =	vor.u32 v51, v1;
	[tilespmem:s28+$0x10] =	vst v16;
	v16 =	vld [tilespmem:$0x1FFF0]  }
0x640: {  	v29 =	vor.u32 v48, v1;
	v24 =	vld.idx.msk [tilespmem:v0+s12+$0x0], $0xffff  }
0x641: {  	v40 =	vor.u32 v58, v1;
	v23 =	vld.idx.msk [tilespmem:v41+s12+$0x0], $0xffff  }
0x642: {  	v0 =	vld [tilespmem:$0x1FF30]  }
0x643: {  	[tilespmem:s28+$0x180] =	vst v28;
	v28 =	vld.idx.msk [tilespmem:v5+s12+$0x0], $0xffff;
	v41 =	vor.u32 v37, v2  }
0x644: {  	v5 =	vmov v15;
	v15 =	vld.idx.msk [tilespmem:v30+s12+$0x0], $0xffff  }
0x645: {  	v29 =	vld.idx.msk [tilespmem:v29+s12+$0x0], $0xffff;
	[tilespmem:s28+$0x110] =	vst v34  }
0x646: {  	v30 =	vld.idx.msk [tilespmem:v40+s12+$0x0], $0xffff;
	[tilespmem:s25+$0xFFFFFE30] =	vst v23;
	v23 =	vor.u32 v11, v2  }
0x647: {  	v4 =	vmovc v20;
	[tilespmem:s25+$0xFFFFFFC0] =	vst v33;
	v16 =	vor.u32 v16, v2;
	v20 =	vor.u32 v0, v2;
	v0 =	vmov v39;
	v39 =	vld [tilespmem:$0x1FD10]  }
0x648: {  	v33 =	vld.idx.msk [tilespmem:v41+s12+$0x0], $0xffff;
	[tilespmem:s28+$0xFFFFFF80] =	vst v25  }
0x649: {  	[tilespmem:s28+$0xFFFFFE10] =	vst v26;
	v26 =	vld [tilespmem:$0x1FFE0]  }
0x64a: {  	v21 =	vld.idx.msk [tilespmem:v21+s12+$0x0], $0xffff  }
0x64b: {  	v23 =	vld.idx.msk [tilespmem:v23+s12+$0x0], $0xffff  }
0x64c: {  	v16 =	vld.idx.msk [tilespmem:v16+s12+$0x0], $0xffff  }
0x64d: {  	[tilespmem:s25+$0x1A0] =	vst v31;
	v31 =	vld.idx.msk [tilespmem:v20+s12+$0x0], $0xffff  }
0x64e: {  	v38 =	vor.u32 v49, v1;
	[tilespmem:s25+$0xFFFFFEC0] =	vst v28;
	v20 =	vld [tilespmem:$0x1FCD0]  }
0x64f: {  	[tilespmem:s28+$0xFFFFFF20] =	vst v27;
	v27 =	vld [tilespmem:$0x1FD70]  }
0x650: {  	[tilespmem:s25+$0xFFFFFE40] =	vst v23;
	v23 =	vld [tilespmem:$0x1FED0]  }
0x651: {  	[tilespmem:s25+$0xFFFFFF50] =	vst v16;
	v16 =	vld [tilespmem:$0x1FEE0]  }
0x652: {  	[tilespmem:s28+$0xFFFFFF90] =	vst v21;
	v21 =	vld [tilespmem:$0x1FFB0]  }
0x653: {  	[tilespmem:s25+$0xFFFFFFD0] =	vst v33;
	v26 =	vor.u32 v26, v2;
	v28 =	vor.u32 v20, v2;
	v20 =	vld.idx.msk [tilespmem:v38+s12+$0x0], $0xffff  }
0x654: {  	[tilespmem:s25+$0xC0] =	vst v24;
	v24 =	vld [tilespmem:$0x1FFD0]  }
0x655: {  	v33 =	vld.idx.msk [tilespmem:v17+s12+$0x0], $0xffff;
	v23 =	vor.u32 v23, v2  }
0x656: {  	v17 =	vld [tilespmem:$0x1FFC0]  }
0x657: {  	[tilespmem:s25+$0x150] =	vst v31;
	v31 =	vld.idx.msk [tilespmem:v7+s12+$0x0], $0xffff  }
0x658: {  	v25 =	vld.idx.msk [tilespmem:v26+s12+$0x0], $0xffff  }
0x659: {  	v26 =	vld [tilespmem:$0x1FC80]  }
0x65a: {  	v27 =	vor.u32 v27, v2;
	v23 =	vld.idx.msk [tilespmem:v23+s12+$0x0], $0xffff  }
0x65b: {  	v16 =	vor.u32 v16, v2;
	v40 =	vor.u32 v17, v2;
	v17 =	vld [tilespmem:$0x1FC90]  }
0x65c: {  	v38 =	vld [tilespmem:$0x1FE20]  }
0x65d: {  	v28 =	vld.idx.msk [tilespmem:v28+s12+$0x0], $0xffff  }
0x65e: {  	v35 =	vor.u32 v59, v1;
	[tilespmem:s25+$0xFFFFFED0] =	vst v25;
	v25 =	vld [tilespmem:$0x1FFA0]  }
0x65f: {  	v24 =	vor.u32 v24, v2;
	v27 =	vld.idx.msk [tilespmem:v27+s12+$0x0], $0xffff;
	[tilespmem:s25+$0xD0] =	vst v23  }
0x660: {  	[tilespmem:s25+$0x1B0] =	vst v31;
	v26 =	vor.u32 v26, v2;
	v31 =	vor.u32 v17, v2;
	v17 =	vld.idx.msk [tilespmem:v16+s12+$0x0], $0xffff  }
0x661: {  	[tilespmem:s28+$0x20] =	vst v29;
	v16 =	vld [tilespmem:$0x1FCE0]  }
0x662: {  	v11 =	vld [tilespmem:$0x1FE60];
	v29 =	vor.u32 v38, v2;
	[tilespmem:s28+$0x120] =	vst v30  }
0x663: {  	v30 =	vld.idx.msk [tilespmem:v35+s12+$0x0], $0xffff;
	v25 =	vor.u32 v25, v2  }
0x664: {  	v24 =	vld.idx.msk [tilespmem:v24+s12+$0x0], $0xffff;
	[tilespmem:s25+$0x160] =	vst v28;
	v28 =	vor.u32 v21, v2  }
0x665: {  	v26 =	vld.idx.msk [tilespmem:v26+s12+$0x0], $0xffff  }
0x666: {  	v22 =	vor.u32 v43, v1;
	[tilespmem:s25+$0xFFFFFEE0] =	vst v27;
	v27 =	vor.u32 v16, v2;
	v16 =	vld [tilespmem:$0x1FC20]  }
0x667: {  	v32 =	vor.u32 v46, v1;
	v29 =	vld.idx.msk [tilespmem:v29+s12+$0x0], $0xffff  }
0x668: {  	v7 =	vmov v32;
	v32 =	vor.u32 v39, v2;
	v41 =	vld.idx.msk [tilespmem:v25+s12+$0x0], $0xffff  }
0x669: {  	[tilespmem:s28+$0xFFFFFFA0] =	vst v33;
	v25 =	vld.idx.msk [tilespmem:v28+s12+$0x0], $0xffff  }
0x66a: {  	[tilespmem:s25+$0x50] =	vst v26;
	v26 =	vld [tilespmem:$0x1FE70]  }
0x66b: {  	v28 =	vor.u32 v16, v2;
	v16 =	vld.idx.msk [tilespmem:v22+s12+$0x0], $0xffff  }
0x66c: {  	p0 =	slt.u32 s26, $0x38;
	[tilespmem:s25+$0xFFFFFE50] =	vst v24;
	v22 =	vld [tilespmem:$0x1FCB0]  }
.Ltmp4:
0x66d: {  	v21 =	vld.idx.msk [tilespmem:v32+s12+$0x0], $0xffff;
	(pc) =	sbr.rel @p0 .LBB2_11-.Ltmp4, $4  }
0x66e: {  	v10 =	vor.u32 v10, v1;
	v19 =	vor.u32 v60, v1;
	[tilespmem:s28+$0x130] =	vst v30;
	v32 =	vld [tilespmem:$0x1FDD0]  }
0x66f: {  	v3 =	vor.u32 v3, v1;
	v8 =	vor.u32 v47, v1;
	v14 =	vor.u32 v14, v1;
	v23 =	vld.idx.msk [tilespmem:v40+s12+$0x0], $0xffff  }
0x670: {  	v12 =	vor.u32 v12, v1;
	v11 =	vor.u32 v11, v1;
	v24 =	vld.idx.msk [tilespmem:v31+s12+$0x0], $0xffff;
	[tilespmem:s25+$0x1C0] =	vst v41  }
0x671: {  	s29 =	smov.u32 s28;
	v26 =	vor.u32 v26, v2;
	[tilespmem:s25+$0xFFFFFFE0] =	vst v29;
	v27 =	vld.idx.msk [tilespmem:v27+s12+$0x0], $0xffff;
	v22 =	vor.u32 v22, v2  }
0x672: {  	_ = 	snop  }
0x673: {  	[tilespmem:s25+$0xFFFFFE60] =	vst v21  }
0x674: {  	v29 =	vld [tilespmem:$0x1FF80]  }
0x675: {  	[tilespmem:s25+$0xFFFFFEF0] =	vst v25  }
0x676: {  	v18 =	vld.idx.msk [tilespmem:v18+s12+$0x0], $0xffff;
	[tilespmem:s25+$0xE0] =	vst v17  }
0x677: {  	v17 =	vld.idx.msk [tilespmem:v28+s12+$0x0], $0xffff;
	[tilespmem:s28+$0xA0] =	vst v20  }
0x678: {  	[tilespmem:s28+$0xFFFFFEA0] =	vst v15  }
0x679: {  	v14 =	vld.idx.msk [tilespmem:v14+s12+$0x0], $0xffff;
	[tilespmem:s25+$0x1D0] =	vst v27;
	v21 =	vor.u32 v29, v2  }
0x67a: {  	v27 =	vld [tilespmem:$0x1FCA0]  }
0x67b: {  	[tilespmem:s28+$0xFFFFFE20] =	vst v18;
	v18 =	vld.idx.msk [tilespmem:v19+s12+$0x0], $0xffff  }
0x67c: {  	v19 =	vld.idx.msk [tilespmem:v26+s12+$0x0], $0xffff;
	[tilespmem:s25+$0xFFFFFF60] =	vst v17  }
0x67d: {  	v25 =	vld [tilespmem:$0x1FF90]  }
0x67e: {  	v20 =	vld.idx.msk [tilespmem:v21+s12+$0x0], $0xffff  }
0x67f: {  	[tilespmem:s25+$0x60] =	vst v24;
	v21 =	vld.idx.msk [tilespmem:v22+s12+$0x0], $0xffff  }
0x680: {  	v15 =	vor.u32 v27, v2;
	v22 =	vld [tilespmem:$0x1FC30];
	[tilespmem:s25+$0x170] =	vst v23  }
0x681: {  	[tilespmem:s28+$0xFFFFFF30] =	vst v18  }
0x682: {  	[tilespmem:s25+$0xFFFFFE70] =	vst v19;
	v17 =	vor.u32 v25, v2  }
0x683: {  	[tilespmem:s29+$0x30] =	vst v14  }
0x684: {  	v9 =	vld.idx.msk [tilespmem:v9+s12+$0x0], $0xffff;
	[tilespmem:s25+$0x1E0] =	vst v20  }
0x685: {  	v15 =	vld.idx.msk [tilespmem:v15+s12+$0x0], $0xffff;
	[tilespmem:s25+$0xF0] =	vst v21  }
0x686: {  	v2 =	vor.u32 v22, v2;
	v14 =	vld [tilespmem:$0x1FCC0]  }
0x687: {  	v17 =	vld.idx.msk [tilespmem:v17+s12+$0x0], $0xffff  }
0x688: {  	v12 =	vld.idx.msk [tilespmem:v12+s12+$0x0], $0xffff  }
0x689: {  	v10 =	vld.idx.msk [tilespmem:v10+s12+$0x0], $0xffff  }
0x68a: {  	[tilespmem:s25+$0xFFFFFFF0] =	vst v9;
	v9 =	vld.idx.msk [tilespmem:v13+s12+$0x0], $0xffff  }
0x68b: {  	[tilespmem:s25+$0x70] =	vst v15;
	v2 =	vld.idx.msk [tilespmem:v2+s12+$0x0], $0xffff;
	v14 =	vor.u32 v14, v1  }
0x68c: {  	v6 =	vld.idx.msk [tilespmem:v6+s12+$0x0], $0xffff;
	[tilespmem:s25+$0x1F0] =	vst v17  }
0x68d: {  	v13 =	vld [tilespmem:$0x1FC10];
	[tilespmem:s29+$0xFFFFFEB0] =	vst v12  }
0x68e: {  	[tilespmem:s29+$0x190] =	vst v10  }
0x68f: {  	[tilespmem:s29+$0xFFFFFF40] =	vst v9  }
0x690: {  	[tilespmem:s25+$0xFFFFFF70] =	vst v2;
	v2 =	vld.idx.msk [tilespmem:v14+s12+$0x0], $0xffff  }
0x691: {  	v9 =	vld [tilespmem:$0x1FF30]  }
0x692: {  	v10 =	vld.idx.msk [tilespmem:v11+s12+$0x0], $0xffff;
	[tilespmem:s29+$0xB0] =	vst v6;
	v13 =	vor.u32 v13, v1  }
0x693: {  	v8 =	vld.idx.msk [tilespmem:v8+s12+$0x0], $0xffff;
	[tilespmem:s29+$0xFFFFFFB0] =	vst v16  }
0x694: {  	v11 =	vld [tilespmem:$0x1FD00]  }
0x695: {  	v5 =	vld.idx.msk [tilespmem:v5+s12+$0x0], $0xffff  }
0x696: {  	v9 =	vor.u32 v9, v1;
	[tilespmem:s29+$0x140] =	vst v2;
	v2 =	vld.idx.msk [tilespmem:v4+s12+$0x0], $0xffff  }
0x697: {  	v6 =	vld.idx.msk [tilespmem:v13+s12+$0x0], $0xffff  }
0x698: {  	v4 =	vld [tilespmem:$0x1FFE0]  }
0x699: {  	v0 =	vld.idx.msk [tilespmem:v0+s12+$0x0], $0xffff;
	v11 =	vor.u32 v11, v1;
	[tilespmem:s29+$0x1A0] =	vst v8  }
0x69a: {  	v7 =	vld.idx.msk [tilespmem:v7+s12+$0x0], $0xffff  }
0x69b: {  	[tilespmem:s29+$0x40] =	vst v10;
	v8 =	vld.idx.msk [tilespmem:v9+s12+$0x0], $0xffff  }
0x69c: {  	v9 =	vld [tilespmem:$0x1FFF0];
	[tilespmem:s29+$0xFFFFFE30] =	vst v6  }
0x69d: {  	v4 =	vor.u32 v4, v1;
	v6 =	vld [tilespmem:$0x1FCD0]  }
0x69e: {  	v11 =	vld.idx.msk [tilespmem:v11+s12+$0x0], $0xffff;
	[tilespmem:s29+$0xFFFFFEC0] =	vst v5  }
0x69f: {  	v10 =	vor.u32 v37, v1;
	v5 =	vld [tilespmem:$0x1FFA0];
	[tilespmem:s29+$0xFFFFFFC0] =	vst v2  }
0x6a0: {  	v2 =	vld [tilespmem:$0x1FFD0];
	[tilespmem:s29+$0xC0] =	vst v0  }
0x6a1: {  	v9 =	vor.u32 v9, v1;
	v0 =	vld [tilespmem:$0x1FD70]  }
0x6a2: {  	v4 =	vld.idx.msk [tilespmem:v4+s12+$0x0], $0xffff;
	v6 =	vor.u32 v6, v1  }
0x6a3: {  	v12 =	vld [tilespmem:$0x1FED0]  }
0x6a4: {  	v10 =	vld.idx.msk [tilespmem:v10+s12+$0x0], $0xffff;
	[tilespmem:s29+$0x150] =	vst v8;
	v5 =	vor.u32 v5, v1  }
0x6a5: {  	v8 =	vld [tilespmem:$0x1FC80];
	[tilespmem:s29+$0x1B0] =	vst v7  }
0x6a6: {  	[tilespmem:s29+$0xFFFFFE40] =	vst v11;
	v2 =	vor.u32 v2, v1;
	v9 =	vld.idx.msk [tilespmem:v9+s12+$0x0], $0xffff  }
0x6a7: {  	v0 =	vor.u32 v0, v1;
	[tilespmem:s29+$0xFFFFFED0] =	vst v4;
	v6 =	vld.idx.msk [tilespmem:v6+s12+$0x0], $0xffff  }
0x6a8: {  	v12 =	vor.u32 v12, v1;
	v4 =	vld [tilespmem:$0x1FCE0]  }
0x6a9: {  	[tilespmem:s29+$0xFFFFFFD0] =	vst v10;
	v5 =	vld.idx.msk [tilespmem:v5+s12+$0x0], $0xffff  }
0x6aa: {  	v10 =	vld [tilespmem:$0x1FD10]  }
0x6ab: {  	v8 =	vor.u32 v8, v1;
	v2 =	vld.idx.msk [tilespmem:v2+s12+$0x0], $0xffff  }
0x6ac: {  	v7 =	vor.u32 v38, v1;
	v0 =	vld.idx.msk [tilespmem:v0+s12+$0x0], $0xffff  }
0x6ad: {  	v11 =	vld.idx.msk [tilespmem:v12+s12+$0x0], $0xffff;
	[tilespmem:s29+$0xFFFFFF50] =	vst v9  }
0x6ae: {  	v9 =	vld [tilespmem:$0x1FFB0]  }
0x6af: {  	v12 =	vld [tilespmem:$0x1FEE0]  }
0x6b0: {  	v8 =	vld.idx.msk [tilespmem:v8+s12+$0x0], $0xffff;
	v10 =	vor.u32 v10, v1  }
0x6b1: {  	[tilespmem:s29+$0x160] =	vst v6;
	v6 =	vld.idx.msk [tilespmem:v7+s12+$0x0], $0xffff  }
0x6b2: {  	v7 =	vld [tilespmem:$0x1FC90];
	[tilespmem:s29+$0x1C0] =	vst v5  }
0x6b3: {  	[tilespmem:s29+$0xFFFFFE50] =	vst v2  }
0x6b4: {  	v2 =	vld [tilespmem:$0x1FC20];
	v12 =	vor.u32 v12, v1  }
0x6b5: {  	[tilespmem:s29+$0xFFFFFEE0] =	vst v0;
	v5 =	vld.idx.msk [tilespmem:v10+s12+$0x0], $0xffff  }
0x6b6: {  	v4 =	vor.u32 v4, v1;
	v10 =	vld [tilespmem:$0x1FFC0];
	[tilespmem:s29+$0xD0] =	vst v11  }
0x6b7: {  	[tilespmem:s29+$0x50] =	vst v8  }
0x6b8: {  	v9 =	vor.u32 v9, v1;
	v8 =	vld [tilespmem:$0x1FE70]  }
0x6b9: {  	v11 =	vld.idx.msk [tilespmem:v12+s12+$0x0], $0xffff  }
0x6ba: {  	v7 =	vor.u32 v7, v1;
	v12 =	vld [tilespmem:$0x1FCB0]  }
0x6bb: {  	v4 =	vld.idx.msk [tilespmem:v4+s12+$0x0], $0xffff;
	v2 =	vor.u32 v2, v1  }
0x6bc: {  	v0 =	vor.u32 v29, v1  }
0x6bd: {  	v9 =	vld.idx.msk [tilespmem:v9+s12+$0x0], $0xffff;
	v10 =	vor.u32 v10, v1  }
0x6be: {  	v8 =	vor.u32 v8, v1  }
0x6bf: {  	[tilespmem:s29+$0xFFFFFFE0] =	vst v6;
	v7 =	vld.idx.msk [tilespmem:v7+s12+$0x0], $0xffff;
	v12 =	vor.u32 v12, v1  }
0x6c0: {  	v6 =	vor.u32 v27, v1;
	[tilespmem:s29+$0x1D0] =	vst v4;
	v2 =	vld.idx.msk [tilespmem:v2+s12+$0x0], $0xffff  }
0x6c1: {  	[tilespmem:s29+$0xFFFFFE60] =	vst v5;
	v0 =	vld.idx.msk [tilespmem:v0+s12+$0x0], $0xffff  }
0x6c2: {  	v5 =	vor.u32 v25, v1;
	[tilespmem:s29+$0xFFFFFEF0] =	vst v9;
	v4 =	vld.idx.msk [tilespmem:v10+s12+$0x0], $0xffff  }
0x6c3: {  	[tilespmem:s29+$0xE0] =	vst v11;
	v1 =	vor.u32 v22, v1;
	v8 =	vld.idx.msk [tilespmem:v8+s12+$0x0], $0xffff  }
0x6c4: {  	[tilespmem:s29+$0x60] =	vst v7;
	v9 =	vld.idx.msk [tilespmem:v12+s12+$0x0], $0xffff  }
0x6c5: {  	[tilespmem:s29+$0xFFFFFF60] =	vst v2;
	v2 =	vld.idx.msk [tilespmem:v6+s12+$0x0], $0xffff  }
0x6c6: {  	v3 =	vld.idx.msk [tilespmem:v3+s12+$0x0], $0xffff;
	[tilespmem:s29+$0x1E0] =	vst v0  }
0x6c7: {  	[tilespmem:s29+$0x170] =	vst v4;
	v4 =	vld.idx.msk [tilespmem:v5+s12+$0x0], $0xffff  }
0x6c8: {  	v1 =	vld.idx.msk [tilespmem:v1+s12+$0x0], $0xffff;
	[tilespmem:s29+$0xFFFFFE70] =	vst v8  }
0x6c9: {  	[tilespmem:s29+$0xF0] =	vst v9  }
0x6ca: {  	s31 =	simm.s32 $0x0;
	v14 =	vld [tilespmem:$0x1F9D0];
	[tilespmem:s29+$0x70] =	vst v2  }
0x6cb: {  	v7 =	vmov s31;
	v15 =	vld [tilespmem:$0x1F9E0];
	[tilespmem:s29+$0xFFFFFFF0] =	vst v3  }
0x6cc: {  	v6 =	vshrl.u32 v7, $0x3;
	v16 =	vld [tilespmem:$0x1FA80];
	[tilespmem:s29+$0x1F0] =	vst v4  }
0x6cd: {  	v0 =	vshll.u32 v6, $0x3;
	v31 =	vld [tilespmem:$0x1FA00];
	[tilespmem:s29+$0xFFFFFF70] =	vst v1  }
0x6ce: {  	v0 =	vbroadcast v0, $0x0;
	v45 =	vld [tilespmem:$0x1FA20]  }
0x6cf: {  	v54 =	vld [tilespmem:$0x1FA30]  }
0x6d0: {  	v61 =	vld [tilespmem:$0x1FA40];
	v5 =	vor.u32 v14, v0  }
0x6d1: {  	v19 =	vld [tilespmem:$0x1FA50];
	v2 =	vor.u32 v15, v0  }
0x6d2: {  	v9 =	vld [tilespmem:$0x1F740];
	v3 =	vor.u32 v16, v0  }
0x6d3: {  	v34 =	vld [tilespmem:$0x1F750];
	v4 =	vor.u32 v31, v0  }
0x6d4: {  	v44 =	vld [tilespmem:$0x1FAD0];
	v1 =	vor.u32 v45, v0  }
0x6d5: {  	v6 =	vor.u32 v54, v0;
	v5 =	vld.idx.msk [tilespmem:v5+s12+$0x0], $0xffff  }
0x6d6: {  	v7 =	vor.u32 v61, v0;
	v2 =	vld.idx.msk [tilespmem:v2+s12+$0x0], $0xffff  }
0x6d7: {  	v8 =	vor.u32 v19, v0;
	v3 =	vld.idx.msk [tilespmem:v3+s12+$0x0], $0xffff  }
0x6d8: {  	v4 =	vld.idx.msk [tilespmem:v4+s12+$0x0], $0xffff  }
0x6d9: {  	v1 =	vld.idx.msk [tilespmem:v1+s12+$0x0], $0xffff  }
0x6da: {  	v6 =	vld.idx.msk [tilespmem:v6+s12+$0x0], $0xffff  }
0x6db: {  	s25 =	simm.s32 $0xEBF0;
	v9 =	vor.u32 v9, v0;
	v7 =	vld.idx.msk [tilespmem:v7+s12+$0x0], $0xffff  }
0x6dc: {  	v8 =	vld.idx.msk [tilespmem:v8+s12+$0x0], $0xffff;
	[tilespmem:s25+$0xFFFFFC10] =	vst v5  }
0x6dd: {  	v10 =	vor.u32 v34, v0;
	v50 =	vld [tilespmem:$0x1FAA0];
	[tilespmem:s25+$0xFFFFFD10] =	vst v3  }
0x6de: {  	v51 =	vld [tilespmem:$0x1FA70]  }
0x6df: {  	v11 =	vor.u32 v44, v0;
	v25 =	vld [tilespmem:$0x1FB00]  }
0x6e0: {  	v9 =	vld.idx.msk [tilespmem:v9+s12+$0x0], $0xffff;
	[tilespmem:s25+$0xFFFFFD90] =	vst v4  }
0x6e1: {  	v26 =	vld [tilespmem:$0x1FA60]  }
0x6e2: {  	v10 =	vld.idx.msk [tilespmem:v10+s12+$0x0], $0xffff;
	[tilespmem:s25+$0xFFFFFE10] =	vst v1  }
0x6e3: {  	v30 =	vld [tilespmem:$0x1FAC0];
	[tilespmem:s25+$0xFFFFFE90] =	vst v6  }
0x6e4: {  	v11 =	vld.idx.msk [tilespmem:v11+s12+$0x0], $0xffff;
	[tilespmem:s25+$0xFFFFFC90] =	vst v2  }
0x6e5: {  	v2 =	vld [tilespmem:$0x1F810]  }
0x6e6: {  	v5 =	vor.u32 v50, v0;
	v33 =	vld [tilespmem:$0x1F8A0];
	[tilespmem:s25+$0xFFFFFF90] =	vst v8  }
0x6e7: {  	v36 =	vld [tilespmem:$0x1F8D0];
	[tilespmem:s25+$0xFFFFFF10] =	vst v7  }
0x6e8: {  	v3 =	vor.u32 v51, v0;
	v47 =	vld [tilespmem:$0x1FAF0];
	[tilespmem:s25+$0xFFFFFD20] =	vst v9  }
0x6e9: {  	v12 =	vor.u32 v25, v0;
	v58 =	vld [tilespmem:$0x1F8E0];
	[tilespmem:s25+$0xFFFFFDA0] =	vst v10  }
0x6ea: {  	v4 =	vor.u32 v26, v0;
	v10 =	vld [tilespmem:$0x1F880]  }
0x6eb: {  	v1 =	vor.u32 v30, v0;
	[tilespmem:s25+$0xFFFFFE20] =	vst v11;
	v5 =	vld.idx.msk [tilespmem:v5+s12+$0x0], $0xffff  }
0x6ec: {  	v2 =	vor.u32 v2, v0;
	v24 =	vld [tilespmem:$0x1FB70]  }
0x6ed: {  	v6 =	vor.u32 v33, v0;
	v3 =	vld.idx.msk [tilespmem:v3+s12+$0x0], $0xffff  }
0x6ee: {  	v7 =	vld.idx.msk [tilespmem:v12+s12+$0x0], $0xffff  }
0x6ef: {  	v8 =	vor.u32 v36, v0;
	v4 =	vld.idx.msk [tilespmem:v4+s12+$0x0], $0xffff  }
0x6f0: {  	v1 =	vld.idx.msk [tilespmem:v1+s12+$0x0], $0xffff  }
0x6f1: {  	v12 =	vor.u32 v47, v0;
	v2 =	vld.idx.msk [tilespmem:v2+s12+$0x0], $0xffff  }
0x6f2: {  	v6 =	vld.idx.msk [tilespmem:v6+s12+$0x0], $0xffff;
	[tilespmem:s25+$0xFFFFFEA0] =	vst v5  }
0x6f3: {  	v9 =	vor.u32 v58, v0;
	v29 =	vld [tilespmem:$0x1FB10]  }
0x6f4: {  	v10 =	vor.u32 v10, v0;
	[tilespmem:s25+$0xFFFFFCA0] =	vst v3;
	v3 =	vld.idx.msk [tilespmem:v8+s12+$0x0], $0xffff  }
0x6f5: {  	v35 =	vld [tilespmem:$0x1F840]  }
0x6f6: {  	v12 =	vld.idx.msk [tilespmem:v12+s12+$0x0], $0xffff;
	[tilespmem:s25+$0xFFFFFFA0] =	vst v7  }
0x6f7: {  	v43 =	vld [tilespmem:$0x1F860]  }
0x6f8: {  	[tilespmem:s25+$0xFFFFFC20] =	vst v4;
	v4 =	vld.idx.msk [tilespmem:v9+s12+$0x0], $0xffff  }
0x6f9: {  	v11 =	vor.u32 v24, v0;
	v10 =	vld.idx.msk [tilespmem:v10+s12+$0x0], $0xffff  }
0x6fa: {  	v49 =	vld [tilespmem:$0x1F890];
	[tilespmem:s25+$0xFFFFFDB0] =	vst v2  }
0x6fb: {  	v55 =	vld [tilespmem:$0x1F830];
	[tilespmem:s25+$0xFFFFFF20] =	vst v1  }
0x6fc: {  	v5 =	vor.u32 v29, v0;
	v57 =	vld [tilespmem:$0x1F7E0];
	[tilespmem:s25+$0xFFFFFEB0] =	vst v3  }
0x6fd: {  	v42 =	vld [tilespmem:$0x1F8C0];
	[tilespmem:s25+$0xFFFFFE30] =	vst v6  }
0x6fe: {  	v1 =	vld.idx.msk [tilespmem:v11+s12+$0x0], $0xffff;
	[tilespmem:s25+$0xFFFFFFB0] =	vst v4  }
0x6ff: {  	v8 =	vor.u32 v35, v0;
	v48 =	vld [tilespmem:$0x1F7D0]  }
0x700: {  	v7 =	vor.u32 v43, v0;
	v40 =	vld [tilespmem:$0x1F760]  }
0x701: {  	v9 =	vor.u32 v49, v0;
	[tilespmem:s25+$0xFFFFFCB0] =	vst v12;
	v3 =	vld.idx.msk [tilespmem:v5+s12+$0x0], $0xffff  }
0x702: {  	v2 =	vor.u32 v55, v0;
	v63 =	vld [tilespmem:$0x1F8B0];
	[tilespmem:s25+$0xFFFFFD30] =	vst v10  }
0x703: {  	v11 =	vor.u32 v57, v0;
	v10 =	vld [tilespmem:$0x1F790]  }
0x704: {  	v6 =	vld.idx.msk [tilespmem:v8+s12+$0x0], $0xffff  }
0x705: {  	v5 =	vor.u32 v42, v0;
	v7 =	vld.idx.msk [tilespmem:v7+s12+$0x0], $0xffff  }
0x706: {  	v9 =	vld.idx.msk [tilespmem:v9+s12+$0x0], $0xffff  }
0x707: {  	v4 =	vor.u32 v48, v0;
	v2 =	vld.idx.msk [tilespmem:v2+s12+$0x0], $0xffff  }
0x708: {  	v8 =	vor.u32 v40, v0;
	[tilespmem:s25+$0xFFFFFF30] =	vst v3;
	v11 =	vld.idx.msk [tilespmem:v11+s12+$0x0], $0xffff  }
0x709: {  	v53 =	vld [tilespmem:$0x1FB30];
	[tilespmem:s25+$0xFFFFFDC0] =	vst v1  }
0x70a: {  	[tilespmem:s25+$0xFFFFFEC0] =	vst v6;
	v5 =	vld.idx.msk [tilespmem:v5+s12+$0x0], $0xffff  }
0x70b: {  	v10 =	vor.u32 v10, v0;
	v22 =	vld [tilespmem:$0x1F870]  }
0x70c: {  	v1 =	vld.idx.msk [tilespmem:v4+s12+$0x0], $0xffff  }
0x70d: {  	[tilespmem:s25+$0xFFFFFC30] =	vst v7;
	v6 =	vld.idx.msk [tilespmem:v8+s12+$0x0], $0xffff  }
0x70e: {  	v12 =	vor.u32 v63, v0;
	v28 =	vld [tilespmem:$0x1F7B0]  }
0x70f: {  	v56 =	vld [tilespmem:$0x1F780];
	[tilespmem:s25+$0xFFFFFFC0] =	vst v9  }
0x710: {  	[tilespmem:s25+$0xFFFFFE40] =	vst v2;
	v3 =	vor.u32 v53, v0;
	v9 =	vld.idx.msk [tilespmem:v10+s12+$0x0], $0xffff  }
0x711: {  	v2 =	vld [tilespmem:$0x1FB80]  }
0x712: {  	v10 =	vld [tilespmem:$0x1FBA0];
	[tilespmem:s25+$0xFFFFFF40] =	vst v5  }
0x713: {  	v12 =	vld.idx.msk [tilespmem:v12+s12+$0x0], $0xffff;
	v4 =	vor.u32 v22, v0;
	[tilespmem:s25+$0xFFFFFED0] =	vst v1  }
0x714: {  	v62 =	vld [tilespmem:$0x1F7F0]  }
0x715: {  	v7 =	vor.u32 v28, v0;
	[tilespmem:s25+$0xFFFFFD40] =	vst v11;
	v3 =	vld.idx.msk [tilespmem:v3+s12+$0x0], $0xffff  }
0x716: {  	v8 =	vor.u32 v56, v0;
	v23 =	vld [tilespmem:$0x1F820];
	[tilespmem:s25+$0xFFFFFDD0] =	vst v6  }
0x717: {  	v2 =	vor.u32 v2, v0;
	v27 =	vld [tilespmem:$0x1FBC0]  }
0x718: {  	v10 =	vor.u32 v10, v0;
	[tilespmem:s25+$0xFFFFFC40] =	vst v9;
	v1 =	vld.idx.msk [tilespmem:v4+s12+$0x0], $0xffff  }
0x719: {  	v41 =	vld [tilespmem:$0x1F730]  }
0x71a: {  	v5 =	vld.idx.msk [tilespmem:v7+s12+$0x0], $0xffff  }
0x71b: {  	v6 =	vld.idx.msk [tilespmem:v8+s12+$0x0], $0xffff  }
0x71c: {  	v4 =	vor.u32 v62, v0;
	v2 =	vld.idx.msk [tilespmem:v2+s12+$0x0], $0xffff  }
0x71d: {  	v10 =	vld.idx.msk [tilespmem:v10+s12+$0x0], $0xffff;
	[tilespmem:s25+$0xFFFFFFD0] =	vst v3  }
0x71e: {  	v7 =	vor.u32 v23, v0;
	v3 =	vld [tilespmem:$0x1FAB0]  }
0x71f: {  	v8 =	vor.u32 v27, v0;
	v11 =	vld [tilespmem:$0x1FBB0];
	[tilespmem:s25+$0xFFFFFF50] =	vst v1  }
0x720: {  	v46 =	vld [tilespmem:$0x1F850]  }
0x721: {  	v9 =	vor.u32 v41, v0;
	[tilespmem:s25+$0xFFFFFEE0] =	vst v5;
	v4 =	vld.idx.msk [tilespmem:v4+s12+$0x0], $0xffff  }
0x722: {  	v59 =	vld [tilespmem:$0x1F7A0]  }
0x723: {  	[tilespmem:s25+$0xFFFFFE50] =	vst v6;
	v5 =	vld.idx.msk [tilespmem:v7+s12+$0x0], $0xffff  }
0x724: {  	[tilespmem:s25+$0xFFFFFDE0] =	vst v2;
	v3 =	vor.u32 v3, v0;
	v6 =	vld.idx.msk [tilespmem:v8+s12+$0x0], $0xffff  }
0x725: {  	v11 =	vor.u32 v11, v0;
	v60 =	vld [tilespmem:$0x1FB40]  }
0x726: {  	[tilespmem:s25+$0xFFFFFC50] =	vst v10;
	v2 =	vld.idx.msk [tilespmem:v9+s12+$0x0], $0xffff  }
0x727: {  	v52 =	vld [tilespmem:$0x1FBE0];
	[tilespmem:s25+$0xFFFFFCC0] =	vst v12;
	v1 =	vor.u32 v46, v0  }
0x728: {  	v39 =	vld [tilespmem:$0x1FB90]  }
0x729: {  	v7 =	vor.u32 v59, v0;
	v3 =	vld.idx.msk [tilespmem:v3+s12+$0x0], $0xffff  }
0x72a: {  	v10 =	vld.idx.msk [tilespmem:v11+s12+$0x0], $0xffff  }
0x72b: {  	s26 =	simm.s32 $0x8;
	v11 =	vld [tilespmem:$0x1FAE0];
	[tilespmem:s25+$0xFFFFFFE0] =	vst v4  }
0x72c: {  	v8 =	vor.u32 v60, v0;
	v4 =	vmov s26;
	[tilespmem:s25+$0xFFFFFF60] =	vst v5;
	v13 =	vld.idx.msk [tilespmem:v1+s12+$0x0], $0xffff  }
0x72d: {  	v9 =	vor.u32 v52, v0;
	v1 =	vshrl.u32 v4, $0x3;
	v4 =	vld [tilespmem:$0x1F8F0]  }
0x72e: {  	[tilespmem:s25+$0xFFFFFEF0] =	vst v6;
	v5 =	vld.idx.msk [tilespmem:v7+s12+$0x0], $0xffff  }
0x72f: {  	v17 =	vld [tilespmem:$0x1F800];
	[tilespmem:s25+$0xFFFFFE60] =	vst v2  }
0x730: {  	v20 =	vld [tilespmem:$0x1FA10]  }
0x731: {  	v1 =	vshll.u32 v1, $0x3;
	v7 =	vld.idx.msk [tilespmem:v8+s12+$0x0], $0xffff  }
0x732: {  	v1 =	vbroadcast v1, $0x0;
	v11 =	vor.u32 v11, v0;
	[tilespmem:s25+$0xFFFFFDF0] =	vst v3;
	v8 =	vld.idx.msk [tilespmem:v9+s12+$0x0], $0xffff  }
0x733: {  	v12 =	vor.u32 v39, v0;
	v9 =	vld [tilespmem:$0x1F900];
	[tilespmem:s25+$0xFFFFFC60] =	vst v10  }
0x734: {  	v10 =	vor.u32 v14, v1;
	[tilespmem:s25+$0xFFFFFCD0] =	vst v13  }
0x735: {  	v4 =	vor.u32 v4, v0;
	[tilespmem:s25+$0xFFFFFD50] =	vst v5  }
0x736: {  	v21 =	vld [tilespmem:$0x1FB20]  }
0x737: {  	v6 =	vor.u32 v17, v0;
	v3 =	vld.idx.msk [tilespmem:v11+s12+$0x0], $0xffff  }
0x738: {  	v2 =	vor.u32 v20, v0;
	v11 =	vld.idx.msk [tilespmem:v12+s12+$0x0], $0xffff  }
0x739: {  	[tilespmem:s25+$0xFFFFFF70] =	vst v7;
	v9 =	vor.u32 v9, v0;
	v10 =	vld.idx.msk [tilespmem:v10+s12+$0x0], $0xffff  }
0x73a: {  	[tilespmem:s25+$0xFFFFFF00] =	vst v8;
	v4 =	vld.idx.msk [tilespmem:v4+s12+$0x0], $0xffff  }
0x73b: {  	v12 =	vor.u32 v15, v1;
	v18 =	vld [tilespmem:$0x1F7C0]  }
0x73c: {  	v6 =	vld.idx.msk [tilespmem:v6+s12+$0x0], $0xffff  }
0x73d: {  	v7 =	vor.u32 v16, v1;
	v2 =	vld.idx.msk [tilespmem:v2+s12+$0x0], $0xffff  }
0x73e: {  	v5 =	vor.u32 v21, v0;
	[tilespmem:s25+$0xFFFFFE70] =	vst v3;
	v9 =	vld.idx.msk [tilespmem:v9+s12+$0x0], $0xffff  }
0x73f: {  	s26 =	simm.s32 $0xF3F0;
	v3 =	vld [tilespmem:$0x1FA90];
	[tilespmem:s25+$0xFFFFFE00] =	vst v11;
	v11 =	vor.u32 v31, v1  }
0x740: {  	v12 =	vld.idx.msk [tilespmem:v12+s12+$0x0], $0xffff;
	[tilespmem:s26+$0xFFFFFC10] =	vst v10  }
0x741: {  	[tilespmem:s25+$0xFFFFFC70] =	vst v4  }
0x742: {  	v7 =	vld.idx.msk [tilespmem:v7+s12+$0x0], $0xffff;
	v4 =	vor.u32 v45, v1;
	[tilespmem:s25+$0xFFFFFCE0] =	vst v6  }
0x743: {  	v8 =	vor.u32 v18, v0;
	v5 =	vld.idx.msk [tilespmem:v5+s12+$0x0], $0xffff;
	[tilespmem:s25+$0xFFFFFD60] =	vst v2  }
0x744: {  	v6 =	vor.u32 v54, v1;
	[tilespmem:s25+$0xFFFFFF80] =	vst v9;
	v10 =	vld.idx.msk [tilespmem:v11+s12+$0x0], $0xffff  }
0x745: {  	v2 =	vor.u32 v61, v1;
	v11 =	vld [tilespmem:$0x1F770];
	[tilespmem:s26+$0xFFFFFC90] =	vst v12  }
0x746: {  	v3 =	vor.u32 v3, v0;
	v12 =	vld [tilespmem:$0x1F740]  }
0x747: {  	v9 =	vor.u32 v19, v1;
	v4 =	vld.idx.msk [tilespmem:v4+s12+$0x0], $0xffff  }
0x748: {  	v8 =	vld.idx.msk [tilespmem:v8+s12+$0x0], $0xffff;
	[tilespmem:s26+$0xFFFFFD10] =	vst v7;
	v7 =	vor.u32 v44, v1  }
0x749: {  	v6 =	vld.idx.msk [tilespmem:v6+s12+$0x0], $0xffff;
	[tilespmem:s25+$0xFFFFFE80] =	vst v5;
	v5 =	vor.u32 v34, v1  }
0x74a: {  	v2 =	vld.idx.msk [tilespmem:v2+s12+$0x0], $0xffff;
	v11 =	vor.u32 v11, v0  }
0x74b: {  	v3 =	vld.idx.msk [tilespmem:v3+s12+$0x0], $0xffff;
	[tilespmem:s26+$0xFFFFFD90] =	vst v10;
	v12 =	vor.u32 v12, v1  }
0x74c: {  	v9 =	vld.idx.msk [tilespmem:v9+s12+$0x0], $0xffff;
	[tilespmem:s26+$0xFFFFFE10] =	vst v4  }
0x74d: {  	[tilespmem:s25+$0xFFFFFCF0] =	vst v8;
	v8 =	vor.u32 v50, v1;
	v7 =	vld.idx.msk [tilespmem:v7+s12+$0x0], $0xffff  }
0x74e: {  	[tilespmem:s26+$0xFFFFFE90] =	vst v6;
	v5 =	vld.idx.msk [tilespmem:v5+s12+$0x0], $0xffff  }
0x74f: {  	v4 =	vor.u32 v26, v1;
	[tilespmem:s26+$0xFFFFFF10] =	vst v2;
	v11 =	vld.idx.msk [tilespmem:v11+s12+$0x0], $0xffff  }
0x750: {  	v10 =	vor.u32 v25, v1;
	[tilespmem:s25+$0xFFFFFD70] =	vst v3;
	v12 =	vld.idx.msk [tilespmem:v12+s12+$0x0], $0xffff  }
0x751: {  	v2 =	vld [tilespmem:$0x1F810];
	[tilespmem:s26+$0xFFFFFF90] =	vst v9  }
0x752: {  	v3 =	vor.u32 v51, v1;
	v8 =	vld.idx.msk [tilespmem:v8+s12+$0x0], $0xffff;
	[tilespmem:s26+$0xFFFFFE20] =	vst v7  }
0x753: {  	[tilespmem:s26+$0xFFFFFDA0] =	vst v5  }
0x754: {  	v6 =	vor.u32 v30, v1;
	v4 =	vld.idx.msk [tilespmem:v4+s12+$0x0], $0xffff;
	[tilespmem:s25+$0xFFFFFD00] =	vst v11  }
0x755: {  	v9 =	vor.u32 v33, v1;
	v10 =	vld.idx.msk [tilespmem:v10+s12+$0x0], $0xffff;
	[tilespmem:s26+$0xFFFFFD20] =	vst v12  }
0x756: {  	v51 =	vmov v2;
	v2 =	vor.u32 v2, v1;
	v7 =	vld [tilespmem:$0x1F880]  }
0x757: {  	v5 =	vor.u32 v58, v1;
	v3 =	vld.idx.msk [tilespmem:v3+s12+$0x0], $0xffff;
	[tilespmem:s26+$0xFFFFFEA0] =	vst v8  }
0x758: {  	v11 =	vor.u32 v36, v1;
	v8 =	vld [tilespmem:$0x1FBD0]  }
0x759: {  	v6 =	vld.idx.msk [tilespmem:v6+s12+$0x0], $0xffff;
	v12 =	vor.u32 v47, v1  }
0x75a: {  	v9 =	vld.idx.msk [tilespmem:v9+s12+$0x0], $0xffff;
	[tilespmem:s26+$0xFFFFFFA0] =	vst v10;
	v10 =	vor.u32 v29, v1  }
0x75b: {  	v34 =	vmovc v30;
	v30 =	vmov v33;
	v2 =	vld.idx.msk [tilespmem:v2+s12+$0x0], $0xffff;
	v33 =	vmov v7;
	v7 =	vor.u32 v7, v1  }
0x75c: {  	[tilespmem:s26+$0xFFFFFCA0] =	vst v3;
	v3 =	vor.u32 v24, v1;
	v5 =	vld.idx.msk [tilespmem:v5+s12+$0x0], $0xffff  }
0x75d: {  	[tilespmem:s26+$0xFFFFFC20] =	vst v4;
	v11 =	vld.idx.msk [tilespmem:v11+s12+$0x0], $0xffff;
	v8 =	vor.u32 v8, v0  }
0x75e: {  	[tilespmem:s26+$0xFFFFFF20] =	vst v6;
	v6 =	vor.u32 v43, v1;
	v12 =	vld.idx.msk [tilespmem:v12+s12+$0x0], $0xffff  }
0x75f: {  	v4 =	vor.u32 v35, v1;
	[tilespmem:s26+$0xFFFFFE30] =	vst v9;
	v10 =	vld.idx.msk [tilespmem:v10+s12+$0x0], $0xffff  }
0x760: {  	v9 =	vor.u32 v55, v1;
	[tilespmem:s26+$0xFFFFFDB0] =	vst v2;
	v7 =	vld.idx.msk [tilespmem:v7+s12+$0x0], $0xffff  }
0x761: {  	v2 =	vor.u32 v49, v1;
	v3 =	vld.idx.msk [tilespmem:v3+s12+$0x0], $0xffff  }
0x762: {  	[tilespmem:s26+$0xFFFFFEB0] =	vst v11;
	v11 =	vor.u32 v57, v1;
	v8 =	vld.idx.msk [tilespmem:v8+s12+$0x0], $0xffff  }
0x763: {  	v6 =	vld.idx.msk [tilespmem:v6+s12+$0x0], $0xffff;
	[tilespmem:s26+$0xFFFFFFB0] =	vst v5  }
0x764: {  	[tilespmem:s26+$0xFFFFFCB0] =	vst v12;
	v12 =	vor.u32 v40, v1;
	v4 =	vld.idx.msk [tilespmem:v4+s12+$0x0], $0xffff  }
0x765: {  	v9 =	vld.idx.msk [tilespmem:v9+s12+$0x0], $0xffff;
	[tilespmem:s26+$0xFFFFFD30] =	vst v7;
	v7 =	vor.u32 v48, v1  }
0x766: {  	v2 =	vld.idx.msk [tilespmem:v2+s12+$0x0], $0xffff;
	[tilespmem:s26+$0xFFFFFDC0] =	vst v3  }
0x767: {  	v5 =	vor.u32 v42, v1;
	[tilespmem:s25+$0xFFFFFD80] =	vst v8;
	v11 =	vld.idx.msk [tilespmem:v11+s12+$0x0], $0xffff  }
0x768: {  	v8 =	vor.u32 v63, v1;
	v3 =	vld [tilespmem:$0x1F790];
	[tilespmem:s26+$0xFFFFFF30] =	vst v10  }
0x769: {  	v12 =	vld.idx.msk [tilespmem:v12+s12+$0x0], $0xffff;
	[tilespmem:s26+$0xFFFFFEC0] =	vst v4  }
0x76a: {  	v10 =	vor.u32 v53, v1;
	[tilespmem:s26+$0xFFFFFC30] =	vst v6;
	v6 =	vld.idx.msk [tilespmem:v7+s12+$0x0], $0xffff  }
0x76b: {  	v4 =	vor.u32 v56, v1;
	v7 =	vld [tilespmem:$0x1FB50];
	[tilespmem:s26+$0xFFFFFFC0] =	vst v2  }
0x76c: {  	v5 =	vld.idx.msk [tilespmem:v5+s12+$0x0], $0xffff;
	[tilespmem:s26+$0xFFFFFE40] =	vst v9  }
0x76d: {  	v8 =	vld.idx.msk [tilespmem:v8+s12+$0x0], $0xffff;
	[tilespmem:s26+$0xFFFFFD40] =	vst v11  }
0x76e: {  	v26 =	vmovc v58;
	v58 =	vmovc v40;
	v40 =	vmov v48;
	v48 =	vmov v3;
	v3 =	vor.u32 v3, v1;
	v11 =	vld [tilespmem:$0x1FB80]  }
0x76f: {  	v10 =	vld.idx.msk [tilespmem:v10+s12+$0x0], $0xffff  }
0x770: {  	v2 =	vor.u32 v22, v1;
	[tilespmem:s26+$0xFFFFFDD0] =	vst v12;
	v4 =	vld.idx.msk [tilespmem:v4+s12+$0x0], $0xffff  }
0x771: {  	v12 =	vld [tilespmem:$0x1FBA0];
	[tilespmem:s26+$0xFFFFFF40] =	vst v5  }
0x772: {  	v9 =	vor.u32 v28, v1;
	v54 =	vld [tilespmem:$0x1FBF0]  }
0x773: {  	v7 =	vor.u32 v7, v0;
	v3 =	vld.idx.msk [tilespmem:v3+s12+$0x0], $0xffff  }
0x774: {  	[tilespmem:s26+$0xFFFFFED0] =	vst v6  }
0x775: {  	v44 =	vmov v36;
	v25 =	vmov v24;
	v2 =	vld.idx.msk [tilespmem:v2+s12+$0x0], $0xffff;
	v6 =	vor.u32 v62, v1;
	[tilespmem:s26+$0xFFFFFCC0] =	vst v8  }
0x776: {  	v36 =	vmovc v35;
	v35 =	vmovc v43;
	v43 =	vmov v42;
	v42 =	vmov v11;
	v11 =	vor.u32 v11, v1;
	v31 =	vld [tilespmem:$0x1F9F0];
	[tilespmem:s26+$0xFFFFFFD0] =	vst v10  }
0x777: {  	v24 =	vmovc v57;
	v57 =	vmov v53;
	v9 =	vld.idx.msk [tilespmem:v9+s12+$0x0], $0xffff;
	[tilespmem:s26+$0xFFFFFE50] =	vst v4;
	v53 =	vmov v12;
	v12 =	vor.u32 v12, v1  }
0x778: {  	v5 =	vor.u32 v54, v0;
	v7 =	vld.idx.msk [tilespmem:v7+s12+$0x0], $0xffff;
	[tilespmem:s26+$0xFFFFFC40] =	vst v3  }
0x779: {  	v4 =	vld [tilespmem:$0x1FAB0]  }
0x77a: {  	v15 =	vld.idx.msk [tilespmem:v6+s12+$0x0], $0xffff  }
0x77b: {  	v3 =	vld.idx.msk [tilespmem:v11+s12+$0x0], $0xffff  }
0x77c: {  	v12 =	vld.idx.msk [tilespmem:v12+s12+$0x0], $0xffff  }
0x77d: {  	v5 =	vld.idx.msk [tilespmem:v5+s12+$0x0], $0xffff;
	[tilespmem:s25+$0xFFFFFFF0] =	vst v7  }
0x77e: {  	v11 =	vor.u32 v23, v1;
	v61 =	vmov v4;
	v14 =	vor.u32 v4, v1;
	v4 =	vld [tilespmem:$0x1FBB0];
	[tilespmem:s26+$0xFFFFFF50] =	vst v2  }
0x77f: {  	[tilespmem:s26+$0xFFFFFEE0] =	vst v9  }
0x780: {  	v10 =	vor.u32 v41, v1;
	[tilespmem:s26+$0xFFFFFDE0] =	vst v3  }
0x781: {  	v0 =	vor.u32 v31, v0;
	[tilespmem:s26+$0xFFFFFC50] =	vst v12  }
0x782: {  	v13 =	vor.u32 v27, v1;
	[tilespmem:s26+$0xFFFFFFE0] =	vst v15  }
0x783: {  	v7 =	vld.idx.msk [tilespmem:v11+s12+$0x0], $0xffff;
	[tilespmem:s25+$0xFFFFFC80] =	vst v5  }
0x784: {  	v45 =	vmovc v22;
	v50 =	vmov v47;
	v47 =	vmov v29;
	v11 =	vld [tilespmem:$0x1FAE0];
	v16 =	vor.u32 v4, v1  }
0x785: {  	v29 =	vmovc v49;
	v49 =	vmovc v55;
	v55 =	vmov v63;
	v63 =	vmov v56;
	v56 =	vmov v28;
	v6 =	vld.idx.msk [tilespmem:v10+s12+$0x0], $0xffff  }
0x786: {  	v22 =	vmovc v62;
	v28 =	vmovc v23;
	v62 =	vmov v27;
	v27 =	vmov v39;
	v23 =	vmov v41;
	v8 =	vld.idx.msk [tilespmem:v0+s12+$0x0], $0xffff  }
0x787: {  	v10 =	vor.u32 v60, v1;
	v0 =	vor.u32 v39, v1;
	v12 =	vor.u32 v46, v1;
	v2 =	vld.idx.msk [tilespmem:v13+s12+$0x0], $0xffff  }
0x788: {  	v39 =	vmovc v59;
	v9 =	vor.u32 v52, v1;
	v41 =	vmov v4;
	v4 =	vor.u32 v59, v1;
	v3 =	vld.idx.msk [tilespmem:v14+s12+$0x0], $0xffff  }
0x789: {  	s28 =	simm.s32 $0x10;
	v59 =	vmovc v46;
	v46 =	vmovc v60;
	v60 =	vmov v52;
	v52 =	vmov v11;
	v11 =	vor.u32 v11, v1;
	v5 =	vld.idx.msk [tilespmem:v16+s12+$0x0], $0xffff  }
.LBB2_13:
0x78a: {  	_ =	sdelay $0x2  }
0x78b: {  	v12 =	vld.idx.msk [tilespmem:v12+s12+$0x0], $0xffff  }
0x78c: {  	v4 =	vld.idx.msk [tilespmem:v4+s12+$0x0], $0xffff  }
0x78d: {  	v13 =	vmov s28;
	v16 =	vld [tilespmem:$0x1FA00];
	[tilespmem:s25+$0x0] =	vst v8  }
0x78e: {  	v8 =	vshrl.u32 v13, $0x3;
	v13 =	vld [tilespmem:$0x1F8F0];
	[tilespmem:s26+$0xFFFFFF60] =	vst v7  }
0x78f: {  	[tilespmem:s26+$0xFFFFFDF0] =	vst v3;
	v3 =	vld [tilespmem:$0x1F900]  }
0x790: {  	[tilespmem:s26+$0xFFFFFEF0] =	vst v2;
	v10 =	vld.idx.msk [tilespmem:v10+s12+$0x0], $0xffff  }
0x791: {  	[tilespmem:s26+$0xFFFFFE60] =	vst v6;
	v6 =	vld.idx.msk [tilespmem:v9+s12+$0x0], $0xffff  }
0x792: {  	v9 =	vld.idx.msk [tilespmem:v11+s12+$0x0], $0xffff  }
0x793: {  	[tilespmem:s26+$0xFFFFFC60] =	vst v5;
	v5 =	vld.idx.msk [tilespmem:v0+s12+$0x0], $0xffff  }
0x794: {  	v7 =	vshll.u32 v8, $0x3;
	v8 =	vor.u32 v17, v1;
	v0 =	vld [tilespmem:$0x1F9E0]  }
0x795: {  	[tilespmem:s26+$0xFFFFFCD0] =	vst v12;
	v12 =	vld [tilespmem:$0x1FA80]  }
0x796: {  	v17 =	vor.u32 v18, v1;
	v18 =	vld [tilespmem:$0x1FA90]  }
0x797: {  	v2 =	vbroadcast v7, $0x0;
	v7 =	vor.u32 v20, v1;
	v20 =	vld [tilespmem:$0x1FA70]  }
0x798: {  	[tilespmem:s26+$0xFFFFFD50] =	vst v4;
	v4 =	vor.u32 v21, v1;
	v11 =	vor.u32 v3, v1;
	v3 =	vld [tilespmem:$0x1F9D0]  }
0x799: {  	v13 =	vor.u32 v13, v1;
	v8 =	vld.idx.msk [tilespmem:v8+s12+$0x0], $0xffff  }
0x79a: {  	[tilespmem:s26+$0xFFFFFF70] =	vst v10;
	v10 =	vld [tilespmem:$0x1FA20]  }
0x79b: {  	v15 =	vor.u32 v0, v2;
	[tilespmem:s26+$0xFFFFFE00] =	vst v5;
	v5 =	vld [tilespmem:$0x1FA50]  }
0x79c: {  	[tilespmem:s26+$0xFFFFFE70] =	vst v9;
	v7 =	vld.idx.msk [tilespmem:v7+s12+$0x0], $0xffff  }
0x79d: {  	v12 =	vor.u32 v12, v2;
	v4 =	vld.idx.msk [tilespmem:v4+s12+$0x0], $0xffff  }
0x79e: {  	v13 =	vld.idx.msk [tilespmem:v13+s12+$0x0], $0xffff  }
0x79f: {  	[tilespmem:s26+$0xFFFFFF00] =	vst v6;
	v6 =	vld.idx.msk [tilespmem:v11+s12+$0x0], $0xffff  }
0x7a0: {  	v9 =	vld.idx.msk [tilespmem:v15+s12+$0x0], $0xffff  }
0x7a1: {  	v18 =	vor.u32 v18, v1;
	v15 =	vld [tilespmem:$0x1FA40]  }
0x7a2: {  	v14 =	vor.u32 v3, v2;
	v12 =	vld.idx.msk [tilespmem:v12+s12+$0x0], $0xffff  }
0x7a3: {  	[tilespmem:s26+$0xFFFFFCE0] =	vst v8;
	v8 =	vld [tilespmem:$0x1F740]  }
0x7a4: {  	v17 =	vld.idx.msk [tilespmem:v17+s12+$0x0], $0xffff  }
0x7a5: {  	v16 =	vor.u32 v16, v2;
	[tilespmem:s26+$0xFFFFFD60] =	vst v7;
	v7 =	vld [tilespmem:$0x1F750]  }
0x7a6: {  	v18 =	vld.idx.msk [tilespmem:v18+s12+$0x0], $0xffff  }
0x7a7: {  	v10 =	vor.u32 v10, v2;
	v11 =	vld.idx.msk [tilespmem:v14+s12+$0x0], $0xffff  }
0x7a8: {  	v14 =	vld [tilespmem:$0x1FA30]  }
0x7a9: {  	s25 =	smov.u32 s26;
	[tilespmem:s26+$0xFFFFFC70] =	vst v13;
	v13 =	vld [tilespmem:$0x1FA60]  }
0x7aa: {  	v5 =	vor.u32 v5, v2;
	[tilespmem:s25+$0xFFFFFF80] =	vst v6;
	v6 =	vld.idx.msk [tilespmem:v16+s12+$0x0], $0xffff  }
0x7ab: {  	s26 =	sadd.s32 $0x800, s26;
	v16 =	vld [tilespmem:$0x1F770]  }
0x7ac: {  	v15 =	vor.u32 v15, v2;
	[tilespmem:s26+$0xFFFFFC90] =	vst v9;
	v9 =	vld.idx.msk [tilespmem:v10+s12+$0x0], $0xffff  }
0x7ad: {  	v8 =	vor.u32 v8, v2;
	v10 =	vld [tilespmem:$0x1FAA0]  }
0x7ae: {  	[tilespmem:s26+$0xFFFFFD10] =	vst v12;
	v12 =	vld [tilespmem:$0x1FB00];
	v7 =	vor.u32 v7, v2  }
0x7af: {  	[tilespmem:s25+$0xFFFFFE80] =	vst v4;
	v5 =	vld.idx.msk [tilespmem:v5+s12+$0x0], $0xffff;
	v14 =	vor.u32 v14, v2  }
0x7b0: {  	[tilespmem:s26+$0xFFFFFC10] =	vst v11;
	v11 =	vld [tilespmem:$0x1FAD0];
	v16 =	vor.u32 v16, v1  }
0x7b1: {  	[tilespmem:s25+$0xFFFFFD70] =	vst v18;
	v13 =	vor.u32 v13, v2;
	v4 =	vld.idx.msk [tilespmem:v15+s12+$0x0], $0xffff  }
0x7b2: {  	v20 =	vor.u32 v20, v2;
	[tilespmem:s26+$0xFFFFFD90] =	vst v6;
	v8 =	vld.idx.msk [tilespmem:v8+s12+$0x0], $0xffff  }
0x7b3: {  	v12 =	vor.u32 v12, v2;
	v7 =	vld.idx.msk [tilespmem:v7+s12+$0x0], $0xffff  }
0x7b4: {  	[tilespmem:s25+$0xFFFFFCF0] =	vst v17;
	v14 =	vld.idx.msk [tilespmem:v14+s12+$0x0], $0xffff  }
0x7b5: {  	v19 =	vor.u32 v34, v2;
	v16 =	vld.idx.msk [tilespmem:v16+s12+$0x0], $0xffff  }
0x7b6: {  	v6 =	vor.u32 v51, v2;
	[tilespmem:s26+$0xFFFFFF90] =	vst v5;
	v13 =	vld.idx.msk [tilespmem:v13+s12+$0x0], $0xffff  }
0x7b7: {  	v17 =	vor.u32 v33, v2;
	[tilespmem:s26+$0xFFFFFF10] =	vst v4;
	v4 =	vld.idx.msk [tilespmem:v20+s12+$0x0], $0xffff  }
0x7b8: {  	v11 =	vor.u32 v11, v2;
	v12 =	vld.idx.msk [tilespmem:v12+s12+$0x0], $0xffff  }
0x7b9: {  	v10 =	vor.u32 v10, v2;
	[tilespmem:s26+$0xFFFFFE10] =	vst v9;
	v20 =	vld [tilespmem:$0x1FBD0]  }
0x7ba: {  	v5 =	vor.u32 v26, v2;
	[tilespmem:s26+$0xFFFFFDA0] =	vst v7;
	v19 =	vld.idx.msk [tilespmem:v19+s12+$0x0], $0xffff  }
0x7bb: {  	[tilespmem:s26+$0xFFFFFD20] =	vst v8;
	v6 =	vld.idx.msk [tilespmem:v6+s12+$0x0], $0xffff  }
0x7bc: {  	v7 =	vor.u32 v25, v2;
	v17 =	vld.idx.msk [tilespmem:v17+s12+$0x0], $0xffff;
	[tilespmem:s26+$0xFFFFFE90] =	vst v14  }
0x7bd: {  	v11 =	vld.idx.msk [tilespmem:v11+s12+$0x0], $0xffff;
	[tilespmem:s25+$0xFFFFFD00] =	vst v16;
	v16 =	vor.u32 v50, v2  }
0x7be: {  	v9 =	vor.u32 v30, v2;
	v10 =	vld.idx.msk [tilespmem:v10+s12+$0x0], $0xffff;
	[tilespmem:s26+$0xFFFFFFA0] =	vst v12  }
0x7bf: {  	v20 =	vor.u32 v20, v1;
	v5 =	vld.idx.msk [tilespmem:v5+s12+$0x0], $0xffff;
	[tilespmem:s26+$0xFFFFFF20] =	vst v19  }
0x7c0: {  	v14 =	vor.u32 v44, v2;
	v19 =	vld [tilespmem:$0x1FB50];
	[tilespmem:s26+$0xFFFFFDB0] =	vst v6  }
0x7c1: {  	[tilespmem:s26+$0xFFFFFCA0] =	vst v4;
	v7 =	vld.idx.msk [tilespmem:v7+s12+$0x0], $0xffff  }
0x7c2: {  	v12 =	vor.u32 v29, v2;
	[tilespmem:s26+$0xFFFFFE20] =	vst v11;
	v16 =	vld.idx.msk [tilespmem:v16+s12+$0x0], $0xffff  }
0x7c3: {  	v3 =	vor.u32 v58, v2;
	v9 =	vld.idx.msk [tilespmem:v9+s12+$0x0], $0xffff  }
0x7c4: {  	v18 =	vor.u32 v47, v2;
	[tilespmem:s26+$0xFFFFFEA0] =	vst v10;
	v6 =	vld.idx.msk [tilespmem:v20+s12+$0x0], $0xffff  }
0x7c5: {  	v15 =	vor.u32 v35, v2;
	[tilespmem:s26+$0xFFFFFC20] =	vst v13;
	v14 =	vld.idx.msk [tilespmem:v14+s12+$0x0], $0xffff  }
0x7c6: {  	v10 =	vor.u32 v36, v2;
	v20 =	vld [tilespmem:$0x1FA10];
	[tilespmem:s26+$0xFFFFFFB0] =	vst v5  }
0x7c7: {  	v8 =	vor.u32 v24, v2;
	v12 =	vld.idx.msk [tilespmem:v12+s12+$0x0], $0xffff;
	[tilespmem:s26+$0xFFFFFDC0] =	vst v7  }
0x7c8: {  	v13 =	vor.u32 v55, v2;
	[tilespmem:s26+$0xFFFFFD30] =	vst v17;
	v3 =	vld.idx.msk [tilespmem:v3+s12+$0x0], $0xffff  }
0x7c9: {  	v11 =	vor.u32 v49, v2;
	[tilespmem:s26+$0xFFFFFE30] =	vst v9;
	v9 =	vld.idx.msk [tilespmem:v18+s12+$0x0], $0xffff  }
0x7ca: {  	v7 =	vor.u32 v57, v2;
	[tilespmem:s26+$0xFFFFFEB0] =	vst v14;
	v14 =	vld.idx.msk [tilespmem:v15+s12+$0x0], $0xffff  }
0x7cb: {  	v21 =	vor.u32 v43, v2;
	[tilespmem:s25+$0xFFFFFD80] =	vst v6;
	v10 =	vld.idx.msk [tilespmem:v10+s12+$0x0], $0xffff  }
0x7cc: {  	[tilespmem:s26+$0xFFFFFCB0] =	vst v16;
	v8 =	vld.idx.msk [tilespmem:v8+s12+$0x0], $0xffff  }
0x7cd: {  	v5 =	vor.u32 v40, v2;
	v13 =	vld.idx.msk [tilespmem:v13+s12+$0x0], $0xffff;
	[tilespmem:s26+$0xFFFFFFC0] =	vst v12  }
0x7ce: {  	v6 =	vor.u32 v48, v2;
	v11 =	vld.idx.msk [tilespmem:v11+s12+$0x0], $0xffff;
	[tilespmem:s26+$0xFFFFFF30] =	vst v9  }
0x7cf: {  	v7 =	vld.idx.msk [tilespmem:v7+s12+$0x0], $0xffff;
	v9 =	vor.u32 v63, v2;
	[tilespmem:s26+$0xFFFFFC30] =	vst v14  }
0x7d0: {  	v14 =	vor.u32 v19, v1;
	[tilespmem:s26+$0xFFFFFEC0] =	vst v10;
	v10 =	vld.idx.msk [tilespmem:v21+s12+$0x0], $0xffff  }
0x7d1: {  	[tilespmem:s26+$0xFFFFFD40] =	vst v8;
	v8 =	vor.u32 v42, v2;
	v21 =	vld [tilespmem:$0x1FB20]  }
0x7d2: {  	v15 =	vor.u32 v45, v2;
	v5 =	vld.idx.msk [tilespmem:v5+s12+$0x0], $0xffff  }
0x7d3: {  	[tilespmem:s26+$0xFFFFFE40] =	vst v11;
	v11 =	vor.u32 v56, v2;
	v6 =	vld.idx.msk [tilespmem:v6+s12+$0x0], $0xffff  }
0x7d4: {  	v0 =	vor.u32 v27, v2;
	v12 =	vor.u32 v53, v2;
	[tilespmem:s26+$0xFFFFFDD0] =	vst v3;
	v3 =	vld.idx.msk [tilespmem:v9+s12+$0x0], $0xffff  }
0x7d5: {  	v4 =	vor.u32 v39, v2;
	v9 =	vor.u32 v54, v1;
	[tilespmem:s26+$0xFFFFFF40] =	vst v10;
	v10 =	vld.idx.msk [tilespmem:v14+s12+$0x0], $0xffff  }
0x7d6: {  	[tilespmem:s26+$0xFFFFFCC0] =	vst v13;
	v13 =	vor.u32 v31, v1;
	v1 =	vmov v2;
	v14 =	vor.u32 v22, v2;
	v2 =	vld.idx.msk [tilespmem:v8+s12+$0x0], $0xffff  }
0x7d7: {  	[tilespmem:s26+$0xFFFFFED0] =	vst v5;
	v5 =	vld.idx.msk [tilespmem:v15+s12+$0x0], $0xffff  }
0x7d8: {  	[tilespmem:s26+$0xFFFFFC40] =	vst v6;
	v6 =	vor.u32 v28, v1;
	v11 =	vld.idx.msk [tilespmem:v11+s12+$0x0], $0xffff  }
0x7d9: {  	v16 =	vor.u32 v62, v1;
	[tilespmem:s26+$0xFFFFFFD0] =	vst v7;
	v15 =	vld.idx.msk [tilespmem:v12+s12+$0x0], $0xffff  }
0x7da: {  	[tilespmem:s26+$0xFFFFFE50] =	vst v3;
	v3 =	vor.u32 v23, v1;
	v17 =	vld.idx.msk [tilespmem:v9+s12+$0x0], $0xffff  }
0x7db: {  	v9 =	vor.u32 v61, v1;
	v14 =	vld.idx.msk [tilespmem:v14+s12+$0x0], $0xffff;
	[tilespmem:s25+$0xFFFFFFF0] =	vst v10  }
0x7dc: {  	[tilespmem:s26+$0xFFFFFF50] =	vst v5;
	v8 =	vld.idx.msk [tilespmem:v13+s12+$0x0], $0xffff  }
0x7dd: {  	v18 =	vor.u32 v41, v1;
	[tilespmem:s26+$0xFFFFFEE0] =	vst v11;
	v7 =	vld.idx.msk [tilespmem:v6+s12+$0x0], $0xffff  }
0x7de: {  	p0 =	slt.u32 s28, $0x38;
	[tilespmem:s26+$0xFFFFFDE0] =	vst v2;
	v2 =	vld.idx.msk [tilespmem:v16+s12+$0x0], $0xffff  }
.Ltmp5:
0x7df: {  	v6 =	vld.idx.msk [tilespmem:v3+s12+$0x0], $0xffff;
	(pc) =	sbr.rel @p0 .LBB2_13-.Ltmp5, $4  }
0x7e0: {  	[tilespmem:s26+$0xFFFFFC50] =	vst v15;
	v3 =	vld.idx.msk [tilespmem:v9+s12+$0x0], $0xffff  }
0x7e1: {  	[tilespmem:s25+$0xFFFFFC80] =	vst v17;
	v17 =	vld [tilespmem:$0x1F800]  }
0x7e2: {  	v12 =	vor.u32 v59, v1;
	v5 =	vld.idx.msk [tilespmem:v18+s12+$0x0], $0xffff  }
0x7e3: {  	s28 =	sadd.s32 $0x8, s28;
	v10 =	vor.u32 v46, v1;
	v11 =	vor.u32 v52, v1;
	v9 =	vor.u32 v60, v1;
	v18 =	vld [tilespmem:$0x1F7C0];
	[tilespmem:s26+$0xFFFFFFE0] =	vst v14  }
0x7e4: {  	_ =	sdelay $0x3  }
0x7e5: {  	v12 =	vld.idx.msk [tilespmem:v12+s12+$0x0], $0xffff  }
0x7e6: {  	v4 =	vld.idx.msk [tilespmem:v4+s12+$0x0], $0xffff;
	[tilespmem:s25+$0x0] =	vst v8  }
0x7e7: {  	[tilespmem:s26+$0xFFFFFF60] =	vst v7  }
0x7e8: {  	[tilespmem:s26+$0xFFFFFEF0] =	vst v2  }
0x7e9: {  	[tilespmem:s26+$0xFFFFFE60] =	vst v6  }
0x7ea: {  	[tilespmem:s26+$0xFFFFFCD0] =	vst v12  }
0x7eb: {  	v14 =	vor.u32 v20, v1;
	[tilespmem:s26+$0xFFFFFD50] =	vst v4  }
0x7ec: {  	v13 =	vor.u32 v17, v1;
	v6 =	vld [tilespmem:$0x1FA90]  }
0x7ed: {  	v8 =	vld.idx.msk [tilespmem:v10+s12+$0x0], $0xffff  }
0x7ee: {  	v9 =	vld.idx.msk [tilespmem:v9+s12+$0x0], $0xffff  }
0x7ef: {  	v10 =	vld [tilespmem:$0x1F8F0]  }
0x7f0: {  	v2 =	vld.idx.msk [tilespmem:v14+s12+$0x0], $0xffff  }
0x7f1: {  	[tilespmem:s26+$0xFFFFFDF0] =	vst v3;
	v7 =	vld.idx.msk [tilespmem:v13+s12+$0x0], $0xffff;
	v6 =	vor.u32 v6, v1  }
0x7f2: {  	v3 =	vld.idx.msk [tilespmem:v11+s12+$0x0], $0xffff;
	[tilespmem:s26+$0xFFFFFC60] =	vst v5  }
0x7f3: {  	v11 =	vld [tilespmem:$0x1F900]  }
0x7f4: {  	[tilespmem:s26+$0xFFFFFF70] =	vst v8;
	v10 =	vor.u32 v10, v1  }
0x7f5: {  	v5 =	vor.u32 v19, v1;
	v0 =	vld.idx.msk [tilespmem:v0+s12+$0x0], $0xffff;
	[tilespmem:s26+$0xFFFFFD60] =	vst v2  }
0x7f6: {  	v4 =	vor.u32 v18, v1;
	[tilespmem:s26+$0xFFFFFCE0] =	vst v7;
	v2 =	vld.idx.msk [tilespmem:v6+s12+$0x0], $0xffff  }
0x7f7: {  	v6 =	vld [tilespmem:$0x1F770];
	[tilespmem:s26+$0xFFFFFF00] =	vst v9  }
0x7f8: {  	v11 =	vor.u32 v11, v1;
	v9 =	vld [tilespmem:$0x1FBD0]  }
0x7f9: {  	v7 =	vor.u32 v21, v1;
	v8 =	vld.idx.msk [tilespmem:v10+s12+$0x0], $0xffff  }
0x7fa: {  	v5 =	vld.idx.msk [tilespmem:v5+s12+$0x0], $0xffff;
	[tilespmem:s26+$0xFFFFFE70] =	vst v3;
	v3 =	vor.u32 v54, v1  }
0x7fb: {  	v4 =	vld.idx.msk [tilespmem:v4+s12+$0x0], $0xffff;
	[tilespmem:s26+$0xFFFFFE00] =	vst v0;
	v0 =	vor.u32 v31, v1  }
0x7fc: {  	v6 =	vor.u32 v6, v1  }
0x7fd: {  	v10 =	vld.idx.msk [tilespmem:v11+s12+$0x0], $0xffff;
	v9 =	vor.u32 v9, v1  }
0x7fe: {  	[tilespmem:s26+$0xFFFFFC70] =	vst v8;
	v1 =	vld.idx.msk [tilespmem:v7+s12+$0x0], $0xffff  }
0x7ff: {  	[tilespmem:s26+$0xFFFFFFF0] =	vst v5;
	v3 =	vld.idx.msk [tilespmem:v3+s12+$0x0], $0xffff  }
0x800: {  	[tilespmem:s26+$0xFFFFFCF0] =	vst v4;
	v0 =	vld.idx.msk [tilespmem:v0+s12+$0x0], $0xffff  }
0x801: {  	s25 =	sshll.u32 s24, $0x1;
	[tilespmem:s26+$0xFFFFFD70] =	vst v2;
	v4 =	vld.idx.msk [tilespmem:v6+s12+$0x0], $0xffff  }
0x802: {  	s28 =	smin.u32 s25, $0x5F;
	[tilespmem:s26+$0xFFFFFF80] =	vst v10;
	v2 =	vld.idx.msk [tilespmem:v9+s12+$0x0], $0xffff  }
0x803: {  	s29 =	sshll.u32 s28, $0xA;
	[tilespmem:s26+$0xFFFFFE80] =	vst v1  }
0x804: {  	s29 =	sadd.s32 $0x1000, s29;
	[tilespmem:s26+$0xFFFFFC80] =	vst v3  }
0x805: {  	s28 =	sshll.u32 s28, $0x8;
	s29 =	sand.u32 $0x3F800, s29;
	[tilespmem:s26+$0x0] =	vst v0  }
0x806: {  	s28 =	sand.u32 $0x100, s28;
	s29 =	sshrl.u32 s29, $0x2;
	[tilespmem:s26+$0xFFFFFD00] =	vst v4  }
0x807: {  	[tilespmem:s26+$0xFFFFFD80] =	vst v2;
	s26 =	sor.u32 s28, s29  }
0x808: {  	[tilespmem:s12], [sflag:$0x1] =	stream.indirect.gather [hbm4b:s3+s11], $0x40, s26, s11, $0xb8;
	[tilespmem:$0x16400] =	vst v63  }
0x809: {  	s28 =	sshll.u32 s24, $0x11;
	s26 =	simm.s32 $0x0  }
0x80a: {  	v0 =	vmov s26;
	s26 =	sadd.s32 $0x20000, s28  }
0x80b: {  	s28 =	sadd.s32 s26, s5  }
0x80c: {  	[hbm4b:s28+s15] =	stream.strided.scatter [tilespmem:s17], [sflag:$0x3], $0x4000, s16, s15, $0x38;
	[tilespmem:$0x16400] =	vst v63  }
0x80d: {  	_ =	swait.ge [sflag:s18], $0x4000  }
0x80e: {  	v0 =	vshrl.u32 v0, $0x3;
	[sflag:s18] =	ssyncset.done $0x0  }
0x80f: {  	v0 =	vshll.u32 v0, $0x3;
	[sflag:s18] =	ssyncadd.s32 $0xFFFFC000  }
0x810: {  	v2 =	vbroadcast v0, $0x0;
	v15 =	vld [tilespmem:$0x1FD20];
	_ =	swait.ge [sflag:s22], $0x4000  }
0x811: {  	v19 =	vld [tilespmem:$0x1FEF0]  }
0x812: {  	v0 =	vor.u32 v32, v2;
	v20 =	vld [tilespmem:$0x1FD80]  }
0x813: {  	v21 =	vld [tilespmem:$0x1FDE0]  }
0x814: {  	v22 =	vld [tilespmem:$0x1FE80]  }
0x815: {  	[sflag:s22] =	ssyncset.done $0x0;
	v16 =	vld [tilespmem:$0x1FC70]  }
0x816: {  	v17 =	vld [tilespmem:$0x1FC00];
	[sflag:s22] =	ssyncadd.s32 $0xFFFFC000  }
0x817: {  	v1 =	vor.u32 v15, v2;
	v0 =	vld.idx.msk [tilespmem:v0+s13+$0x0], $0xffff  }
0x818: {  	v23 =	vld [tilespmem:$0x1FF40]  }
0x819: {  	v24 =	vld [tilespmem:$0x1FF00]  }
0x81a: {  	v25 =	vld [tilespmem:$0x1FDF0];
	v3 =	vor.u32 v19, v2  }
0x81b: {  	s28 =	simm.s32 $0x12600;
	v26 =	vld [tilespmem:$0x1FD90];
	v4 =	vor.u32 v20, v2  }
0x81c: {  	v5 =	vor.u32 v21, v2;
	v1 =	vld.idx.msk [tilespmem:v1+s13+$0x0], $0xffff;
	[tilespmem:s28+$0xFFFFFE00] =	vst v0  }
0x81d: {  	v6 =	vor.u32 v22, v2;
	v27 =	vld [tilespmem:$0x1FD30]  }
0x81e: {  	v7 =	vor.u32 v16, v2;
	v28 =	vld [tilespmem:$0x1FE30]  }
0x81f: {  	v8 =	vor.u32 v17, v2;
	v3 =	vld.idx.msk [tilespmem:v3+s13+$0x0], $0xffff  }
0x820: {  	v9 =	vor.u32 v23, v2;
	v4 =	vld.idx.msk [tilespmem:v4+s13+$0x0], $0xffff  }
0x821: {  	v5 =	vld.idx.msk [tilespmem:v5+s13+$0x0], $0xffff  }
0x822: {  	v10 =	vor.u32 v24, v2;
	v6 =	vld.idx.msk [tilespmem:v6+s13+$0x0], $0xffff  }
0x823: {  	v0 =	vld.idx.msk [tilespmem:v7+s13+$0x0], $0xffff  }
0x824: {  	v11 =	vor.u32 v25, v2;
	v8 =	vld.idx.msk [tilespmem:v8+s13+$0x0], $0xffff  }
0x825: {  	v9 =	vld.idx.msk [tilespmem:v9+s13+$0x0], $0xffff;
	[tilespmem:s28+$0x100] =	vst v3  }
0x826: {  	v12 =	vor.u32 v26, v2;
	v29 =	vld [tilespmem:$0x1FE90];
	[tilespmem:s28+$0xFFFFFF80] =	vst v5  }
0x827: {  	v10 =	vld.idx.msk [tilespmem:v10+s13+$0x0], $0xffff;
	[tilespmem:s28+$0xFFFFFF00] =	vst v4  }
0x828: {  	v7 =	vor.u32 v27, v2;
	v30 =	vld [tilespmem:$0x1FF10]  }
0x829: {  	v5 =	vld.idx.msk [tilespmem:v11+s13+$0x0], $0xffff  }
0x82a: {  	v13 =	vor.u32 v28, v2;
	v18 =	vld [tilespmem:$0x1FC40]  }
0x82b: {  	[tilespmem:s28+$0xFFFFFE80] =	vst v1;
	v1 =	vld.idx.msk [tilespmem:v12+s13+$0x0], $0xffff  }
0x82c: {  	v31 =	vld [tilespmem:$0x1FDA0]  }
0x82d: {  	[tilespmem:s28+$0x0] =	vst v0;
	v7 =	vld.idx.msk [tilespmem:v7+s13+$0x0], $0xffff  }
0x82e: {  	v33 =	vld [tilespmem:$0x1FD40]  }
0x82f: {  	[tilespmem:s28+$0x80] =	vst v6;
	v6 =	vld.idx.msk [tilespmem:v13+s13+$0x0], $0xffff  }
0x830: {  	v34 =	vld [tilespmem:$0x1FE40];
	v3 =	vor.u32 v29, v2;
	[tilespmem:s28+$0x110] =	vst v10  }
0x831: {  	v35 =	vld [tilespmem:$0x1FEA0];
	[tilespmem:s28+$0xFFFFFF90] =	vst v5  }
0x832: {  	v4 =	vor.u32 v30, v2;
	v36 =	vld [tilespmem:$0x1FF20];
	[tilespmem:s28+$0xFFFFFF10] =	vst v1  }
0x833: {  	v11 =	vor.u32 v18, v2;
	v39 =	vld [tilespmem:$0x1FE00];
	[tilespmem:s28+$0xFFFFFE90] =	vst v7  }
0x834: {  	v12 =	vor.u32 v31, v2;
	v40 =	vld [tilespmem:$0x1FCF0]  }
0x835: {  	v0 =	vor.u32 v33, v2;
	[tilespmem:s28+$0x10] =	vst v6;
	v3 =	vld.idx.msk [tilespmem:v3+s13+$0x0], $0xffff  }
0x836: {  	v13 =	vor.u32 v34, v2;
	v41 =	vld [tilespmem:$0x1FDB0]  }
0x837: {  	v4 =	vld.idx.msk [tilespmem:v4+s13+$0x0], $0xffff  }
0x838: {  	v10 =	vor.u32 v35, v2;
	v11 =	vld.idx.msk [tilespmem:v11+s13+$0x0], $0xffff  }
0x839: {  	v7 =	vld.idx.msk [tilespmem:v12+s13+$0x0], $0xffff  }
0x83a: {  	s29 =	simm.s32 $0x8;
	v5 =	vor.u32 v36, v2;
	v0 =	vld.idx.msk [tilespmem:v0+s13+$0x0], $0xffff  }
0x83b: {  	v1 =	vmov s29;
	v14 =	vor.u32 v39, v2;
	[tilespmem:s28+$0x90] =	vst v3;
	v3 =	vld.idx.msk [tilespmem:v13+s13+$0x0], $0xffff  }
0x83c: {  	v1 =	vshrl.u32 v1, $0x3;
	v43 =	vld [tilespmem:$0x1FE50]  }
0x83d: {  	v1 =	vshll.u32 v1, $0x3;
	v6 =	vor.u32 v41, v2;
	v10 =	vld.idx.msk [tilespmem:v10+s13+$0x0], $0xffff;
	[tilespmem:s28+$0x120] =	vst v4  }
0x83e: {  	v1 =	vbroadcast v1, $0x0;
	v12 =	vor.u32 v40, v2;
	v42 =	vld [tilespmem:$0x1FF50]  }
0x83f: {  	v5 =	vld.idx.msk [tilespmem:v5+s13+$0x0], $0xffff;
	[tilespmem:s28+$0xFFFFFFA0] =	vst v11  }
0x840: {  	[tilespmem:s28+$0xFFFFFE10] =	vst v8;
	v11 =	vor.u32 v32, v1;
	v8 =	vld.idx.msk [tilespmem:v14+s13+$0x0], $0xffff  }
0x841: {  	v32 =	vld [tilespmem:$0x1FD50];
	[tilespmem:s28+$0xFFFFFF20] =	vst v7  }
0x842: {  	[tilespmem:s28+$0x20] =	vst v3;
	v3 =	vld.idx.msk [tilespmem:v6+s13+$0x0], $0xffff;
	v6 =	vor.u32 v15, v1  }
0x843: {  	[tilespmem:s28+$0x180] =	vst v9;
	v7 =	vld.idx.msk [tilespmem:v12+s13+$0x0], $0xffff;
	v13 =	vor.u32 v43, v2  }
0x844: {  	v44 =	vld [tilespmem:$0x1FEB0]  }
0x845: {  	[tilespmem:s28+$0xFFFFFEA0] =	vst v0;
	v0 =	vld.idx.msk [tilespmem:v11+s13+$0x0], $0xffff  }
0x846: {  	v46 =	vld [tilespmem:$0x1FDC0]  }
0x847: {  	[tilespmem:s28+$0x130] =	vst v5;
	v14 =	vor.u32 v32, v2;
	v5 =	vld.idx.msk [tilespmem:v6+s13+$0x0], $0xffff  }
0x848: {  	v9 =	vld.idx.msk [tilespmem:v13+s13+$0x0], $0xffff;
	v13 =	vor.u32 v20, v1  }
0x849: {  	v12 =	vor.u32 v19, v1;
	v6 =	vld [tilespmem:$0x1FCC0];
	[tilespmem:s28+$0xA0] =	vst v10  }
0x84a: {  	v4 =	vor.u32 v42, v2;
	[tilespmem:s28+$0xFFFFFE20] =	vst v7  }
0x84b: {  	v54 =	vld [tilespmem:$0x1FE60]  }
0x84c: {  	v15 =	vor.u32 v44, v2;
	v14 =	vld.idx.msk [tilespmem:v14+s13+$0x0], $0xffff  }
0x84d: {  	s30 =	simm.s32 $0x12E00;
	[tilespmem:s28+$0xFFFFFF30] =	vst v3;
	v11 =	vor.u32 v46, v2;
	v13 =	vld.idx.msk [tilespmem:v13+s13+$0x0], $0xffff  }
0x84e: {  	v12 =	vld.idx.msk [tilespmem:v12+s13+$0x0], $0xffff;
	[tilespmem:s30+$0xFFFFFE00] =	vst v0  }
0x84f: {  	v10 =	vor.u32 v22, v1;
	v4 =	vld.idx.msk [tilespmem:v4+s13+$0x0], $0xffff;
	[tilespmem:s28+$0x30] =	vst v9  }
0x850: {  	v7 =	vor.u32 v16, v1;
	v49 =	vld [tilespmem:$0x1FF60];
	[tilespmem:s30+$0xFFFFFE80] =	vst v5  }
0x851: {  	v6 =	vor.u32 v6, v2;
	v3 =	vld.idx.msk [tilespmem:v15+s13+$0x0], $0xffff;
	[tilespmem:s28+$0xFFFFFEB0] =	vst v14  }
0x852: {  	v16 =	vor.u32 v54, v2;
	v9 =	vld.idx.msk [tilespmem:v11+s13+$0x0], $0xffff;
	[tilespmem:s30+$0xFFFFFF00] =	vst v13  }
0x853: {  	v15 =	vor.u32 v17, v1;
	v47 =	vld [tilespmem:$0x1FC10]  }
0x854: {  	v10 =	vld.idx.msk [tilespmem:v10+s13+$0x0], $0xffff  }
0x855: {  	v5 =	vld.idx.msk [tilespmem:v7+s13+$0x0], $0xffff;
	v7 =	vor.u32 v27, v1  }
0x856: {  	v14 =	vor.u32 v26, v1;
	v0 =	vld.idx.msk [tilespmem:v6+s13+$0x0], $0xffff;
	[tilespmem:s28+$0x190] =	vst v4  }
0x857: {  	v13 =	vld.idx.msk [tilespmem:v16+s13+$0x0], $0xffff;
	[tilespmem:s28+$0xFFFFFF40] =	vst v9  }
0x858: {  	v16 =	vld.idx.msk [tilespmem:v15+s13+$0x0], $0xffff;
	[tilespmem:s28+$0xB0] =	vst v3;
	v15 =	vor.u32 v47, v2  }
0x859: {  	[tilespmem:s30+$0x80] =	vst v10  }
0x85a: {  	v7 =	vld.idx.msk [tilespmem:v7+s13+$0x0], $0xffff;
	[tilespmem:s30+$0x100] =	vst v12  }
0x85b: {  	v6 =	vor.u32 v49, v2;
	v14 =	vld.idx.msk [tilespmem:v14+s13+$0x0], $0xffff;
	[tilespmem:s28+$0x140] =	vst v0  }
0x85c: {  	v4 =	vor.u32 v29, v1;
	v9 =	vor.u32 v21, v1;
	v21 =	vld [tilespmem:$0x1FC50]  }
0x85d: {  	v10 =	vor.u32 v31, v1;
	[tilespmem:s28+$0x40] =	vst v13;
	v12 =	vld.idx.msk [tilespmem:v15+s13+$0x0], $0xffff  }
0x85e: {  	v27 =	vld [tilespmem:$0x1FEC0];
	[tilespmem:s30+$0x0] =	vst v5  }
0x85f: {  	v11 =	vor.u32 v23, v1;
	v23 =	vld [tilespmem:$0x1FD60];
	[tilespmem:s28+$0xFFFFFFB0] =	vst v8  }
0x860: {  	v3 =	vld.idx.msk [tilespmem:v6+s13+$0x0], $0xffff;
	[tilespmem:s30+$0xFFFFFF10] =	vst v14  }
0x861: {  	v6 =	vor.u32 v24, v1;
	v4 =	vld.idx.msk [tilespmem:v4+s13+$0x0], $0xffff;
	[tilespmem:s30+$0xFFFFFE90] =	vst v7  }
0x862: {  	v7 =	vld.idx.msk [tilespmem:v10+s13+$0x0], $0xffff;
	v15 =	vor.u32 v21, v2;
	[tilespmem:s28+$0xFFFFFE30] =	vst v12  }
0x863: {  	v13 =	vor.u32 v27, v2;
	v10 =	vld [tilespmem:$0x1FD00]  }
0x864: {  	v11 =	vld.idx.msk [tilespmem:v11+s13+$0x0], $0xffff  }
0x865: {  	v0 =	vor.u32 v28, v1;
	v9 =	vld.idx.msk [tilespmem:v9+s13+$0x0], $0xffff  }
0x866: {  	v6 =	vld.idx.msk [tilespmem:v6+s13+$0x0], $0xffff;
	v5 =	vor.u32 v23, v2  }
0x867: {  	v8 =	vor.u32 v33, v1;
	v12 =	vld.idx.msk [tilespmem:v15+s13+$0x0], $0xffff  }
0x868: {  	[tilespmem:s30+$0x90] =	vst v4;
	v4 =	vld.idx.msk [tilespmem:v13+s13+$0x0], $0xffff;
	v10 =	vor.u32 v10, v2  }
0x869: {  	v13 =	vld [tilespmem:$0x1FF30]  }
0x86a: {  	v14 =	vor.u32 v30, v1;
	v0 =	vld.idx.msk [tilespmem:v0+s13+$0x0], $0xffff;
	[tilespmem:s30+$0x180] =	vst v11  }
0x86b: {  	v5 =	vld.idx.msk [tilespmem:v5+s13+$0x0], $0xffff;
	[tilespmem:s30+$0x110] =	vst v6  }
0x86c: {  	v15 =	vld.idx.msk [tilespmem:v8+s13+$0x0], $0xffff;
	[tilespmem:s28+$0x1A0] =	vst v3  }
0x86d: {  	[tilespmem:s30+$0xFFFFFE10] =	vst v16;
	v3 =	vld.idx.msk [tilespmem:v10+s13+$0x0], $0xffff  }
0x86e: {  	v13 =	vor.u32 v13, v2;
	v10 =	vld [tilespmem:$0x1FFE0];
	[tilespmem:s28+$0xFFFFFFC0] =	vst v12  }
0x86f: {  	v8 =	vld.idx.msk [tilespmem:v14+s13+$0x0], $0xffff;
	[tilespmem:s30+$0x10] =	vst v0  }
0x870: {  	v0 =	vld [tilespmem:$0x1FFF0];
	[tilespmem:s28+$0xFFFFFEC0] =	vst v5  }
0x871: {  	v6 =	vor.u32 v35, v1;
	v5 =	vld [tilespmem:$0x1FCD0]  }
0x872: {  	v11 =	vor.u32 v37, v2;
	v58 =	vld [tilespmem:$0x1FF70];
	[tilespmem:s28+$0xC0] =	vst v4  }
0x873: {  	v17 =	vor.u32 v34, v1;
	v12 =	vld.idx.msk [tilespmem:v13+s13+$0x0], $0xffff;
	[tilespmem:s30+$0xFFFFFF80] =	vst v9  }
0x874: {  	v4 =	vld [tilespmem:$0x1FFD0];
	[tilespmem:s28+$0xFFFFFE40] =	vst v3  }
0x875: {  	v10 =	vor.u32 v10, v2;
	v3 =	vld [tilespmem:$0x1FED0]  }
0x876: {  	v20 =	vld.idx.msk [tilespmem:v6+s13+$0x0], $0xffff  }
0x877: {  	v11 =	vld.idx.msk [tilespmem:v11+s13+$0x0], $0xffff;
	v0 =	vor.u32 v0, v2  }
0x878: {  	v14 =	vor.u32 v25, v1;
	v13 =	vld.idx.msk [tilespmem:v17+s13+$0x0], $0xffff  }
0x879: {  	v9 =	vld [tilespmem:$0x1FC80];
	[tilespmem:s28+$0x150] =	vst v12;
	v4 =	vor.u32 v4, v2  }
0x87a: {  	[tilespmem:s30+$0xFFFFFF20] =	vst v7;
	v6 =	vld.idx.msk [tilespmem:v10+s13+$0x0], $0xffff;
	v3 =	vor.u32 v3, v2  }
0x87b: {  	v7 =	vld [tilespmem:$0x1FD70]  }
0x87c: {  	v0 =	vld.idx.msk [tilespmem:v0+s13+$0x0], $0xffff  }
0x87d: {  	[tilespmem:s28+$0xFFFFFFD0] =	vst v11;
	v10 =	vld.idx.msk [tilespmem:v14+s13+$0x0], $0xffff  }
0x87e: {  	[tilespmem:s30+$0x20] =	vst v13;
	v13 =	vld.idx.msk [tilespmem:v4+s13+$0x0], $0xffff  }
0x87f: {  	v5 =	vor.u32 v5, v2;
	[tilespmem:s28+$0xFFFFFED0] =	vst v6;
	v19 =	vld.idx.msk [tilespmem:v3+s13+$0x0], $0xffff  }
0x880: {  	v3 =	vld [tilespmem:$0x1FC60];
	[tilespmem:s30+$0x120] =	vst v8  }
0x881: {  	v14 =	vor.u32 v9, v2;
	v4 =	vld [tilespmem:$0x1FFA0];
	[tilespmem:s28+$0xFFFFFF50] =	vst v0  }
0x882: {  	v0 =	vld [tilespmem:$0x1FEE0];
	_ =	sdelay $0x1  }
0x883: {  	v12 =	vld.idx.msk [tilespmem:v5+s13+$0x0], $0xffff  }
0x884: {  	v16 =	vor.u32 v58, v2  }
0x885: {  	v22 =	vld.idx.msk [tilespmem:v14+s13+$0x0], $0xffff  }
0x886: {  	v14 =	vor.u32 v0, v2;
	v0 =	vld [tilespmem:$0x1FD10]  }
0x887: {  	v7 =	vor.u32 v7, v2  }
0x888: {  	v17 =	vor.u32 v36, v1;
	[tilespmem:s28+$0x160] =	vst v12  }
0x889: {  	v11 =	vld.idx.msk [tilespmem:v16+s13+$0x0], $0xffff;
	v16 =	vor.u32 v38, v2;
	[tilespmem:s30+$0xFFFFFF90] =	vst v10  }
0x88a: {  	v18 =	vor.u32 v18, v1;
	v10 =	vld [tilespmem:$0x1FFC0]  }
0x88b: {  	v8 =	vor.u32 v4, v2;
	v4 =	vor.u32 v21, v1;
	v21 =	vor.u32 v0, v2;
	v0 =	vld [tilespmem:$0x1FFB0]  }
0x88c: {  	v7 =	vld.idx.msk [tilespmem:v7+s13+$0x0], $0xffff  }
0x88d: {  	v61 =	vmov v23;
	v5 =	vor.u32 v23, v1;
	v23 =	vld.idx.msk [tilespmem:v17+s13+$0x0], $0xffff  }
0x88e: {  	v26 =	vld.idx.msk [tilespmem:v16+s13+$0x0], $0xffff  }
0x88f: {  	v63 =	vmov v27;
	v16 =	vld.idx.msk [tilespmem:v18+s13+$0x0], $0xffff;
	[tilespmem:s28+$0x1B0] =	vst v11  }
0x890: {  	v24 =	vor.u32 v0, v2;
	v0 =	vor.u32 v27, v1;
	v27 =	vor.u32 v10, v2;
	v10 =	vld [tilespmem:$0x1FC90];
	[tilespmem:s28+$0xD0] =	vst v19  }
0x891: {  	v29 =	vld.idx.msk [tilespmem:v8+s13+$0x0], $0xffff;
	[tilespmem:s28+$0xFFFFFE50] =	vst v13  }
0x892: {  	[tilespmem:s28+$0xFFFFFEE0] =	vst v7  }
0x893: {  	v7 =	vld [tilespmem:$0x1FCE0];
	[tilespmem:s30+$0x130] =	vst v23  }
0x894: {  	v17 =	vld.idx.msk [tilespmem:v14+s13+$0x0], $0xffff;
	[tilespmem:s28+$0x50] =	vst v22  }
0x895: {  	v21 =	vld.idx.msk [tilespmem:v21+s13+$0x0], $0xffff;
	[tilespmem:s30+$0xFFFFFFA0] =	vst v16  }
0x896: {  	v16 =	vld [tilespmem:$0x1FC20];
	[tilespmem:s28+$0x1C0] =	vst v29  }
0x897: {  	v22 =	vld [tilespmem:$0x1FCB0];
	[tilespmem:s28+$0xFFFFFFE0] =	vst v26  }
0x898: {  	v26 =	vld [tilespmem:$0x1FE70]  }
0x899: {  	v59 =	vmov v43;
	v30 =	vor.u32 v39, v1;
	v14 =	vor.u32 v43, v1;
	v43 =	vld [tilespmem:$0x1FCA0]  }
0x89a: {  	v51 =	vmov v46;
	v13 =	vor.u32 v46, v1;
	v46 =	vld [tilespmem:$0x1FF80];
	v11 =	vor.u32 v10, v2  }
0x89b: {  	v60 =	vmov v25;
	v48 =	vmov v34;
	v52 =	vmov v35;
	v57 =	vld [tilespmem:$0x1FF90]  }
0x89c: {  	v50 =	vmovc v36;
	v45 =	vmovc v39;
	v56 =	vmov v41;
	v62 =	vmov v42;
	v25 =	vld.idx.msk [tilespmem:v24+s13+$0x0], $0xffff;
	v31 =	vor.u32 v7, v2  }
0x89d: {  	v53 =	vmovc v44;
	v55 =	vmov v49;
	v6 =	vor.u32 v44, v1;
	v9 =	vor.u32 v3, v2;
	v23 =	vld.idx.msk [tilespmem:v27+s13+$0x0], $0xffff  }
0x89e: {  	v3 =	vor.u32 v3, v1;
	v12 =	vor.u32 v32, v1;
	v28 =	vor.u32 v16, v2;
	v16 =	vld.idx.msk [tilespmem:v30+s13+$0x0], $0xffff  }
0x89f: {  	v44 =	vmovc v32;
	v18 =	vor.u32 v40, v1;
	v8 =	vor.u32 v49, v1;
	v49 =	vmov v54;
	v24 =	vld.idx.msk [tilespmem:v11+s13+$0x0], $0xffff  }
0x8a0: {  	v19 =	vor.u32 v41, v1;
	v10 =	vor.u32 v42, v1;
	v42 =	vmovc v40;
	v11 =	vor.u32 v54, v1;
	v54 =	vld [tilespmem:$0x1FC30]  }
0x8a1: {  	s31 =	simm.s32 $0x12E00;
	v7 =	vor.u32 v58, v1;
	v22 =	vor.u32 v22, v2;
	v26 =	vor.u32 v26, v2;
	v27 =	vld.idx.msk [tilespmem:v31+s13+$0x0], $0xffff  }
.LBB2_15:
0x8a2: {  	_ =	sdelay $0x1  }
0x8a3: {  	v18 =	vld.idx.msk [tilespmem:v18+s13+$0x0], $0xffff  }
0x8a4: {  	[tilespmem:s28+$0xFFFFFEF0] =	vst v25;
	v25 =	vld.idx.msk [tilespmem:v28+s13+$0x0], $0xffff  }
0x8a5: {  	s29 =	sadd.s32 $0x8, s29;
	v28 =	vor.u32 v46, v2;
	v30 =	vor.u32 v54, v2;
	v31 =	vld.idx.msk [tilespmem:v9+s13+$0x0], $0xffff;
	[tilespmem:s28+$0xFFFFFE60] =	vst v21  }
0x8a6: {  	v9 =	vor.u32 v43, v2;
	v21 =	vmov s29;
	[tilespmem:s28+$0x1D0] =	vst v27;
	v27 =	vor.u32 v57, v2;
	v2 =	vmovc v1;
	v1 =	vld [tilespmem:$0x1FDD0]  }
0x8a7: {  	v21 =	vshrl.u32 v21, $0x3  }
0x8a8: {  	[tilespmem:s28+$0xE0] =	vst v17;
	v17 =	vshll.u32 v21, $0x3  }
0x8a9: {  	v29 =	vbroadcast v17, $0x0;
	_ =	sdelay $0x1  }
0x8aa: {  	v32 =	vor.u32 v1, v29;
	v1 =	vld [tilespmem:$0x1FC40];
	_ =	sdelay $0x4  }
0x8ab: {  	v17 =	vor.u32 v1, v29;
	v1 =	vld [tilespmem:$0x1FC50];
	_ =	sdelay $0x4  }
0x8ac: {  	[tilespmem:s30+$0xA0] =	vst v20;
	v20 =	vor.u32 v1, v29;
	v1 =	vld [tilespmem:$0x1FD20];
	_ =	sdelay $0x4  }
0x8ad: {  	v33 =	vor.u32 v1, v29;
	v1 =	vld [tilespmem:$0x1FD30];
	_ =	sdelay $0x4  }
0x8ae: {  	v34 =	vor.u32 v1, v29;
	v1 =	vld [tilespmem:$0x1FD80];
	_ =	sdelay $0x2  }
0x8af: {  	v19 =	vld.idx.msk [tilespmem:v19+s13+$0x0], $0xffff  }
0x8b0: {  	v26 =	vld.idx.msk [tilespmem:v26+s13+$0x0], $0xffff  }
0x8b1: {  	[tilespmem:s30+$0xFFFFFE20] =	vst v18;
	v18 =	vor.u32 v1, v29;
	v1 =	vld [tilespmem:$0x1FE90]  }
0x8b2: {  	v14 =	vld.idx.msk [tilespmem:v14+s13+$0x0], $0xffff  }
0x8b3: {  	v41 =	vld [tilespmem:$0x1FE30]  }
0x8b4: {  	[tilespmem:s30+$0xFFFFFEA0] =	vst v15;
	v22 =	vld.idx.msk [tilespmem:v22+s13+$0x0], $0xffff  }
0x8b5: {  	v12 =	vld.idx.msk [tilespmem:v12+s13+$0x0], $0xffff  }
0x8b6: {  	v35 =	vor.u32 v1, v29;
	v1 =	vld [tilespmem:$0x1FDE0]  }
0x8b7: {  	[tilespmem:s28+$0x60] =	vst v24;
	v24 =	vld [tilespmem:$0x1FE80]  }
0x8b8: {  	[tilespmem:s28+$0x170] =	vst v23;
	v23 =	vld [tilespmem:$0x1FEF0]  }
0x8b9: {  	v28 =	vld.idx.msk [tilespmem:v28+s13+$0x0], $0xffff  }
0x8ba: {  	v40 =	vld.idx.msk [tilespmem:v10+s13+$0x0], $0xffff  }
0x8bb: {  	[tilespmem:s28+$0xFFFFFF60] =	vst v25;
	v25 =	vor.u32 v1, v29;
	v1 =	vld [tilespmem:$0x1FF00]  }
0x8bc: {  	v10 =	vld [tilespmem:$0x1FF40];
	[tilespmem:s28+$0xFFFFFFF0] =	vst v31  }
0x8bd: {  	v30 =	vld.idx.msk [tilespmem:v30+s13+$0x0], $0xffff;
	[tilespmem:s28+$0xF0] =	vst v22  }
0x8be: {  	[tilespmem:s30+$0xFFFFFF30] =	vst v19;
	v31 =	vld.idx.msk [tilespmem:v6+s13+$0x0], $0xffff  }
0x8bf: {  	v13 =	vld.idx.msk [tilespmem:v13+s13+$0x0], $0xffff  }
0x8c0: {  	v37 =	vor.u32 v1, v29;
	v1 =	vld [tilespmem:$0x1FC70]  }
0x8c1: {  	v19 =	vld.idx.msk [tilespmem:v32+s13+$0x0], $0xffff  }
0x8c2: {  	[tilespmem:s28+$0xFFFFFE70] =	vst v26;
	v26 =	vld [tilespmem:$0x1FC00]  }
0x8c3: {  	v22 =	vld.idx.msk [tilespmem:v33+s13+$0x0], $0xffff  }
0x8c4: {  	v15 =	vor.u32 v61, v29;
	v21 =	vor.u32 v60, v29;
	v36 =	vor.u32 v53, v29;
	v25 =	vld.idx.msk [tilespmem:v25+s13+$0x0], $0xffff  }
0x8c5: {  	v39 =	vor.u32 v63, v29;
	v38 =	vor.u32 v1, v29;
	v1 =	vmov v29;
	v29 =	vld.idx.msk [tilespmem:v9+s13+$0x0], $0xffff  }
0x8c6: {  	[tilespmem:s28+$0x1E0] =	vst v28;
	v9 =	vmov v3;
	v3 =	vld [tilespmem:$0x1FC60]  }
0x8c7: {  	[tilespmem:s31+$0x30] =	vst v14;
	v14 =	vld [tilespmem:$0x1FCC0];
	v23 =	vor.u32 v23, v1  }
0x8c8: {  	v24 =	vor.u32 v24, v1;
	v28 =	vor.u32 v10, v1;
	v10 =	vld.idx.msk [tilespmem:v27+s13+$0x0], $0xffff  }
0x8c9: {  	v27 =	vld [tilespmem:$0x1FD90]  }
0x8ca: {  	[tilespmem:s28+$0x70] =	vst v29;
	v29 =	vld.idx.msk [tilespmem:v18+s13+$0x0], $0xffff  }
0x8cb: {  	v26 =	vor.u32 v26, v1;
	v18 =	vld [tilespmem:$0x1FD40]  }
0x8cc: {  	s30 =	sadd.s32 $0x800, s30;
	v23 =	vld.idx.msk [tilespmem:v23+s13+$0x0], $0xffff  }
0x8cd: {  	[tilespmem:s30+$0xFFFFFE00] =	vst v19;
	v24 =	vld.idx.msk [tilespmem:v24+s13+$0x0], $0xffff  }
0x8ce: {  	v6 =	vmov v36;
	[tilespmem:s28+$0xFFFFFF70] =	vst v30;
	v36 =	vld.idx.msk [tilespmem:v38+s13+$0x0], $0xffff  }
0x8cf: {  	v14 =	vor.u32 v14, v2;
	[tilespmem:s28+$0x1F0] =	vst v10;
	s28 =	smov.u32 s31;
	v11 =	vld.idx.msk [tilespmem:v11+s13+$0x0], $0xffff  }
0x8d0: {  	v26 =	vld.idx.msk [tilespmem:v26+s13+$0x0], $0xffff;
	[tilespmem:s28+$0xFFFFFEB0] =	vst v12  }
0x8d1: {  	v27 =	vor.u32 v27, v1;
	[tilespmem:s28+$0x190] =	vst v40;
	v12 =	vld [tilespmem:$0x1FF10]  }
0x8d2: {  	v28 =	vld.idx.msk [tilespmem:v28+s13+$0x0], $0xffff  }
0x8d3: {  	v32 =	vor.u32 v41, v1;
	v41 =	vor.u32 v47, v2;
	[tilespmem:s28+$0xB0] =	vst v31;
	v31 =	vld.idx.msk [tilespmem:v8+s13+$0x0], $0xffff  }
0x8d4: {  	[tilespmem:s28+$0xFFFFFF40] =	vst v13;
	v14 =	vld.idx.msk [tilespmem:v14+s13+$0x0], $0xffff  }
0x8d5: {  	v30 =	vor.u32 v18, v1;
	v18 =	vld [tilespmem:$0x1FDA0];
	[tilespmem:s30+$0xFFFFFF00] =	vst v29  }
0x8d6: {  	[tilespmem:s30+$0xFFFFFE80] =	vst v22;
	v13 =	vld.idx.msk [tilespmem:v27+s13+$0x0], $0xffff  }
0x8d7: {  	v27 =	vld.idx.msk [tilespmem:v34+s13+$0x0], $0xffff;
	[tilespmem:s30+$0x80] =	vst v24  }
0x8d8: {  	[tilespmem:s30+$0x100] =	vst v23;
	v23 =	vld.idx.msk [tilespmem:v41+s13+$0x0], $0xffff  }
0x8d9: {  	[tilespmem:s28+$0x40] =	vst v11;
	v11 =	vld [tilespmem:$0x1FD00]  }
0x8da: {  	[tilespmem:s30+$0x0] =	vst v36;
	v36 =	vld [tilespmem:$0x1FE20]  }
0x8db: {  	[tilespmem:s28+$0xFFFFFFB0] =	vst v16;
	v24 =	vld.idx.msk [tilespmem:v35+s13+$0x0], $0xffff  }
0x8dc: {  	v16 =	vld.idx.msk [tilespmem:v32+s13+$0x0], $0xffff;
	[tilespmem:s28+$0x140] =	vst v14  }
0x8dd: {  	[tilespmem:s30+$0x180] =	vst v28;
	v34 =	vld.idx.msk [tilespmem:v37+s13+$0x0], $0xffff  }
0x8de: {  	v33 =	vor.u32 v18, v1;
	v37 =	vld [tilespmem:$0x1FE10];
	[tilespmem:s30+$0xFFFFFE90] =	vst v27  }
0x8df: {  	[tilespmem:s30+$0xFFFFFF10] =	vst v13;
	v28 =	vld.idx.msk [tilespmem:v5+s13+$0x0], $0xffff  }
0x8e0: {  	[tilespmem:s28+$0xFFFFFE30] =	vst v23;
	v5 =	vmov v15;
	v15 =	vld.idx.msk [tilespmem:v30+s13+$0x0], $0xffff  }
0x8e1: {  	v23 =	vor.u32 v11, v2;
	[tilespmem:s30+$0xFFFFFE10] =	vst v26;
	v26 =	vld [tilespmem:$0x1FFE0]  }
0x8e2: {  	[tilespmem:s30+$0x10] =	vst v16;
	v16 =	vld [tilespmem:$0x1FFF0]  }
0x8e3: {  	v29 =	vor.u32 v48, v1;
	v27 =	vld.idx.msk [tilespmem:v33+s13+$0x0], $0xffff  }
0x8e4: {  	v40 =	vor.u32 v12, v1;
	[tilespmem:s30+$0x90] =	vst v24;
	v33 =	vld.idx.msk [tilespmem:v4+s13+$0x0], $0xffff  }
0x8e5: {  	v24 =	vld.idx.msk [tilespmem:v0+s13+$0x0], $0xffff;
	v41 =	vor.u32 v37, v2  }
0x8e6: {  	v23 =	vld.idx.msk [tilespmem:v23+s13+$0x0], $0xffff  }
0x8e7: {  	v0 =	vld [tilespmem:$0x1FF30];
	v26 =	vor.u32 v26, v2  }
0x8e8: {  	v29 =	vld.idx.msk [tilespmem:v29+s13+$0x0], $0xffff;
	[tilespmem:s30+$0x110] =	vst v34;
	v16 =	vor.u32 v16, v2  }
0x8e9: {  	v30 =	vld.idx.msk [tilespmem:v40+s13+$0x0], $0xffff;
	[tilespmem:s28+$0xFFFFFFC0] =	vst v33  }
0x8ea: {  	[tilespmem:s28+$0xFFFFFEC0] =	vst v28;
	v33 =	vld.idx.msk [tilespmem:v41+s13+$0x0], $0xffff  }
0x8eb: {  	[tilespmem:s28+$0xFFFFFE40] =	vst v23;
	v23 =	vld [tilespmem:$0x1FED0]  }
0x8ec: {  	v4 =	vmov v20;
	v20 =	vor.u32 v0, v2;
	[tilespmem:s30+$0xFFFFFF80] =	vst v25;
	v25 =	vld.idx.msk [tilespmem:v26+s13+$0x0], $0xffff  }
0x8ed: {  	v16 =	vld.idx.msk [tilespmem:v16+s13+$0x0], $0xffff  }
0x8ee: {  	v21 =	vld.idx.msk [tilespmem:v21+s13+$0x0], $0xffff  }
0x8ef: {  	[tilespmem:s28+$0x1A0] =	vst v31;
	v26 =	vld [tilespmem:$0x1FC80]  }
0x8f0: {  	[tilespmem:s30+$0xFFFFFF20] =	vst v27;
	v27 =	vld [tilespmem:$0x1FD70]  }
0x8f1: {  	v31 =	vld.idx.msk [tilespmem:v20+s13+$0x0], $0xffff;
	[tilespmem:s28+$0xFFFFFFD0] =	vst v33  }
0x8f2: {  	v38 =	vor.u32 v52, v1;
	v20 =	vld [tilespmem:$0x1FCD0];
	[tilespmem:s28+$0xFFFFFF50] =	vst v16  }
0x8f3: {  	v16 =	vld [tilespmem:$0x1FEE0];
	[tilespmem:s30+$0xFFFFFF90] =	vst v21  }
0x8f4: {  	v23 =	vor.u32 v23, v2;
	v33 =	vld.idx.msk [tilespmem:v17+s13+$0x0], $0xffff  }
0x8f5: {  	v17 =	vld [tilespmem:$0x1FFC0]  }
0x8f6: {  	[tilespmem:s28+$0xFFFFFED0] =	vst v25;
	v25 =	vld [tilespmem:$0x1FFA0]  }
0x8f7: {  	v28 =	vor.u32 v20, v2;
	v20 =	vld.idx.msk [tilespmem:v38+s13+$0x0], $0xffff;
	[tilespmem:s28+$0xC0] =	vst v24  }
0x8f8: {  	v27 =	vor.u32 v27, v2;
	[tilespmem:s28+$0x150] =	vst v31;
	v31 =	vld.idx.msk [tilespmem:v7+s13+$0x0], $0xffff  }
0x8f9: {  	v23 =	vld.idx.msk [tilespmem:v23+s13+$0x0], $0xffff  }
0x8fa: {  	v16 =	vor.u32 v16, v2;
	v40 =	vor.u32 v17, v2;
	v17 =	vld [tilespmem:$0x1FC90]  }
0x8fb: {  	v21 =	vld [tilespmem:$0x1FFB0]  }
0x8fc: {  	v24 =	vld [tilespmem:$0x1FFD0]  }
0x8fd: {  	[tilespmem:s30+$0x20] =	vst v29;
	v26 =	vor.u32 v26, v2;
	v27 =	vld.idx.msk [tilespmem:v27+s13+$0x0], $0xffff  }
0x8fe: {  	v29 =	vor.u32 v36, v2;
	v28 =	vld.idx.msk [tilespmem:v28+s13+$0x0], $0xffff;
	[tilespmem:s28+$0xD0] =	vst v23  }
0x8ff: {  	v35 =	vor.u32 v50, v1;
	[tilespmem:s28+$0x1B0] =	vst v31;
	v31 =	vor.u32 v17, v2;
	v17 =	vld.idx.msk [tilespmem:v16+s13+$0x0], $0xffff  }
0x900: {  	v16 =	vld [tilespmem:$0x1FCE0]  }
0x901: {  	v0 =	vmov v39;
	v39 =	vld [tilespmem:$0x1FD10];
	v25 =	vor.u32 v25, v2  }
0x902: {  	v26 =	vld.idx.msk [tilespmem:v26+s13+$0x0], $0xffff  }
0x903: {  	v29 =	vld.idx.msk [tilespmem:v29+s13+$0x0], $0xffff;
	v24 =	vor.u32 v24, v2;
	[tilespmem:s30+$0x120] =	vst v30  }
0x904: {  	v30 =	vld.idx.msk [tilespmem:v35+s13+$0x0], $0xffff;
	[tilespmem:s28+$0x160] =	vst v28;
	v28 =	vor.u32 v21, v2  }
0x905: {  	v22 =	vor.u32 v45, v1;
	[tilespmem:s28+$0xFFFFFEE0] =	vst v27;
	v27 =	vor.u32 v16, v2;
	v16 =	vld [tilespmem:$0x1FC20]  }
0x906: {  	v41 =	vld.idx.msk [tilespmem:v25+s13+$0x0], $0xffff  }
0x907: {  	[tilespmem:s28+$0x50] =	vst v26;
	v26 =	vld [tilespmem:$0x1FE70]  }
0x908: {  	v24 =	vld.idx.msk [tilespmem:v24+s13+$0x0], $0xffff  }
0x909: {  	v32 =	vor.u32 v58, v1;
	[tilespmem:s30+$0xFFFFFFA0] =	vst v33;
	v25 =	vld.idx.msk [tilespmem:v28+s13+$0x0], $0xffff  }
0x90a: {  	v7 =	vmov v32;
	v32 =	vor.u32 v39, v2;
	v28 =	vor.u32 v16, v2;
	v16 =	vld.idx.msk [tilespmem:v22+s13+$0x0], $0xffff  }
0x90b: {  	p0 =	slt.u32 s29, $0x38;
	v22 =	vld [tilespmem:$0x1FCB0]  }
.Ltmp6:
0x90c: {  	v19 =	vor.u32 v56, v1;
	v3 =	vor.u32 v3, v1;
	[tilespmem:s30+$0x130] =	vst v30;
	(pc) =	sbr.rel @p0 .LBB2_15-.Ltmp6, $4  }
0x90d: {  	v10 =	vor.u32 v62, v1;
	v8 =	vor.u32 v55, v1;
	v12 =	vor.u32 v44, v1;
	v23 =	vld.idx.msk [tilespmem:v40+s13+$0x0], $0xffff  }
0x90e: {  	v18 =	vor.u32 v42, v1;
	v14 =	vor.u32 v59, v1;
	[tilespmem:s28+$0xFFFFFE50] =	vst v24;
	v24 =	vld.idx.msk [tilespmem:v31+s13+$0x0], $0xffff  }
0x90f: {  	v13 =	vor.u32 v51, v1;
	v11 =	vor.u32 v49, v1;
	[tilespmem:s28+$0x1C0] =	vst v41;
	v21 =	vld.idx.msk [tilespmem:v32+s13+$0x0], $0xffff  }
0x910: {  	s31 =	smov.u32 s30;
	v26 =	vor.u32 v26, v2;
	[tilespmem:s28+$0xFFFFFFE0] =	vst v29;
	v27 =	vld.idx.msk [tilespmem:v27+s13+$0x0], $0xffff;
	v22 =	vor.u32 v22, v2  }
0x911: {  	_ =	sdelay $0x2  }
0x912: {  	[tilespmem:s28+$0xFFFFFEF0] =	vst v25  }
0x913: {  	v18 =	vld.idx.msk [tilespmem:v18+s13+$0x0], $0xffff;
	[tilespmem:s28+$0xE0] =	vst v17  }
0x914: {  	[tilespmem:s30+$0xA0] =	vst v20  }
0x915: {  	v17 =	vld.idx.msk [tilespmem:v28+s13+$0x0], $0xffff;
	[tilespmem:s28+$0xFFFFFE60] =	vst v21;
	v21 =	vor.u32 v46, v2  }
0x916: {  	[tilespmem:s30+$0xFFFFFEA0] =	vst v15;
	v14 =	vld.idx.msk [tilespmem:v14+s13+$0x0], $0xffff  }
0x917: {  	v15 =	vor.u32 v43, v2;
	v9 =	vld.idx.msk [tilespmem:v9+s13+$0x0], $0xffff;
	[tilespmem:s28+$0x170] =	vst v23  }
0x918: {  	[tilespmem:s30+$0xFFFFFE20] =	vst v18;
	v18 =	vld.idx.msk [tilespmem:v19+s13+$0x0], $0xffff  }
0x919: {  	[tilespmem:s28+$0x1D0] =	vst v27;
	v19 =	vld.idx.msk [tilespmem:v26+s13+$0x0], $0xffff  }
0x91a: {  	[tilespmem:s28+$0xFFFFFF60] =	vst v17;
	v17 =	vor.u32 v57, v2;
	v2 =	vor.u32 v54, v2;
	v20 =	vld.idx.msk [tilespmem:v21+s13+$0x0], $0xffff  }
0x91b: {  	[tilespmem:s28+$0x60] =	vst v24;
	v21 =	vld.idx.msk [tilespmem:v22+s13+$0x0], $0xffff  }
0x91c: {  	v15 =	vld.idx.msk [tilespmem:v15+s13+$0x0], $0xffff;
	[tilespmem:s31+$0x30] =	vst v14  }
0x91d: {  	v10 =	vld.idx.msk [tilespmem:v10+s13+$0x0], $0xffff;
	[tilespmem:s30+$0xFFFFFF30] =	vst v18  }
0x91e: {  	v12 =	vld.idx.msk [tilespmem:v12+s13+$0x0], $0xffff;
	[tilespmem:s28+$0xFFFFFE70] =	vst v19  }
0x91f: {  	v2 =	vld.idx.msk [tilespmem:v2+s13+$0x0], $0xffff;
	[tilespmem:s28+$0x1E0] =	vst v20  }
0x920: {  	[tilespmem:s28+$0xF0] =	vst v21;
	v17 =	vld.idx.msk [tilespmem:v17+s13+$0x0], $0xffff  }
0x921: {  	v14 =	vld [tilespmem:$0x1FCC0];
	[tilespmem:s28+$0x70] =	vst v15  }
0x922: {  	[tilespmem:s28+$0xFFFFFFF0] =	vst v9;
	v9 =	vld.idx.msk [tilespmem:v13+s13+$0x0], $0xffff  }
0x923: {  	[tilespmem:s31+$0xFFFFFEB0] =	vst v12  }
0x924: {  	[tilespmem:s31+$0x190] =	vst v10  }
0x925: {  	[tilespmem:s28+$0xFFFFFF70] =	vst v2  }
0x926: {  	v14 =	vor.u32 v14, v1;
	[tilespmem:s28+$0x1F0] =	vst v17  }
0x927: {  	v6 =	vld.idx.msk [tilespmem:v6+s13+$0x0], $0xffff;
	[tilespmem:s31+$0xFFFFFF40] =	vst v9  }
0x928: {  	v13 =	vor.u32 v47, v1;
	v9 =	vld [tilespmem:$0x1FF30]  }
0x929: {  	v10 =	vld.idx.msk [tilespmem:v11+s13+$0x0], $0xffff  }
0x92a: {  	v8 =	vld.idx.msk [tilespmem:v8+s13+$0x0], $0xffff  }
0x92b: {  	v2 =	vld.idx.msk [tilespmem:v14+s13+$0x0], $0xffff  }
0x92c: {  	v5 =	vld.idx.msk [tilespmem:v5+s13+$0x0], $0xffff;
	[tilespmem:s31+$0xB0] =	vst v6  }
0x92d: {  	v6 =	vld.idx.msk [tilespmem:v13+s13+$0x0], $0xffff;
	[tilespmem:s31+$0xFFFFFFB0] =	vst v16;
	v9 =	vor.u32 v9, v1  }
0x92e: {  	v11 =	vld [tilespmem:$0x1FD00]  }
0x92f: {  	v0 =	vld.idx.msk [tilespmem:v0+s13+$0x0], $0xffff  }
0x930: {  	[tilespmem:s31+$0x140] =	vst v2;
	v2 =	vld.idx.msk [tilespmem:v4+s13+$0x0], $0xffff  }
0x931: {  	v4 =	vld [tilespmem:$0x1FFE0];
	[tilespmem:s31+$0x40] =	vst v10  }
0x932: {  	[tilespmem:s31+$0x1A0] =	vst v8;
	v8 =	vld.idx.msk [tilespmem:v9+s13+$0x0], $0xffff  }
0x933: {  	v11 =	vor.u32 v11, v1;
	v9 =	vld [tilespmem:$0x1FFF0]  }
0x934: {  	v10 =	vor.u32 v37, v1;
	[tilespmem:s31+$0xFFFFFE30] =	vst v6;
	v7 =	vld.idx.msk [tilespmem:v7+s13+$0x0], $0xffff  }
0x935: {  	v6 =	vld [tilespmem:$0x1FCD0];
	[tilespmem:s31+$0xFFFFFEC0] =	vst v5  }
0x936: {  	v5 =	vld [tilespmem:$0x1FFA0];
	[tilespmem:s31+$0xFFFFFFC0] =	vst v2  }
0x937: {  	v4 =	vor.u32 v4, v1;
	v2 =	vld [tilespmem:$0x1FFD0]  }
0x938: {  	v11 =	vld.idx.msk [tilespmem:v11+s13+$0x0], $0xffff  }
0x939: {  	v10 =	vld.idx.msk [tilespmem:v10+s13+$0x0], $0xffff;
	[tilespmem:s31+$0xC0] =	vst v0;
	v9 =	vor.u32 v9, v1  }
0x93a: {  	v12 =	vld [tilespmem:$0x1FED0];
	v6 =	vor.u32 v6, v1  }
0x93b: {  	v0 =	vld [tilespmem:$0x1FD70];
	v5 =	vor.u32 v5, v1  }
0x93c: {  	[tilespmem:s31+$0x150] =	vst v8;
	v2 =	vor.u32 v2, v1;
	v4 =	vld.idx.msk [tilespmem:v4+s13+$0x0], $0xffff  }
0x93d: {  	v8 =	vld [tilespmem:$0x1FC80]  }
0x93e: {  	v9 =	vld.idx.msk [tilespmem:v9+s13+$0x0], $0xffff  }
0x93f: {  	[tilespmem:s31+$0x1B0] =	vst v7;
	v12 =	vor.u32 v12, v1;
	v6 =	vld.idx.msk [tilespmem:v6+s13+$0x0], $0xffff  }
0x940: {  	[tilespmem:s31+$0xFFFFFE40] =	vst v11;
	v5 =	vld.idx.msk [tilespmem:v5+s13+$0x0], $0xffff  }
0x941: {  	v0 =	vor.u32 v0, v1;
	v2 =	vld.idx.msk [tilespmem:v2+s13+$0x0], $0xffff;
	[tilespmem:s31+$0xFFFFFED0] =	vst v4  }
0x942: {  	v8 =	vor.u32 v8, v1;
	v61 =	vld [tilespmem:$0x1FCE0];
	[tilespmem:s31+$0xFFFFFFD0] =	vst v10  }
0x943: {  	v10 =	vld [tilespmem:$0x1FD10]  }
0x944: {  	v7 =	vor.u32 v36, v1;
	v11 =	vld.idx.msk [tilespmem:v12+s13+$0x0], $0xffff;
	[tilespmem:s31+$0xFFFFFF50] =	vst v9  }
0x945: {  	v12 =	vld [tilespmem:$0x1FEE0]  }
0x946: {  	v0 =	vld.idx.msk [tilespmem:v0+s13+$0x0], $0xffff  }
0x947: {  	v8 =	vld.idx.msk [tilespmem:v8+s13+$0x0], $0xffff  }
0x948: {  	v9 =	vld [tilespmem:$0x1FFB0];
	v10 =	vor.u32 v10, v1  }
0x949: {  	[tilespmem:s31+$0x160] =	vst v6;
	v6 =	vld.idx.msk [tilespmem:v7+s13+$0x0], $0xffff  }
0x94a: {  	v7 =	vld [tilespmem:$0x1FC90];
	[tilespmem:s31+$0x1C0] =	vst v5;
	v12 =	vor.u32 v12, v1  }
0x94b: {  	[tilespmem:s31+$0xFFFFFE50] =	vst v2  }
0x94c: {  	v2 =	vld [tilespmem:$0x1FC20]  }
0x94d: {  	v4 =	vor.u32 v61, v1;
	[tilespmem:s31+$0xFFFFFEE0] =	vst v0;
	v5 =	vld.idx.msk [tilespmem:v10+s13+$0x0], $0xffff  }
0x94e: {  	v10 =	vld [tilespmem:$0x1FFC0];
	[tilespmem:s31+$0xD0] =	vst v11  }
0x94f: {  	v9 =	vor.u32 v9, v1;
	[tilespmem:s31+$0x50] =	vst v8;
	v11 =	vld.idx.msk [tilespmem:v12+s13+$0x0], $0xffff  }
0x950: {  	v8 =	vld [tilespmem:$0x1FE70]  }
0x951: {  	v7 =	vor.u32 v7, v1;
	v12 =	vld [tilespmem:$0x1FCB0]  }
0x952: {  	v2 =	vor.u32 v2, v1;
	v4 =	vld.idx.msk [tilespmem:v4+s13+$0x0], $0xffff  }
0x953: {  	v0 =	vor.u32 v46, v1  }
0x954: {  	v9 =	vld.idx.msk [tilespmem:v9+s13+$0x0], $0xffff;
	v10 =	vor.u32 v10, v1  }
0x955: {  	v8 =	vor.u32 v8, v1  }
0x956: {  	[tilespmem:s31+$0xFFFFFFE0] =	vst v6;
	v7 =	vld.idx.msk [tilespmem:v7+s13+$0x0], $0xffff;
	v12 =	vor.u32 v12, v1  }
0x957: {  	v6 =	vor.u32 v43, v1;
	v2 =	vld.idx.msk [tilespmem:v2+s13+$0x0], $0xffff;
	[tilespmem:s31+$0x1D0] =	vst v4  }
0x958: {  	[tilespmem:s31+$0xFFFFFE60] =	vst v5;
	v0 =	vld.idx.msk [tilespmem:v0+s13+$0x0], $0xffff  }
0x959: {  	v5 =	vor.u32 v57, v1;
	[tilespmem:s31+$0xFFFFFEF0] =	vst v9;
	v4 =	vld.idx.msk [tilespmem:v10+s13+$0x0], $0xffff  }
0x95a: {  	[tilespmem:s31+$0xE0] =	vst v11;
	v1 =	vor.u32 v54, v1;
	v8 =	vld.idx.msk [tilespmem:v8+s13+$0x0], $0xffff  }
0x95b: {  	[tilespmem:s31+$0x60] =	vst v7;
	v9 =	vld.idx.msk [tilespmem:v12+s13+$0x0], $0xffff  }
0x95c: {  	[tilespmem:s31+$0xFFFFFF60] =	vst v2;
	v2 =	vld.idx.msk [tilespmem:v6+s13+$0x0], $0xffff  }
0x95d: {  	v3 =	vld.idx.msk [tilespmem:v3+s13+$0x0], $0xffff;
	[tilespmem:s31+$0x1E0] =	vst v0  }
0x95e: {  	[tilespmem:s31+$0x170] =	vst v4;
	v4 =	vld.idx.msk [tilespmem:v5+s13+$0x0], $0xffff  }
0x95f: {  	v1 =	vld.idx.msk [tilespmem:v1+s13+$0x0], $0xffff;
	[tilespmem:s31+$0xFFFFFE70] =	vst v8  }
0x960: {  	[tilespmem:s31+$0xF0] =	vst v9  }
0x961: {  	s28 =	simm.s32 $0x0;
	v15 =	vld [tilespmem:$0x1F9D0];
	[tilespmem:s31+$0x70] =	vst v2  }
0x962: {  	v7 =	vmov s28;
	v16 =	vld [tilespmem:$0x1F9E0];
	[tilespmem:s31+$0xFFFFFFF0] =	vst v3  }
0x963: {  	v6 =	vshrl.u32 v7, $0x3;
	v18 =	vld [tilespmem:$0x1FA80];
	[tilespmem:s31+$0x1F0] =	vst v4  }
0x964: {  	v0 =	vshll.u32 v6, $0x3;
	v25 =	vld [tilespmem:$0x1FA00];
	[tilespmem:s31+$0xFFFFFF70] =	vst v1  }
0x965: {  	v0 =	vbroadcast v0, $0x0;
	v34 =	vld [tilespmem:$0x1FA20]  }
0x966: {  	v36 =	vld [tilespmem:$0x1FA30]  }
0x967: {  	v5 =	vor.u32 v15, v0;
	v38 =	vld [tilespmem:$0x1FA40]  }
0x968: {  	v14 =	vld [tilespmem:$0x1FA50];
	v2 =	vor.u32 v16, v0  }
0x969: {  	v19 =	vld [tilespmem:$0x1F740];
	v3 =	vor.u32 v18, v0  }
0x96a: {  	v31 =	vld [tilespmem:$0x1F750];
	v4 =	vor.u32 v25, v0  }
0x96b: {  	v41 =	vld [tilespmem:$0x1FAD0];
	v1 =	vor.u32 v34, v0  }
0x96c: {  	v5 =	vld.idx.msk [tilespmem:v5+s13+$0x0], $0xffff;
	v6 =	vor.u32 v36, v0  }
0x96d: {  	v7 =	vor.u32 v38, v0;
	v2 =	vld.idx.msk [tilespmem:v2+s13+$0x0], $0xffff  }
0x96e: {  	v8 =	vor.u32 v14, v0;
	v3 =	vld.idx.msk [tilespmem:v3+s13+$0x0], $0xffff  }
0x96f: {  	v4 =	vld.idx.msk [tilespmem:v4+s13+$0x0], $0xffff  }
0x970: {  	v1 =	vld.idx.msk [tilespmem:v1+s13+$0x0], $0xffff  }
0x971: {  	v6 =	vld.idx.msk [tilespmem:v6+s13+$0x0], $0xffff  }
0x972: {  	s28 =	simm.s32 $0x12BF0;
	v9 =	vor.u32 v19, v0;
	v7 =	vld.idx.msk [tilespmem:v7+s13+$0x0], $0xffff  }
0x973: {  	[tilespmem:s28+$0xFFFFFC10] =	vst v5;
	v8 =	vld.idx.msk [tilespmem:v8+s13+$0x0], $0xffff  }
0x974: {  	v10 =	vor.u32 v31, v0;
	v44 =	vld [tilespmem:$0x1FAA0];
	[tilespmem:s28+$0xFFFFFD10] =	vst v3  }
0x975: {  	v51 =	vld [tilespmem:$0x1FA70]  }
0x976: {  	v11 =	vor.u32 v41, v0;
	v22 =	vld [tilespmem:$0x1FB00]  }
0x977: {  	v9 =	vld.idx.msk [tilespmem:v9+s13+$0x0], $0xffff;
	[tilespmem:s28+$0xFFFFFD90] =	vst v4  }
0x978: {  	v24 =	vld [tilespmem:$0x1FA60]  }
0x979: {  	v10 =	vld.idx.msk [tilespmem:v10+s13+$0x0], $0xffff;
	[tilespmem:s28+$0xFFFFFE10] =	vst v1  }
0x97a: {  	v26 =	vld [tilespmem:$0x1FAC0];
	[tilespmem:s28+$0xFFFFFE90] =	vst v6  }
0x97b: {  	v11 =	vld.idx.msk [tilespmem:v11+s13+$0x0], $0xffff;
	[tilespmem:s28+$0xFFFFFC90] =	vst v2  }
0x97c: {  	v5 =	vor.u32 v44, v0;
	v56 =	vld [tilespmem:$0x1F810]  }
0x97d: {  	v40 =	vld [tilespmem:$0x1F8A0];
	[tilespmem:s28+$0xFFFFFF90] =	vst v8  }
0x97e: {  	v48 =	vld [tilespmem:$0x1F8D0];
	[tilespmem:s28+$0xFFFFFF10] =	vst v7  }
0x97f: {  	v3 =	vor.u32 v51, v0;
	v62 =	vld [tilespmem:$0x1FAF0];
	[tilespmem:s28+$0xFFFFFD20] =	vst v9  }
0x980: {  	v12 =	vor.u32 v22, v0;
	v9 =	vld [tilespmem:$0x1F8E0]  }
0x981: {  	v4 =	vor.u32 v24, v0;
	[tilespmem:s28+$0xFFFFFDA0] =	vst v10;
	v5 =	vld.idx.msk [tilespmem:v5+s13+$0x0], $0xffff  }
0x982: {  	v1 =	vor.u32 v26, v0;
	v10 =	vld [tilespmem:$0x1F880];
	[tilespmem:s28+$0xFFFFFE20] =	vst v11  }
0x983: {  	v2 =	vor.u32 v56, v0;
	v33 =	vld [tilespmem:$0x1FB70]  }
0x984: {  	v6 =	vor.u32 v40, v0;
	v3 =	vld.idx.msk [tilespmem:v3+s13+$0x0], $0xffff  }
0x985: {  	v7 =	vld.idx.msk [tilespmem:v12+s13+$0x0], $0xffff  }
0x986: {  	v8 =	vor.u32 v48, v0;
	v4 =	vld.idx.msk [tilespmem:v4+s13+$0x0], $0xffff  }
0x987: {  	v1 =	vld.idx.msk [tilespmem:v1+s13+$0x0], $0xffff  }
0x988: {  	v12 =	vor.u32 v62, v0;
	v2 =	vld.idx.msk [tilespmem:v2+s13+$0x0], $0xffff  }
0x989: {  	[tilespmem:s28+$0xFFFFFEA0] =	vst v5;
	v6 =	vld.idx.msk [tilespmem:v6+s13+$0x0], $0xffff  }
0x98a: {  	v9 =	vor.u32 v9, v0;
	v35 =	vld [tilespmem:$0x1FB10]  }
0x98b: {  	[tilespmem:s28+$0xFFFFFCA0] =	vst v3;
	v3 =	vld.idx.msk [tilespmem:v8+s13+$0x0], $0xffff  }
0x98c: {  	v10 =	vor.u32 v10, v0;
	v37 =	vld [tilespmem:$0x1F840]  }
0x98d: {  	v12 =	vld.idx.msk [tilespmem:v12+s13+$0x0], $0xffff;
	[tilespmem:s28+$0xFFFFFFA0] =	vst v7  }
0x98e: {  	v39 =	vld [tilespmem:$0x1F860]  }
0x98f: {  	[tilespmem:s28+$0xFFFFFC20] =	vst v4;
	v4 =	vld.idx.msk [tilespmem:v9+s13+$0x0], $0xffff  }
0x990: {  	v11 =	vor.u32 v33, v0;
	v55 =	vld [tilespmem:$0x1F890]  }
0x991: {  	v10 =	vld.idx.msk [tilespmem:v10+s13+$0x0], $0xffff;
	[tilespmem:s28+$0xFFFFFDB0] =	vst v2  }
0x992: {  	v58 =	vld [tilespmem:$0x1F830];
	[tilespmem:s28+$0xFFFFFF20] =	vst v1  }
0x993: {  	v5 =	vor.u32 v35, v0;
	v21 =	vld [tilespmem:$0x1F7E0];
	[tilespmem:s28+$0xFFFFFEB0] =	vst v3  }
0x994: {  	v30 =	vld [tilespmem:$0x1F8C0];
	[tilespmem:s28+$0xFFFFFE30] =	vst v6  }
0x995: {  	v1 =	vld.idx.msk [tilespmem:v11+s13+$0x0], $0xffff;
	[tilespmem:s28+$0xFFFFFFB0] =	vst v4  }
0x996: {  	v8 =	vor.u32 v37, v0;
	v32 =	vld [tilespmem:$0x1F7D0]  }
0x997: {  	v7 =	vor.u32 v39, v0;
	v27 =	vld [tilespmem:$0x1F760]  }
0x998: {  	v9 =	vor.u32 v55, v0;
	[tilespmem:s28+$0xFFFFFCB0] =	vst v12;
	v3 =	vld.idx.msk [tilespmem:v5+s13+$0x0], $0xffff  }
0x999: {  	v49 =	vld [tilespmem:$0x1F8B0];
	[tilespmem:s28+$0xFFFFFD30] =	vst v10;
	v2 =	vor.u32 v58, v0  }
0x99a: {  	v10 =	vld [tilespmem:$0x1F790]  }
0x99b: {  	v11 =	vor.u32 v21, v0;
	v6 =	vld.idx.msk [tilespmem:v8+s13+$0x0], $0xffff  }
0x99c: {  	v5 =	vor.u32 v30, v0;
	v7 =	vld.idx.msk [tilespmem:v7+s13+$0x0], $0xffff  }
0x99d: {  	v9 =	vld.idx.msk [tilespmem:v9+s13+$0x0], $0xffff  }
0x99e: {  	v4 =	vor.u32 v32, v0;
	[tilespmem:s28+$0xFFFFFF30] =	vst v3;
	v2 =	vld.idx.msk [tilespmem:v2+s13+$0x0], $0xffff  }
0x99f: {  	v42 =	vld [tilespmem:$0x1FB30]  }
0x9a0: {  	v8 =	vor.u32 v27, v0;
	[tilespmem:s28+$0xFFFFFDC0] =	vst v1;
	v11 =	vld.idx.msk [tilespmem:v11+s13+$0x0], $0xffff  }
0x9a1: {  	[tilespmem:s28+$0xFFFFFEC0] =	vst v6;
	v5 =	vld.idx.msk [tilespmem:v5+s13+$0x0], $0xffff  }
0x9a2: {  	v12 =	vor.u32 v49, v0;
	v23 =	vld [tilespmem:$0x1F870]  }
0x9a3: {  	v10 =	vor.u32 v10, v0;
	[tilespmem:s28+$0xFFFFFC30] =	vst v7;
	v1 =	vld.idx.msk [tilespmem:v4+s13+$0x0], $0xffff  }
0x9a4: {  	v43 =	vld [tilespmem:$0x1F7B0]  }
0x9a5: {  	v6 =	vld.idx.msk [tilespmem:v8+s13+$0x0], $0xffff  }
0x9a6: {  	v28 =	vld [tilespmem:$0x1F780];
	v3 =	vor.u32 v42, v0  }
0x9a7: {  	[tilespmem:s28+$0xFFFFFFC0] =	vst v9;
	v12 =	vld.idx.msk [tilespmem:v12+s13+$0x0], $0xffff;
	v4 =	vor.u32 v23, v0  }
0x9a8: {  	v9 =	vld.idx.msk [tilespmem:v10+s13+$0x0], $0xffff;
	[tilespmem:s28+$0xFFFFFE40] =	vst v2  }
0x9a9: {  	v63 =	vld [tilespmem:$0x1FB80];
	v7 =	vor.u32 v43, v0  }
0x9aa: {  	v52 =	vld [tilespmem:$0x1FBA0]  }
0x9ab: {  	[tilespmem:s28+$0xFFFFFF40] =	vst v5;
	v8 =	vor.u32 v28, v0;
	v3 =	vld.idx.msk [tilespmem:v3+s13+$0x0], $0xffff  }
0x9ac: {  	[tilespmem:s28+$0xFFFFFED0] =	vst v1;
	v1 =	vld.idx.msk [tilespmem:v4+s13+$0x0], $0xffff  }
0x9ad: {  	v4 =	vld [tilespmem:$0x1F7F0]  }
0x9ae: {  	v2 =	vor.u32 v63, v0;
	[tilespmem:s28+$0xFFFFFD40] =	vst v11;
	v5 =	vld.idx.msk [tilespmem:v7+s13+$0x0], $0xffff  }
0x9af: {  	v10 =	vor.u32 v52, v0;
	v46 =	vld [tilespmem:$0x1F820]  }
0x9b0: {  	[tilespmem:s28+$0xFFFFFDD0] =	vst v6;
	v6 =	vld.idx.msk [tilespmem:v8+s13+$0x0], $0xffff  }
0x9b1: {  	v47 =	vld [tilespmem:$0x1FBC0];
	[tilespmem:s28+$0xFFFFFC40] =	vst v9  }
0x9b2: {  	v53 =	vld [tilespmem:$0x1F730]  }
0x9b3: {  	v2 =	vld.idx.msk [tilespmem:v2+s13+$0x0], $0xffff  }
0x9b4: {  	[tilespmem:s28+$0xFFFFFFD0] =	vst v3;
	v10 =	vld.idx.msk [tilespmem:v10+s13+$0x0], $0xffff;
	v4 =	vor.u32 v4, v0  }
0x9b5: {  	v3 =	vld [tilespmem:$0x1FAB0]  }
0x9b6: {  	v11 =	vld [tilespmem:$0x1FBB0];
	[tilespmem:s28+$0xFFFFFF50] =	vst v1;
	v7 =	vor.u32 v46, v0  }
0x9b7: {  	v45 =	vld [tilespmem:$0x1F850];
	[tilespmem:s28+$0xFFFFFEE0] =	vst v5  }
0x9b8: {  	v8 =	vor.u32 v47, v0;
	v54 =	vld [tilespmem:$0x1F7A0];
	[tilespmem:s28+$0xFFFFFE50] =	vst v6  }
0x9b9: {  	[tilespmem:s28+$0xFFFFFDE0] =	vst v2;
	v4 =	vld.idx.msk [tilespmem:v4+s13+$0x0], $0xffff  }
0x9ba: {  	v9 =	vor.u32 v53, v0;
	v60 =	vld [tilespmem:$0x1FB40]  }
0x9bb: {  	v3 =	vor.u32 v3, v0;
	[tilespmem:s28+$0xFFFFFC50] =	vst v10;
	v5 =	vld.idx.msk [tilespmem:v7+s13+$0x0], $0xffff  }
0x9bc: {  	v11 =	vor.u32 v11, v0;
	v57 =	vld [tilespmem:$0x1FBE0]  }
0x9bd: {  	[tilespmem:s28+$0xFFFFFCC0] =	vst v12;
	v6 =	vld.idx.msk [tilespmem:v8+s13+$0x0], $0xffff  }
0x9be: {  	v1 =	vor.u32 v45, v0;
	v29 =	vld [tilespmem:$0x1FB90]  }
0x9bf: {  	v2 =	vld.idx.msk [tilespmem:v9+s13+$0x0], $0xffff  }
0x9c0: {  	v7 =	vor.u32 v54, v0;
	v3 =	vld.idx.msk [tilespmem:v3+s13+$0x0], $0xffff  }
0x9c1: {  	v10 =	vld.idx.msk [tilespmem:v11+s13+$0x0], $0xffff  }
0x9c2: {  	s29 =	simm.s32 $0x8;
	v11 =	vld [tilespmem:$0x1FAE0];
	[tilespmem:s28+$0xFFFFFFE0] =	vst v4  }
0x9c3: {  	v8 =	vor.u32 v60, v0;
	v4 =	vmov s29;
	v13 =	vld.idx.msk [tilespmem:v1+s13+$0x0], $0xffff;
	[tilespmem:s28+$0xFFFFFF60] =	vst v5  }
0x9c4: {  	v9 =	vor.u32 v57, v0;
	v1 =	vshrl.u32 v4, $0x3;
	v4 =	vld [tilespmem:$0x1F8F0]  }
0x9c5: {  	v5 =	vld.idx.msk [tilespmem:v7+s13+$0x0], $0xffff;
	[tilespmem:s28+$0xFFFFFEF0] =	vst v6  }
0x9c6: {  	v17 =	vld [tilespmem:$0x1F800];
	[tilespmem:s28+$0xFFFFFE60] =	vst v2  }
0x9c7: {  	v20 =	vld [tilespmem:$0x1FA10]  }
0x9c8: {  	v1 =	vshll.u32 v1, $0x3;
	v7 =	vld.idx.msk [tilespmem:v8+s13+$0x0], $0xffff  }
0x9c9: {  	v1 =	vbroadcast v1, $0x0;
	v11 =	vor.u32 v11, v0;
	[tilespmem:s28+$0xFFFFFDF0] =	vst v3;
	v8 =	vld.idx.msk [tilespmem:v9+s13+$0x0], $0xffff  }
0x9ca: {  	v12 =	vor.u32 v29, v0;
	v9 =	vld [tilespmem:$0x1F900];
	[tilespmem:s28+$0xFFFFFC60] =	vst v10  }
0x9cb: {  	v10 =	vor.u32 v15, v1;
	[tilespmem:s28+$0xFFFFFCD0] =	vst v13  }
0x9cc: {  	v4 =	vor.u32 v4, v0;
	[tilespmem:s28+$0xFFFFFD50] =	vst v5  }
0x9cd: {  	v5 =	vld [tilespmem:$0x1FB20]  }
0x9ce: {  	v6 =	vor.u32 v17, v0;
	v3 =	vld.idx.msk [tilespmem:v11+s13+$0x0], $0xffff  }
0x9cf: {  	v2 =	vor.u32 v20, v0;
	v11 =	vld.idx.msk [tilespmem:v12+s13+$0x0], $0xffff  }
0x9d0: {  	[tilespmem:s28+$0xFFFFFF70] =	vst v7;
	v10 =	vld.idx.msk [tilespmem:v10+s13+$0x0], $0xffff  }
0x9d1: {  	v9 =	vor.u32 v9, v0;
	[tilespmem:s28+$0xFFFFFF00] =	vst v8;
	v4 =	vld.idx.msk [tilespmem:v4+s13+$0x0], $0xffff  }
0x9d2: {  	v7 =	vor.u32 v18, v1;
	v18 =	vld [tilespmem:$0x1F7C0]  }
0x9d3: {  	v12 =	vor.u32 v16, v1;
	v6 =	vld.idx.msk [tilespmem:v6+s13+$0x0], $0xffff  }
0x9d4: {  	v2 =	vld.idx.msk [tilespmem:v2+s13+$0x0], $0xffff;
	[tilespmem:s28+$0xFFFFFE70] =	vst v3  }
0x9d5: {  	v5 =	vor.u32 v5, v0;
	v3 =	vld [tilespmem:$0x1FA90]  }
0x9d6: {  	s29 =	simm.s32 $0x133F0;
	[tilespmem:s28+$0xFFFFFE00] =	vst v11;
	v11 =	vor.u32 v25, v1;
	v9 =	vld.idx.msk [tilespmem:v9+s13+$0x0], $0xffff  }
0x9d7: {  	[tilespmem:s29+$0xFFFFFC10] =	vst v10  }
0x9d8: {  	v12 =	vld.idx.msk [tilespmem:v12+s13+$0x0], $0xffff;
	[tilespmem:s28+$0xFFFFFC70] =	vst v4  }
0x9d9: {  	v7 =	vld.idx.msk [tilespmem:v7+s13+$0x0], $0xffff;
	v8 =	vor.u32 v18, v0;
	[tilespmem:s28+$0xFFFFFCE0] =	vst v6  }
0x9da: {  	v4 =	vor.u32 v34, v1;
	v5 =	vld.idx.msk [tilespmem:v5+s13+$0x0], $0xffff;
	[tilespmem:s28+$0xFFFFFD60] =	vst v2  }
0x9db: {  	v3 =	vor.u32 v3, v0;
	v10 =	vld.idx.msk [tilespmem:v11+s13+$0x0], $0xffff;
	[tilespmem:s28+$0xFFFFFF80] =	vst v9  }
0x9dc: {  	v6 =	vor.u32 v36, v1;
	v11 =	vld [tilespmem:$0x1F770]  }
0x9dd: {  	v2 =	vor.u32 v38, v1  }
0x9de: {  	v9 =	vor.u32 v14, v1;
	v8 =	vld.idx.msk [tilespmem:v8+s13+$0x0], $0xffff  }
0x9df: {  	[tilespmem:s29+$0xFFFFFC90] =	vst v12;
	v12 =	vor.u32 v19, v1;
	v4 =	vld.idx.msk [tilespmem:v4+s13+$0x0], $0xffff  }
0x9e0: {  	[tilespmem:s28+$0xFFFFFE80] =	vst v5;
	v5 =	vor.u32 v31, v1;
	v3 =	vld.idx.msk [tilespmem:v3+s13+$0x0], $0xffff  }
0x9e1: {  	[tilespmem:s29+$0xFFFFFD10] =	vst v7;
	v6 =	vld.idx.msk [tilespmem:v6+s13+$0x0], $0xffff;
	v11 =	vor.u32 v11, v0  }
0x9e2: {  	v7 =	vor.u32 v41, v1;
	v2 =	vld.idx.msk [tilespmem:v2+s13+$0x0], $0xffff;
	[tilespmem:s29+$0xFFFFFD90] =	vst v10  }
0x9e3: {  	v9 =	vld.idx.msk [tilespmem:v9+s13+$0x0], $0xffff;
	[tilespmem:s28+$0xFFFFFCF0] =	vst v8;
	v8 =	vor.u32 v44, v1  }
0x9e4: {  	v10 =	vor.u32 v22, v1;
	v12 =	vld.idx.msk [tilespmem:v12+s13+$0x0], $0xffff;
	[tilespmem:s29+$0xFFFFFE10] =	vst v4  }
0x9e5: {  	v5 =	vld.idx.msk [tilespmem:v5+s13+$0x0], $0xffff;
	[tilespmem:s28+$0xFFFFFD70] =	vst v3;
	v3 =	vor.u32 v51, v1  }
0x9e6: {  	[tilespmem:s29+$0xFFFFFE90] =	vst v6;
	v6 =	vor.u32 v26, v1;
	v11 =	vld.idx.msk [tilespmem:v11+s13+$0x0], $0xffff  }
0x9e7: {  	v7 =	vld.idx.msk [tilespmem:v7+s13+$0x0], $0xffff;
	[tilespmem:s29+$0xFFFFFF10] =	vst v2  }
0x9e8: {  	[tilespmem:s29+$0xFFFFFF90] =	vst v9;
	v8 =	vld.idx.msk [tilespmem:v8+s13+$0x0], $0xffff  }
0x9e9: {  	v2 =	vor.u32 v56, v1;
	v10 =	vld.idx.msk [tilespmem:v10+s13+$0x0], $0xffff;
	[tilespmem:s29+$0xFFFFFD20] =	vst v12  }
0x9ea: {  	[tilespmem:s29+$0xFFFFFDA0] =	vst v5;
	v3 =	vld.idx.msk [tilespmem:v3+s13+$0x0], $0xffff  }
0x9eb: {  	v4 =	vor.u32 v24, v1;
	v6 =	vld.idx.msk [tilespmem:v6+s13+$0x0], $0xffff;
	[tilespmem:s28+$0xFFFFFD00] =	vst v11  }
0x9ec: {  	v9 =	vor.u32 v40, v1;
	v5 =	vld [tilespmem:$0x1F8E0];
	[tilespmem:s29+$0xFFFFFE20] =	vst v7  }
0x9ed: {  	v12 =	vor.u32 v62, v1;
	v7 =	vld [tilespmem:$0x1F880]  }
0x9ee: {  	v2 =	vld.idx.msk [tilespmem:v2+s13+$0x0], $0xffff;
	v11 =	vor.u32 v48, v1;
	[tilespmem:s29+$0xFFFFFEA0] =	vst v8  }
0x9ef: {  	v25 =	vld [tilespmem:$0x1FBD0];
	[tilespmem:s29+$0xFFFFFCA0] =	vst v3;
	v3 =	vor.u32 v33, v1  }
0x9f0: {  	v4 =	vld.idx.msk [tilespmem:v4+s13+$0x0], $0xffff;
	[tilespmem:s29+$0xFFFFFFA0] =	vst v10;
	v10 =	vor.u32 v35, v1  }
0x9f1: {  	v31 =	vmov v40;
	v9 =	vld.idx.msk [tilespmem:v9+s13+$0x0], $0xffff;
	v40 =	vmov v5;
	v5 =	vor.u32 v5, v1  }
0x9f2: {  	v61 =	vmovc v44;
	v44 =	vmov v26;
	[tilespmem:s29+$0xFFFFFF20] =	vst v6;
	v12 =	vld.idx.msk [tilespmem:v12+s13+$0x0], $0xffff;
	v26 =	vmov v7;
	v7 =	vor.u32 v7, v1  }
0x9f3: {  	v6 =	vor.u32 v39, v1;
	[tilespmem:s29+$0xFFFFFDB0] =	vst v2;
	v11 =	vld.idx.msk [tilespmem:v11+s13+$0x0], $0xffff  }
0x9f4: {  	v8 =	vor.u32 v25, v0;
	v3 =	vld.idx.msk [tilespmem:v3+s13+$0x0], $0xffff  }
0x9f5: {  	[tilespmem:s29+$0xFFFFFC20] =	vst v4;
	v4 =	vor.u32 v37, v1;
	v10 =	vld.idx.msk [tilespmem:v10+s13+$0x0], $0xffff  }
0x9f6: {  	[tilespmem:s29+$0xFFFFFE30] =	vst v9;
	v9 =	vor.u32 v58, v1;
	v5 =	vld.idx.msk [tilespmem:v5+s13+$0x0], $0xffff  }
0x9f7: {  	[tilespmem:s29+$0xFFFFFCB0] =	vst v12;
	v12 =	vor.u32 v27, v1;
	v7 =	vld.idx.msk [tilespmem:v7+s13+$0x0], $0xffff  }
0x9f8: {  	v2 =	vor.u32 v55, v1;
	v6 =	vld.idx.msk [tilespmem:v6+s13+$0x0], $0xffff  }
0x9f9: {  	[tilespmem:s29+$0xFFFFFEB0] =	vst v11;
	v11 =	vor.u32 v21, v1;
	v8 =	vld.idx.msk [tilespmem:v8+s13+$0x0], $0xffff  }
0x9fa: {  	v4 =	vld.idx.msk [tilespmem:v4+s13+$0x0], $0xffff;
	[tilespmem:s29+$0xFFFFFDC0] =	vst v3  }
0x9fb: {  	v9 =	vld.idx.msk [tilespmem:v9+s13+$0x0], $0xffff;
	[tilespmem:s29+$0xFFFFFFB0] =	vst v5;
	v5 =	vor.u32 v30, v1  }
0x9fc: {  	v12 =	vld.idx.msk [tilespmem:v12+s13+$0x0], $0xffff;
	[tilespmem:s29+$0xFFFFFD30] =	vst v7;
	v7 =	vor.u32 v32, v1  }
0x9fd: {  	v2 =	vld.idx.msk [tilespmem:v2+s13+$0x0], $0xffff  }
0x9fe: {  	[tilespmem:s28+$0xFFFFFD80] =	vst v8;
	v11 =	vld.idx.msk [tilespmem:v11+s13+$0x0], $0xffff  }
0x9ff: {  	v8 =	vor.u32 v49, v1;
	v3 =	vld [tilespmem:$0x1F790];
	[tilespmem:s29+$0xFFFFFF30] =	vst v10  }
0xa00: {  	v10 =	vor.u32 v42, v1;
	[tilespmem:s29+$0xFFFFFEC0] =	vst v4;
	v5 =	vld.idx.msk [tilespmem:v5+s13+$0x0], $0xffff  }
0xa01: {  	v4 =	vor.u32 v28, v1;
	[tilespmem:s29+$0xFFFFFC30] =	vst v6;
	v6 =	vld.idx.msk [tilespmem:v7+s13+$0x0], $0xffff  }
0xa02: {  	v7 =	vld [tilespmem:$0x1FB50];
	[tilespmem:s29+$0xFFFFFFC0] =	vst v2  }
0xa03: {  	v50 =	vmovc v51;
	v51 =	vmovc v56;
	v56 =	vmov v62;
	v62 =	vmov v37;
	v37 =	vmov v55;
	[tilespmem:s29+$0xFFFFFE40] =	vst v9  }
0xa04: {  	v55 =	vmovc v27;
	v27 =	vmov v32;
	[tilespmem:s29+$0xFFFFFDD0] =	vst v12;
	v8 =	vld.idx.msk [tilespmem:v8+s13+$0x0], $0xffff;
	v32 =	vmov v3;
	v3 =	vor.u32 v3, v1  }
0xa05: {  	[tilespmem:s29+$0xFFFFFD40] =	vst v11;
	v10 =	vld.idx.msk [tilespmem:v10+s13+$0x0], $0xffff  }
0xa06: {  	v2 =	vor.u32 v23, v1;
	v4 =	vld.idx.msk [tilespmem:v4+s13+$0x0], $0xffff;
	[tilespmem:s29+$0xFFFFFF40] =	vst v5  }
0xa07: {  	v34 =	vld [tilespmem:$0x1FBF0];
	[tilespmem:s29+$0xFFFFFED0] =	vst v6  }
0xa08: {  	v9 =	vor.u32 v43, v1;
	v6 =	vld [tilespmem:$0x1F7F0]  }
0xa09: {  	v7 =	vor.u32 v7, v0;
	v3 =	vld.idx.msk [tilespmem:v3+s13+$0x0], $0xffff;
	_ =	sdelay $0x1  }
0xa0a: {  	v11 =	vor.u32 v63, v1;
	v2 =	vld.idx.msk [tilespmem:v2+s13+$0x0], $0xffff;
	[tilespmem:s29+$0xFFFFFCC0] =	vst v8  }
0xa0b: {  	v12 =	vor.u32 v52, v1;
	v38 =	vld [tilespmem:$0x1F9F0];
	[tilespmem:s29+$0xFFFFFFD0] =	vst v10  }
0xa0c: {  	v9 =	vld.idx.msk [tilespmem:v9+s13+$0x0], $0xffff;
	[tilespmem:s29+$0xFFFFFE50] =	vst v4;
	v5 =	vor.u32 v34, v0  }
0xa0d: {  	v7 =	vld.idx.msk [tilespmem:v7+s13+$0x0], $0xffff;
	v6 =	vor.u32 v6, v1;
	[tilespmem:s29+$0xFFFFFC40] =	vst v3  }
0xa0e: {  	v4 =	vld [tilespmem:$0x1FAB0]  }
0xa0f: {  	v3 =	vld.idx.msk [tilespmem:v11+s13+$0x0], $0xffff  }
0xa10: {  	v12 =	vld.idx.msk [tilespmem:v12+s13+$0x0], $0xffff  }
0xa11: {  	v41 =	vmov v22;
	v22 =	vmov v24;
	v5 =	vld.idx.msk [tilespmem:v5+s13+$0x0], $0xffff  }
0xa12: {  	v24 =	vmovc v33;
	v33 =	vmovc v39;
	v39 =	vmov v42;
	v42 =	vmov v23;
	v23 =	vmov v63;
	[tilespmem:s28+$0xFFFFFFF0] =	vst v7;
	v15 =	vld.idx.msk [tilespmem:v6+s13+$0x0], $0xffff  }
0xa13: {  	v63 =	vmovc v46;
	v11 =	vor.u32 v46, v1;
	v46 =	vmov v4;
	v14 =	vor.u32 v4, v1;
	v4 =	vld [tilespmem:$0x1FBB0];
	[tilespmem:s29+$0xFFFFFF50] =	vst v2  }
0xa14: {  	[tilespmem:s29+$0xFFFFFEE0] =	vst v9  }
0xa15: {  	v10 =	vor.u32 v53, v1;
	[tilespmem:s29+$0xFFFFFDE0] =	vst v3  }
0xa16: {  	v0 =	vor.u32 v38, v0;
	[tilespmem:s29+$0xFFFFFC50] =	vst v12  }
0xa17: {  	v13 =	vor.u32 v47, v1;
	[tilespmem:s28+$0xFFFFFC80] =	vst v5  }
0xa18: {  	v7 =	vld.idx.msk [tilespmem:v11+s13+$0x0], $0xffff;
	[tilespmem:s29+$0xFFFFFFE0] =	vst v15  }
0xa19: {  	v59 =	vmov v48;
	v11 =	vld [tilespmem:$0x1FAE0];
	v16 =	vor.u32 v4, v1  }
0xa1a: {  	v36 =	vmovc v30;
	v48 =	vmovc v35;
	v35 =	vmov v58;
	v58 =	vmov v49;
	v30 =	vmov v28;
	v6 =	vld.idx.msk [tilespmem:v10+s13+$0x0], $0xffff  }
0xa1b: {  	v49 =	vmovc v53;
	v28 =	vmovc v43;
	v43 =	vmov v52;
	v52 =	vmov v47;
	v53 =	vmov v29;
	v8 =	vld.idx.msk [tilespmem:v0+s13+$0x0], $0xffff  }
0xa1c: {  	v10 =	vor.u32 v60, v1;
	v0 =	vor.u32 v29, v1;
	v12 =	vor.u32 v45, v1;
	v2 =	vld.idx.msk [tilespmem:v13+s13+$0x0], $0xffff  }
0xa1d: {  	v29 =	vmovc v54;
	v9 =	vor.u32 v57, v1;
	v47 =	vmov v4;
	v4 =	vor.u32 v54, v1;
	v3 =	vld.idx.msk [tilespmem:v14+s13+$0x0], $0xffff  }
0xa1e: {  	s30 =	simm.s32 $0x10;
	v54 =	vmovc v45;
	v45 =	vmovc v60;
	v60 =	vmov v57;
	v57 =	vmov v11;
	v11 =	vor.u32 v11, v1;
	v5 =	vld.idx.msk [tilespmem:v16+s13+$0x0], $0xffff  }
.LBB2_17:
0xa1f: {  	_ =	sdelay $0x2  }
0xa20: {  	v12 =	vld.idx.msk [tilespmem:v12+s13+$0x0], $0xffff  }
0xa21: {  	v4 =	vld.idx.msk [tilespmem:v4+s13+$0x0], $0xffff  }
0xa22: {  	v13 =	vmov s30;
	v16 =	vld [tilespmem:$0x1FA00];
	[tilespmem:s28+$0x0] =	vst v8  }
0xa23: {  	v8 =	vshrl.u32 v13, $0x3;
	v13 =	vld [tilespmem:$0x1F8F0];
	[tilespmem:s29+$0xFFFFFF60] =	vst v7  }
0xa24: {  	[tilespmem:s29+$0xFFFFFDF0] =	vst v3;
	v3 =	vld [tilespmem:$0x1F900]  }
0xa25: {  	[tilespmem:s29+$0xFFFFFEF0] =	vst v2;
	v10 =	vld.idx.msk [tilespmem:v10+s13+$0x0], $0xffff  }
0xa26: {  	[tilespmem:s29+$0xFFFFFE60] =	vst v6;
	v6 =	vld.idx.msk [tilespmem:v9+s13+$0x0], $0xffff  }
0xa27: {  	v9 =	vld.idx.msk [tilespmem:v11+s13+$0x0], $0xffff  }
0xa28: {  	[tilespmem:s29+$0xFFFFFC60] =	vst v5;
	v5 =	vld.idx.msk [tilespmem:v0+s13+$0x0], $0xffff  }
0xa29: {  	v7 =	vshll.u32 v8, $0x3;
	v8 =	vor.u32 v17, v1;
	v0 =	vld [tilespmem:$0x1F9E0]  }
0xa2a: {  	[tilespmem:s29+$0xFFFFFCD0] =	vst v12;
	v12 =	vld [tilespmem:$0x1FA80]  }
0xa2b: {  	[tilespmem:s29+$0xFFFFFD50] =	vst v4;
	v4 =	vld [tilespmem:$0x1FB20]  }
0xa2c: {  	v17 =	vor.u32 v18, v1;
	v18 =	vld [tilespmem:$0x1FA90];
	v2 =	vbroadcast v7, $0x0;
	v7 =	vor.u32 v20, v1  }
0xa2d: {  	v13 =	vor.u32 v13, v1;
	v11 =	vor.u32 v3, v1;
	v3 =	vld [tilespmem:$0x1F9D0]  }
0xa2e: {  	v8 =	vld.idx.msk [tilespmem:v8+s13+$0x0], $0xffff  }
0xa2f: {  	v15 =	vor.u32 v0, v2;
	[tilespmem:s29+$0xFFFFFF70] =	vst v10;
	v10 =	vld [tilespmem:$0x1FA20]  }
0xa30: {  	[tilespmem:s29+$0xFFFFFE00] =	vst v5;
	v5 =	vld [tilespmem:$0x1FA50]  }
0xa31: {  	v4 =	vor.u32 v4, v1;
	v7 =	vld.idx.msk [tilespmem:v7+s13+$0x0], $0xffff  }
0xa32: {  	v12 =	vor.u32 v12, v2;
	v13 =	vld.idx.msk [tilespmem:v13+s13+$0x0], $0xffff  }
0xa33: {  	[tilespmem:s29+$0xFFFFFF00] =	vst v6;
	v6 =	vld.idx.msk [tilespmem:v11+s13+$0x0], $0xffff  }
0xa34: {  	[tilespmem:s29+$0xFFFFFE70] =	vst v9;
	v9 =	vld.idx.msk [tilespmem:v15+s13+$0x0], $0xffff  }
0xa35: {  	v15 =	vld [tilespmem:$0x1FA40]  }
0xa36: {  	v18 =	vor.u32 v18, v1;
	v4 =	vld.idx.msk [tilespmem:v4+s13+$0x0], $0xffff  }
0xa37: {  	v14 =	vor.u32 v3, v2;
	v12 =	vld.idx.msk [tilespmem:v12+s13+$0x0], $0xffff  }
0xa38: {  	[tilespmem:s29+$0xFFFFFCE0] =	vst v8;
	v8 =	vld [tilespmem:$0x1F740]  }
0xa39: {  	v16 =	vor.u32 v16, v2;
	v17 =	vld.idx.msk [tilespmem:v17+s13+$0x0], $0xffff  }
0xa3a: {  	[tilespmem:s29+$0xFFFFFD60] =	vst v7;
	v7 =	vld [tilespmem:$0x1F750]  }
0xa3b: {  	v10 =	vor.u32 v10, v2;
	v18 =	vld.idx.msk [tilespmem:v18+s13+$0x0], $0xffff  }
0xa3c: {  	v5 =	vor.u32 v5, v2;
	v11 =	vld.idx.msk [tilespmem:v14+s13+$0x0], $0xffff  }
0xa3d: {  	s28 =	smov.u32 s29;
	v14 =	vld [tilespmem:$0x1FA30];
	[tilespmem:s29+$0xFFFFFC70] =	vst v13  }
0xa3e: {  	[tilespmem:s28+$0xFFFFFF80] =	vst v6;
	s29 =	sadd.s32 $0x800, s29;
	v6 =	vld.idx.msk [tilespmem:v16+s13+$0x0], $0xffff;
	v15 =	vor.u32 v15, v2  }
0xa3f: {  	v16 =	vld [tilespmem:$0x1F770];
	v8 =	vor.u32 v8, v2;
	[tilespmem:s29+$0xFFFFFC90] =	vst v9  }
0xa40: {  	v13 =	vor.u32 v22, v2;
	v9 =	vld.idx.msk [tilespmem:v10+s13+$0x0], $0xffff;
	[tilespmem:s28+$0xFFFFFE80] =	vst v4  }
0xa41: {  	[tilespmem:s29+$0xFFFFFD10] =	vst v12;
	v5 =	vld.idx.msk [tilespmem:v5+s13+$0x0], $0xffff;
	v7 =	vor.u32 v7, v2  }
0xa42: {  	v12 =	vor.u32 v41, v2;
	[tilespmem:s29+$0xFFFFFC10] =	vst v11;
	v11 =	vld [tilespmem:$0x1FAD0]  }
0xa43: {  	[tilespmem:s28+$0xFFFFFD70] =	vst v18;
	v14 =	vor.u32 v14, v2;
	v4 =	vld.idx.msk [tilespmem:v15+s13+$0x0], $0xffff  }
0xa44: {  	v16 =	vor.u32 v16, v1;
	v8 =	vld.idx.msk [tilespmem:v8+s13+$0x0], $0xffff  }
0xa45: {  	v20 =	vor.u32 v50, v2;
	[tilespmem:s29+$0xFFFFFD90] =	vst v6;
	v13 =	vld.idx.msk [tilespmem:v13+s13+$0x0], $0xffff  }
0xa46: {  	v19 =	vor.u32 v44, v2;
	[tilespmem:s29+$0xFFFFFF90] =	vst v5;
	v7 =	vld.idx.msk [tilespmem:v7+s13+$0x0], $0xffff  }
0xa47: {  	[tilespmem:s28+$0xFFFFFCF0] =	vst v17;
	v17 =	vor.u32 v26, v2;
	v12 =	vld.idx.msk [tilespmem:v12+s13+$0x0], $0xffff  }
0xa48: {  	v6 =	vor.u32 v51, v2;
	v14 =	vld.idx.msk [tilespmem:v14+s13+$0x0], $0xffff  }
0xa49: {  	[tilespmem:s29+$0xFFFFFE10] =	vst v9;
	v11 =	vor.u32 v11, v2;
	v16 =	vld.idx.msk [tilespmem:v16+s13+$0x0], $0xffff  }
0xa4a: {  	v10 =	vor.u32 v61, v2;
	[tilespmem:s29+$0xFFFFFF10] =	vst v4;
	v4 =	vld.idx.msk [tilespmem:v20+s13+$0x0], $0xffff  }
0xa4b: {  	v5 =	vor.u32 v40, v2;
	[tilespmem:s29+$0xFFFFFD20] =	vst v8;
	v19 =	vld.idx.msk [tilespmem:v19+s13+$0x0], $0xffff  }
0xa4c: {  	[tilespmem:s29+$0xFFFFFDA0] =	vst v7;
	v17 =	vld.idx.msk [tilespmem:v17+s13+$0x0], $0xffff  }
0xa4d: {  	v20 =	vor.u32 v25, v1;
	[tilespmem:s29+$0xFFFFFC20] =	vst v13;
	v6 =	vld.idx.msk [tilespmem:v6+s13+$0x0], $0xffff  }
0xa4e: {  	v11 =	vld.idx.msk [tilespmem:v11+s13+$0x0], $0xffff;
	[tilespmem:s29+$0xFFFFFE90] =	vst v14  }
0xa4f: {  	v9 =	vor.u32 v31, v2;
	[tilespmem:s29+$0xFFFFFFA0] =	vst v12;
	v10 =	vld.idx.msk [tilespmem:v10+s13+$0x0], $0xffff  }
0xa50: {  	v5 =	vld.idx.msk [tilespmem:v5+s13+$0x0], $0xffff;
	v14 =	vor.u32 v59, v2;
	[tilespmem:s28+$0xFFFFFD00] =	vst v16  }
0xa51: {  	v7 =	vor.u32 v24, v2;
	[tilespmem:s29+$0xFFFFFF20] =	vst v19;
	v19 =	vld [tilespmem:$0x1FB50]  }
0xa52: {  	v12 =	vor.u32 v37, v2;
	[tilespmem:s29+$0xFFFFFDB0] =	vst v6;
	v6 =	vld.idx.msk [tilespmem:v20+s13+$0x0], $0xffff  }
0xa53: {  	v16 =	vor.u32 v56, v2;
	v20 =	vld [tilespmem:$0x1FA10];
	[tilespmem:s29+$0xFFFFFE20] =	vst v11  }
0xa54: {  	v18 =	vor.u32 v48, v2;
	v9 =	vld.idx.msk [tilespmem:v9+s13+$0x0], $0xffff;
	[tilespmem:s29+$0xFFFFFEA0] =	vst v10  }
0xa55: {  	v15 =	vor.u32 v33, v2;
	[tilespmem:s29+$0xFFFFFCA0] =	vst v4;
	v14 =	vld.idx.msk [tilespmem:v14+s13+$0x0], $0xffff  }
0xa56: {  	[tilespmem:s29+$0xFFFFFFB0] =	vst v5;
	v7 =	vld.idx.msk [tilespmem:v7+s13+$0x0], $0xffff;
	v10 =	vor.u32 v62, v2  }
0xa57: {  	v8 =	vor.u32 v21, v2;
	[tilespmem:s29+$0xFFFFFD30] =	vst v17;
	v12 =	vld.idx.msk [tilespmem:v12+s13+$0x0], $0xffff  }
0xa58: {  	v3 =	vor.u32 v55, v2;
	v16 =	vld.idx.msk [tilespmem:v16+s13+$0x0], $0xffff;
	[tilespmem:s28+$0xFFFFFD80] =	vst v6  }
0xa59: {  	v11 =	vor.u32 v35, v2;
	[tilespmem:s29+$0xFFFFFE30] =	vst v9;
	v9 =	vld.idx.msk [tilespmem:v18+s13+$0x0], $0xffff  }
0xa5a: {  	v13 =	vor.u32 v58, v2;
	[tilespmem:s29+$0xFFFFFEB0] =	vst v14;
	v14 =	vld.idx.msk [tilespmem:v15+s13+$0x0], $0xffff  }
0xa5b: {  	v21 =	vor.u32 v36, v2;
	[tilespmem:s29+$0xFFFFFDC0] =	vst v7;
	v10 =	vld.idx.msk [tilespmem:v10+s13+$0x0], $0xffff  }
0xa5c: {  	v8 =	vld.idx.msk [tilespmem:v8+s13+$0x0], $0xffff;
	v7 =	vor.u32 v39, v2;
	[tilespmem:s29+$0xFFFFFFC0] =	vst v12  }
0xa5d: {  	v5 =	vor.u32 v27, v2;
	[tilespmem:s29+$0xFFFFFCB0] =	vst v16;
	v3 =	vld.idx.msk [tilespmem:v3+s13+$0x0], $0xffff  }
0xa5e: {  	v6 =	vor.u32 v32, v2;
	v11 =	vld.idx.msk [tilespmem:v11+s13+$0x0], $0xffff;
	[tilespmem:s29+$0xFFFFFF30] =	vst v9  }
0xa5f: {  	v13 =	vld.idx.msk [tilespmem:v13+s13+$0x0], $0xffff;
	v9 =	vor.u32 v30, v2;
	[tilespmem:s29+$0xFFFFFC30] =	vst v14  }
0xa60: {  	v14 =	vor.u32 v19, v1;
	[tilespmem:s29+$0xFFFFFEC0] =	vst v10;
	v10 =	vld.idx.msk [tilespmem:v21+s13+$0x0], $0xffff  }
0xa61: {  	v7 =	vld.idx.msk [tilespmem:v7+s13+$0x0], $0xffff  }
0xa62: {  	v15 =	vor.u32 v42, v2;
	[tilespmem:s29+$0xFFFFFD40] =	vst v8;
	v5 =	vld.idx.msk [tilespmem:v5+s13+$0x0], $0xffff  }
0xa63: {  	[tilespmem:s29+$0xFFFFFE40] =	vst v11;
	v6 =	vld.idx.msk [tilespmem:v6+s13+$0x0], $0xffff  }
0xa64: {  	v12 =	vor.u32 v43, v2;
	[tilespmem:s29+$0xFFFFFDD0] =	vst v3;
	v3 =	vld.idx.msk [tilespmem:v9+s13+$0x0], $0xffff  }
0xa65: {  	v9 =	vor.u32 v34, v1;
	[tilespmem:s29+$0xFFFFFF40] =	vst v10;
	v10 =	vld.idx.msk [tilespmem:v14+s13+$0x0], $0xffff  }
0xa66: {  	[tilespmem:s29+$0xFFFFFCC0] =	vst v13;
	v11 =	vor.u32 v28, v2;
	v14 =	vld [tilespmem:$0x1F7F0]  }
0xa67: {  	v8 =	vor.u32 v23, v2;
	v13 =	vor.u32 v38, v1;
	v1 =	vmov v2;
	[tilespmem:s29+$0xFFFFFED0] =	vst v5;
	v5 =	vld.idx.msk [tilespmem:v15+s13+$0x0], $0xffff  }
0xa68: {  	v21 =	vld [tilespmem:$0x1F7E0];
	[tilespmem:s29+$0xFFFFFC40] =	vst v6;
	v6 =	vor.u32 v63, v1  }
0xa69: {  	v15 =	vld.idx.msk [tilespmem:v12+s13+$0x0], $0xffff;
	[tilespmem:s29+$0xFFFFFE50] =	vst v3;
	v3 =	vor.u32 v49, v1  }
0xa6a: {  	v17 =	vld.idx.msk [tilespmem:v9+s13+$0x0], $0xffff  }
0xa6b: {  	v0 =	vor.u32 v53, v2;
	v11 =	vld.idx.msk [tilespmem:v11+s13+$0x0], $0xffff;
	v14 =	vor.u32 v14, v2  }
0xa6c: {  	v4 =	vor.u32 v29, v2;
	v18 =	vor.u32 v47, v1;
	v2 =	vld.idx.msk [tilespmem:v8+s13+$0x0], $0xffff;
	[tilespmem:s29+$0xFFFFFF50] =	vst v5  }
0xa6d: {  	[tilespmem:s29+$0xFFFFFFD0] =	vst v7;
	v7 =	vld.idx.msk [tilespmem:v6+s13+$0x0], $0xffff  }
0xa6e: {  	v16 =	vor.u32 v52, v1;
	[tilespmem:s29+$0xFFFFFC50] =	vst v15;
	v6 =	vld.idx.msk [tilespmem:v3+s13+$0x0], $0xffff  }
0xa6f: {  	[tilespmem:s28+$0xFFFFFC80] =	vst v17;
	v17 =	vld [tilespmem:$0x1F800]  }
0xa70: {  	p0 =	slt.u32 s30, $0x38;
	v9 =	vor.u32 v46, v1;
	v14 =	vld.idx.msk [tilespmem:v14+s13+$0x0], $0xffff  }
.Ltmp7:
0xa71: {  	[tilespmem:s29+$0xFFFFFEE0] =	vst v11;
	v5 =	vld.idx.msk [tilespmem:v18+s13+$0x0], $0xffff;
	(pc) =	sbr.rel @p0 .LBB2_17-.Ltmp7, $4  }
0xa72: {  	v18 =	vld [tilespmem:$0x1F7C0];
	[tilespmem:s28+$0xFFFFFFF0] =	vst v10  }
0xa73: {  	[tilespmem:s29+$0xFFFFFDE0] =	vst v2;
	v2 =	vld.idx.msk [tilespmem:v16+s13+$0x0], $0xffff  }
0xa74: {  	v12 =	vor.u32 v54, v1;
	v11 =	vor.u32 v57, v1;
	v8 =	vld.idx.msk [tilespmem:v13+s13+$0x0], $0xffff  }
0xa75: {  	s30 =	sadd.s32 $0x8, s30;
	v10 =	vor.u32 v45, v1;
	v3 =	vld.idx.msk [tilespmem:v9+s13+$0x0], $0xffff;
	v9 =	vor.u32 v60, v1;
	[tilespmem:s29+$0xFFFFFFE0] =	vst v14  }
0xa76: {  	_ =	sdelay $0x3  }
0xa77: {  	v12 =	vld.idx.msk [tilespmem:v12+s13+$0x0], $0xffff  }
0xa78: {  	v4 =	vld.idx.msk [tilespmem:v4+s13+$0x0], $0xffff;
	v13 =	vor.u32 v17, v1  }
0xa79: {  	v14 =	vor.u32 v20, v1;
	[tilespmem:s29+$0xFFFFFF60] =	vst v7  }
0xa7a: {  	[tilespmem:s29+$0xFFFFFE60] =	vst v6  }
0xa7b: {  	[tilespmem:s29+$0xFFFFFEF0] =	vst v2  }
0xa7c: {  	[tilespmem:s29+$0xFFFFFCD0] =	vst v12  }
0xa7d: {  	[tilespmem:s29+$0xFFFFFD50] =	vst v4;
	v56 =	vld.idx.msk [tilespmem:v13+s13+$0x0], $0xffff  }
0xa7e: {  	[tilespmem:s28+$0x0] =	vst v8;
	v2 =	vld.idx.msk [tilespmem:v14+s13+$0x0], $0xffff  }
0xa7f: {  	v6 =	vld [tilespmem:$0x1FA90]  }
0xa80: {  	v58 =	vld [tilespmem:$0x1F8F0];
	[tilespmem:s29+$0xFFFFFDF0] =	vst v3  }
0xa81: {  	v57 =	vld.idx.msk [tilespmem:v10+s13+$0x0], $0xffff;
	[tilespmem:s29+$0xFFFFFC60] =	vst v5;
	v5 =	vor.u32 v19, v1  }
0xa82: {  	v44 =	vld [tilespmem:$0x1F900]  }
0xa83: {  	v0 =	vld.idx.msk [tilespmem:v0+s13+$0x0], $0xffff;
	[tilespmem:s29+$0xFFFFFCE0] =	vst v56  }
0xa84: {  	v6 =	vor.u32 v6, v1;
	v7 =	vld [tilespmem:$0x1FB20]  }
0xa85: {  	v3 =	vld.idx.msk [tilespmem:v11+s13+$0x0], $0xffff;
	v10 =	vor.u32 v58, v1;
	[tilespmem:s29+$0xFFFFFD60] =	vst v2  }
0xa86: {  	v4 =	vor.u32 v18, v1;
	v5 =	vld.idx.msk [tilespmem:v5+s13+$0x0], $0xffff;
	[tilespmem:s29+$0xFFFFFF70] =	vst v57  }
0xa87: {  	v59 =	vor.u32 v44, v1;
	v36 =	vld [tilespmem:$0x1F770]  }
0xa88: {  	v9 =	vld.idx.msk [tilespmem:v9+s13+$0x0], $0xffff;
	[tilespmem:s29+$0xFFFFFE00] =	vst v0;
	v0 =	vor.u32 v38, v1  }
0xa89: {  	v2 =	vld.idx.msk [tilespmem:v6+s13+$0x0], $0xffff;
	v7 =	vor.u32 v7, v1  }
0xa8a: {  	v62 =	vor.u32 v25, v1;
	v61 =	vld.idx.msk [tilespmem:v10+s13+$0x0], $0xffff  }
0xa8b: {  	v4 =	vld.idx.msk [tilespmem:v4+s13+$0x0], $0xffff;
	[tilespmem:s29+$0xFFFFFE70] =	vst v3;
	v3 =	vor.u32 v34, v1  }
0xa8c: {  	[tilespmem:s29+$0xFFFFFFF0] =	vst v5;
	v63 =	vld.idx.msk [tilespmem:v59+s13+$0x0], $0xffff;
	v60 =	vor.u32 v36, v1  }
0xa8d: {  	[tilespmem:s29+$0xFFFFFF00] =	vst v9;
	v0 =	vld.idx.msk [tilespmem:v0+s13+$0x0], $0xffff  }
0xa8e: {  	[tilespmem:s29+$0xFFFFFD70] =	vst v2;
	v1 =	vld.idx.msk [tilespmem:v7+s13+$0x0], $0xffff  }
0xa8f: {  	[tilespmem:s29+$0xFFFFFC70] =	vst v61;
	v2 =	vld.idx.msk [tilespmem:v62+s13+$0x0], $0xffff  }
0xa90: {  	[tilespmem:s29+$0xFFFFFCF0] =	vst v4;
	v3 =	vld.idx.msk [tilespmem:v3+s13+$0x0], $0xffff  }
0xa91: {  	[tilespmem:s29+$0xFFFFFF80] =	vst v63;
	v4 =	vld.idx.msk [tilespmem:v60+s13+$0x0], $0xffff  }
0xa92: {  	[tilespmem:s29+$0x0] =	vst v0  }
0xa93: {  	[tilespmem:s29+$0xFFFFFE80] =	vst v1  }
0xa94: {  	[tilespmem:s29+$0xFFFFFD80] =	vst v2  }
0xa95: {  	[tilespmem:s29+$0xFFFFFC80] =	vst v3  }
0xa96: {  	[tilespmem:s29+$0xFFFFFD00] =	vst v4  }
0xa97: {  	v22 =	vld [tilespmem:$0x1FCF0]  }
0xa98: {  	v31 =	vld [tilespmem:$0x1FD00]  }
0xa99: {  	v26 =	vld [tilespmem:$0x1FD10]  }
0xa9a: {  	v3 =	vld [tilespmem:$0x1FD20]  }
0xa9b: {  	v51 =	vld [tilespmem:$0x1FD30]  }
0xa9c: {  	v60 =	vld [tilespmem:$0x1FD40]  }
0xa9d: {  	v32 =	vld [tilespmem:$0x1FD50]  }
0xa9e: {  	v20 =	vld [tilespmem:$0x1FD60]  }
0xa9f: {  	v23 =	vld [tilespmem:$0x1FD70]  }
0xaa0: {  	v53 =	vld [tilespmem:$0x1FD80]  }
0xaa1: {  	v28 =	vld [tilespmem:$0x1FD90]  }
0xaa2: {  	v14 =	vld [tilespmem:$0x1FDA0]  }
0xaa3: {  	v29 =	vld [tilespmem:$0x1FDB0]  }
0xaa4: {  	v33 =	vld [tilespmem:$0x1FDC0]  }
0xaa5: {  	v39 =	vld [tilespmem:$0x1FC20]  }
0xaa6: {  	v42 =	vld [tilespmem:$0x1FDE0]  }
0xaa7: {  	v63 =	vld [tilespmem:$0x1FDF0]  }
0xaa8: {  	v43 =	vld [tilespmem:$0x1FE00]  }
0xaa9: {  	v13 =	vld [tilespmem:$0x1FE30]  }
0xaaa: {  	v48 =	vld [tilespmem:$0x1FE40]  }
0xaab: {  	v19 =	vld [tilespmem:$0x1FE50]  }
0xaac: {  	v35 =	vld [tilespmem:$0x1FE60]  }
0xaad: {  	v54 =	vld [tilespmem:$0x1FE80]  }
0xaae: {  	v62 =	vld [tilespmem:$0x1FE90]  }
0xaaf: {  	v57 =	vld [tilespmem:$0x1FEA0]  }
0xab0: {  	v45 =	vld [tilespmem:$0x1FEB0]  }
0xab1: {  	v50 =	vld [tilespmem:$0x1FEC0]  }
0xab2: {  	v49 =	vld [tilespmem:$0x1FEF0]  }
0xab3: {  	s24 =	sadd.s32 $0x1, s24;
	v25 =	vld [tilespmem:$0x1FF00]  }
0xab4: {  	s25 =	smin.u32 s25, $0x5E;
	p0 =	sne.s32 s24, $0x31;
	v58 =	vld [tilespmem:$0x1FF10]  }
.Ltmp8:
0xab5: {  	s25 =	sshll.u32 s25, $0x8;
	v59 =	vld [tilespmem:$0x1FF20];
	(pc) =	sbr.rel @p0 .LBB2_10-.Ltmp8, $4  }
0xab6: {  	s25 =	sadd.s32 $0x500, s25;
	v61 =	vld [tilespmem:$0x1FF40]  }
0xab7: {  	[tilespmem:s13], [sflag:$0x2] =	stream.indirect.gather [hbm4b:s3+s11], $0x40, s25, s11, $0xb8;
	v30 =	vld [tilespmem:$0x1FF50]  }
0xab8: {  	s31 =	sadd.s32 s26, s6;
	v55 =	vld [tilespmem:$0x1FF60]  }
0xab9: {  	v46 =	vld [tilespmem:$0x1FF70];
	[hbm4b:s31+s15] =	stream.strided.scatter [tilespmem:s20], [sflag:$0x4], $0x4000, s16, s15, $0x38  }
0xaba: {  	_ =	swait.ge [sflag:s14], $0x4000  }
0xabb: {  	[sflag:s14] =	ssyncset.done $0x0  }
0xabc: {  	[sflag:s14] =	ssyncadd.s32 $0xFFFFC000  }
0xabd: {  	_ =	swait.ge [sflag:s18], $0x4000  }
0xabe: {  	[sflag:s18] =	ssyncset.done $0x0  }
0xabf: {  	[sflag:s18] =	ssyncadd.s32 $0xFFFFC000  }
0xac0: {  	_ =	swait.ge [sflag:s21], $0x4000  }
0xac1: {  	[sflag:s21] =	ssyncset.done $0x0  }
0xac2: {  	[sflag:s21] =	ssyncadd.s32 $0xFFFFC000  }
0xac3: {  	_ =	swait.ge [sflag:s22], $0x4000  }
0xac4: {  	v37 =	vld [tilespmem:$0x1FE10]  }
0xac5: {  	v36 =	vld [tilespmem:$0x1FE20]  }
0xac6: {  	v38 =	vld [tilespmem:$0x1FDD0]  }
0xac7: {  	v39 =	vld [tilespmem:$0x1FFD0]  }
0xac8: {  	s23 =	sadd.s32 $0x1, s23;
	v40 =	vld [tilespmem:$0x1FE70]  }
0xac9: {  	p0 =	sne.s32 s23, s7;
	v41 =	vld [tilespmem:$0x1FFE0]  }
.Ltmp9:
0xaca: {  	v27 =	vld [tilespmem:$0x1FFC0];
	(pc) =	sbr.rel @p0 .LBB2_1-.Ltmp9, $4  }
0xacb: {  	v21 =	vld [tilespmem:$0x1FFA0]  }
0xacc: {  	v34 =	vld [tilespmem:$0x1FF30]  }
0xacd: {  	[sflag:s22] =	ssyncset.done $0x0;
	v24 =	vld [tilespmem:$0x1FED0]  }
0xace: {  	v56 =	vld [tilespmem:$0x1FEE0];
	[sflag:s22] =	ssyncadd.s32 $0xFFFFC000  }
0xacf: {  	_ =	sfence.sel $0x180000  }
0xad0: {  	[bflag:$0x0] =	sbarrier.arrive $0xFFFF  }
0xad1: {  	p0 =	sne.s32 s1, $0x0;
	_ =	strace $0x90000047  }
0xad2: {  	s0 =	sadd.s32 @!p0 $0x100000, s0;
	[bflag:$0x2] =	sbarrier.arrive $0xFFFF  }
0xad3: {  	[sflag:s0] =	ssyncadd.tile.s32 @!p0 $0x1;
	_ =	shalt  }
.Lfunc_end2:
_tile_overlayer_lowered:
.L_overlay_start_2:
0xad4: {  	(tag) =	ssettag $0x2  }
0xad5: {  	s0 =	rddreg [dreg:$0x0];
	s2 =	stileid.u32  }
0xad6: {  	s1 =	rddreg [dreg:$0x1];
	p0 =	sne.s32 s2, $0x0  }
0xad7: {  	s3 =	rddreg [dreg:$0x2];
	[bflag:$0x3] =	sbarrier.arrive $0xFFFF;
	s2 =	simm.s32 @!p0 $0x1C05  }
0xad8: {  	[timem:s3], [sflag:s2] =	dma.local @!p0 [hbm:s0], s1  }
0xad9: {  	s0 =	simm.s32 @!p0 $0x5  }
0xada: {  	_ =	swait.ge @!p0 [sflag:s0], s1  }
0xadb: {  	s1 =	ssub.s32 @!p0 $0x0, s1;
	[sflag:s0] =	ssyncset.done @!p0 $0x0  }
0xadc: {  	[sflag:s0] =	ssyncadd.s32 @!p0 s1  }
0xadd: {  	[bflag:$0x3] =	sbarrier.arrive $0xFFFF  }
0xade: {  	_ =	shalt  }

</sc_bundles>
